<compile_context>
chip_gen: v7x
topology: tpu7x:2x2x1
jax: 0.10.2.dev20260603
libtpu: 0.0.44.dev20260713+nightly
codegen_flags: <defaults>
</compile_context>

<pallas_src>
import jax
import jax.numpy as jnp
from jax import lax
from jax.experimental import pallas as pl
from jax.experimental.pallas import tpu as pltpu
from jax.experimental.pallas import tpu_sc as plsc

BATCH = 16384
HIST = 50
EMB_DIM = 64

NUM_CORES = 2
NUM_SUBCORES = 16
NW = NUM_CORES * NUM_SUBCORES
B_PER_W = BATCH // NW
NBUF = 3


def _body(xt_hbm, table_hbm, out_hbm, iv_all, rv_a, rv_b, rv_c,
          sem_i, sem_ga, sem_gb, sem_gc, sem_wa, sem_wb, sem_wc):
    wid = lax.axis_index("s") * NUM_CORES + lax.axis_index("c")
    b0 = wid * B_PER_W

    pltpu.async_copy(xt_hbm.at[:, pl.ds(b0, B_PER_W)], iv_all, sem_i).wait()

    bufs = (rv_a, rv_b, rv_c)
    gsems = (sem_ga, sem_gb, sem_gc)
    wsems = (sem_wa, sem_wb, sem_wc)

    def gather(h, p):
        pltpu.async_copy(table_hbm.at[iv_all.at[h]], bufs[p], gsems[p])

    def gwait(h, p):
        pltpu.make_async_copy(
            table_hbm.at[iv_all.at[h]], bufs[p], gsems[p]).wait()

    def wcopy(h, p):
        return pltpu.make_async_copy(
            bufs[p], out_hbm.at[h, pl.ds(b0, B_PER_W)], wsems[p])

    gather(0, 0)
    gather(1, 1)
    for h in range(HIST):
        p = h % NBUF
        gwait(h, p)
        wcopy(h, p).start()
        if h + 2 < HIST:
            q = (h + 2) % NBUF
            if h >= 1:
                wcopy(h - 1, q).wait()
            gather(h + 2, q)
    wcopy(HIST - 2, (HIST - 2) % NBUF).wait()
    wcopy(HIST - 1, (HIST - 1) % NBUF).wait()


@jax.jit
def _gather(x_t, table):
    mesh = plsc.VectorSubcoreMesh(core_axis_name="c", subcore_axis_name="s")
    k = pl.kernel(
        _body,
        out_type=jax.ShapeDtypeStruct((HIST, BATCH, EMB_DIM), jnp.float32),
        mesh=mesh,
        compiler_params=pltpu.CompilerParams(
            use_tc_tiling_on_sc=False, needs_layout_passes=False),
        scratch_types=[
            pltpu.VMEM((HIST, B_PER_W), jnp.int32),
            pltpu.VMEM((B_PER_W, EMB_DIM), jnp.float32),
            pltpu.VMEM((B_PER_W, EMB_DIM), jnp.float32),
            pltpu.VMEM((B_PER_W, EMB_DIM), jnp.float32),
            pltpu.SemaphoreType.DMA,
            pltpu.SemaphoreType.DMA,
            pltpu.SemaphoreType.DMA,
            pltpu.SemaphoreType.DMA,
            pltpu.SemaphoreType.DMA,
            pltpu.SemaphoreType.DMA,
            pltpu.SemaphoreType.DMA,
        ],
    )
    return k(x_t, table)


def kernel(x, table):
    x_t = x.T.astype(jnp.int32)
    out3 = _gather(x_t, table)
    return out3.transpose(1, 0, 2)

# --- scband reference (transcript-rebuilt; emitter-appended) ---
"""Pipeline reference for scband-traj-embedding-24489903522034 (READ-ONLY COPY).

The authoritative reference and input builder live on the scoring server;
editing this copy changes nothing except your own understanding.
"""

import jax, jax.numpy as jnp
import numpy as np

VOCAB = 1000000
EMB_DIM = 64
BATCH = 16384
HIST = 50


def setup_inputs(seed: int = 0) -> dict:
    key = jax.random.key(seed)
    k_idx, k_tab = jax.random.split(key)
    x = jax.random.randint(
        k_idx,
        (BATCH, HIST),
        0,
        VOCAB,
        dtype=jnp.int64 if jax.config.jax_enable_x64 else jnp.int32,
    )
    table = jax.random.normal(k_tab, (VOCAB, EMB_DIM), dtype=jnp.float32)
    return {"x": x, "table": table}


def reference(x, table):
    # TrajEmbedding with tokenized=False, geo_data=None:
    # forward(x, geo_data) -> self.embedding(x)
    return jnp.take(table, x, axis=0)

if __name__ == "__main__":
    import jax
    _d = setup_inputs()
    print(jax.jit(kernel)(*tuple(_d.values())))

</pallas_src>

<mosaic_0001>
#map = affine_map<(d0, d1) -> (0, 0)>
#map1 = affine_map<(d0, d1) -> (0, 0, 0)>
module attributes {stable_mosaic.version = 14 : i64} {
  func.func @_body(%arg0: i32, %arg1: i32, %arg2: memref<50x16384xi32, #tpu.memory_space<hbm>>, %arg3: memref<1000000x64xf32, #tpu.memory_space<hbm>>, %arg4: memref<50x16384x64xf32, #tpu.memory_space<hbm>>, %arg5: memref<50x512xi32, #tpu.memory_space<vmem>>, %arg6: memref<512x64xf32, #tpu.memory_space<vmem>>, %arg7: memref<512x64xf32, #tpu.memory_space<vmem>>, %arg8: memref<512x64xf32, #tpu.memory_space<vmem>>, %arg9: memref<!tpu.dma_semaphore, #tpu.memory_space<semaphore_mem>>, %arg10: memref<!tpu.dma_semaphore, #tpu.memory_space<semaphore_mem>>, %arg11: memref<!tpu.dma_semaphore, #tpu.memory_space<semaphore_mem>>, %arg12: memref<!tpu.dma_semaphore, #tpu.memory_space<semaphore_mem>>, %arg13: memref<!tpu.dma_semaphore, #tpu.memory_space<semaphore_mem>>, %arg14: memref<!tpu.dma_semaphore, #tpu.memory_space<semaphore_mem>>, %arg15: memref<!tpu.dma_semaphore, #tpu.memory_space<semaphore_mem>>) attributes {dimension_semantics = [#tpu.dimension_semantics<core_parallel>, #tpu.dimension_semantics<subcore_parallel>], iteration_bounds = array<i64: 2, 16>, scalar_prefetch = 0 : i64, scratch_operands = 11 : i64, tpu.core_type = #tpu.core_type<sc_vector_subcore>, window_params = [{transform_indices = #map}, {transform_indices = #map}, {transform_indices = #map1}]} {
    %mul3A = arith.constant 2 : i32
    %mul3A_0 = arith.muli %arg1, %mul3A : i32
    %add3A = arith.addi %mul3A_0, %arg0 : i32
    %mul3A_1 = arith.constant 512 : i32
    %mul3A_2 = arith.muli %add3A, %mul3A_1 : i32
    %dma_start3A = arith.constant 0 : i32
    %dma_start3A_3 = tpu.memref_slice %arg2[%dma_start3A, %mul3A_2] : memref<50x16384xi32, #tpu.memory_space<hbm>> -> memref<50x512xi32, #tpu.memory_space<hbm>>
    %dma_start3A_4 = arith.constant 0 : i32
    %dma_start3A_5 = tpu.memref_slice %arg2[%dma_start3A_4, %mul3A_2] : memref<50x16384xi32, #tpu.memory_space<hbm>> -> memref<50x512xi32, #tpu.memory_space<hbm>>
    tpu.enqueue_dma source(%dma_start3A_5 : memref<50x512xi32, #tpu.memory_space<hbm>>) target(%arg5 : memref<50x512xi32, #tpu.memory_space<vmem>>) target_semaphore(%arg9 : memref<!tpu.dma_semaphore, #tpu.memory_space<semaphore_mem>>)
    %dma_wait3A = arith.constant 0 : i32
    %dma_wait3A_6 = tpu.memref_slice %arg2[%dma_wait3A, %mul3A_2] : memref<50x16384xi32, #tpu.memory_space<hbm>> -> memref<50x512xi32, #tpu.memory_space<hbm>>
    %dma_wait3A_7 = arith.constant 0 : i32
    %dma_wait3A_8 = tpu.memref_slice %arg2[%dma_wait3A_7, %mul3A_2] : memref<50x16384xi32, #tpu.memory_space<hbm>> -> memref<50x512xi32, #tpu.memory_space<hbm>>
    tpu.wait_dma2 semaphore(%arg9 : memref<!tpu.dma_semaphore, #tpu.memory_space<semaphore_mem>>) src(%dma_wait3A_8 : memref<50x512xi32, #tpu.memory_space<hbm>>) dst(%arg5 : memref<50x512xi32, #tpu.memory_space<vmem>>)
    %dma_start3A_9 = arith.constant 0 : i32
    %dma_start3A_10 = arith.constant 0 : i32
    %dma_start3A_11 = tpu.memref_slice %arg5[%dma_start3A_9, %dma_start3A_10] : memref<50x512xi32, #tpu.memory_space<vmem>> -> memref<1x512xi32, #tpu.memory_space<vmem>>
    %dma_start3A_12 = tpu.memref_squeeze %dma_start3A_11 : memref<1x512xi32, #tpu.memory_space<vmem>> -> memref<512xi32, #tpu.memory_space<vmem>>
    %dma_start3A_13 = arith.constant 0 : i32
    %dma_start3A_14 = arith.constant 0 : i32
    %dma_start3A_15 = tpu.memref_slice %arg3[%dma_start3A_13, %dma_start3A_14] : memref<1000000x64xf32, #tpu.memory_space<hbm>> -> memref<1000000x64xf32, #tpu.memory_space<hbm>>
    tpu.enqueue_indirect_dma source(%dma_start3A_15 : memref<1000000x64xf32, #tpu.memory_space<hbm>>) target(%arg6 : memref<512x64xf32, #tpu.memory_space<vmem>>) offsets(%dma_start3A_12 : memref<512xi32, #tpu.memory_space<vmem>>) semaphore(%arg10 : memref<!tpu.dma_semaphore, #tpu.memory_space<semaphore_mem>>)
    %dma_start3A_16 = arith.constant 1 : i32
    %dma_start3A_17 = arith.constant 0 : i32
    %dma_start3A_18 = tpu.memref_slice %arg5[%dma_start3A_16, %dma_start3A_17] : memref<50x512xi32, #tpu.memory_space<vmem>> -> memref<1x512xi32, #tpu.memory_space<vmem>>
    %dma_start3A_19 = tpu.memref_squeeze %dma_start3A_18 : memref<1x512xi32, #tpu.memory_space<vmem>> -> memref<512xi32, #tpu.memory_space<vmem>>
    %dma_start3A_20 = arith.constant 0 : i32
    %dma_start3A_21 = arith.constant 0 : i32
    %dma_start3A_22 = tpu.memref_slice %arg3[%dma_start3A_20, %dma_start3A_21] : memref<1000000x64xf32, #tpu.memory_space<hbm>> -> memref<1000000x64xf32, #tpu.memory_space<hbm>>
    tpu.enqueue_indirect_dma source(%dma_start3A_22 : memref<1000000x64xf32, #tpu.memory_space<hbm>>) target(%arg7 : memref<512x64xf32, #tpu.memory_space<vmem>>) offsets(%dma_start3A_19 : memref<512xi32, #tpu.memory_space<vmem>>) semaphore(%arg11 : memref<!tpu.dma_semaphore, #tpu.memory_space<semaphore_mem>>)
    %dma_wait3A_23 = arith.constant 0 : i32
    %dma_wait3A_24 = arith.constant 0 : i32
    %dma_wait3A_25 = tpu.memref_slice %arg5[%dma_wait3A_23, %dma_wait3A_24] : memref<50x512xi32, #tpu.memory_space<vmem>> -> memref<1x512xi32, #tpu.memory_space<vmem>>
    %dma_wait3A_26 = tpu.memref_squeeze %dma_wait3A_25 : memref<1x512xi32, #tpu.memory_space<vmem>> -> memref<512xi32, #tpu.memory_space<vmem>>
    %dma_wait3A_27 = arith.constant 0 : i32
    %dma_wait3A_28 = arith.constant 0 : i32
    %dma_wait3A_29 = tpu.memref_slice %arg3[%dma_wait3A_27, %dma_wait3A_28] : memref<1000000x64xf32, #tpu.memory_space<hbm>> -> memref<1000000x64xf32, #tpu.memory_space<hbm>>
    tpu.wait_indirect_dma semaphore(%arg10 : memref<!tpu.dma_semaphore, #tpu.memory_space<semaphore_mem>>) src(%dma_wait3A_29 : memref<1000000x64xf32, #tpu.memory_space<hbm>>) dst(%arg6 : memref<512x64xf32, #tpu.memory_space<vmem>>)
    %dma_start3A_30 = arith.constant 0 : i32
    %dma_start3A_31 = arith.constant 0 : i32
    %dma_start3A_32 = tpu.memref_slice %arg4[%dma_start3A_30, %mul3A_2, %dma_start3A_31] : memref<50x16384x64xf32, #tpu.memory_space<hbm>> -> memref<1x512x64xf32, #tpu.memory_space<hbm>>
    %dma_start3A_33 = tpu.memref_squeeze %dma_start3A_32 : memref<1x512x64xf32, #tpu.memory_space<hbm>> -> memref<512x64xf32, #tpu.memory_space<hbm>>
    %dma_start3A_34 = arith.constant 0 : i32
    %dma_start3A_35 = tpu.memref_slice %arg4[%dma_start3A_30, %mul3A_2, %dma_start3A_34] : memref<50x16384x64xf32, #tpu.memory_space<hbm>> -> memref<1x512x64xf32, #tpu.memory_space<hbm>>
    %dma_start3A_36 = tpu.memref_squeeze %dma_start3A_35 : memref<1x512x64xf32, #tpu.memory_space<hbm>> -> memref<512x64xf32, #tpu.memory_space<hbm>>
    tpu.enqueue_dma source(%arg6 : memref<512x64xf32, #tpu.memory_space<vmem>>) target(%dma_start3A_36 : memref<512x64xf32, #tpu.memory_space<hbm>>) target_semaphore(%arg13 : memref<!tpu.dma_semaphore, #tpu.memory_space<semaphore_mem>>)
    %dma_start3A_37 = arith.constant 2 : i32
    %dma_start3A_38 = arith.constant 0 : i32
    %dma_start3A_39 = tpu.memref_slice %arg5[%dma_start3A_37, %dma_start3A_38] : memref<50x512xi32, #tpu.memory_space<vmem>> -> memref<1x512xi32, #tpu.memory_space<vmem>>
    %dma_start3A_40 = tpu.memref_squeeze %dma_start3A_39 : memref<1x512xi32, #tpu.memory_space<vmem>> -> memref<512xi32, #tpu.memory_space<vmem>>
    %dma_start3A_41 = arith.constant 0 : i32
    %dma_start3A_42 = arith.constant 0 : i32
    %dma_start3A_43 = tpu.memref_slice %arg3[%dma_start3A_41, %dma_start3A_42] : memref<1000000x64xf32, #tpu.memory_space<hbm>> -> memref<1000000x64xf32, #tpu.memory_space<hbm>>
    tpu.enqueue_indirect_dma source(%dma_start3A_43 : memref<1000000x64xf32, #tpu.memory_space<hbm>>) target(%arg8 : memref<512x64xf32, #tpu.memory_space<vmem>>) offsets(%dma_start3A_40 : memref<512xi32, #tpu.memory_space<vmem>>) semaphore(%arg12 : memref<!tpu.dma_semaphore, #tpu.memory_space<semaphore_mem>>)
    %dma_wait3A_44 = arith.constant 1 : i32
    %dma_wait3A_45 = arith.constant 0 : i32
    %dma_wait3A_46 = tpu.memref_slice %arg5[%dma_wait3A_44, %dma_wait3A_45] : memref<50x512xi32, #tpu.memory_space<vmem>> -> memref<1x512xi32, #tpu.memory_space<vmem>>
    %dma_wait3A_47 = tpu.memref_squeeze %dma_wait3A_46 : memref<1x512xi32, #tpu.memory_space<vmem>> -> memref<512xi32, #tpu.memory_space<vmem>>
    %dma_wait3A_48 = arith.constant 0 : i32
    %dma_wait3A_49 = arith.constant 0 : i32
    %dma_wait3A_50 = tpu.memref_slice %arg3[%dma_wait3A_48, %dma_wait3A_49] : memref<1000000x64xf32, #tpu.memory_space<hbm>> -> memref<1000000x64xf32, #tpu.memory_space<hbm>>
    tpu.wait_indirect_dma semaphore(%arg11 : memref<!tpu.dma_semaphore, #tpu.memory_space<semaphore_mem>>) src(%dma_wait3A_50 : memref<1000000x64xf32, #tpu.memory_space<hbm>>) dst(%arg7 : memref<512x64xf32, #tpu.memory_space<vmem>>)
    %dma_start3A_51 = arith.constant 1 : i32
    %dma_start3A_52 = arith.constant 0 : i32
    %dma_start3A_53 = tpu.memref_slice %arg4[%dma_start3A_51, %mul3A_2, %dma_start3A_52] : memref<50x16384x64xf32, #tpu.memory_space<hbm>> -> memref<1x512x64xf32, #tpu.memory_space<hbm>>
    %dma_start3A_54 = tpu.memref_squeeze %dma_start3A_53 : memref<1x512x64xf32, #tpu.memory_space<hbm>> -> memref<512x64xf32, #tpu.memory_space<hbm>>
    %dma_start3A_55 = arith.constant 0 : i32
    %dma_start3A_56 = tpu.memref_slice %arg4[%dma_start3A_51, %mul3A_2, %dma_start3A_55] : memref<50x16384x64xf32, #tpu.memory_space<hbm>> -> memref<1x512x64xf32, #tpu.memory_space<hbm>>
    %dma_start3A_57 = tpu.memref_squeeze %dma_start3A_56 : memref<1x512x64xf32, #tpu.memory_space<hbm>> -> memref<512x64xf32, #tpu.memory_space<hbm>>
    tpu.enqueue_dma source(%arg7 : memref<512x64xf32, #tpu.memory_space<vmem>>) target(%dma_start3A_57 : memref<512x64xf32, #tpu.memory_space<hbm>>) target_semaphore(%arg14 : memref<!tpu.dma_semaphore, #tpu.memory_space<semaphore_mem>>)
    %dma_wait3A_58 = arith.constant 0 : i32
    %dma_wait3A_59 = arith.constant 0 : i32
    %dma_wait3A_60 = tpu.memref_slice %arg4[%dma_wait3A_58, %mul3A_2, %dma_wait3A_59] : memref<50x16384x64xf32, #tpu.memory_space<hbm>> -> memref<1x512x64xf32, #tpu.memory_space<hbm>>
    %dma_wait3A_61 = tpu.memref_squeeze %dma_wait3A_60 : memref<1x512x64xf32, #tpu.memory_space<hbm>> -> memref<512x64xf32, #tpu.memory_space<hbm>>
    %dma_wait3A_62 = arith.constant 0 : i32
    %dma_wait3A_63 = tpu.memref_slice %arg4[%dma_wait3A_58, %mul3A_2, %dma_wait3A_62] : memref<50x16384x64xf32, #tpu.memory_space<hbm>> -> memref<1x512x64xf32, #tpu.memory_space<hbm>>
    %dma_wait3A_64 = tpu.memref_squeeze %dma_wait3A_63 : memref<1x512x64xf32, #tpu.memory_space<hbm>> -> memref<512x64xf32, #tpu.memory_space<hbm>>
    tpu.wait_dma2 semaphore(%arg13 : memref<!tpu.dma_semaphore, #tpu.memory_space<semaphore_mem>>) src(%arg6 : memref<512x64xf32, #tpu.memory_space<vmem>>) dst(%dma_wait3A_64 : memref<512x64xf32, #tpu.memory_space<hbm>>)
    %dma_start3A_65 = arith.constant 3 : i32
    %dma_start3A_66 = arith.constant 0 : i32
    %dma_start3A_67 = tpu.memref_slice %arg5[%dma_start3A_65, %dma_start3A_66] : memref<50x512xi32, #tpu.memory_space<vmem>> -> memref<1x512xi32, #tpu.memory_space<vmem>>
    %dma_start3A_68 = tpu.memref_squeeze %dma_start3A_67 : memref<1x512xi32, #tpu.memory_space<vmem>> -> memref<512xi32, #tpu.memory_space<vmem>>
    %dma_start3A_69 = arith.constant 0 : i32
    %dma_start3A_70 = arith.constant 0 : i32
    %dma_start3A_71 = tpu.memref_slice %arg3[%dma_start3A_69, %dma_start3A_70] : memref<1000000x64xf32, #tpu.memory_space<hbm>> -> memref<1000000x64xf32, #tpu.memory_space<hbm>>
    tpu.enqueue_indirect_dma source(%dma_start3A_71 : memref<1000000x64xf32, #tpu.memory_space<hbm>>) target(%arg6 : memref<512x64xf32, #tpu.memory_space<vmem>>) offsets(%dma_start3A_68 : memref<512xi32, #tpu.memory_space<vmem>>) semaphore(%arg10 : memref<!tpu.dma_semaphore, #tpu.memory_space<semaphore_mem>>)
    %dma_wait3A_72 = arith.constant 2 : i32
    %dma_wait3A_73 = arith.constant 0 : i32
    %dma_wait3A_74 = tpu.memref_slice %arg5[%dma_wait3A_72, %dma_wait3A_73] : memref<50x512xi32, #tpu.memory_space<vmem>> -> memref<1x512xi32, #tpu.memory_space<vmem>>
    %dma_wait3A_75 = tpu.memref_squeeze %dma_wait3A_74 : memref<1x512xi32, #tpu.memory_space<vmem>> -> memref<512xi32, #tpu.memory_space<vmem>>
    %dma_wait3A_76 = arith.constant 0 : i32
    %dma_wait3A_77 = arith.constant 0 : i32
    %dma_wait3A_78 = tpu.memref_slice %arg3[%dma_wait3A_76, %dma_wait3A_77] : memref<1000000x64xf32, #tpu.memory_space<hbm>> -> memref<1000000x64xf32, #tpu.memory_space<hbm>>
    tpu.wait_indirect_dma semaphore(%arg12 : memref<!tpu.dma_semaphore, #tpu.memory_space<semaphore_mem>>) src(%dma_wait3A_78 : memref<1000000x64xf32, #tpu.memory_space<hbm>>) dst(%arg8 : memref<512x64xf32, #tpu.memory_space<vmem>>)
    %dma_start3A_79 = arith.constant 2 : i32
    %dma_start3A_80 = arith.constant 0 : i32
    %dma_start3A_81 = tpu.memref_slice %arg4[%dma_start3A_79, %mul3A_2, %dma_start3A_80] : memref<50x16384x64xf32, #tpu.memory_space<hbm>> -> memref<1x512x64xf32, #tpu.memory_space<hbm>>
    %dma_start3A_82 = tpu.memref_squeeze %dma_start3A_81 : memref<1x512x64xf32, #tpu.memory_space<hbm>> -> memref<512x64xf32, #tpu.memory_space<hbm>>
    %dma_start3A_83 = arith.constant 0 : i32
    %dma_start3A_84 = tpu.memref_slice %arg4[%dma_start3A_79, %mul3A_2, %dma_start3A_83] : memref<50x16384x64xf32, #tpu.memory_space<hbm>> -> memref<1x512x64xf32, #tpu.memory_space<hbm>>
    %dma_start3A_85 = tpu.memref_squeeze %dma_start3A_84 : memref<1x512x64xf32, #tpu.memory_space<hbm>> -> memref<512x64xf32, #tpu.memory_space<hbm>>
    tpu.enqueue_dma source(%arg8 : memref<512x64xf32, #tpu.memory_space<vmem>>) target(%dma_start3A_85 : memref<512x64xf32, #tpu.memory_space<hbm>>) target_semaphore(%arg15 : memref<!tpu.dma_semaphore, #tpu.memory_space<semaphore_mem>>)
    %dma_wait3A_86 = arith.constant 1 : i32
    %dma_wait3A_87 = arith.constant 0 : i32
    %dma_wait3A_88 = tpu.memref_slice %arg4[%dma_wait3A_86, %mul3A_2, %dma_wait3A_87] : memref<50x16384x64xf32, #tpu.memory_space<hbm>> -> memref<1x512x64xf32, #tpu.memory_space<hbm>>
    %dma_wait3A_89 = tpu.memref_squeeze %dma_wait3A_88 : memref<1x512x64xf32, #tpu.memory_space<hbm>> -> memref<512x64xf32, #tpu.memory_space<hbm>>
    %dma_wait3A_90 = arith.constant 0 : i32
    %dma_wait3A_91 = tpu.memref_slice %arg4[%dma_wait3A_86, %mul3A_2, %dma_wait3A_90] : memref<50x16384x64xf32, #tpu.memory_space<hbm>> -> memref<1x512x64xf32, #tpu.memory_space<hbm>>
    %dma_wait3A_92 = tpu.memref_squeeze %dma_wait3A_91 : memref<1x512x64xf32, #tpu.memory_space<hbm>> -> memref<512x64xf32, #tpu.memory_space<hbm>>
    tpu.wait_dma2 semaphore(%arg14 : memref<!tpu.dma_semaphore, #tpu.memory_space<semaphore_mem>>) src(%arg7 : memref<512x64xf32, #tpu.memory_space<vmem>>) dst(%dma_wait3A_92 : memref<512x64xf32, #tpu.memory_space<hbm>>)
    %dma_start3A_93 = arith.constant 4 : i32
    %dma_start3A_94 = arith.constant 0 : i32
    %dma_start3A_95 = tpu.memref_slice %arg5[%dma_start3A_93, %dma_start3A_94] : memref<50x512xi32, #tpu.memory_space<vmem>> -> memref<1x512xi32, #tpu.memory_space<vmem>>
    %dma_start3A_96 = tpu.memref_squeeze %dma_start3A_95 : memref<1x512xi32, #tpu.memory_space<vmem>> -> memref<512xi32, #tpu.memory_space<vmem>>
    %dma_start3A_97 = arith.constant 0 : i32
    %dma_start3A_98 = arith.constant 0 : i32
    %dma_start3A_99 = tpu.memref_slice %arg3[%dma_start3A_97, %dma_start3A_98] : memref<1000000x64xf32, #tpu.memory_space<hbm>> -> memref<1000000x64xf32, #tpu.memory_space<hbm>>
    tpu.enqueue_indirect_dma source(%dma_start3A_99 : memref<1000000x64xf32, #tpu.memory_space<hbm>>) target(%arg7 : memref<512x64xf32, #tpu.memory_space<vmem>>) offsets(%dma_start3A_96 : memref<512xi32, #tpu.memory_space<vmem>>) semaphore(%arg11 : memref<!tpu.dma_semaphore, #tpu.memory_space<semaphore_mem>>)
    %dma_wait3A_100 = arith.constant 3 : i32
    %dma_wait3A_101 = arith.constant 0 : i32
    %dma_wait3A_102 = tpu.memref_slice %arg5[%dma_wait3A_100, %dma_wait3A_101] : memref<50x512xi32, #tpu.memory_space<vmem>> -> memref<1x512xi32, #tpu.memory_space<vmem>>
    %dma_wait3A_103 = tpu.memref_squeeze %dma_wait3A_102 : memref<1x512xi32, #tpu.memory_space<vmem>> -> memref<512xi32, #tpu.memory_space<vmem>>
    %dma_wait3A_104 = arith.constant 0 : i32
    %dma_wait3A_105 = arith.constant 0 : i32
    %dma_wait3A_106 = tpu.memref_slice %arg3[%dma_wait3A_104, %dma_wait3A_105] : memref<1000000x64xf32, #tpu.memory_space<hbm>> -> memref<1000000x64xf32, #tpu.memory_space<hbm>>
    tpu.wait_indirect_dma semaphore(%arg10 : memref<!tpu.dma_semaphore, #tpu.memory_space<semaphore_mem>>) src(%dma_wait3A_106 : memref<1000000x64xf32, #tpu.memory_space<hbm>>) dst(%arg6 : memref<512x64xf32, #tpu.memory_space<vmem>>)
    %dma_start3A_107 = arith.constant 3 : i32
    %dma_start3A_108 = arith.constant 0 : i32
    %dma_start3A_109 = tpu.memref_slice %arg4[%dma_start3A_107, %mul3A_2, %dma_start3A_108] : memref<50x16384x64xf32, #tpu.memory_space<hbm>> -> memref<1x512x64xf32, #tpu.memory_space<hbm>>
    %dma_start3A_110 = tpu.memref_squeeze %dma_start3A_109 : memref<1x512x64xf32, #tpu.memory_space<hbm>> -> memref<512x64xf32, #tpu.memory_space<hbm>>
    %dma_start3A_111 = arith.constant 0 : i32
    %dma_start3A_112 = tpu.memref_slice %arg4[%dma_start3A_107, %mul3A_2, %dma_start3A_111] : memref<50x16384x64xf32, #tpu.memory_space<hbm>> -> memref<1x512x64xf32, #tpu.memory_space<hbm>>
    %dma_start3A_113 = tpu.memref_squeeze %dma_start3A_112 : memref<1x512x64xf32, #tpu.memory_space<hbm>> -> memref<512x64xf32, #tpu.memory_space<hbm>>
    tpu.enqueue_dma source(%arg6 : memref<512x64xf32, #tpu.memory_space<vmem>>) target(%dma_start3A_113 : memref<512x64xf32, #tpu.memory_space<hbm>>) target_semaphore(%arg13 : memref<!tpu.dma_semaphore, #tpu.memory_space<semaphore_mem>>)
    %dma_wait3A_114 = arith.constant 2 : i32
    %dma_wait3A_115 = arith.constant 0 : i32
    %dma_wait3A_116 = tpu.memref_slice %arg4[%dma_wait3A_114, %mul3A_2, %dma_wait3A_115] : memref<50x16384x64xf32, #tpu.memory_space<hbm>> -> memref<1x512x64xf32, #tpu.memory_space<hbm>>
    %dma_wait3A_117 = tpu.memref_squeeze %dma_wait3A_116 : memref<1x512x64xf32, #tpu.memory_space<hbm>> -> memref<512x64xf32, #tpu.memory_space<hbm>>
    %dma_wait3A_118 = arith.constant 0 : i32
    %dma_wait3A_119 = tpu.memref_slice %arg4[%dma_wait3A_114, %mul3A_2, %dma_wait3A_118] : memref<50x16384x64xf32, #tpu.memory_space<hbm>> -> memref<1x512x64xf32, #tpu.memory_space<hbm>>
    %dma_wait3A_120 = tpu.memref_squeeze %dma_wait3A_119 : memref<1x512x64xf32, #tpu.memory_space<hbm>> -> memref<512x64xf32, #tpu.memory_space<hbm>>
    tpu.wait_dma2 semaphore(%arg15 : memref<!tpu.dma_semaphore, #tpu.memory_space<semaphore_mem>>) src(%arg8 : memref<512x64xf32, #tpu.memory_space<vmem>>) dst(%dma_wait3A_120 : memref<512x64xf32, #tpu.memory_space<hbm>>)
    %dma_start3A_121 = arith.constant 5 : i32
    %dma_start3A_122 = arith.constant 0 : i32
    %dma_start3A_123 = tpu.memref_slice %arg5[%dma_start3A_121, %dma_start3A_122] : memref<50x512xi32, #tpu.memory_space<vmem>> -> memref<1x512xi32, #tpu.memory_space<vmem>>
    %dma_start3A_124 = tpu.memref_squeeze %dma_start3A_123 : memref<1x512xi32, #tpu.memory_space<vmem>> -> memref<512xi32, #tpu.memory_space<vmem>>
    %dma_start3A_125 = arith.constant 0 : i32
    %dma_start3A_126 = arith.constant 0 : i32
    %dma_start3A_127 = tpu.memref_slice %arg3[%dma_start3A_125, %dma_start3A_126] : memref<1000000x64xf32, #tpu.memory_space<hbm>> -> memref<1000000x64xf32, #tpu.memory_space<hbm>>
    tpu.enqueue_indirect_dma source(%dma_start3A_127 : memref<1000000x64xf32, #tpu.memory_space<hbm>>) target(%arg8 : memref<512x64xf32, #tpu.memory_space<vmem>>) offsets(%dma_start3A_124 : memref<512xi32, #tpu.memory_space<vmem>>) semaphore(%arg12 : memref<!tpu.dma_semaphore, #tpu.memory_space<semaphore_mem>>)
    %dma_wait3A_128 = arith.constant 4 : i32
    %dma_wait3A_129 = arith.constant 0 : i32
    %dma_wait3A_130 = tpu.memref_slice %arg5[%dma_wait3A_128, %dma_wait3A_129] : memref<50x512xi32, #tpu.memory_space<vmem>> -> memref<1x512xi32, #tpu.memory_space<vmem>>
    %dma_wait3A_131 = tpu.memref_squeeze %dma_wait3A_130 : memref<1x512xi32, #tpu.memory_space<vmem>> -> memref<512xi32, #tpu.memory_space<vmem>>
    %dma_wait3A_132 = arith.constant 0 : i32
    %dma_wait3A_133 = arith.constant 0 : i32
    %dma_wait3A_134 = tpu.memref_slice %arg3[%dma_wait3A_132, %dma_wait3A_133] : memref<1000000x64xf32, #tpu.memory_space<hbm>> -> memref<1000000x64xf32, #tpu.memory_space<hbm>>
    tpu.wait_indirect_dma semaphore(%arg11 : memref<!tpu.dma_semaphore, #tpu.memory_space<semaphore_mem>>) src(%dma_wait3A_134 : memref<1000000x64xf32, #tpu.memory_space<hbm>>) dst(%arg7 : memref<512x64xf32, #tpu.memory_space<vmem>>)
    %dma_start3A_135 = arith.constant 4 : i32
    %dma_start3A_136 = arith.constant 0 : i32
    %dma_start3A_137 = tpu.memref_slice %arg4[%dma_start3A_135, %mul3A_2, %dma_start3A_136] : memref<50x16384x64xf32, #tpu.memory_space<hbm>> -> memref<1x512x64xf32, #tpu.memory_space<hbm>>
    %dma_start3A_138 = tpu.memref_squeeze %dma_start3A_137 : memref<1x512x64xf32, #tpu.memory_space<hbm>> -> memref<512x64xf32, #tpu.memory_space<hbm>>
    %dma_start3A_139 = arith.constant 0 : i32
    %dma_start3A_140 = tpu.memref_slice %arg4[%dma_start3A_135, %mul3A_2, %dma_start3A_139] : memref<50x16384x64xf32, #tpu.memory_space<hbm>> -> memref<1x512x64xf32, #tpu.memory_space<hbm>>
    %dma_start3A_141 = tpu.memref_squeeze %dma_start3A_140 : memref<1x512x64xf32, #tpu.memory_space<hbm>> -> memref<512x64xf32, #tpu.memory_space<hbm>>
    tpu.enqueue_dma source(%arg7 : memref<512x64xf32, #tpu.memory_space<vmem>>) target(%dma_start3A_141 : memref<512x64xf32, #tpu.memory_space<hbm>>) target_semaphore(%arg14 : memref<!tpu.dma_semaphore, #tpu.memory_space<semaphore_mem>>)
    %dma_wait3A_142 = arith.constant 3 : i32
    %dma_wait3A_143 = arith.constant 0 : i32
    %dma_wait3A_144 = tpu.memref_slice %arg4[%dma_wait3A_142, %mul3A_2, %dma_wait3A_143] : memref<50x16384x64xf32, #tpu.memory_space<hbm>> -> memref<1x512x64xf32, #tpu.memory_space<hbm>>
    %dma_wait3A_145 = tpu.memref_squeeze %dma_wait3A_144 : memref<1x512x64xf32, #tpu.memory_space<hbm>> -> memref<512x64xf32, #tpu.memory_space<hbm>>
    %dma_wait3A_146 = arith.constant 0 : i32
    %dma_wait3A_147 = tpu.memref_slice %arg4[%dma_wait3A_142, %mul3A_2, %dma_wait3A_146] : memref<50x16384x64xf32, #tpu.memory_space<hbm>> -> memref<1x512x64xf32, #tpu.memory_space<hbm>>
    %dma_wait3A_148 = tpu.memref_squeeze %dma_wait3A_147 : memref<1x512x64xf32, #tpu.memory_space<hbm>> -> memref<512x64xf32, #tpu.memory_space<hbm>>
    tpu.wait_dma2 semaphore(%arg13 : memref<!tpu.dma_semaphore, #tpu.memory_space<semaphore_mem>>) src(%arg6 : memref<512x64xf32, #tpu.memory_space<vmem>>) dst(%dma_wait3A_148 : memref<512x64xf32, #tpu.memory_space<hbm>>)
    %dma_start3A_149 = arith.constant 6 : i32
    %dma_start3A_150 = arith.constant 0 : i32
    %dma_start3A_151 = tpu.memref_slice %arg5[%dma_start3A_149, %dma_start3A_150] : memref<50x512xi32, #tpu.memory_space<vmem>> -> memref<1x512xi32, #tpu.memory_space<vmem>>
    %dma_start3A_152 = tpu.memref_squeeze %dma_start3A_151 : memref<1x512xi32, #tpu.memory_space<vmem>> -> memref<512xi32, #tpu.memory_space<vmem>>
    %dma_start3A_153 = arith.constant 0 : i32
    %dma_start3A_154 = arith.constant 0 : i32
    %dma_start3A_155 = tpu.memref_slice %arg3[%dma_start3A_153, %dma_start3A_154] : memref<1000000x64xf32, #tpu.memory_space<hbm>> -> memref<1000000x64xf32, #tpu.memory_space<hbm>>
    tpu.enqueue_indirect_dma source(%dma_start3A_155 : memref<1000000x64xf32, #tpu.memory_space<hbm>>) target(%arg6 : memref<512x64xf32, #tpu.memory_space<vmem>>) offsets(%dma_start3A_152 : memref<512xi32, #tpu.memory_space<vmem>>) semaphore(%arg10 : memref<!tpu.dma_semaphore, #tpu.memory_space<semaphore_mem>>)
    %dma_wait3A_156 = arith.constant 5 : i32
    %dma_wait3A_157 = arith.constant 0 : i32
    %dma_wait3A_158 = tpu.memref_slice %arg5[%dma_wait3A_156, %dma_wait3A_157] : memref<50x512xi32, #tpu.memory_space<vmem>> -> memref<1x512xi32, #tpu.memory_space<vmem>>
    %dma_wait3A_159 = tpu.memref_squeeze %dma_wait3A_158 : memref<1x512xi32, #tpu.memory_space<vmem>> -> memref<512xi32, #tpu.memory_space<vmem>>
    %dma_wait3A_160 = arith.constant 0 : i32
    %dma_wait3A_161 = arith.constant 0 : i32
    %dma_wait3A_162 = tpu.memref_slice %arg3[%dma_wait3A_160, %dma_wait3A_161] : memref<1000000x64xf32, #tpu.memory_space<hbm>> -> memref<1000000x64xf32, #tpu.memory_space<hbm>>
    tpu.wait_indirect_dma semaphore(%arg12 : memref<!tpu.dma_semaphore, #tpu.memory_space<semaphore_mem>>) src(%dma_wait3A_162 : memref<1000000x64xf32, #tpu.memory_space<hbm>>) dst(%arg8 : memref<512x64xf32, #tpu.memory_space<vmem>>)
    %dma_start3A_163 = arith.constant 5 : i32
    %dma_start3A_164 = arith.constant 0 : i32
    %dma_start3A_165 = tpu.memref_slice %arg4[%dma_start3A_163, %mul3A_2, %dma_start3A_164] : memref<50x16384x64xf32, #tpu.memory_space<hbm>> -> memref<1x512x64xf32, #tpu.memory_space<hbm>>
    %dma_start3A_166 = tpu.memref_squeeze %dma_start3A_165 : memref<1x512x64xf32, #tpu.memory_space<hbm>> -> memref<512x64xf32, #tpu.memory_space<hbm>>
    %dma_start3A_167 = arith.constant 0 : i32
    %dma_start3A_168 = tpu.memref_slice %arg4[%dma_start3A_163, %mul3A_2, %dma_start3A_167] : memref<50x16384x64xf32, #tpu.memory_space<hbm>> -> memref<1x512x64xf32, #tpu.memory_space<hbm>>
    %dma_start3A_169 = tpu.memref_squeeze %dma_start3A_168 : memref<1x512x64xf32, #tpu.memory_space<hbm>> -> memref<512x64xf32, #tpu.memory_space<hbm>>
    tpu.enqueue_dma source(%arg8 : memref<512x64xf32, #tpu.memory_space<vmem>>) target(%dma_start3A_169 : memref<512x64xf32, #tpu.memory_space<hbm>>) target_semaphore(%arg15 : memref<!tpu.dma_semaphore, #tpu.memory_space<semaphore_mem>>)
    %dma_wait3A_170 = arith.constant 4 : i32
    %dma_wait3A_171 = arith.constant 0 : i32
    %dma_wait3A_172 = tpu.memref_slice %arg4[%dma_wait3A_170, %mul3A_2, %dma_wait3A_171] : memref<50x16384x64xf32, #tpu.memory_space<hbm>> -> memref<1x512x64xf32, #tpu.memory_space<hbm>>
    %dma_wait3A_173 = tpu.memref_squeeze %dma_wait3A_172 : memref<1x512x64xf32, #tpu.memory_space<hbm>> -> memref<512x64xf32, #tpu.memory_space<hbm>>
    %dma_wait3A_174 = arith.constant 0 : i32
    %dma_wait3A_175 = tpu.memref_slice %arg4[%dma_wait3A_170, %mul3A_2, %dma_wait3A_174] : memref<50x16384x64xf32, #tpu.memory_space<hbm>> -> memref<1x512x64xf32, #tpu.memory_space<hbm>>
    %dma_wait3A_176 = tpu.memref_squeeze %dma_wait3A_175 : memref<1x512x64xf32, #tpu.memory_space<hbm>> -> memref<512x64xf32, #tpu.memory_space<hbm>>
    tpu.wait_dma2 semaphore(%arg14 : memref<!tpu.dma_semaphore, #tpu.memory_space<semaphore_mem>>) src(%arg7 : memref<512x64xf32, #tpu.memory_space<vmem>>) dst(%dma_wait3A_176 : memref<512x64xf32, #tpu.memory_space<hbm>>)
    %dma_start3A_177 = arith.constant 7 : i32
    %dma_start3A_178 = arith.constant 0 : i32
    %dma_start3A_179 = tpu.memref_slice %arg5[%dma_start3A_177, %dma_start3A_178] : memref<50x512xi32, #tpu.memory_space<vmem>> -> memref<1x512xi32, #tpu.memory_space<vmem>>
    %dma_start3A_180 = tpu.memref_squeeze %dma_start3A_179 : memref<1x512xi32, #tpu.memory_space<vmem>> -> memref<512xi32, #tpu.memory_space<vmem>>
    %dma_start3A_181 = arith.constant 0 : i32
    %dma_start3A_182 = arith.constant 0 : i32
    %dma_start3A_183 = tpu.memref_slice %arg3[%dma_start3A_181, %dma_start3A_182] : memref<1000000x64xf32, #tpu.memory_space<hbm>> -> memref<1000000x64xf32, #tpu.memory_space<hbm>>
    tpu.enqueue_indirect_dma source(%dma_start3A_183 : memref<1000000x64xf32, #tpu.memory_space<hbm>>) target(%arg7 : memref<512x64xf32, #tpu.memory_space<vmem>>) offsets(%dma_start3A_180 : memref<512xi32, #tpu.memory_space<vmem>>) semaphore(%arg11 : memref<!tpu.dma_semaphore, #tpu.memory_space<semaphore_mem>>)
    %dma_wait3A_184 = arith.constant 6 : i32
    %dma_wait3A_185 = arith.constant 0 : i32
    %dma_wait3A_186 = tpu.memref_slice %arg5[%dma_wait3A_184, %dma_wait3A_185] : memref<50x512xi32, #tpu.memory_space<vmem>> -> memref<1x512xi32, #tpu.memory_space<vmem>>
    %dma_wait3A_187 = tpu.memref_squeeze %dma_wait3A_186 : memref<1x512xi32, #tpu.memory_space<vmem>> -> memref<512xi32, #tpu.memory_space<vmem>>
    %dma_wait3A_188 = arith.constant 0 : i32
    %dma_wait3A_189 = arith.constant 0 : i32
    %dma_wait3A_190 = tpu.memref_slice %arg3[%dma_wait3A_188, %dma_wait3A_189] : memref<1000000x64xf32, #tpu.memory_space<hbm>> -> memref<1000000x64xf32, #tpu.memory_space<hbm>>
    tpu.wait_indirect_dma semaphore(%arg10 : memref<!tpu.dma_semaphore, #tpu.memory_space<semaphore_mem>>) src(%dma_wait3A_190 : memref<1000000x64xf32, #tpu.memory_space<hbm>>) dst(%arg6 : memref<512x64xf32, #tpu.memory_space<vmem>>)
    %dma_start3A_191 = arith.constant 6 : i32
    %dma_start3A_192 = arith.constant 0 : i32
    %dma_start3A_193 = tpu.memref_slice %arg4[%dma_start3A_191, %mul3A_2, %dma_start3A_192] : memref<50x16384x64xf32, #tpu.memory_space<hbm>> -> memref<1x512x64xf32, #tpu.memory_space<hbm>>
    %dma_start3A_194 = tpu.memref_squeeze %dma_start3A_193 : memref<1x512x64xf32, #tpu.memory_space<hbm>> -> memref<512x64xf32, #tpu.memory_space<hbm>>
    %dma_start3A_195 = arith.constant 0 : i32
    %dma_start3A_196 = tpu.memref_slice %arg4[%dma_start3A_191, %mul3A_2, %dma_start3A_195] : memref<50x16384x64xf32, #tpu.memory_space<hbm>> -> memref<1x512x64xf32, #tpu.memory_space<hbm>>
    %dma_start3A_197 = tpu.memref_squeeze %dma_start3A_196 : memref<1x512x64xf32, #tpu.memory_space<hbm>> -> memref<512x64xf32, #tpu.memory_space<hbm>>
    tpu.enqueue_dma source(%arg6 : memref<512x64xf32, #tpu.memory_space<vmem>>) target(%dma_start3A_197 : memref<512x64xf32, #tpu.memory_space<hbm>>) target_semaphore(%arg13 : memref<!tpu.dma_semaphore, #tpu.memory_space<semaphore_mem>>)
    %dma_wait3A_198 = arith.constant 5 : i32
    %dma_wait3A_199 = arith.constant 0 : i32
    %dma_wait3A_200 = tpu.memref_slice %arg4[%dma_wait3A_198, %mul3A_2, %dma_wait3A_199] : memref<50x16384x64xf32, #tpu.memory_space<hbm>> -> memref<1x512x64xf32, #tpu.memory_space<hbm>>
    %dma_wait3A_201 = tpu.memref_squeeze %dma_wait3A_200 : memref<1x512x64xf32, #tpu.memory_space<hbm>> -> memref<512x64xf32, #tpu.memory_space<hbm>>
    %dma_wait3A_202 = arith.constant 0 : i32
    %dma_wait3A_203 = tpu.memref_slice %arg4[%dma_wait3A_198, %mul3A_2, %dma_wait3A_202] : memref<50x16384x64xf32, #tpu.memory_space<hbm>> -> memref<1x512x64xf32, #tpu.memory_space<hbm>>
    %dma_wait3A_204 = tpu.memref_squeeze %dma_wait3A_203 : memref<1x512x64xf32, #tpu.memory_space<hbm>> -> memref<512x64xf32, #tpu.memory_space<hbm>>
    tpu.wait_dma2 semaphore(%arg15 : memref<!tpu.dma_semaphore, #tpu.memory_space<semaphore_mem>>) src(%arg8 : memref<512x64xf32, #tpu.memory_space<vmem>>) dst(%dma_wait3A_204 : memref<512x64xf32, #tpu.memory_space<hbm>>)
    %dma_start3A_205 = arith.constant 8 : i32
    %dma_start3A_206 = arith.constant 0 : i32
    %dma_start3A_207 = tpu.memref_slice %arg5[%dma_start3A_205, %dma_start3A_206] : memref<50x512xi32, #tpu.memory_space<vmem>> -> memref<1x512xi32, #tpu.memory_space<vmem>>
    %dma_start3A_208 = tpu.memref_squeeze %dma_start3A_207 : memref<1x512xi32, #tpu.memory_space<vmem>> -> memref<512xi32, #tpu.memory_space<vmem>>
    %dma_start3A_209 = arith.constant 0 : i32
    %dma_start3A_210 = arith.constant 0 : i32
    %dma_start3A_211 = tpu.memref_slice %arg3[%dma_start3A_209, %dma_start3A_210] : memref<1000000x64xf32, #tpu.memory_space<hbm>> -> memref<1000000x64xf32, #tpu.memory_space<hbm>>
    tpu.enqueue_indirect_dma source(%dma_start3A_211 : memref<1000000x64xf32, #tpu.memory_space<hbm>>) target(%arg8 : memref<512x64xf32, #tpu.memory_space<vmem>>) offsets(%dma_start3A_208 : memref<512xi32, #tpu.memory_space<vmem>>) semaphore(%arg12 : memref<!tpu.dma_semaphore, #tpu.memory_space<semaphore_mem>>)
    %dma_wait3A_212 = arith.constant 7 : i32
    %dma_wait3A_213 = arith.constant 0 : i32
    %dma_wait3A_214 = tpu.memref_slice %arg5[%dma_wait3A_212, %dma_wait3A_213] : memref<50x512xi32, #tpu.memory_space<vmem>> -> memref<1x512xi32, #tpu.memory_space<vmem>>
    %dma_wait3A_215 = tpu.memref_squeeze %dma_wait3A_214 : memref<1x512xi32, #tpu.memory_space<vmem>> -> memref<512xi32, #tpu.memory_space<vmem>>
    %dma_wait3A_216 = arith.constant 0 : i32
    %dma_wait3A_217 = arith.constant 0 : i32
    %dma_wait3A_218 = tpu.memref_slice %arg3[%dma_wait3A_216, %dma_wait3A_217] : memref<1000000x64xf32, #tpu.memory_space<hbm>> -> memref<1000000x64xf32, #tpu.memory_space<hbm>>
    tpu.wait_indirect_dma semaphore(%arg11 : memref<!tpu.dma_semaphore, #tpu.memory_space<semaphore_mem>>) src(%dma_wait3A_218 : memref<1000000x64xf32, #tpu.memory_space<hbm>>) dst(%arg7 : memref<512x64xf32, #tpu.memory_space<vmem>>)
    %dma_start3A_219 = arith.constant 7 : i32
    %dma_start3A_220 = arith.constant 0 : i32
    %dma_start3A_221 = tpu.memref_slice %arg4[%dma_start3A_219, %mul3A_2, %dma_start3A_220] : memref<50x16384x64xf32, #tpu.memory_space<hbm>> -> memref<1x512x64xf32, #tpu.memory_space<hbm>>
    %dma_start3A_222 = tpu.memref_squeeze %dma_start3A_221 : memref<1x512x64xf32, #tpu.memory_space<hbm>> -> memref<512x64xf32, #tpu.memory_space<hbm>>
    %dma_start3A_223 = arith.constant 0 : i32
    %dma_start3A_224 = tpu.memref_slice %arg4[%dma_start3A_219, %mul3A_2, %dma_start3A_223] : memref<50x16384x64xf32, #tpu.memory_space<hbm>> -> memref<1x512x64xf32, #tpu.memory_space<hbm>>
    %dma_start3A_225 = tpu.memref_squeeze %dma_start3A_224 : memref<1x512x64xf32, #tpu.memory_space<hbm>> -> memref<512x64xf32, #tpu.memory_space<hbm>>
    tpu.enqueue_dma source(%arg7 : memref<512x64xf32, #tpu.memory_space<vmem>>) target(%dma_start3A_225 : memref<512x64xf32, #tpu.memory_space<hbm>>) target_semaphore(%arg14 : memref<!tpu.dma_semaphore, #tpu.memory_space<semaphore_mem>>)
    %dma_wait3A_226 = arith.constant 6 : i32
    %dma_wait3A_227 = arith.constant 0 : i32
    %dma_wait3A_228 = tpu.memref_slice %arg4[%dma_wait3A_226, %mul3A_2, %dma_wait3A_227] : memref<50x16384x64xf32, #tpu.memory_space<hbm>> -> memref<1x512x64xf32, #tpu.memory_space<hbm>>
    %dma_wait3A_229 = tpu.memref_squeeze %dma_wait3A_228 : memref<1x512x64xf32, #tpu.memory_space<hbm>> -> memref<512x64xf32, #tpu.memory_space<hbm>>
    %dma_wait3A_230 = arith.constant 0 : i32
    %dma_wait3A_231 = tpu.memref_slice %arg4[%dma_wait3A_226, %mul3A_2, %dma_wait3A_230] : memref<50x16384x64xf32, #tpu.memory_space<hbm>> -> memref<1x512x64xf32, #tpu.memory_space<hbm>>
    %dma_wait3A_232 = tpu.memref_squeeze %dma_wait3A_231 : memref<1x512x64xf32, #tpu.memory_space<hbm>> -> memref<512x64xf32, #tpu.memory_space<hbm>>
    tpu.wait_dma2 semaphore(%arg13 : memref<!tpu.dma_semaphore, #tpu.memory_space<semaphore_mem>>) src(%arg6 : memref<512x64xf32, #tpu.memory_space<vmem>>) dst(%dma_wait3A_232 : memref<512x64xf32, #tpu.memory_space<hbm>>)
    %dma_start3A_233 = arith.constant 9 : i32
    %dma_start3A_234 = arith.constant 0 : i32
    %dma_start3A_235 = tpu.memref_slice %arg5[%dma_start3A_233, %dma_start3A_234] : memref<50x512xi32, #tpu.memory_space<vmem>> -> memref<1x512xi32, #tpu.memory_space<vmem>>
    %dma_start3A_236 = tpu.memref_squeeze %dma_start3A_235 : memref<1x512xi32, #tpu.memory_space<vmem>> -> memref<512xi32, #tpu.memory_space<vmem>>
    %dma_start3A_237 = arith.constant 0 : i32
    %dma_start3A_238 = arith.constant 0 : i32
    %dma_start3A_239 = tpu.memref_slice %arg3[%dma_start3A_237, %dma_start3A_238] : memref<1000000x64xf32, #tpu.memory_space<hbm>> -> memref<1000000x64xf32, #tpu.memory_space<hbm>>
    tpu.enqueue_indirect_dma source(%dma_start3A_239 : memref<1000000x64xf32, #tpu.memory_space<hbm>>) target(%arg6 : memref<512x64xf32, #tpu.memory_space<vmem>>) offsets(%dma_start3A_236 : memref<512xi32, #tpu.memory_space<vmem>>) semaphore(%arg10 : memref<!tpu.dma_semaphore, #tpu.memory_space<semaphore_mem>>)
    %dma_wait3A_240 = arith.constant 8 : i32
    %dma_wait3A_241 = arith.constant 0 : i32
    %dma_wait3A_242 = tpu.memref_slice %arg5[%dma_wait3A_240, %dma_wait3A_241] : memref<50x512xi32, #tpu.memory_space<vmem>> -> memref<1x512xi32, #tpu.memory_space<vmem>>
    %dma_wait3A_243 = tpu.memref_squeeze %dma_wait3A_242 : memref<1x512xi32, #tpu.memory_space<vmem>> -> memref<512xi32, #tpu.memory_space<vmem>>
    %dma_wait3A_244 = arith.constant 0 : i32
    %dma_wait3A_245 = arith.constant 0 : i32
    %dma_wait3A_246 = tpu.memref_slice %arg3[%dma_wait3A_244, %dma_wait3A_245] : memref<1000000x64xf32, #tpu.memory_space<hbm>> -> memref<1000000x64xf32, #tpu.memory_space<hbm>>
    tpu.wait_indirect_dma semaphore(%arg12 : memref<!tpu.dma_semaphore, #tpu.memory_space<semaphore_mem>>) src(%dma_wait3A_246 : memref<1000000x64xf32, #tpu.memory_space<hbm>>) dst(%arg8 : memref<512x64xf32, #tpu.memory_space<vmem>>)
    %dma_start3A_247 = arith.constant 8 : i32
    %dma_start3A_248 = arith.constant 0 : i32
    %dma_start3A_249 = tpu.memref_slice %arg4[%dma_start3A_247, %mul3A_2, %dma_start3A_248] : memref<50x16384x64xf32, #tpu.memory_space<hbm>> -> memref<1x512x64xf32, #tpu.memory_space<hbm>>
    %dma_start3A_250 = tpu.memref_squeeze %dma_start3A_249 : memref<1x512x64xf32, #tpu.memory_space<hbm>> -> memref<512x64xf32, #tpu.memory_space<hbm>>
    %dma_start3A_251 = arith.constant 0 : i32
    %dma_start3A_252 = tpu.memref_slice %arg4[%dma_start3A_247, %mul3A_2, %dma_start3A_251] : memref<50x16384x64xf32, #tpu.memory_space<hbm>> -> memref<1x512x64xf32, #tpu.memory_space<hbm>>
    %dma_start3A_253 = tpu.memref_squeeze %dma_start3A_252 : memref<1x512x64xf32, #tpu.memory_space<hbm>> -> memref<512x64xf32, #tpu.memory_space<hbm>>
    tpu.enqueue_dma source(%arg8 : memref<512x64xf32, #tpu.memory_space<vmem>>) target(%dma_start3A_253 : memref<512x64xf32, #tpu.memory_space<hbm>>) target_semaphore(%arg15 : memref<!tpu.dma_semaphore, #tpu.memory_space<semaphore_mem>>)
    %dma_wait3A_254 = arith.constant 7 : i32
    %dma_wait3A_255 = arith.constant 0 : i32
    %dma_wait3A_256 = tpu.memref_slice %arg4[%dma_wait3A_254, %mul3A_2, %dma_wait3A_255] : memref<50x16384x64xf32, #tpu.memory_space<hbm>> -> memref<1x512x64xf32, #tpu.memory_space<hbm>>
    %dma_wait3A_257 = tpu.memref_squeeze %dma_wait3A_256 : memref<1x512x64xf32, #tpu.memory_space<hbm>> -> memref<512x64xf32, #tpu.memory_space<hbm>>
    %dma_wait3A_258 = arith.constant 0 : i32
    %dma_wait3A_259 = tpu.memref_slice %arg4[%dma_wait3A_254, %mul3A_2, %dma_wait3A_258] : memref<50x16384x64xf32, #tpu.memory_space<hbm>> -> memref<1x512x64xf32, #tpu.memory_space<hbm>>
    %dma_wait3A_260 = tpu.memref_squeeze %dma_wait3A_259 : memref<1x512x64xf32, #tpu.memory_space<hbm>> -> memref<512x64xf32, #tpu.memory_space<hbm>>
    tpu.wait_dma2 semaphore(%arg14 : memref<!tpu.dma_semaphore, #tpu.memory_space<semaphore_mem>>) src(%arg7 : memref<512x64xf32, #tpu.memory_space<vmem>>) dst(%dma_wait3A_260 : memref<512x64xf32, #tpu.memory_space<hbm>>)
    %dma_start3A_261 = arith.constant 10 : i32
    %dma_start3A_262 = arith.constant 0 : i32
    %dma_start3A_263 = tpu.memref_slice %arg5[%dma_start3A_261, %dma_start3A_262] : memref<50x512xi32, #tpu.memory_space<vmem>> -> memref<1x512xi32, #tpu.memory_space<vmem>>
    %dma_start3A_264 = tpu.memref_squeeze %dma_start3A_263 : memref<1x512xi32, #tpu.memory_space<vmem>> -> memref<512xi32, #tpu.memory_space<vmem>>
    %dma_start3A_265 = arith.constant 0 : i32
    %dma_start3A_266 = arith.constant 0 : i32
    %dma_start3A_267 = tpu.memref_slice %arg3[%dma_start3A_265, %dma_start3A_266] : memref<1000000x64xf32, #tpu.memory_space<hbm>> -> memref<1000000x64xf32, #tpu.memory_space<hbm>>
    tpu.enqueue_indirect_dma source(%dma_start3A_267 : memref<1000000x64xf32, #tpu.memory_space<hbm>>) target(%arg7 : memref<512x64xf32, #tpu.memory_space<vmem>>) offsets(%dma_start3A_264 : memref<512xi32, #tpu.memory_space<vmem>>) semaphore(%arg11 : memref<!tpu.dma_semaphore, #tpu.memory_space<semaphore_mem>>)
    %dma_wait3A_268 = arith.constant 9 : i32
    %dma_wait3A_269 = arith.constant 0 : i32
    %dma_wait3A_270 = tpu.memref_slice %arg5[%dma_wait3A_268, %dma_wait3A_269] : memref<50x512xi32, #tpu.memory_space<vmem>> -> memref<1x512xi32, #tpu.memory_space<vmem>>
    %dma_wait3A_271 = tpu.memref_squeeze %dma_wait3A_270 : memref<1x512xi32, #tpu.memory_space<vmem>> -> memref<512xi32, #tpu.memory_space<vmem>>
    %dma_wait3A_272 = arith.constant 0 : i32
    %dma_wait3A_273 = arith.constant 0 : i32
    %dma_wait3A_274 = tpu.memref_slice %arg3[%dma_wait3A_272, %dma_wait3A_273] : memref<1000000x64xf32, #tpu.memory_space<hbm>> -> memref<1000000x64xf32, #tpu.memory_space<hbm>>
    tpu.wait_indirect_dma semaphore(%arg10 : memref<!tpu.dma_semaphore, #tpu.memory_space<semaphore_mem>>) src(%dma_wait3A_274 : memref<1000000x64xf32, #tpu.memory_space<hbm>>) dst(%arg6 : memref<512x64xf32, #tpu.memory_space<vmem>>)
    %dma_start3A_275 = arith.constant 9 : i32
    %dma_start3A_276 = arith.constant 0 : i32
    %dma_start3A_277 = tpu.memref_slice %arg4[%dma_start3A_275, %mul3A_2, %dma_start3A_276] : memref<50x16384x64xf32, #tpu.memory_space<hbm>> -> memref<1x512x64xf32, #tpu.memory_space<hbm>>
    %dma_start3A_278 = tpu.memref_squeeze %dma_start3A_277 : memref<1x512x64xf32, #tpu.memory_space<hbm>> -> memref<512x64xf32, #tpu.memory_space<hbm>>
    %dma_start3A_279 = arith.constant 0 : i32
    %dma_start3A_280 = tpu.memref_slice %arg4[%dma_start3A_275, %mul3A_2, %dma_start3A_279] : memref<50x16384x64xf32, #tpu.memory_space<hbm>> -> memref<1x512x64xf32, #tpu.memory_space<hbm>>
    %dma_start3A_281 = tpu.memref_squeeze %dma_start3A_280 : memref<1x512x64xf32, #tpu.memory_space<hbm>> -> memref<512x64xf32, #tpu.memory_space<hbm>>
    tpu.enqueue_dma source(%arg6 : memref<512x64xf32, #tpu.memory_space<vmem>>) target(%dma_start3A_281 : memref<512x64xf32, #tpu.memory_space<hbm>>) target_semaphore(%arg13 : memref<!tpu.dma_semaphore, #tpu.memory_space<semaphore_mem>>)
    %dma_wait3A_282 = arith.constant 8 : i32
    %dma_wait3A_283 = arith.constant 0 : i32
    %dma_wait3A_284 = tpu.memref_slice %arg4[%dma_wait3A_282, %mul3A_2, %dma_wait3A_283] : memref<50x16384x64xf32, #tpu.memory_space<hbm>> -> memref<1x512x64xf32, #tpu.memory_space<hbm>>
    %dma_wait3A_285 = tpu.memref_squeeze %dma_wait3A_284 : memref<1x512x64xf32, #tpu.memory_space<hbm>> -> memref<512x64xf32, #tpu.memory_space<hbm>>
    %dma_wait3A_286 = arith.constant 0 : i32
    %dma_wait3A_287 = tpu.memref_slice %arg4[%dma_wait3A_282, %mul3A_2, %dma_wait3A_286] : memref<50x16384x64xf32, #tpu.memory_space<hbm>> -> memref<1x512x64xf32, #tpu.memory_space<hbm>>
    %dma_wait3A_288 = tpu.memref_squeeze %dma_wait3A_287 : memref<1x512x64xf32, #tpu.memory_space<hbm>> -> memref<512x64xf32, #tpu.memory_space<hbm>>
    tpu.wait_dma2 semaphore(%arg15 : memref<!tpu.dma_semaphore, #tpu.memory_space<semaphore_mem>>) src(%arg8 : memref<512x64xf32, #tpu.memory_space<vmem>>) dst(%dma_wait3A_288 : memref<512x64xf32, #tpu.memory_space<hbm>>)
    %dma_start3A_289 = arith.constant 11 : i32
    %dma_start3A_290 = arith.constant 0 : i32
    %dma_start3A_291 = tpu.memref_slice %arg5[%dma_start3A_289, %dma_start3A_290] : memref<50x512xi32, #tpu.memory_space<vmem>> -> memref<1x512xi32, #tpu.memory_space<vmem>>
    %dma_start3A_292 = tpu.memref_squeeze %dma_start3A_291 : memref<1x512xi32, #tpu.memory_space<vmem>> -> memref<512xi32, #tpu.memory_space<vmem>>
    %dma_start3A_293 = arith.constant 0 : i32
    %dma_start3A_294 = arith.constant 0 : i32
    %dma_start3A_295 = tpu.memref_slice %arg3[%dma_start3A_293, %dma_start3A_294] : memref<1000000x64xf32, #tpu.memory_space<hbm>> -> memref<1000000x64xf32, #tpu.memory_space<hbm>>
    tpu.enqueue_indirect_dma source(%dma_start3A_295 : memref<1000000x64xf32, #tpu.memory_space<hbm>>) target(%arg8 : memref<512x64xf32, #tpu.memory_space<vmem>>) offsets(%dma_start3A_292 : memref<512xi32, #tpu.memory_space<vmem>>) semaphore(%arg12 : memref<!tpu.dma_semaphore, #tpu.memory_space<semaphore_mem>>)
    %dma_wait3A_296 = arith.constant 10 : i32
    %dma_wait3A_297 = arith.constant 0 : i32
    %dma_wait3A_298 = tpu.memref_slice %arg5[%dma_wait3A_296, %dma_wait3A_297] : memref<50x512xi32, #tpu.memory_space<vmem>> -> memref<1x512xi32, #tpu.memory_space<vmem>>
    %dma_wait3A_299 = tpu.memref_squeeze %dma_wait3A_298 : memref<1x512xi32, #tpu.memory_space<vmem>> -> memref<512xi32, #tpu.memory_space<vmem>>
    %dma_wait3A_300 = arith.constant 0 : i32
    %dma_wait3A_301 = arith.constant 0 : i32
    %dma_wait3A_302 = tpu.memref_slice %arg3[%dma_wait3A_300, %dma_wait3A_301] : memref<1000000x64xf32, #tpu.memory_space<hbm>> -> memref<1000000x64xf32, #tpu.memory_space<hbm>>
    tpu.wait_indirect_dma semaphore(%arg11 : memref<!tpu.dma_semaphore, #tpu.memory_space<semaphore_mem>>) src(%dma_wait3A_302 : memref<1000000x64xf32, #tpu.memory_space<hbm>>) dst(%arg7 : memref<512x64xf32, #tpu.memory_space<vmem>>)
    %dma_start3A_303 = arith.constant 10 : i32
    %dma_start3A_304 = arith.constant 0 : i32
    %dma_start3A_305 = tpu.memref_slice %arg4[%dma_start3A_303, %mul3A_2, %dma_start3A_304] : memref<50x16384x64xf32, #tpu.memory_space<hbm>> -> memref<1x512x64xf32, #tpu.memory_space<hbm>>
    %dma_start3A_306 = tpu.memref_squeeze %dma_start3A_305 : memref<1x512x64xf32, #tpu.memory_space<hbm>> -> memref<512x64xf32, #tpu.memory_space<hbm>>
    %dma_start3A_307 = arith.constant 0 : i32
    %dma_start3A_308 = tpu.memref_slice %arg4[%dma_start3A_303, %mul3A_2, %dma_start3A_307] : memref<50x16384x64xf32, #tpu.memory_space<hbm>> -> memref<1x512x64xf32, #tpu.memory_space<hbm>>
    %dma_start3A_309 = tpu.memref_squeeze %dma_start3A_308 : memref<1x512x64xf32, #tpu.memory_space<hbm>> -> memref<512x64xf32, #tpu.memory_space<hbm>>
    tpu.enqueue_dma source(%arg7 : memref<512x64xf32, #tpu.memory_space<vmem>>) target(%dma_start3A_309 : memref<512x64xf32, #tpu.memory_space<hbm>>) target_semaphore(%arg14 : memref<!tpu.dma_semaphore, #tpu.memory_space<semaphore_mem>>)
    %dma_wait3A_310 = arith.constant 9 : i32
    %dma_wait3A_311 = arith.constant 0 : i32
    %dma_wait3A_312 = tpu.memref_slice %arg4[%dma_wait3A_310, %mul3A_2, %dma_wait3A_311] : memref<50x16384x64xf32, #tpu.memory_space<hbm>> -> memref<1x512x64xf32, #tpu.memory_space<hbm>>
    %dma_wait3A_313 = tpu.memref_squeeze %dma_wait3A_312 : memref<1x512x64xf32, #tpu.memory_space<hbm>> -> memref<512x64xf32, #tpu.memory_space<hbm>>
    %dma_wait3A_314 = arith.constant 0 : i32
    %dma_wait3A_315 = tpu.memref_slice %arg4[%dma_wait3A_310, %mul3A_2, %dma_wait3A_314] : memref<50x16384x64xf32, #tpu.memory_space<hbm>> -> memref<1x512x64xf32, #tpu.memory_space<hbm>>
    %dma_wait3A_316 = tpu.memref_squeeze %dma_wait3A_315 : memref<1x512x64xf32, #tpu.memory_space<hbm>> -> memref<512x64xf32, #tpu.memory_space<hbm>>
    tpu.wait_dma2 semaphore(%arg13 : memref<!tpu.dma_semaphore, #tpu.memory_space<semaphore_mem>>) src(%arg6 : memref<512x64xf32, #tpu.memory_space<vmem>>) dst(%dma_wait3A_316 : memref<512x64xf32, #tpu.memory_space<hbm>>)
    %dma_start3A_317 = arith.constant 12 : i32
    %dma_start3A_318 = arith.constant 0 : i32
    %dma_start3A_319 = tpu.memref_slice %arg5[%dma_start3A_317, %dma_start3A_318] : memref<50x512xi32, #tpu.memory_space<vmem>> -> memref<1x512xi32, #tpu.memory_space<vmem>>
    %dma_start3A_320 = tpu.memref_squeeze %dma_start3A_319 : memref<1x512xi32, #tpu.memory_space<vmem>> -> memref<512xi32, #tpu.memory_space<vmem>>
    %dma_start3A_321 = arith.constant 0 : i32
    %dma_start3A_322 = arith.constant 0 : i32
    %dma_start3A_323 = tpu.memref_slice %arg3[%dma_start3A_321, %dma_start3A_322] : memref<1000000x64xf32, #tpu.memory_space<hbm>> -> memref<1000000x64xf32, #tpu.memory_space<hbm>>
    tpu.enqueue_indirect_dma source(%dma_start3A_323 : memref<1000000x64xf32, #tpu.memory_space<hbm>>) target(%arg6 : memref<512x64xf32, #tpu.memory_space<vmem>>) offsets(%dma_start3A_320 : memref<512xi32, #tpu.memory_space<vmem>>) semaphore(%arg10 : memref<!tpu.dma_semaphore, #tpu.memory_space<semaphore_mem>>)
    %dma_wait3A_324 = arith.constant 11 : i32
    %dma_wait3A_325 = arith.constant 0 : i32
    %dma_wait3A_326 = tpu.memref_slice %arg5[%dma_wait3A_324, %dma_wait3A_325] : memref<50x512xi32, #tpu.memory_space<vmem>> -> memref<1x512xi32, #tpu.memory_space<vmem>>
    %dma_wait3A_327 = tpu.memref_squeeze %dma_wait3A_326 : memref<1x512xi32, #tpu.memory_space<vmem>> -> memref<512xi32, #tpu.memory_space<vmem>>
    %dma_wait3A_328 = arith.constant 0 : i32
    %dma_wait3A_329 = arith.constant 0 : i32
    %dma_wait3A_330 = tpu.memref_slice %arg3[%dma_wait3A_328, %dma_wait3A_329] : memref<1000000x64xf32, #tpu.memory_space<hbm>> -> memref<1000000x64xf32, #tpu.memory_space<hbm>>
    tpu.wait_indirect_dma semaphore(%arg12 : memref<!tpu.dma_semaphore, #tpu.memory_space<semaphore_mem>>) src(%dma_wait3A_330 : memref<1000000x64xf32, #tpu.memory_space<hbm>>) dst(%arg8 : memref<512x64xf32, #tpu.memory_space<vmem>>)
    %dma_start3A_331 = arith.constant 11 : i32
    %dma_start3A_332 = arith.constant 0 : i32
    %dma_start3A_333 = tpu.memref_slice %arg4[%dma_start3A_331, %mul3A_2, %dma_start3A_332] : memref<50x16384x64xf32, #tpu.memory_space<hbm>> -> memref<1x512x64xf32, #tpu.memory_space<hbm>>
    %dma_start3A_334 = tpu.memref_squeeze %dma_start3A_333 : memref<1x512x64xf32, #tpu.memory_space<hbm>> -> memref<512x64xf32, #tpu.memory_space<hbm>>
    %dma_start3A_335 = arith.constant 0 : i32
    %dma_start3A_336 = tpu.memref_slice %arg4[%dma_start3A_331, %mul3A_2, %dma_start3A_335] : memref<50x16384x64xf32, #tpu.memory_space<hbm>> -> memref<1x512x64xf32, #tpu.memory_space<hbm>>
    %dma_start3A_337 = tpu.memref_squeeze %dma_start3A_336 : memref<1x512x64xf32, #tpu.memory_space<hbm>> -> memref<512x64xf32, #tpu.memory_space<hbm>>
    tpu.enqueue_dma source(%arg8 : memref<512x64xf32, #tpu.memory_space<vmem>>) target(%dma_start3A_337 : memref<512x64xf32, #tpu.memory_space<hbm>>) target_semaphore(%arg15 : memref<!tpu.dma_semaphore, #tpu.memory_space<semaphore_mem>>)
    %dma_wait3A_338 = arith.constant 10 : i32
    %dma_wait3A_339 = arith.constant 0 : i32
    %dma_wait3A_340 = tpu.memref_slice %arg4[%dma_wait3A_338, %mul3A_2, %dma_wait3A_339] : memref<50x16384x64xf32, #tpu.memory_space<hbm>> -> memref<1x512x64xf32, #tpu.memory_space<hbm>>
    %dma_wait3A_341 = tpu.memref_squeeze %dma_wait3A_340 : memref<1x512x64xf32, #tpu.memory_space<hbm>> -> memref<512x64xf32, #tpu.memory_space<hbm>>
    %dma_wait3A_342 = arith.constant 0 : i32
    %dma_wait3A_343 = tpu.memref_slice %arg4[%dma_wait3A_338, %mul3A_2, %dma_wait3A_342] : memref<50x16384x64xf32, #tpu.memory_space<hbm>> -> memref<1x512x64xf32, #tpu.memory_space<hbm>>
    %dma_wait3A_344 = tpu.memref_squeeze %dma_wait3A_343 : memref<1x512x64xf32, #tpu.memory_space<hbm>> -> memref<512x64xf32, #tpu.memory_space<hbm>>
    tpu.wait_dma2 semaphore(%arg14 : memref<!tpu.dma_semaphore, #tpu.memory_space<semaphore_mem>>) src(%arg7 : memref<512x64xf32, #tpu.memory_space<vmem>>) dst(%dma_wait3A_344 : memref<512x64xf32, #tpu.memory_space<hbm>>)
    %dma_start3A_345 = arith.constant 13 : i32
    %dma_start3A_346 = arith.constant 0 : i32
    %dma_start3A_347 = tpu.memref_slice %arg5[%dma_start3A_345, %dma_start3A_346] : memref<50x512xi32, #tpu.memory_space<vmem>> -> memref<1x512xi32, #tpu.memory_space<vmem>>
    %dma_start3A_348 = tpu.memref_squeeze %dma_start3A_347 : memref<1x512xi32, #tpu.memory_space<vmem>> -> memref<512xi32, #tpu.memory_space<vmem>>
    %dma_start3A_349 = arith.constant 0 : i32
    %dma_start3A_350 = arith.constant 0 : i32
    %dma_start3A_351 = tpu.memref_slice %arg3[%dma_start3A_349, %dma_start3A_350] : memref<1000000x64xf32, #tpu.memory_space<hbm>> -> memref<1000000x64xf32, #tpu.memory_space<hbm>>
    tpu.enqueue_indirect_dma source(%dma_start3A_351 : memref<1000000x64xf32, #tpu.memory_space<hbm>>) target(%arg7 : memref<512x64xf32, #tpu.memory_space<vmem>>) offsets(%dma_start3A_348 : memref<512xi32, #tpu.memory_space<vmem>>) semaphore(%arg11 : memref<!tpu.dma_semaphore, #tpu.memory_space<semaphore_mem>>)
    %dma_wait3A_352 = arith.constant 12 : i32
    %dma_wait3A_353 = arith.constant 0 : i32
    %dma_wait3A_354 = tpu.memref_slice %arg5[%dma_wait3A_352, %dma_wait3A_353] : memref<50x512xi32, #tpu.memory_space<vmem>> -> memref<1x512xi32, #tpu.memory_space<vmem>>
    %dma_wait3A_355 = tpu.memref_squeeze %dma_wait3A_354 : memref<1x512xi32, #tpu.memory_space<vmem>> -> memref<512xi32, #tpu.memory_space<vmem>>
    %dma_wait3A_356 = arith.constant 0 : i32
    %dma_wait3A_357 = arith.constant 0 : i32
    %dma_wait3A_358 = tpu.memref_slice %arg3[%dma_wait3A_356, %dma_wait3A_357] : memref<1000000x64xf32, #tpu.memory_space<hbm>> -> memref<1000000x64xf32, #tpu.memory_space<hbm>>
    tpu.wait_indirect_dma semaphore(%arg10 : memref<!tpu.dma_semaphore, #tpu.memory_space<semaphore_mem>>) src(%dma_wait3A_358 : memref<1000000x64xf32, #tpu.memory_space<hbm>>) dst(%arg6 : memref<512x64xf32, #tpu.memory_space<vmem>>)
    %dma_start3A_359 = arith.constant 12 : i32
    %dma_start3A_360 = arith.constant 0 : i32
    %dma_start3A_361 = tpu.memref_slice %arg4[%dma_start3A_359, %mul3A_2, %dma_start3A_360] : memref<50x16384x64xf32, #tpu.memory_space<hbm>> -> memref<1x512x64xf32, #tpu.memory_space<hbm>>
    %dma_start3A_362 = tpu.memref_squeeze %dma_start3A_361 : memref<1x512x64xf32, #tpu.memory_space<hbm>> -> memref<512x64xf32, #tpu.memory_space<hbm>>
    %dma_start3A_363 = arith.constant 0 : i32
    %dma_start3A_364 = tpu.memref_slice %arg4[%dma_start3A_359, %mul3A_2, %dma_start3A_363] : memref<50x16384x64xf32, #tpu.memory_space<hbm>> -> memref<1x512x64xf32, #tpu.memory_space<hbm>>
    %dma_start3A_365 = tpu.memref_squeeze %dma_start3A_364 : memref<1x512x64xf32, #tpu.memory_space<hbm>> -> memref<512x64xf32, #tpu.memory_space<hbm>>
    tpu.enqueue_dma source(%arg6 : memref<512x64xf32, #tpu.memory_space<vmem>>) target(%dma_start3A_365 : memref<512x64xf32, #tpu.memory_space<hbm>>) target_semaphore(%arg13 : memref<!tpu.dma_semaphore, #tpu.memory_space<semaphore_mem>>)
    %dma_wait3A_366 = arith.constant 11 : i32
    %dma_wait3A_367 = arith.constant 0 : i32
    %dma_wait3A_368 = tpu.memref_slice %arg4[%dma_wait3A_366, %mul3A_2, %dma_wait3A_367] : memref<50x16384x64xf32, #tpu.memory_space<hbm>> -> memref<1x512x64xf32, #tpu.memory_space<hbm>>
    %dma_wait3A_369 = tpu.memref_squeeze %dma_wait3A_368 : memref<1x512x64xf32, #tpu.memory_space<hbm>> -> memref<512x64xf32, #tpu.memory_space<hbm>>
    %dma_wait3A_370 = arith.constant 0 : i32
    %dma_wait3A_371 = tpu.memref_slice %arg4[%dma_wait3A_366, %mul3A_2, %dma_wait3A_370] : memref<50x16384x64xf32, #tpu.memory_space<hbm>> -> memref<1x512x64xf32, #tpu.memory_space<hbm>>
    %dma_wait3A_372 = tpu.memref_squeeze %dma_wait3A_371 : memref<1x512x64xf32, #tpu.memory_space<hbm>> -> memref<512x64xf32, #tpu.memory_space<hbm>>
    tpu.wait_dma2 semaphore(%arg15 : memref<!tpu.dma_semaphore, #tpu.memory_space<semaphore_mem>>) src(%arg8 : memref<512x64xf32, #tpu.memory_space<vmem>>) dst(%dma_wait3A_372 : memref<512x64xf32, #tpu.memory_space<hbm>>)
    %dma_start3A_373 = arith.constant 14 : i32
    %dma_start3A_374 = arith.constant 0 : i32
    %dma_start3A_375 = tpu.memref_slice %arg5[%dma_start3A_373, %dma_start3A_374] : memref<50x512xi32, #tpu.memory_space<vmem>> -> memref<1x512xi32, #tpu.memory_space<vmem>>
    %dma_start3A_376 = tpu.memref_squeeze %dma_start3A_375 : memref<1x512xi32, #tpu.memory_space<vmem>> -> memref<512xi32, #tpu.memory_space<vmem>>
    %dma_start3A_377 = arith.constant 0 : i32
    %dma_start3A_378 = arith.constant 0 : i32
    %dma_start3A_379 = tpu.memref_slice %arg3[%dma_start3A_377, %dma_start3A_378] : memref<1000000x64xf32, #tpu.memory_space<hbm>> -> memref<1000000x64xf32, #tpu.memory_space<hbm>>
    tpu.enqueue_indirect_dma source(%dma_start3A_379 : memref<1000000x64xf32, #tpu.memory_space<hbm>>) target(%arg8 : memref<512x64xf32, #tpu.memory_space<vmem>>) offsets(%dma_start3A_376 : memref<512xi32, #tpu.memory_space<vmem>>) semaphore(%arg12 : memref<!tpu.dma_semaphore, #tpu.memory_space<semaphore_mem>>)
    %dma_wait3A_380 = arith.constant 13 : i32
    %dma_wait3A_381 = arith.constant 0 : i32
    %dma_wait3A_382 = tpu.memref_slice %arg5[%dma_wait3A_380, %dma_wait3A_381] : memref<50x512xi32, #tpu.memory_space<vmem>> -> memref<1x512xi32, #tpu.memory_space<vmem>>
    %dma_wait3A_383 = tpu.memref_squeeze %dma_wait3A_382 : memref<1x512xi32, #tpu.memory_space<vmem>> -> memref<512xi32, #tpu.memory_space<vmem>>
    %dma_wait3A_384 = arith.constant 0 : i32
    %dma_wait3A_385 = arith.constant 0 : i32
    %dma_wait3A_386 = tpu.memref_slice %arg3[%dma_wait3A_384, %dma_wait3A_385] : memref<1000000x64xf32, #tpu.memory_space<hbm>> -> memref<1000000x64xf32, #tpu.memory_space<hbm>>
    tpu.wait_indirect_dma semaphore(%arg11 : memref<!tpu.dma_semaphore, #tpu.memory_space<semaphore_mem>>) src(%dma_wait3A_386 : memref<1000000x64xf32, #tpu.memory_space<hbm>>) dst(%arg7 : memref<512x64xf32, #tpu.memory_space<vmem>>)
    %dma_start3A_387 = arith.constant 13 : i32
    %dma_start3A_388 = arith.constant 0 : i32
    %dma_start3A_389 = tpu.memref_slice %arg4[%dma_start3A_387, %mul3A_2, %dma_start3A_388] : memref<50x16384x64xf32, #tpu.memory_space<hbm>> -> memref<1x512x64xf32, #tpu.memory_space<hbm>>
    %dma_start3A_390 = tpu.memref_squeeze %dma_start3A_389 : memref<1x512x64xf32, #tpu.memory_space<hbm>> -> memref<512x64xf32, #tpu.memory_space<hbm>>
    %dma_start3A_391 = arith.constant 0 : i32
    %dma_start3A_392 = tpu.memref_slice %arg4[%dma_start3A_387, %mul3A_2, %dma_start3A_391] : memref<50x16384x64xf32, #tpu.memory_space<hbm>> -> memref<1x512x64xf32, #tpu.memory_space<hbm>>
    %dma_start3A_393 = tpu.memref_squeeze %dma_start3A_392 : memref<1x512x64xf32, #tpu.memory_space<hbm>> -> memref<512x64xf32, #tpu.memory_space<hbm>>
    tpu.enqueue_dma source(%arg7 : memref<512x64xf32, #tpu.memory_space<vmem>>) target(%dma_start3A_393 : memref<512x64xf32, #tpu.memory_space<hbm>>) target_semaphore(%arg14 : memref<!tpu.dma_semaphore, #tpu.memory_space<semaphore_mem>>)
    %dma_wait3A_394 = arith.constant 12 : i32
    %dma_wait3A_395 = arith.constant 0 : i32
    %dma_wait3A_396 = tpu.memref_slice %arg4[%dma_wait3A_394, %mul3A_2, %dma_wait3A_395] : memref<50x16384x64xf32, #tpu.memory_space<hbm>> -> memref<1x512x64xf32, #tpu.memory_space<hbm>>
    %dma_wait3A_397 = tpu.memref_squeeze %dma_wait3A_396 : memref<1x512x64xf32, #tpu.memory_space<hbm>> -> memref<512x64xf32, #tpu.memory_space<hbm>>
    %dma_wait3A_398 = arith.constant 0 : i32
    %dma_wait3A_399 = tpu.memref_slice %arg4[%dma_wait3A_394, %mul3A_2, %dma_wait3A_398] : memref<50x16384x64xf32, #tpu.memory_space<hbm>> -> memref<1x512x64xf32, #tpu.memory_space<hbm>>
    %dma_wait3A_400 = tpu.memref_squeeze %dma_wait3A_399 : memref<1x512x64xf32, #tpu.memory_space<hbm>> -> memref<512x64xf32, #tpu.memory_space<hbm>>
    tpu.wait_dma2 semaphore(%arg13 : memref<!tpu.dma_semaphore, #tpu.memory_space<semaphore_mem>>) src(%arg6 : memref<512x64xf32, #tpu.memory_space<vmem>>) dst(%dma_wait3A_400 : memref<512x64xf32, #tpu.memory_space<hbm>>)
    %dma_start3A_401 = arith.constant 15 : i32
    %dma_start3A_402 = arith.constant 0 : i32
    %dma_start3A_403 = tpu.memref_slice %arg5[%dma_start3A_401, %dma_start3A_402] : memref<50x512xi32, #tpu.memory_space<vmem>> -> memref<1x512xi32, #tpu.memory_space<vmem>>
    %dma_start3A_404 = tpu.memref_squeeze %dma_start3A_403 : memref<1x512xi32, #tpu.memory_space<vmem>> -> memref<512xi32, #tpu.memory_space<vmem>>
    %dma_start3A_405 = arith.constant 0 : i32
    %dma_start3A_406 = arith.constant 0 : i32
    %dma_start3A_407 = tpu.memref_slice %arg3[%dma_start3A_405, %dma_start3A_406] : memref<1000000x64xf32, #tpu.memory_space<hbm>> -> memref<1000000x64xf32, #tpu.memory_space<hbm>>
    tpu.enqueue_indirect_dma source(%dma_start3A_407 : memref<1000000x64xf32, #tpu.memory_space<hbm>>) target(%arg6 : memref<512x64xf32, #tpu.memory_space<vmem>>) offsets(%dma_start3A_404 : memref<512xi32, #tpu.memory_space<vmem>>) semaphore(%arg10 : memref<!tpu.dma_semaphore, #tpu.memory_space<semaphore_mem>>)
    %dma_wait3A_408 = arith.constant 14 : i32
    %dma_wait3A_409 = arith.constant 0 : i32
    %dma_wait3A_410 = tpu.memref_slice %arg5[%dma_wait3A_408, %dma_wait3A_409] : memref<50x512xi32, #tpu.memory_space<vmem>> -> memref<1x512xi32, #tpu.memory_space<vmem>>
    %dma_wait3A_411 = tpu.memref_squeeze %dma_wait3A_410 : memref<1x512xi32, #tpu.memory_space<vmem>> -> memref<512xi32, #tpu.memory_space<vmem>>
    %dma_wait3A_412 = arith.constant 0 : i32
    %dma_wait3A_413 = arith.constant 0 : i32
    %dma_wait3A_414 = tpu.memref_slice %arg3[%dma_wait3A_412, %dma_wait3A_413] : memref<1000000x64xf32, #tpu.memory_space<hbm>> -> memref<1000000x64xf32, #tpu.memory_space<hbm>>
    tpu.wait_indirect_dma semaphore(%arg12 : memref<!tpu.dma_semaphore, #tpu.memory_space<semaphore_mem>>) src(%dma_wait3A_414 : memref<1000000x64xf32, #tpu.memory_space<hbm>>) dst(%arg8 : memref<512x64xf32, #tpu.memory_space<vmem>>)
    %dma_start3A_415 = arith.constant 14 : i32
    %dma_start3A_416 = arith.constant 0 : i32
    %dma_start3A_417 = tpu.memref_slice %arg4[%dma_start3A_415, %mul3A_2, %dma_start3A_416] : memref<50x16384x64xf32, #tpu.memory_space<hbm>> -> memref<1x512x64xf32, #tpu.memory_space<hbm>>
    %dma_start3A_418 = tpu.memref_squeeze %dma_start3A_417 : memref<1x512x64xf32, #tpu.memory_space<hbm>> -> memref<512x64xf32, #tpu.memory_space<hbm>>
    %dma_start3A_419 = arith.constant 0 : i32
    %dma_start3A_420 = tpu.memref_slice %arg4[%dma_start3A_415, %mul3A_2, %dma_start3A_419] : memref<50x16384x64xf32, #tpu.memory_space<hbm>> -> memref<1x512x64xf32, #tpu.memory_space<hbm>>
    %dma_start3A_421 = tpu.memref_squeeze %dma_start3A_420 : memref<1x512x64xf32, #tpu.memory_space<hbm>> -> memref<512x64xf32, #tpu.memory_space<hbm>>
    tpu.enqueue_dma source(%arg8 : memref<512x64xf32, #tpu.memory_space<vmem>>) target(%dma_start3A_421 : memref<512x64xf32, #tpu.memory_space<hbm>>) target_semaphore(%arg15 : memref<!tpu.dma_semaphore, #tpu.memory_space<semaphore_mem>>)
    %dma_wait3A_422 = arith.constant 13 : i32
    %dma_wait3A_423 = arith.constant 0 : i32
    %dma_wait3A_424 = tpu.memref_slice %arg4[%dma_wait3A_422, %mul3A_2, %dma_wait3A_423] : memref<50x16384x64xf32, #tpu.memory_space<hbm>> -> memref<1x512x64xf32, #tpu.memory_space<hbm>>
    %dma_wait3A_425 = tpu.memref_squeeze %dma_wait3A_424 : memref<1x512x64xf32, #tpu.memory_space<hbm>> -> memref<512x64xf32, #tpu.memory_space<hbm>>
    %dma_wait3A_426 = arith.constant 0 : i32
    %dma_wait3A_427 = tpu.memref_slice %arg4[%dma_wait3A_422, %mul3A_2, %dma_wait3A_426] : memref<50x16384x64xf32, #tpu.memory_space<hbm>> -> memref<1x512x64xf32, #tpu.memory_space<hbm>>
    %dma_wait3A_428 = tpu.memref_squeeze %dma_wait3A_427 : memref<1x512x64xf32, #tpu.memory_space<hbm>> -> memref<512x64xf32, #tpu.memory_space<hbm>>
    tpu.wait_dma2 semaphore(%arg14 : memref<!tpu.dma_semaphore, #tpu.memory_space<semaphore_mem>>) src(%arg7 : memref<512x64xf32, #tpu.memory_space<vmem>>) dst(%dma_wait3A_428 : memref<512x64xf32, #tpu.memory_space<hbm>>)
    %dma_start3A_429 = arith.constant 16 : i32
    %dma_start3A_430 = arith.constant 0 : i32
    %dma_start3A_431 = tpu.memref_slice %arg5[%dma_start3A_429, %dma_start3A_430] : memref<50x512xi32, #tpu.memory_space<vmem>> -> memref<1x512xi32, #tpu.memory_space<vmem>>
    %dma_start3A_432 = tpu.memref_squeeze %dma_start3A_431 : memref<1x512xi32, #tpu.memory_space<vmem>> -> memref<512xi32, #tpu.memory_space<vmem>>
    %dma_start3A_433 = arith.constant 0 : i32
    %dma_start3A_434 = arith.constant 0 : i32
    %dma_start3A_435 = tpu.memref_slice %arg3[%dma_start3A_433, %dma_start3A_434] : memref<1000000x64xf32, #tpu.memory_space<hbm>> -> memref<1000000x64xf32, #tpu.memory_space<hbm>>
    tpu.enqueue_indirect_dma source(%dma_start3A_435 : memref<1000000x64xf32, #tpu.memory_space<hbm>>) target(%arg7 : memref<512x64xf32, #tpu.memory_space<vmem>>) offsets(%dma_start3A_432 : memref<512xi32, #tpu.memory_space<vmem>>) semaphore(%arg11 : memref<!tpu.dma_semaphore, #tpu.memory_space<semaphore_mem>>)
    %dma_wait3A_436 = arith.constant 15 : i32
    %dma_wait3A_437 = arith.constant 0 : i32
    %dma_wait3A_438 = tpu.memref_slice %arg5[%dma_wait3A_436, %dma_wait3A_437] : memref<50x512xi32, #tpu.memory_space<vmem>> -> memref<1x512xi32, #tpu.memory_space<vmem>>
    %dma_wait3A_439 = tpu.memref_squeeze %dma_wait3A_438 : memref<1x512xi32, #tpu.memory_space<vmem>> -> memref<512xi32, #tpu.memory_space<vmem>>
    %dma_wait3A_440 = arith.constant 0 : i32
    %dma_wait3A_441 = arith.constant 0 : i32
    %dma_wait3A_442 = tpu.memref_slice %arg3[%dma_wait3A_440, %dma_wait3A_441] : memref<1000000x64xf32, #tpu.memory_space<hbm>> -> memref<1000000x64xf32, #tpu.memory_space<hbm>>
    tpu.wait_indirect_dma semaphore(%arg10 : memref<!tpu.dma_semaphore, #tpu.memory_space<semaphore_mem>>) src(%dma_wait3A_442 : memref<1000000x64xf32, #tpu.memory_space<hbm>>) dst(%arg6 : memref<512x64xf32, #tpu.memory_space<vmem>>)
    %dma_start3A_443 = arith.constant 15 : i32
    %dma_start3A_444 = arith.constant 0 : i32
    %dma_start3A_445 = tpu.memref_slice %arg4[%dma_start3A_443, %mul3A_2, %dma_start3A_444] : memref<50x16384x64xf32, #tpu.memory_space<hbm>> -> memref<1x512x64xf32, #tpu.memory_space<hbm>>
    %dma_start3A_446 = tpu.memref_squeeze %dma_start3A_445 : memref<1x512x64xf32, #tpu.memory_space<hbm>> -> memref<512x64xf32, #tpu.memory_space<hbm>>
    %dma_start3A_447 = arith.constant 0 : i32
    %dma_start3A_448 = tpu.memref_slice %arg4[%dma_start3A_443, %mul3A_2, %dma_start3A_447] : memref<50x16384x64xf32, #tpu.memory_space<hbm>> -> memref<1x512x64xf32, #tpu.memory_space<hbm>>
    %dma_start3A_449 = tpu.memref_squeeze %dma_start3A_448 : memref<1x512x64xf32, #tpu.memory_space<hbm>> -> memref<512x64xf32, #tpu.memory_space<hbm>>
    tpu.enqueue_dma source(%arg6 : memref<512x64xf32, #tpu.memory_space<vmem>>) target(%dma_start3A_449 : memref<512x64xf32, #tpu.memory_space<hbm>>) target_semaphore(%arg13 : memref<!tpu.dma_semaphore, #tpu.memory_space<semaphore_mem>>)
    %dma_wait3A_450 = arith.constant 14 : i32
    %dma_wait3A_451 = arith.constant 0 : i32
    %dma_wait3A_452 = tpu.memref_slice %arg4[%dma_wait3A_450, %mul3A_2, %dma_wait3A_451] : memref<50x16384x64xf32, #tpu.memory_space<hbm>> -> memref<1x512x64xf32, #tpu.memory_space<hbm>>
    %dma_wait3A_453 = tpu.memref_squeeze %dma_wait3A_452 : memref<1x512x64xf32, #tpu.memory_space<hbm>> -> memref<512x64xf32, #tpu.memory_space<hbm>>
    %dma_wait3A_454 = arith.constant 0 : i32
    %dma_wait3A_455 = tpu.memref_slice %arg4[%dma_wait3A_450, %mul3A_2, %dma_wait3A_454] : memref<50x16384x64xf32, #tpu.memory_space<hbm>> -> memref<1x512x64xf32, #tpu.memory_space<hbm>>
    %dma_wait3A_456 = tpu.memref_squeeze %dma_wait3A_455 : memref<1x512x64xf32, #tpu.memory_space<hbm>> -> memref<512x64xf32, #tpu.memory_space<hbm>>
    tpu.wait_dma2 semaphore(%arg15 : memref<!tpu.dma_semaphore, #tpu.memory_space<semaphore_mem>>) src(%arg8 : memref<512x64xf32, #tpu.memory_space<vmem>>) dst(%dma_wait3A_456 : memref<512x64xf32, #tpu.memory_space<hbm>>)
    %dma_start3A_457 = arith.constant 17 : i32
    %dma_start3A_458 = arith.constant 0 : i32
    %dma_start3A_459 = tpu.memref_slice %arg5[%dma_start3A_457, %dma_start3A_458] : memref<50x512xi32, #tpu.memory_space<vmem>> -> memref<1x512xi32, #tpu.memory_space<vmem>>
    %dma_start3A_460 = tpu.memref_squeeze %dma_start3A_459 : memref<1x512xi32, #tpu.memory_space<vmem>> -> memref<512xi32, #tpu.memory_space<vmem>>
    %dma_start3A_461 = arith.constant 0 : i32
    %dma_start3A_462 = arith.constant 0 : i32
    %dma_start3A_463 = tpu.memref_slice %arg3[%dma_start3A_461, %dma_start3A_462] : memref<1000000x64xf32, #tpu.memory_space<hbm>> -> memref<1000000x64xf32, #tpu.memory_space<hbm>>
    tpu.enqueue_indirect_dma source(%dma_start3A_463 : memref<1000000x64xf32, #tpu.memory_space<hbm>>) target(%arg8 : memref<512x64xf32, #tpu.memory_space<vmem>>) offsets(%dma_start3A_460 : memref<512xi32, #tpu.memory_space<vmem>>) semaphore(%arg12 : memref<!tpu.dma_semaphore, #tpu.memory_space<semaphore_mem>>)
    %dma_wait3A_464 = arith.constant 16 : i32
    %dma_wait3A_465 = arith.constant 0 : i32
    %dma_wait3A_466 = tpu.memref_slice %arg5[%dma_wait3A_464, %dma_wait3A_465] : memref<50x512xi32, #tpu.memory_space<vmem>> -> memref<1x512xi32, #tpu.memory_space<vmem>>
    %dma_wait3A_467 = tpu.memref_squeeze %dma_wait3A_466 : memref<1x512xi32, #tpu.memory_space<vmem>> -> memref<512xi32, #tpu.memory_space<vmem>>
    %dma_wait3A_468 = arith.constant 0 : i32
    %dma_wait3A_469 = arith.constant 0 : i32
    %dma_wait3A_470 = tpu.memref_slice %arg3[%dma_wait3A_468, %dma_wait3A_469] : memref<1000000x64xf32, #tpu.memory_space<hbm>> -> memref<1000000x64xf32, #tpu.memory_space<hbm>>
    tpu.wait_indirect_dma semaphore(%arg11 : memref<!tpu.dma_semaphore, #tpu.memory_space<semaphore_mem>>) src(%dma_wait3A_470 : memref<1000000x64xf32, #tpu.memory_space<hbm>>) dst(%arg7 : memref<512x64xf32, #tpu.memory_space<vmem>>)
    %dma_start3A_471 = arith.constant 16 : i32
    %dma_start3A_472 = arith.constant 0 : i32
    %dma_start3A_473 = tpu.memref_slice %arg4[%dma_start3A_471, %mul3A_2, %dma_start3A_472] : memref<50x16384x64xf32, #tpu.memory_space<hbm>> -> memref<1x512x64xf32, #tpu.memory_space<hbm>>
    %dma_start3A_474 = tpu.memref_squeeze %dma_start3A_473 : memref<1x512x64xf32, #tpu.memory_space<hbm>> -> memref<512x64xf32, #tpu.memory_space<hbm>>
    %dma_start3A_475 = arith.constant 0 : i32
    %dma_start3A_476 = tpu.memref_slice %arg4[%dma_start3A_471, %mul3A_2, %dma_start3A_475] : memref<50x16384x64xf32, #tpu.memory_space<hbm>> -> memref<1x512x64xf32, #tpu.memory_space<hbm>>
    %dma_start3A_477 = tpu.memref_squeeze %dma_start3A_476 : memref<1x512x64xf32, #tpu.memory_space<hbm>> -> memref<512x64xf32, #tpu.memory_space<hbm>>
    tpu.enqueue_dma source(%arg7 : memref<512x64xf32, #tpu.memory_space<vmem>>) target(%dma_start3A_477 : memref<512x64xf32, #tpu.memory_space<hbm>>) target_semaphore(%arg14 : memref<!tpu.dma_semaphore, #tpu.memory_space<semaphore_mem>>)
    %dma_wait3A_478 = arith.constant 15 : i32
    %dma_wait3A_479 = arith.constant 0 : i32
    %dma_wait3A_480 = tpu.memref_slice %arg4[%dma_wait3A_478, %mul3A_2, %dma_wait3A_479] : memref<50x16384x64xf32, #tpu.memory_space<hbm>> -> memref<1x512x64xf32, #tpu.memory_space<hbm>>
    %dma_wait3A_481 = tpu.memref_squeeze %dma_wait3A_480 : memref<1x512x64xf32, #tpu.memory_space<hbm>> -> memref<512x64xf32, #tpu.memory_space<hbm>>
    %dma_wait3A_482 = arith.constant 0 : i32
    %dma_wait3A_483 = tpu.memref_slice %arg4[%dma_wait3A_478, %mul3A_2, %dma_wait3A_482] : memref<50x16384x64xf32, #tpu.memory_space<hbm>> -> memref<1x512x64xf32, #tpu.memory_space<hbm>>
    %dma_wait3A_484 = tpu.memref_squeeze %dma_wait3A_483 : memref<1x512x64xf32, #tpu.memory_space<hbm>> -> memref<512x64xf32, #tpu.memory_space<hbm>>
    tpu.wait_dma2 semaphore(%arg13 : memref<!tpu.dma_semaphore, #tpu.memory_space<semaphore_mem>>) src(%arg6 : memref<512x64xf32, #tpu.memory_space<vmem>>) dst(%dma_wait3A_484 : memref<512x64xf32, #tpu.memory_space<hbm>>)
    %dma_start3A_485 = arith.constant 18 : i32
    %dma_start3A_486 = arith.constant 0 : i32
    %dma_start3A_487 = tpu.memref_slice %arg5[%dma_start3A_485, %dma_start3A_486] : memref<50x512xi32, #tpu.memory_space<vmem>> -> memref<1x512xi32, #tpu.memory_space<vmem>>
    %dma_start3A_488 = tpu.memref_squeeze %dma_start3A_487 : memref<1x512xi32, #tpu.memory_space<vmem>> -> memref<512xi32, #tpu.memory_space<vmem>>
    %dma_start3A_489 = arith.constant 0 : i32
    %dma_start3A_490 = arith.constant 0 : i32
    %dma_start3A_491 = tpu.memref_slice %arg3[%dma_start3A_489, %dma_start3A_490] : memref<1000000x64xf32, #tpu.memory_space<hbm>> -> memref<1000000x64xf32, #tpu.memory_space<hbm>>
    tpu.enqueue_indirect_dma source(%dma_start3A_491 : memref<1000000x64xf32, #tpu.memory_space<hbm>>) target(%arg6 : memref<512x64xf32, #tpu.memory_space<vmem>>) offsets(%dma_start3A_488 : memref<512xi32, #tpu.memory_space<vmem>>) semaphore(%arg10 : memref<!tpu.dma_semaphore, #tpu.memory_space<semaphore_mem>>)
    %dma_wait3A_492 = arith.constant 17 : i32
    %dma_wait3A_493 = arith.constant 0 : i32
    %dma_wait3A_494 = tpu.memref_slice %arg5[%dma_wait3A_492, %dma_wait3A_493] : memref<50x512xi32, #tpu.memory_space<vmem>> -> memref<1x512xi32, #tpu.memory_space<vmem>>
    %dma_wait3A_495 = tpu.memref_squeeze %dma_wait3A_494 : memref<1x512xi32, #tpu.memory_space<vmem>> -> memref<512xi32, #tpu.memory_space<vmem>>
    %dma_wait3A_496 = arith.constant 0 : i32
    %dma_wait3A_497 = arith.constant 0 : i32
    %dma_wait3A_498 = tpu.memref_slice %arg3[%dma_wait3A_496, %dma_wait3A_497] : memref<1000000x64xf32, #tpu.memory_space<hbm>> -> memref<1000000x64xf32, #tpu.memory_space<hbm>>
    tpu.wait_indirect_dma semaphore(%arg12 : memref<!tpu.dma_semaphore, #tpu.memory_space<semaphore_mem>>) src(%dma_wait3A_498 : memref<1000000x64xf32, #tpu.memory_space<hbm>>) dst(%arg8 : memref<512x64xf32, #tpu.memory_space<vmem>>)
    %dma_start3A_499 = arith.constant 17 : i32
    %dma_start3A_500 = arith.constant 0 : i32
    %dma_start3A_501 = tpu.memref_slice %arg4[%dma_start3A_499, %mul3A_2, %dma_start3A_500] : memref<50x16384x64xf32, #tpu.memory_space<hbm>> -> memref<1x512x64xf32, #tpu.memory_space<hbm>>
    %dma_start3A_502 = tpu.memref_squeeze %dma_start3A_501 : memref<1x512x64xf32, #tpu.memory_space<hbm>> -> memref<512x64xf32, #tpu.memory_space<hbm>>
    %dma_start3A_503 = arith.constant 0 : i32
    %dma_start3A_504 = tpu.memref_slice %arg4[%dma_start3A_499, %mul3A_2, %dma_start3A_503] : memref<50x16384x64xf32, #tpu.memory_space<hbm>> -> memref<1x512x64xf32, #tpu.memory_space<hbm>>
    %dma_start3A_505 = tpu.memref_squeeze %dma_start3A_504 : memref<1x512x64xf32, #tpu.memory_space<hbm>> -> memref<512x64xf32, #tpu.memory_space<hbm>>
    tpu.enqueue_dma source(%arg8 : memref<512x64xf32, #tpu.memory_space<vmem>>) target(%dma_start3A_505 : memref<512x64xf32, #tpu.memory_space<hbm>>) target_semaphore(%arg15 : memref<!tpu.dma_semaphore, #tpu.memory_space<semaphore_mem>>)
    %dma_wait3A_506 = arith.constant 16 : i32
    %dma_wait3A_507 = arith.constant 0 : i32
    %dma_wait3A_508 = tpu.memref_slice %arg4[%dma_wait3A_506, %mul3A_2, %dma_wait3A_507] : memref<50x16384x64xf32, #tpu.memory_space<hbm>> -> memref<1x512x64xf32, #tpu.memory_space<hbm>>
    %dma_wait3A_509 = tpu.memref_squeeze %dma_wait3A_508 : memref<1x512x64xf32, #tpu.memory_space<hbm>> -> memref<512x64xf32, #tpu.memory_space<hbm>>
    %dma_wait3A_510 = arith.constant 0 : i32
    %dma_wait3A_511 = tpu.memref_slice %arg4[%dma_wait3A_506, %mul3A_2, %dma_wait3A_510] : memref<50x16384x64xf32, #tpu.memory_space<hbm>> -> memref<1x512x64xf32, #tpu.memory_space<hbm>>
    %dma_wait3A_512 = tpu.memref_squeeze %dma_wait3A_511 : memref<1x512x64xf32, #tpu.memory_space<hbm>> -> memref<512x64xf32, #tpu.memory_space<hbm>>
    tpu.wait_dma2 semaphore(%arg14 : memref<!tpu.dma_semaphore, #tpu.memory_space<semaphore_mem>>) src(%arg7 : memref<512x64xf32, #tpu.memory_space<vmem>>) dst(%dma_wait3A_512 : memref<512x64xf32, #tpu.memory_space<hbm>>)
    %dma_start3A_513 = arith.constant 19 : i32
    %dma_start3A_514 = arith.constant 0 : i32
    %dma_start3A_515 = tpu.memref_slice %arg5[%dma_start3A_513, %dma_start3A_514] : memref<50x512xi32, #tpu.memory_space<vmem>> -> memref<1x512xi32, #tpu.memory_space<vmem>>
    %dma_start3A_516 = tpu.memref_squeeze %dma_start3A_515 : memref<1x512xi32, #tpu.memory_space<vmem>> -> memref<512xi32, #tpu.memory_space<vmem>>
    %dma_start3A_517 = arith.constant 0 : i32
    %dma_start3A_518 = arith.constant 0 : i32
    %dma_start3A_519 = tpu.memref_slice %arg3[%dma_start3A_517, %dma_start3A_518] : memref<1000000x64xf32, #tpu.memory_space<hbm>> -> memref<1000000x64xf32, #tpu.memory_space<hbm>>
    tpu.enqueue_indirect_dma source(%dma_start3A_519 : memref<1000000x64xf32, #tpu.memory_space<hbm>>) target(%arg7 : memref<512x64xf32, #tpu.memory_space<vmem>>) offsets(%dma_start3A_516 : memref<512xi32, #tpu.memory_space<vmem>>) semaphore(%arg11 : memref<!tpu.dma_semaphore, #tpu.memory_space<semaphore_mem>>)
    %dma_wait3A_520 = arith.constant 18 : i32
    %dma_wait3A_521 = arith.constant 0 : i32
    %dma_wait3A_522 = tpu.memref_slice %arg5[%dma_wait3A_520, %dma_wait3A_521] : memref<50x512xi32, #tpu.memory_space<vmem>> -> memref<1x512xi32, #tpu.memory_space<vmem>>
    %dma_wait3A_523 = tpu.memref_squeeze %dma_wait3A_522 : memref<1x512xi32, #tpu.memory_space<vmem>> -> memref<512xi32, #tpu.memory_space<vmem>>
    %dma_wait3A_524 = arith.constant 0 : i32
    %dma_wait3A_525 = arith.constant 0 : i32
    %dma_wait3A_526 = tpu.memref_slice %arg3[%dma_wait3A_524, %dma_wait3A_525] : memref<1000000x64xf32, #tpu.memory_space<hbm>> -> memref<1000000x64xf32, #tpu.memory_space<hbm>>
    tpu.wait_indirect_dma semaphore(%arg10 : memref<!tpu.dma_semaphore, #tpu.memory_space<semaphore_mem>>) src(%dma_wait3A_526 : memref<1000000x64xf32, #tpu.memory_space<hbm>>) dst(%arg6 : memref<512x64xf32, #tpu.memory_space<vmem>>)
    %dma_start3A_527 = arith.constant 18 : i32
    %dma_start3A_528 = arith.constant 0 : i32
    %dma_start3A_529 = tpu.memref_slice %arg4[%dma_start3A_527, %mul3A_2, %dma_start3A_528] : memref<50x16384x64xf32, #tpu.memory_space<hbm>> -> memref<1x512x64xf32, #tpu.memory_space<hbm>>
    %dma_start3A_530 = tpu.memref_squeeze %dma_start3A_529 : memref<1x512x64xf32, #tpu.memory_space<hbm>> -> memref<512x64xf32, #tpu.memory_space<hbm>>
    %dma_start3A_531 = arith.constant 0 : i32
    %dma_start3A_532 = tpu.memref_slice %arg4[%dma_start3A_527, %mul3A_2, %dma_start3A_531] : memref<50x16384x64xf32, #tpu.memory_space<hbm>> -> memref<1x512x64xf32, #tpu.memory_space<hbm>>
    %dma_start3A_533 = tpu.memref_squeeze %dma_start3A_532 : memref<1x512x64xf32, #tpu.memory_space<hbm>> -> memref<512x64xf32, #tpu.memory_space<hbm>>
    tpu.enqueue_dma source(%arg6 : memref<512x64xf32, #tpu.memory_space<vmem>>) target(%dma_start3A_533 : memref<512x64xf32, #tpu.memory_space<hbm>>) target_semaphore(%arg13 : memref<!tpu.dma_semaphore, #tpu.memory_space<semaphore_mem>>)
    %dma_wait3A_534 = arith.constant 17 : i32
    %dma_wait3A_535 = arith.constant 0 : i32
    %dma_wait3A_536 = tpu.memref_slice %arg4[%dma_wait3A_534, %mul3A_2, %dma_wait3A_535] : memref<50x16384x64xf32, #tpu.memory_space<hbm>> -> memref<1x512x64xf32, #tpu.memory_space<hbm>>
    %dma_wait3A_537 = tpu.memref_squeeze %dma_wait3A_536 : memref<1x512x64xf32, #tpu.memory_space<hbm>> -> memref<512x64xf32, #tpu.memory_space<hbm>>
    %dma_wait3A_538 = arith.constant 0 : i32
    %dma_wait3A_539 = tpu.memref_slice %arg4[%dma_wait3A_534, %mul3A_2, %dma_wait3A_538] : memref<50x16384x64xf32, #tpu.memory_space<hbm>> -> memref<1x512x64xf32, #tpu.memory_space<hbm>>
    %dma_wait3A_540 = tpu.memref_squeeze %dma_wait3A_539 : memref<1x512x64xf32, #tpu.memory_space<hbm>> -> memref<512x64xf32, #tpu.memory_space<hbm>>
    tpu.wait_dma2 semaphore(%arg15 : memref<!tpu.dma_semaphore, #tpu.memory_space<semaphore_mem>>) src(%arg8 : memref<512x64xf32, #tpu.memory_space<vmem>>) dst(%dma_wait3A_540 : memref<512x64xf32, #tpu.memory_space<hbm>>)
    %dma_start3A_541 = arith.constant 20 : i32
    %dma_start3A_542 = arith.constant 0 : i32
    %dma_start3A_543 = tpu.memref_slice %arg5[%dma_start3A_541, %dma_start3A_542] : memref<50x512xi32, #tpu.memory_space<vmem>> -> memref<1x512xi32, #tpu.memory_space<vmem>>
    %dma_start3A_544 = tpu.memref_squeeze %dma_start3A_543 : memref<1x512xi32, #tpu.memory_space<vmem>> -> memref<512xi32, #tpu.memory_space<vmem>>
    %dma_start3A_545 = arith.constant 0 : i32
    %dma_start3A_546 = arith.constant 0 : i32
    %dma_start3A_547 = tpu.memref_slice %arg3[%dma_start3A_545, %dma_start3A_546] : memref<1000000x64xf32, #tpu.memory_space<hbm>> -> memref<1000000x64xf32, #tpu.memory_space<hbm>>
    tpu.enqueue_indirect_dma source(%dma_start3A_547 : memref<1000000x64xf32, #tpu.memory_space<hbm>>) target(%arg8 : memref<512x64xf32, #tpu.memory_space<vmem>>) offsets(%dma_start3A_544 : memref<512xi32, #tpu.memory_space<vmem>>) semaphore(%arg12 : memref<!tpu.dma_semaphore, #tpu.memory_space<semaphore_mem>>)
    %dma_wait3A_548 = arith.constant 19 : i32
    %dma_wait3A_549 = arith.constant 0 : i32
    %dma_wait3A_550 = tpu.memref_slice %arg5[%dma_wait3A_548, %dma_wait3A_549] : memref<50x512xi32, #tpu.memory_space<vmem>> -> memref<1x512xi32, #tpu.memory_space<vmem>>
    %dma_wait3A_551 = tpu.memref_squeeze %dma_wait3A_550 : memref<1x512xi32, #tpu.memory_space<vmem>> -> memref<512xi32, #tpu.memory_space<vmem>>
    %dma_wait3A_552 = arith.constant 0 : i32
    %dma_wait3A_553 = arith.constant 0 : i32
    %dma_wait3A_554 = tpu.memref_slice %arg3[%dma_wait3A_552, %dma_wait3A_553] : memref<1000000x64xf32, #tpu.memory_space<hbm>> -> memref<1000000x64xf32, #tpu.memory_space<hbm>>
    tpu.wait_indirect_dma semaphore(%arg11 : memref<!tpu.dma_semaphore, #tpu.memory_space<semaphore_mem>>) src(%dma_wait3A_554 : memref<1000000x64xf32, #tpu.memory_space<hbm>>) dst(%arg7 : memref<512x64xf32, #tpu.memory_space<vmem>>)
    %dma_start3A_555 = arith.constant 19 : i32
    %dma_start3A_556 = arith.constant 0 : i32
    %dma_start3A_557 = tpu.memref_slice %arg4[%dma_start3A_555, %mul3A_2, %dma_start3A_556] : memref<50x16384x64xf32, #tpu.memory_space<hbm>> -> memref<1x512x64xf32, #tpu.memory_space<hbm>>
    %dma_start3A_558 = tpu.memref_squeeze %dma_start3A_557 : memref<1x512x64xf32, #tpu.memory_space<hbm>> -> memref<512x64xf32, #tpu.memory_space<hbm>>
    %dma_start3A_559 = arith.constant 0 : i32
    %dma_start3A_560 = tpu.memref_slice %arg4[%dma_start3A_555, %mul3A_2, %dma_start3A_559] : memref<50x16384x64xf32, #tpu.memory_space<hbm>> -> memref<1x512x64xf32, #tpu.memory_space<hbm>>
    %dma_start3A_561 = tpu.memref_squeeze %dma_start3A_560 : memref<1x512x64xf32, #tpu.memory_space<hbm>> -> memref<512x64xf32, #tpu.memory_space<hbm>>
    tpu.enqueue_dma source(%arg7 : memref<512x64xf32, #tpu.memory_space<vmem>>) target(%dma_start3A_561 : memref<512x64xf32, #tpu.memory_space<hbm>>) target_semaphore(%arg14 : memref<!tpu.dma_semaphore, #tpu.memory_space<semaphore_mem>>)
    %dma_wait3A_562 = arith.constant 18 : i32
    %dma_wait3A_563 = arith.constant 0 : i32
    %dma_wait3A_564 = tpu.memref_slice %arg4[%dma_wait3A_562, %mul3A_2, %dma_wait3A_563] : memref<50x16384x64xf32, #tpu.memory_space<hbm>> -> memref<1x512x64xf32, #tpu.memory_space<hbm>>
    %dma_wait3A_565 = tpu.memref_squeeze %dma_wait3A_564 : memref<1x512x64xf32, #tpu.memory_space<hbm>> -> memref<512x64xf32, #tpu.memory_space<hbm>>
    %dma_wait3A_566 = arith.constant 0 : i32
    %dma_wait3A_567 = tpu.memref_slice %arg4[%dma_wait3A_562, %mul3A_2, %dma_wait3A_566] : memref<50x16384x64xf32, #tpu.memory_space<hbm>> -> memref<1x512x64xf32, #tpu.memory_space<hbm>>
    %dma_wait3A_568 = tpu.memref_squeeze %dma_wait3A_567 : memref<1x512x64xf32, #tpu.memory_space<hbm>> -> memref<512x64xf32, #tpu.memory_space<hbm>>
    tpu.wait_dma2 semaphore(%arg13 : memref<!tpu.dma_semaphore, #tpu.memory_space<semaphore_mem>>) src(%arg6 : memref<512x64xf32, #tpu.memory_space<vmem>>) dst(%dma_wait3A_568 : memref<512x64xf32, #tpu.memory_space<hbm>>)
    %dma_start3A_569 = arith.constant 21 : i32
    %dma_start3A_570 = arith.constant 0 : i32
    %dma_start3A_571 = tpu.memref_slice %arg5[%dma_start3A_569, %dma_start3A_570] : memref<50x512xi32, #tpu.memory_space<vmem>> -> memref<1x512xi32, #tpu.memory_space<vmem>>
    %dma_start3A_572 = tpu.memref_squeeze %dma_start3A_571 : memref<1x512xi32, #tpu.memory_space<vmem>> -> memref<512xi32, #tpu.memory_space<vmem>>
    %dma_start3A_573 = arith.constant 0 : i32
    %dma_start3A_574 = arith.constant 0 : i32
    %dma_start3A_575 = tpu.memref_slice %arg3[%dma_start3A_573, %dma_start3A_574] : memref<1000000x64xf32, #tpu.memory_space<hbm>> -> memref<1000000x64xf32, #tpu.memory_space<hbm>>
    tpu.enqueue_indirect_dma source(%dma_start3A_575 : memref<1000000x64xf32, #tpu.memory_space<hbm>>) target(%arg6 : memref<512x64xf32, #tpu.memory_space<vmem>>) offsets(%dma_start3A_572 : memref<512xi32, #tpu.memory_space<vmem>>) semaphore(%arg10 : memref<!tpu.dma_semaphore, #tpu.memory_space<semaphore_mem>>)
    %dma_wait3A_576 = arith.constant 20 : i32
    %dma_wait3A_577 = arith.constant 0 : i32
    %dma_wait3A_578 = tpu.memref_slice %arg5[%dma_wait3A_576, %dma_wait3A_577] : memref<50x512xi32, #tpu.memory_space<vmem>> -> memref<1x512xi32, #tpu.memory_space<vmem>>
    %dma_wait3A_579 = tpu.memref_squeeze %dma_wait3A_578 : memref<1x512xi32, #tpu.memory_space<vmem>> -> memref<512xi32, #tpu.memory_space<vmem>>
    %dma_wait3A_580 = arith.constant 0 : i32
    %dma_wait3A_581 = arith.constant 0 : i32
    %dma_wait3A_582 = tpu.memref_slice %arg3[%dma_wait3A_580, %dma_wait3A_581] : memref<1000000x64xf32, #tpu.memory_space<hbm>> -> memref<1000000x64xf32, #tpu.memory_space<hbm>>
    tpu.wait_indirect_dma semaphore(%arg12 : memref<!tpu.dma_semaphore, #tpu.memory_space<semaphore_mem>>) src(%dma_wait3A_582 : memref<1000000x64xf32, #tpu.memory_space<hbm>>) dst(%arg8 : memref<512x64xf32, #tpu.memory_space<vmem>>)
    %dma_start3A_583 = arith.constant 20 : i32
    %dma_start3A_584 = arith.constant 0 : i32
    %dma_start3A_585 = tpu.memref_slice %arg4[%dma_start3A_583, %mul3A_2, %dma_start3A_584] : memref<50x16384x64xf32, #tpu.memory_space<hbm>> -> memref<1x512x64xf32, #tpu.memory_space<hbm>>
    %dma_start3A_586 = tpu.memref_squeeze %dma_start3A_585 : memref<1x512x64xf32, #tpu.memory_space<hbm>> -> memref<512x64xf32, #tpu.memory_space<hbm>>
    %dma_start3A_587 = arith.constant 0 : i32
    %dma_start3A_588 = tpu.memref_slice %arg4[%dma_start3A_583, %mul3A_2, %dma_start3A_587] : memref<50x16384x64xf32, #tpu.memory_space<hbm>> -> memref<1x512x64xf32, #tpu.memory_space<hbm>>
    %dma_start3A_589 = tpu.memref_squeeze %dma_start3A_588 : memref<1x512x64xf32, #tpu.memory_space<hbm>> -> memref<512x64xf32, #tpu.memory_space<hbm>>
    tpu.enqueue_dma source(%arg8 : memref<512x64xf32, #tpu.memory_space<vmem>>) target(%dma_start3A_589 : memref<512x64xf32, #tpu.memory_space<hbm>>) target_semaphore(%arg15 : memref<!tpu.dma_semaphore, #tpu.memory_space<semaphore_mem>>)
    %dma_wait3A_590 = arith.constant 19 : i32
    %dma_wait3A_591 = arith.constant 0 : i32
    %dma_wait3A_592 = tpu.memref_slice %arg4[%dma_wait3A_590, %mul3A_2, %dma_wait3A_591] : memref<50x16384x64xf32, #tpu.memory_space<hbm>> -> memref<1x512x64xf32, #tpu.memory_space<hbm>>
    %dma_wait3A_593 = tpu.memref_squeeze %dma_wait3A_592 : memref<1x512x64xf32, #tpu.memory_space<hbm>> -> memref<512x64xf32, #tpu.memory_space<hbm>>
    %dma_wait3A_594 = arith.constant 0 : i32
    %dma_wait3A_595 = tpu.memref_slice %arg4[%dma_wait3A_590, %mul3A_2, %dma_wait3A_594] : memref<50x16384x64xf32, #tpu.memory_space<hbm>> -> memref<1x512x64xf32, #tpu.memory_space<hbm>>
    %dma_wait3A_596 = tpu.memref_squeeze %dma_wait3A_595 : memref<1x512x64xf32, #tpu.memory_space<hbm>> -> memref<512x64xf32, #tpu.memory_space<hbm>>
    tpu.wait_dma2 semaphore(%arg14 : memref<!tpu.dma_semaphore, #tpu.memory_space<semaphore_mem>>) src(%arg7 : memref<512x64xf32, #tpu.memory_space<vmem>>) dst(%dma_wait3A_596 : memref<512x64xf32, #tpu.memory_space<hbm>>)
    %dma_start3A_597 = arith.constant 22 : i32
    %dma_start3A_598 = arith.constant 0 : i32
    %dma_start3A_599 = tpu.memref_slice %arg5[%dma_start3A_597, %dma_start3A_598] : memref<50x512xi32, #tpu.memory_space<vmem>> -> memref<1x512xi32, #tpu.memory_space<vmem>>
    %dma_start3A_600 = tpu.memref_squeeze %dma_start3A_599 : memref<1x512xi32, #tpu.memory_space<vmem>> -> memref<512xi32, #tpu.memory_space<vmem>>
    %dma_start3A_601 = arith.constant 0 : i32
    %dma_start3A_602 = arith.constant 0 : i32
    %dma_start3A_603 = tpu.memref_slice %arg3[%dma_start3A_601, %dma_start3A_602] : memref<1000000x64xf32, #tpu.memory_space<hbm>> -> memref<1000000x64xf32, #tpu.memory_space<hbm>>
    tpu.enqueue_indirect_dma source(%dma_start3A_603 : memref<1000000x64xf32, #tpu.memory_space<hbm>>) target(%arg7 : memref<512x64xf32, #tpu.memory_space<vmem>>) offsets(%dma_start3A_600 : memref<512xi32, #tpu.memory_space<vmem>>) semaphore(%arg11 : memref<!tpu.dma_semaphore, #tpu.memory_space<semaphore_mem>>)
    %dma_wait3A_604 = arith.constant 21 : i32
    %dma_wait3A_605 = arith.constant 0 : i32
    %dma_wait3A_606 = tpu.memref_slice %arg5[%dma_wait3A_604, %dma_wait3A_605] : memref<50x512xi32, #tpu.memory_space<vmem>> -> memref<1x512xi32, #tpu.memory_space<vmem>>
    %dma_wait3A_607 = tpu.memref_squeeze %dma_wait3A_606 : memref<1x512xi32, #tpu.memory_space<vmem>> -> memref<512xi32, #tpu.memory_space<vmem>>
    %dma_wait3A_608 = arith.constant 0 : i32
    %dma_wait3A_609 = arith.constant 0 : i32
    %dma_wait3A_610 = tpu.memref_slice %arg3[%dma_wait3A_608, %dma_wait3A_609] : memref<1000000x64xf32, #tpu.memory_space<hbm>> -> memref<1000000x64xf32, #tpu.memory_space<hbm>>
    tpu.wait_indirect_dma semaphore(%arg10 : memref<!tpu.dma_semaphore, #tpu.memory_space<semaphore_mem>>) src(%dma_wait3A_610 : memref<1000000x64xf32, #tpu.memory_space<hbm>>) dst(%arg6 : memref<512x64xf32, #tpu.memory_space<vmem>>)
    %dma_start3A_611 = arith.constant 21 : i32
    %dma_start3A_612 = arith.constant 0 : i32
    %dma_start3A_613 = tpu.memref_slice %arg4[%dma_start3A_611, %mul3A_2, %dma_start3A_612] : memref<50x16384x64xf32, #tpu.memory_space<hbm>> -> memref<1x512x64xf32, #tpu.memory_space<hbm>>
    %dma_start3A_614 = tpu.memref_squeeze %dma_start3A_613 : memref<1x512x64xf32, #tpu.memory_space<hbm>> -> memref<512x64xf32, #tpu.memory_space<hbm>>
    %dma_start3A_615 = arith.constant 0 : i32
    %dma_start3A_616 = tpu.memref_slice %arg4[%dma_start3A_611, %mul3A_2, %dma_start3A_615] : memref<50x16384x64xf32, #tpu.memory_space<hbm>> -> memref<1x512x64xf32, #tpu.memory_space<hbm>>
    %dma_start3A_617 = tpu.memref_squeeze %dma_start3A_616 : memref<1x512x64xf32, #tpu.memory_space<hbm>> -> memref<512x64xf32, #tpu.memory_space<hbm>>
    tpu.enqueue_dma source(%arg6 : memref<512x64xf32, #tpu.memory_space<vmem>>) target(%dma_start3A_617 : memref<512x64xf32, #tpu.memory_space<hbm>>) target_semaphore(%arg13 : memref<!tpu.dma_semaphore, #tpu.memory_space<semaphore_mem>>)
    %dma_wait3A_618 = arith.constant 20 : i32
    %dma_wait3A_619 = arith.constant 0 : i32
    %dma_wait3A_620 = tpu.memref_slice %arg4[%dma_wait3A_618, %mul3A_2, %dma_wait3A_619] : memref<50x16384x64xf32, #tpu.memory_space<hbm>> -> memref<1x512x64xf32, #tpu.memory_space<hbm>>
    %dma_wait3A_621 = tpu.memref_squeeze %dma_wait3A_620 : memref<1x512x64xf32, #tpu.memory_space<hbm>> -> memref<512x64xf32, #tpu.memory_space<hbm>>
    %dma_wait3A_622 = arith.constant 0 : i32
    %dma_wait3A_623 = tpu.memref_slice %arg4[%dma_wait3A_618, %mul3A_2, %dma_wait3A_622] : memref<50x16384x64xf32, #tpu.memory_space<hbm>> -> memref<1x512x64xf32, #tpu.memory_space<hbm>>
    %dma_wait3A_624 = tpu.memref_squeeze %dma_wait3A_623 : memref<1x512x64xf32, #tpu.memory_space<hbm>> -> memref<512x64xf32, #tpu.memory_space<hbm>>
    tpu.wait_dma2 semaphore(%arg15 : memref<!tpu.dma_semaphore, #tpu.memory_space<semaphore_mem>>) src(%arg8 : memref<512x64xf32, #tpu.memory_space<vmem>>) dst(%dma_wait3A_624 : memref<512x64xf32, #tpu.memory_space<hbm>>)
    %dma_start3A_625 = arith.constant 23 : i32
    %dma_start3A_626 = arith.constant 0 : i32
    %dma_start3A_627 = tpu.memref_slice %arg5[%dma_start3A_625, %dma_start3A_626] : memref<50x512xi32, #tpu.memory_space<vmem>> -> memref<1x512xi32, #tpu.memory_space<vmem>>
    %dma_start3A_628 = tpu.memref_squeeze %dma_start3A_627 : memref<1x512xi32, #tpu.memory_space<vmem>> -> memref<512xi32, #tpu.memory_space<vmem>>
    %dma_start3A_629 = arith.constant 0 : i32
    %dma_start3A_630 = arith.constant 0 : i32
    %dma_start3A_631 = tpu.memref_slice %arg3[%dma_start3A_629, %dma_start3A_630] : memref<1000000x64xf32, #tpu.memory_space<hbm>> -> memref<1000000x64xf32, #tpu.memory_space<hbm>>
    tpu.enqueue_indirect_dma source(%dma_start3A_631 : memref<1000000x64xf32, #tpu.memory_space<hbm>>) target(%arg8 : memref<512x64xf32, #tpu.memory_space<vmem>>) offsets(%dma_start3A_628 : memref<512xi32, #tpu.memory_space<vmem>>) semaphore(%arg12 : memref<!tpu.dma_semaphore, #tpu.memory_space<semaphore_mem>>)
    %dma_wait3A_632 = arith.constant 22 : i32
    %dma_wait3A_633 = arith.constant 0 : i32
    %dma_wait3A_634 = tpu.memref_slice %arg5[%dma_wait3A_632, %dma_wait3A_633] : memref<50x512xi32, #tpu.memory_space<vmem>> -> memref<1x512xi32, #tpu.memory_space<vmem>>
    %dma_wait3A_635 = tpu.memref_squeeze %dma_wait3A_634 : memref<1x512xi32, #tpu.memory_space<vmem>> -> memref<512xi32, #tpu.memory_space<vmem>>
    %dma_wait3A_636 = arith.constant 0 : i32
    %dma_wait3A_637 = arith.constant 0 : i32
    %dma_wait3A_638 = tpu.memref_slice %arg3[%dma_wait3A_636, %dma_wait3A_637] : memref<1000000x64xf32, #tpu.memory_space<hbm>> -> memref<1000000x64xf32, #tpu.memory_space<hbm>>
    tpu.wait_indirect_dma semaphore(%arg11 : memref<!tpu.dma_semaphore, #tpu.memory_space<semaphore_mem>>) src(%dma_wait3A_638 : memref<1000000x64xf32, #tpu.memory_space<hbm>>) dst(%arg7 : memref<512x64xf32, #tpu.memory_space<vmem>>)
    %dma_start3A_639 = arith.constant 22 : i32
    %dma_start3A_640 = arith.constant 0 : i32
    %dma_start3A_641 = tpu.memref_slice %arg4[%dma_start3A_639, %mul3A_2, %dma_start3A_640] : memref<50x16384x64xf32, #tpu.memory_space<hbm>> -> memref<1x512x64xf32, #tpu.memory_space<hbm>>
    %dma_start3A_642 = tpu.memref_squeeze %dma_start3A_641 : memref<1x512x64xf32, #tpu.memory_space<hbm>> -> memref<512x64xf32, #tpu.memory_space<hbm>>
    %dma_start3A_643 = arith.constant 0 : i32
    %dma_start3A_644 = tpu.memref_slice %arg4[%dma_start3A_639, %mul3A_2, %dma_start3A_643] : memref<50x16384x64xf32, #tpu.memory_space<hbm>> -> memref<1x512x64xf32, #tpu.memory_space<hbm>>
    %dma_start3A_645 = tpu.memref_squeeze %dma_start3A_644 : memref<1x512x64xf32, #tpu.memory_space<hbm>> -> memref<512x64xf32, #tpu.memory_space<hbm>>
    tpu.enqueue_dma source(%arg7 : memref<512x64xf32, #tpu.memory_space<vmem>>) target(%dma_start3A_645 : memref<512x64xf32, #tpu.memory_space<hbm>>) target_semaphore(%arg14 : memref<!tpu.dma_semaphore, #tpu.memory_space<semaphore_mem>>)
    %dma_wait3A_646 = arith.constant 21 : i32
    %dma_wait3A_647 = arith.constant 0 : i32
    %dma_wait3A_648 = tpu.memref_slice %arg4[%dma_wait3A_646, %mul3A_2, %dma_wait3A_647] : memref<50x16384x64xf32, #tpu.memory_space<hbm>> -> memref<1x512x64xf32, #tpu.memory_space<hbm>>
    %dma_wait3A_649 = tpu.memref_squeeze %dma_wait3A_648 : memref<1x512x64xf32, #tpu.memory_space<hbm>> -> memref<512x64xf32, #tpu.memory_space<hbm>>
    %dma_wait3A_650 = arith.constant 0 : i32
    %dma_wait3A_651 = tpu.memref_slice %arg4[%dma_wait3A_646, %mul3A_2, %dma_wait3A_650] : memref<50x16384x64xf32, #tpu.memory_space<hbm>> -> memref<1x512x64xf32, #tpu.memory_space<hbm>>
    %dma_wait3A_652 = tpu.memref_squeeze %dma_wait3A_651 : memref<1x512x64xf32, #tpu.memory_space<hbm>> -> memref<512x64xf32, #tpu.memory_space<hbm>>
    tpu.wait_dma2 semaphore(%arg13 : memref<!tpu.dma_semaphore, #tpu.memory_space<semaphore_mem>>) src(%arg6 : memref<512x64xf32, #tpu.memory_space<vmem>>) dst(%dma_wait3A_652 : memref<512x64xf32, #tpu.memory_space<hbm>>)
    %dma_start3A_653 = arith.constant 24 : i32
    %dma_start3A_654 = arith.constant 0 : i32
    %dma_start3A_655 = tpu.memref_slice %arg5[%dma_start3A_653, %dma_start3A_654] : memref<50x512xi32, #tpu.memory_space<vmem>> -> memref<1x512xi32, #tpu.memory_space<vmem>>
    %dma_start3A_656 = tpu.memref_squeeze %dma_start3A_655 : memref<1x512xi32, #tpu.memory_space<vmem>> -> memref<512xi32, #tpu.memory_space<vmem>>
    %dma_start3A_657 = arith.constant 0 : i32
    %dma_start3A_658 = arith.constant 0 : i32
    %dma_start3A_659 = tpu.memref_slice %arg3[%dma_start3A_657, %dma_start3A_658] : memref<1000000x64xf32, #tpu.memory_space<hbm>> -> memref<1000000x64xf32, #tpu.memory_space<hbm>>
    tpu.enqueue_indirect_dma source(%dma_start3A_659 : memref<1000000x64xf32, #tpu.memory_space<hbm>>) target(%arg6 : memref<512x64xf32, #tpu.memory_space<vmem>>) offsets(%dma_start3A_656 : memref<512xi32, #tpu.memory_space<vmem>>) semaphore(%arg10 : memref<!tpu.dma_semaphore, #tpu.memory_space<semaphore_mem>>)
    %dma_wait3A_660 = arith.constant 23 : i32
    %dma_wait3A_661 = arith.constant 0 : i32
    %dma_wait3A_662 = tpu.memref_slice %arg5[%dma_wait3A_660, %dma_wait3A_661] : memref<50x512xi32, #tpu.memory_space<vmem>> -> memref<1x512xi32, #tpu.memory_space<vmem>>
    %dma_wait3A_663 = tpu.memref_squeeze %dma_wait3A_662 : memref<1x512xi32, #tpu.memory_space<vmem>> -> memref<512xi32, #tpu.memory_space<vmem>>
    %dma_wait3A_664 = arith.constant 0 : i32
    %dma_wait3A_665 = arith.constant 0 : i32
    %dma_wait3A_666 = tpu.memref_slice %arg3[%dma_wait3A_664, %dma_wait3A_665] : memref<1000000x64xf32, #tpu.memory_space<hbm>> -> memref<1000000x64xf32, #tpu.memory_space<hbm>>
    tpu.wait_indirect_dma semaphore(%arg12 : memref<!tpu.dma_semaphore, #tpu.memory_space<semaphore_mem>>) src(%dma_wait3A_666 : memref<1000000x64xf32, #tpu.memory_space<hbm>>) dst(%arg8 : memref<512x64xf32, #tpu.memory_space<vmem>>)
    %dma_start3A_667 = arith.constant 23 : i32
    %dma_start3A_668 = arith.constant 0 : i32
    %dma_start3A_669 = tpu.memref_slice %arg4[%dma_start3A_667, %mul3A_2, %dma_start3A_668] : memref<50x16384x64xf32, #tpu.memory_space<hbm>> -> memref<1x512x64xf32, #tpu.memory_space<hbm>>
    %dma_start3A_670 = tpu.memref_squeeze %dma_start3A_669 : memref<1x512x64xf32, #tpu.memory_space<hbm>> -> memref<512x64xf32, #tpu.memory_space<hbm>>
    %dma_start3A_671 = arith.constant 0 : i32
    %dma_start3A_672 = tpu.memref_slice %arg4[%dma_start3A_667, %mul3A_2, %dma_start3A_671] : memref<50x16384x64xf32, #tpu.memory_space<hbm>> -> memref<1x512x64xf32, #tpu.memory_space<hbm>>
    %dma_start3A_673 = tpu.memref_squeeze %dma_start3A_672 : memref<1x512x64xf32, #tpu.memory_space<hbm>> -> memref<512x64xf32, #tpu.memory_space<hbm>>
    tpu.enqueue_dma source(%arg8 : memref<512x64xf32, #tpu.memory_space<vmem>>) target(%dma_start3A_673 : memref<512x64xf32, #tpu.memory_space<hbm>>) target_semaphore(%arg15 : memref<!tpu.dma_semaphore, #tpu.memory_space<semaphore_mem>>)
    %dma_wait3A_674 = arith.constant 22 : i32
    %dma_wait3A_675 = arith.constant 0 : i32
    %dma_wait3A_676 = tpu.memref_slice %arg4[%dma_wait3A_674, %mul3A_2, %dma_wait3A_675] : memref<50x16384x64xf32, #tpu.memory_space<hbm>> -> memref<1x512x64xf32, #tpu.memory_space<hbm>>
    %dma_wait3A_677 = tpu.memref_squeeze %dma_wait3A_676 : memref<1x512x64xf32, #tpu.memory_space<hbm>> -> memref<512x64xf32, #tpu.memory_space<hbm>>
    %dma_wait3A_678 = arith.constant 0 : i32
    %dma_wait3A_679 = tpu.memref_slice %arg4[%dma_wait3A_674, %mul3A_2, %dma_wait3A_678] : memref<50x16384x64xf32, #tpu.memory_space<hbm>> -> memref<1x512x64xf32, #tpu.memory_space<hbm>>
    %dma_wait3A_680 = tpu.memref_squeeze %dma_wait3A_679 : memref<1x512x64xf32, #tpu.memory_space<hbm>> -> memref<512x64xf32, #tpu.memory_space<hbm>>
    tpu.wait_dma2 semaphore(%arg14 : memref<!tpu.dma_semaphore, #tpu.memory_space<semaphore_mem>>) src(%arg7 : memref<512x64xf32, #tpu.memory_space<vmem>>) dst(%dma_wait3A_680 : memref<512x64xf32, #tpu.memory_space<hbm>>)
    %dma_start3A_681 = arith.constant 25 : i32
    %dma_start3A_682 = arith.constant 0 : i32
    %dma_start3A_683 = tpu.memref_slice %arg5[%dma_start3A_681, %dma_start3A_682] : memref<50x512xi32, #tpu.memory_space<vmem>> -> memref<1x512xi32, #tpu.memory_space<vmem>>
    %dma_start3A_684 = tpu.memref_squeeze %dma_start3A_683 : memref<1x512xi32, #tpu.memory_space<vmem>> -> memref<512xi32, #tpu.memory_space<vmem>>
    %dma_start3A_685 = arith.constant 0 : i32
    %dma_start3A_686 = arith.constant 0 : i32
    %dma_start3A_687 = tpu.memref_slice %arg3[%dma_start3A_685, %dma_start3A_686] : memref<1000000x64xf32, #tpu.memory_space<hbm>> -> memref<1000000x64xf32, #tpu.memory_space<hbm>>
    tpu.enqueue_indirect_dma source(%dma_start3A_687 : memref<1000000x64xf32, #tpu.memory_space<hbm>>) target(%arg7 : memref<512x64xf32, #tpu.memory_space<vmem>>) offsets(%dma_start3A_684 : memref<512xi32, #tpu.memory_space<vmem>>) semaphore(%arg11 : memref<!tpu.dma_semaphore, #tpu.memory_space<semaphore_mem>>)
    %dma_wait3A_688 = arith.constant 24 : i32
    %dma_wait3A_689 = arith.constant 0 : i32
    %dma_wait3A_690 = tpu.memref_slice %arg5[%dma_wait3A_688, %dma_wait3A_689] : memref<50x512xi32, #tpu.memory_space<vmem>> -> memref<1x512xi32, #tpu.memory_space<vmem>>
    %dma_wait3A_691 = tpu.memref_squeeze %dma_wait3A_690 : memref<1x512xi32, #tpu.memory_space<vmem>> -> memref<512xi32, #tpu.memory_space<vmem>>
    %dma_wait3A_692 = arith.constant 0 : i32
    %dma_wait3A_693 = arith.constant 0 : i32
    %dma_wait3A_694 = tpu.memref_slice %arg3[%dma_wait3A_692, %dma_wait3A_693] : memref<1000000x64xf32, #tpu.memory_space<hbm>> -> memref<1000000x64xf32, #tpu.memory_space<hbm>>
    tpu.wait_indirect_dma semaphore(%arg10 : memref<!tpu.dma_semaphore, #tpu.memory_space<semaphore_mem>>) src(%dma_wait3A_694 : memref<1000000x64xf32, #tpu.memory_space<hbm>>) dst(%arg6 : memref<512x64xf32, #tpu.memory_space<vmem>>)
    %dma_start3A_695 = arith.constant 24 : i32
    %dma_start3A_696 = arith.constant 0 : i32
    %dma_start3A_697 = tpu.memref_slice %arg4[%dma_start3A_695, %mul3A_2, %dma_start3A_696] : memref<50x16384x64xf32, #tpu.memory_space<hbm>> -> memref<1x512x64xf32, #tpu.memory_space<hbm>>
    %dma_start3A_698 = tpu.memref_squeeze %dma_start3A_697 : memref<1x512x64xf32, #tpu.memory_space<hbm>> -> memref<512x64xf32, #tpu.memory_space<hbm>>
    %dma_start3A_699 = arith.constant 0 : i32
    %dma_start3A_700 = tpu.memref_slice %arg4[%dma_start3A_695, %mul3A_2, %dma_start3A_699] : memref<50x16384x64xf32, #tpu.memory_space<hbm>> -> memref<1x512x64xf32, #tpu.memory_space<hbm>>
    %dma_start3A_701 = tpu.memref_squeeze %dma_start3A_700 : memref<1x512x64xf32, #tpu.memory_space<hbm>> -> memref<512x64xf32, #tpu.memory_space<hbm>>
    tpu.enqueue_dma source(%arg6 : memref<512x64xf32, #tpu.memory_space<vmem>>) target(%dma_start3A_701 : memref<512x64xf32, #tpu.memory_space<hbm>>) target_semaphore(%arg13 : memref<!tpu.dma_semaphore, #tpu.memory_space<semaphore_mem>>)
    %dma_wait3A_702 = arith.constant 23 : i32
    %dma_wait3A_703 = arith.constant 0 : i32
    %dma_wait3A_704 = tpu.memref_slice %arg4[%dma_wait3A_702, %mul3A_2, %dma_wait3A_703] : memref<50x16384x64xf32, #tpu.memory_space<hbm>> -> memref<1x512x64xf32, #tpu.memory_space<hbm>>
    %dma_wait3A_705 = tpu.memref_squeeze %dma_wait3A_704 : memref<1x512x64xf32, #tpu.memory_space<hbm>> -> memref<512x64xf32, #tpu.memory_space<hbm>>
    %dma_wait3A_706 = arith.constant 0 : i32
    %dma_wait3A_707 = tpu.memref_slice %arg4[%dma_wait3A_702, %mul3A_2, %dma_wait3A_706] : memref<50x16384x64xf32, #tpu.memory_space<hbm>> -> memref<1x512x64xf32, #tpu.memory_space<hbm>>
    %dma_wait3A_708 = tpu.memref_squeeze %dma_wait3A_707 : memref<1x512x64xf32, #tpu.memory_space<hbm>> -> memref<512x64xf32, #tpu.memory_space<hbm>>
    tpu.wait_dma2 semaphore(%arg15 : memref<!tpu.dma_semaphore, #tpu.memory_space<semaphore_mem>>) src(%arg8 : memref<512x64xf32, #tpu.memory_space<vmem>>) dst(%dma_wait3A_708 : memref<512x64xf32, #tpu.memory_space<hbm>>)
    %dma_start3A_709 = arith.constant 26 : i32
    %dma_start3A_710 = arith.constant 0 : i32
    %dma_start3A_711 = tpu.memref_slice %arg5[%dma_start3A_709, %dma_start3A_710] : memref<50x512xi32, #tpu.memory_space<vmem>> -> memref<1x512xi32, #tpu.memory_space<vmem>>
    %dma_start3A_712 = tpu.memref_squeeze %dma_start3A_711 : memref<1x512xi32, #tpu.memory_space<vmem>> -> memref<512xi32, #tpu.memory_space<vmem>>
    %dma_start3A_713 = arith.constant 0 : i32
    %dma_start3A_714 = arith.constant 0 : i32
    %dma_start3A_715 = tpu.memref_slice %arg3[%dma_start3A_713, %dma_start3A_714] : memref<1000000x64xf32, #tpu.memory_space<hbm>> -> memref<1000000x64xf32, #tpu.memory_space<hbm>>
    tpu.enqueue_indirect_dma source(%dma_start3A_715 : memref<1000000x64xf32, #tpu.memory_space<hbm>>) target(%arg8 : memref<512x64xf32, #tpu.memory_space<vmem>>) offsets(%dma_start3A_712 : memref<512xi32, #tpu.memory_space<vmem>>) semaphore(%arg12 : memref<!tpu.dma_semaphore, #tpu.memory_space<semaphore_mem>>)
    %dma_wait3A_716 = arith.constant 25 : i32
    %dma_wait3A_717 = arith.constant 0 : i32
    %dma_wait3A_718 = tpu.memref_slice %arg5[%dma_wait3A_716, %dma_wait3A_717] : memref<50x512xi32, #tpu.memory_space<vmem>> -> memref<1x512xi32, #tpu.memory_space<vmem>>
    %dma_wait3A_719 = tpu.memref_squeeze %dma_wait3A_718 : memref<1x512xi32, #tpu.memory_space<vmem>> -> memref<512xi32, #tpu.memory_space<vmem>>
    %dma_wait3A_720 = arith.constant 0 : i32
    %dma_wait3A_721 = arith.constant 0 : i32
    %dma_wait3A_722 = tpu.memref_slice %arg3[%dma_wait3A_720, %dma_wait3A_721] : memref<1000000x64xf32, #tpu.memory_space<hbm>> -> memref<1000000x64xf32, #tpu.memory_space<hbm>>
    tpu.wait_indirect_dma semaphore(%arg11 : memref<!tpu.dma_semaphore, #tpu.memory_space<semaphore_mem>>) src(%dma_wait3A_722 : memref<1000000x64xf32, #tpu.memory_space<hbm>>) dst(%arg7 : memref<512x64xf32, #tpu.memory_space<vmem>>)
    %dma_start3A_723 = arith.constant 25 : i32
    %dma_start3A_724 = arith.constant 0 : i32
    %dma_start3A_725 = tpu.memref_slice %arg4[%dma_start3A_723, %mul3A_2, %dma_start3A_724] : memref<50x16384x64xf32, #tpu.memory_space<hbm>> -> memref<1x512x64xf32, #tpu.memory_space<hbm>>
    %dma_start3A_726 = tpu.memref_squeeze %dma_start3A_725 : memref<1x512x64xf32, #tpu.memory_space<hbm>> -> memref<512x64xf32, #tpu.memory_space<hbm>>
    %dma_start3A_727 = arith.constant 0 : i32
    %dma_start3A_728 = tpu.memref_slice %arg4[%dma_start3A_723, %mul3A_2, %dma_start3A_727] : memref<50x16384x64xf32, #tpu.memory_space<hbm>> -> memref<1x512x64xf32, #tpu.memory_space<hbm>>
    %dma_start3A_729 = tpu.memref_squeeze %dma_start3A_728 : memref<1x512x64xf32, #tpu.memory_space<hbm>> -> memref<512x64xf32, #tpu.memory_space<hbm>>
    tpu.enqueue_dma source(%arg7 : memref<512x64xf32, #tpu.memory_space<vmem>>) target(%dma_start3A_729 : memref<512x64xf32, #tpu.memory_space<hbm>>) target_semaphore(%arg14 : memref<!tpu.dma_semaphore, #tpu.memory_space<semaphore_mem>>)
    %dma_wait3A_730 = arith.constant 24 : i32
    %dma_wait3A_731 = arith.constant 0 : i32
    %dma_wait3A_732 = tpu.memref_slice %arg4[%dma_wait3A_730, %mul3A_2, %dma_wait3A_731] : memref<50x16384x64xf32, #tpu.memory_space<hbm>> -> memref<1x512x64xf32, #tpu.memory_space<hbm>>
    %dma_wait3A_733 = tpu.memref_squeeze %dma_wait3A_732 : memref<1x512x64xf32, #tpu.memory_space<hbm>> -> memref<512x64xf32, #tpu.memory_space<hbm>>
    %dma_wait3A_734 = arith.constant 0 : i32
    %dma_wait3A_735 = tpu.memref_slice %arg4[%dma_wait3A_730, %mul3A_2, %dma_wait3A_734] : memref<50x16384x64xf32, #tpu.memory_space<hbm>> -> memref<1x512x64xf32, #tpu.memory_space<hbm>>
    %dma_wait3A_736 = tpu.memref_squeeze %dma_wait3A_735 : memref<1x512x64xf32, #tpu.memory_space<hbm>> -> memref<512x64xf32, #tpu.memory_space<hbm>>
    tpu.wait_dma2 semaphore(%arg13 : memref<!tpu.dma_semaphore, #tpu.memory_space<semaphore_mem>>) src(%arg6 : memref<512x64xf32, #tpu.memory_space<vmem>>) dst(%dma_wait3A_736 : memref<512x64xf32, #tpu.memory_space<hbm>>)
    %dma_start3A_737 = arith.constant 27 : i32
    %dma_start3A_738 = arith.constant 0 : i32
    %dma_start3A_739 = tpu.memref_slice %arg5[%dma_start3A_737, %dma_start3A_738] : memref<50x512xi32, #tpu.memory_space<vmem>> -> memref<1x512xi32, #tpu.memory_space<vmem>>
    %dma_start3A_740 = tpu.memref_squeeze %dma_start3A_739 : memref<1x512xi32, #tpu.memory_space<vmem>> -> memref<512xi32, #tpu.memory_space<vmem>>
    %dma_start3A_741 = arith.constant 0 : i32
    %dma_start3A_742 = arith.constant 0 : i32
    %dma_start3A_743 = tpu.memref_slice %arg3[%dma_start3A_741, %dma_start3A_742] : memref<1000000x64xf32, #tpu.memory_space<hbm>> -> memref<1000000x64xf32, #tpu.memory_space<hbm>>
    tpu.enqueue_indirect_dma source(%dma_start3A_743 : memref<1000000x64xf32, #tpu.memory_space<hbm>>) target(%arg6 : memref<512x64xf32, #tpu.memory_space<vmem>>) offsets(%dma_start3A_740 : memref<512xi32, #tpu.memory_space<vmem>>) semaphore(%arg10 : memref<!tpu.dma_semaphore, #tpu.memory_space<semaphore_mem>>)
    %dma_wait3A_744 = arith.constant 26 : i32
    %dma_wait3A_745 = arith.constant 0 : i32
    %dma_wait3A_746 = tpu.memref_slice %arg5[%dma_wait3A_744, %dma_wait3A_745] : memref<50x512xi32, #tpu.memory_space<vmem>> -> memref<1x512xi32, #tpu.memory_space<vmem>>
    %dma_wait3A_747 = tpu.memref_squeeze %dma_wait3A_746 : memref<1x512xi32, #tpu.memory_space<vmem>> -> memref<512xi32, #tpu.memory_space<vmem>>
    %dma_wait3A_748 = arith.constant 0 : i32
    %dma_wait3A_749 = arith.constant 0 : i32
    %dma_wait3A_750 = tpu.memref_slice %arg3[%dma_wait3A_748, %dma_wait3A_749] : memref<1000000x64xf32, #tpu.memory_space<hbm>> -> memref<1000000x64xf32, #tpu.memory_space<hbm>>
    tpu.wait_indirect_dma semaphore(%arg12 : memref<!tpu.dma_semaphore, #tpu.memory_space<semaphore_mem>>) src(%dma_wait3A_750 : memref<1000000x64xf32, #tpu.memory_space<hbm>>) dst(%arg8 : memref<512x64xf32, #tpu.memory_space<vmem>>)
    %dma_start3A_751 = arith.constant 26 : i32
    %dma_start3A_752 = arith.constant 0 : i32
    %dma_start3A_753 = tpu.memref_slice %arg4[%dma_start3A_751, %mul3A_2, %dma_start3A_752] : memref<50x16384x64xf32, #tpu.memory_space<hbm>> -> memref<1x512x64xf32, #tpu.memory_space<hbm>>
    %dma_start3A_754 = tpu.memref_squeeze %dma_start3A_753 : memref<1x512x64xf32, #tpu.memory_space<hbm>> -> memref<512x64xf32, #tpu.memory_space<hbm>>
    %dma_start3A_755 = arith.constant 0 : i32
    %dma_start3A_756 = tpu.memref_slice %arg4[%dma_start3A_751, %mul3A_2, %dma_start3A_755] : memref<50x16384x64xf32, #tpu.memory_space<hbm>> -> memref<1x512x64xf32, #tpu.memory_space<hbm>>
    %dma_start3A_757 = tpu.memref_squeeze %dma_start3A_756 : memref<1x512x64xf32, #tpu.memory_space<hbm>> -> memref<512x64xf32, #tpu.memory_space<hbm>>
    tpu.enqueue_dma source(%arg8 : memref<512x64xf32, #tpu.memory_space<vmem>>) target(%dma_start3A_757 : memref<512x64xf32, #tpu.memory_space<hbm>>) target_semaphore(%arg15 : memref<!tpu.dma_semaphore, #tpu.memory_space<semaphore_mem>>)
    %dma_wait3A_758 = arith.constant 25 : i32
    %dma_wait3A_759 = arith.constant 0 : i32
    %dma_wait3A_760 = tpu.memref_slice %arg4[%dma_wait3A_758, %mul3A_2, %dma_wait3A_759] : memref<50x16384x64xf32, #tpu.memory_space<hbm>> -> memref<1x512x64xf32, #tpu.memory_space<hbm>>
    %dma_wait3A_761 = tpu.memref_squeeze %dma_wait3A_760 : memref<1x512x64xf32, #tpu.memory_space<hbm>> -> memref<512x64xf32, #tpu.memory_space<hbm>>
    %dma_wait3A_762 = arith.constant 0 : i32
    %dma_wait3A_763 = tpu.memref_slice %arg4[%dma_wait3A_758, %mul3A_2, %dma_wait3A_762] : memref<50x16384x64xf32, #tpu.memory_space<hbm>> -> memref<1x512x64xf32, #tpu.memory_space<hbm>>
    %dma_wait3A_764 = tpu.memref_squeeze %dma_wait3A_763 : memref<1x512x64xf32, #tpu.memory_space<hbm>> -> memref<512x64xf32, #tpu.memory_space<hbm>>
    tpu.wait_dma2 semaphore(%arg14 : memref<!tpu.dma_semaphore, #tpu.memory_space<semaphore_mem>>) src(%arg7 : memref<512x64xf32, #tpu.memory_space<vmem>>) dst(%dma_wait3A_764 : memref<512x64xf32, #tpu.memory_space<hbm>>)
    %dma_start3A_765 = arith.constant 28 : i32
    %dma_start3A_766 = arith.constant 0 : i32
    %dma_start3A_767 = tpu.memref_slice %arg5[%dma_start3A_765, %dma_start3A_766] : memref<50x512xi32, #tpu.memory_space<vmem>> -> memref<1x512xi32, #tpu.memory_space<vmem>>
    %dma_start3A_768 = tpu.memref_squeeze %dma_start3A_767 : memref<1x512xi32, #tpu.memory_space<vmem>> -> memref<512xi32, #tpu.memory_space<vmem>>
    %dma_start3A_769 = arith.constant 0 : i32
    %dma_start3A_770 = arith.constant 0 : i32
    %dma_start3A_771 = tpu.memref_slice %arg3[%dma_start3A_769, %dma_start3A_770] : memref<1000000x64xf32, #tpu.memory_space<hbm>> -> memref<1000000x64xf32, #tpu.memory_space<hbm>>
    tpu.enqueue_indirect_dma source(%dma_start3A_771 : memref<1000000x64xf32, #tpu.memory_space<hbm>>) target(%arg7 : memref<512x64xf32, #tpu.memory_space<vmem>>) offsets(%dma_start3A_768 : memref<512xi32, #tpu.memory_space<vmem>>) semaphore(%arg11 : memref<!tpu.dma_semaphore, #tpu.memory_space<semaphore_mem>>)
    %dma_wait3A_772 = arith.constant 27 : i32
    %dma_wait3A_773 = arith.constant 0 : i32
    %dma_wait3A_774 = tpu.memref_slice %arg5[%dma_wait3A_772, %dma_wait3A_773] : memref<50x512xi32, #tpu.memory_space<vmem>> -> memref<1x512xi32, #tpu.memory_space<vmem>>
    %dma_wait3A_775 = tpu.memref_squeeze %dma_wait3A_774 : memref<1x512xi32, #tpu.memory_space<vmem>> -> memref<512xi32, #tpu.memory_space<vmem>>
    %dma_wait3A_776 = arith.constant 0 : i32
    %dma_wait3A_777 = arith.constant 0 : i32
    %dma_wait3A_778 = tpu.memref_slice %arg3[%dma_wait3A_776, %dma_wait3A_777] : memref<1000000x64xf32, #tpu.memory_space<hbm>> -> memref<1000000x64xf32, #tpu.memory_space<hbm>>
    tpu.wait_indirect_dma semaphore(%arg10 : memref<!tpu.dma_semaphore, #tpu.memory_space<semaphore_mem>>) src(%dma_wait3A_778 : memref<1000000x64xf32, #tpu.memory_space<hbm>>) dst(%arg6 : memref<512x64xf32, #tpu.memory_space<vmem>>)
    %dma_start3A_779 = arith.constant 27 : i32
    %dma_start3A_780 = arith.constant 0 : i32
    %dma_start3A_781 = tpu.memref_slice %arg4[%dma_start3A_779, %mul3A_2, %dma_start3A_780] : memref<50x16384x64xf32, #tpu.memory_space<hbm>> -> memref<1x512x64xf32, #tpu.memory_space<hbm>>
    %dma_start3A_782 = tpu.memref_squeeze %dma_start3A_781 : memref<1x512x64xf32, #tpu.memory_space<hbm>> -> memref<512x64xf32, #tpu.memory_space<hbm>>
    %dma_start3A_783 = arith.constant 0 : i32
    %dma_start3A_784 = tpu.memref_slice %arg4[%dma_start3A_779, %mul3A_2, %dma_start3A_783] : memref<50x16384x64xf32, #tpu.memory_space<hbm>> -> memref<1x512x64xf32, #tpu.memory_space<hbm>>
    %dma_start3A_785 = tpu.memref_squeeze %dma_start3A_784 : memref<1x512x64xf32, #tpu.memory_space<hbm>> -> memref<512x64xf32, #tpu.memory_space<hbm>>
    tpu.enqueue_dma source(%arg6 : memref<512x64xf32, #tpu.memory_space<vmem>>) target(%dma_start3A_785 : memref<512x64xf32, #tpu.memory_space<hbm>>) target_semaphore(%arg13 : memref<!tpu.dma_semaphore, #tpu.memory_space<semaphore_mem>>)
    %dma_wait3A_786 = arith.constant 26 : i32
    %dma_wait3A_787 = arith.constant 0 : i32
    %dma_wait3A_788 = tpu.memref_slice %arg4[%dma_wait3A_786, %mul3A_2, %dma_wait3A_787] : memref<50x16384x64xf32, #tpu.memory_space<hbm>> -> memref<1x512x64xf32, #tpu.memory_space<hbm>>
    %dma_wait3A_789 = tpu.memref_squeeze %dma_wait3A_788 : memref<1x512x64xf32, #tpu.memory_space<hbm>> -> memref<512x64xf32, #tpu.memory_space<hbm>>
    %dma_wait3A_790 = arith.constant 0 : i32
    %dma_wait3A_791 = tpu.memref_slice %arg4[%dma_wait3A_786, %mul3A_2, %dma_wait3A_790] : memref<50x16384x64xf32, #tpu.memory_space<hbm>> -> memref<1x512x64xf32, #tpu.memory_space<hbm>>
    %dma_wait3A_792 = tpu.memref_squeeze %dma_wait3A_791 : memref<1x512x64xf32, #tpu.memory_space<hbm>> -> memref<512x64xf32, #tpu.memory_space<hbm>>
    tpu.wait_dma2 semaphore(%arg15 : memref<!tpu.dma_semaphore, #tpu.memory_space<semaphore_mem>>) src(%arg8 : memref<512x64xf32, #tpu.memory_space<vmem>>) dst(%dma_wait3A_792 : memref<512x64xf32, #tpu.memory_space<hbm>>)
    %dma_start3A_793 = arith.constant 29 : i32
    %dma_start3A_794 = arith.constant 0 : i32
    %dma_start3A_795 = tpu.memref_slice %arg5[%dma_start3A_793, %dma_start3A_794] : memref<50x512xi32, #tpu.memory_space<vmem>> -> memref<1x512xi32, #tpu.memory_space<vmem>>
    %dma_start3A_796 = tpu.memref_squeeze %dma_start3A_795 : memref<1x512xi32, #tpu.memory_space<vmem>> -> memref<512xi32, #tpu.memory_space<vmem>>
    %dma_start3A_797 = arith.constant 0 : i32
    %dma_start3A_798 = arith.constant 0 : i32
    %dma_start3A_799 = tpu.memref_slice %arg3[%dma_start3A_797, %dma_start3A_798] : memref<1000000x64xf32, #tpu.memory_space<hbm>> -> memref<1000000x64xf32, #tpu.memory_space<hbm>>
    tpu.enqueue_indirect_dma source(%dma_start3A_799 : memref<1000000x64xf32, #tpu.memory_space<hbm>>) target(%arg8 : memref<512x64xf32, #tpu.memory_space<vmem>>) offsets(%dma_start3A_796 : memref<512xi32, #tpu.memory_space<vmem>>) semaphore(%arg12 : memref<!tpu.dma_semaphore, #tpu.memory_space<semaphore_mem>>)
    %dma_wait3A_800 = arith.constant 28 : i32
    %dma_wait3A_801 = arith.constant 0 : i32
    %dma_wait3A_802 = tpu.memref_slice %arg5[%dma_wait3A_800, %dma_wait3A_801] : memref<50x512xi32, #tpu.memory_space<vmem>> -> memref<1x512xi32, #tpu.memory_space<vmem>>
    %dma_wait3A_803 = tpu.memref_squeeze %dma_wait3A_802 : memref<1x512xi32, #tpu.memory_space<vmem>> -> memref<512xi32, #tpu.memory_space<vmem>>
    %dma_wait3A_804 = arith.constant 0 : i32
    %dma_wait3A_805 = arith.constant 0 : i32
    %dma_wait3A_806 = tpu.memref_slice %arg3[%dma_wait3A_804, %dma_wait3A_805] : memref<1000000x64xf32, #tpu.memory_space<hbm>> -> memref<1000000x64xf32, #tpu.memory_space<hbm>>
    tpu.wait_indirect_dma semaphore(%arg11 : memref<!tpu.dma_semaphore, #tpu.memory_space<semaphore_mem>>) src(%dma_wait3A_806 : memref<1000000x64xf32, #tpu.memory_space<hbm>>) dst(%arg7 : memref<512x64xf32, #tpu.memory_space<vmem>>)
    %dma_start3A_807 = arith.constant 28 : i32
    %dma_start3A_808 = arith.constant 0 : i32
    %dma_start3A_809 = tpu.memref_slice %arg4[%dma_start3A_807, %mul3A_2, %dma_start3A_808] : memref<50x16384x64xf32, #tpu.memory_space<hbm>> -> memref<1x512x64xf32, #tpu.memory_space<hbm>>
    %dma_start3A_810 = tpu.memref_squeeze %dma_start3A_809 : memref<1x512x64xf32, #tpu.memory_space<hbm>> -> memref<512x64xf32, #tpu.memory_space<hbm>>
    %dma_start3A_811 = arith.constant 0 : i32
    %dma_start3A_812 = tpu.memref_slice %arg4[%dma_start3A_807, %mul3A_2, %dma_start3A_811] : memref<50x16384x64xf32, #tpu.memory_space<hbm>> -> memref<1x512x64xf32, #tpu.memory_space<hbm>>
    %dma_start3A_813 = tpu.memref_squeeze %dma_start3A_812 : memref<1x512x64xf32, #tpu.memory_space<hbm>> -> memref<512x64xf32, #tpu.memory_space<hbm>>
    tpu.enqueue_dma source(%arg7 : memref<512x64xf32, #tpu.memory_space<vmem>>) target(%dma_start3A_813 : memref<512x64xf32, #tpu.memory_space<hbm>>) target_semaphore(%arg14 : memref<!tpu.dma_semaphore, #tpu.memory_space<semaphore_mem>>)
    %dma_wait3A_814 = arith.constant 27 : i32
    %dma_wait3A_815 = arith.constant 0 : i32
    %dma_wait3A_816 = tpu.memref_slice %arg4[%dma_wait3A_814, %mul3A_2, %dma_wait3A_815] : memref<50x16384x64xf32, #tpu.memory_space<hbm>> -> memref<1x512x64xf32, #tpu.memory_space<hbm>>
    %dma_wait3A_817 = tpu.memref_squeeze %dma_wait3A_816 : memref<1x512x64xf32, #tpu.memory_space<hbm>> -> memref<512x64xf32, #tpu.memory_space<hbm>>
    %dma_wait3A_818 = arith.constant 0 : i32
    %dma_wait3A_819 = tpu.memref_slice %arg4[%dma_wait3A_814, %mul3A_2, %dma_wait3A_818] : memref<50x16384x64xf32, #tpu.memory_space<hbm>> -> memref<1x512x64xf32, #tpu.memory_space<hbm>>
    %dma_wait3A_820 = tpu.memref_squeeze %dma_wait3A_819 : memref<1x512x64xf32, #tpu.memory_space<hbm>> -> memref<512x64xf32, #tpu.memory_space<hbm>>
    tpu.wait_dma2 semaphore(%arg13 : memref<!tpu.dma_semaphore, #tpu.memory_space<semaphore_mem>>) src(%arg6 : memref<512x64xf32, #tpu.memory_space<vmem>>) dst(%dma_wait3A_820 : memref<512x64xf32, #tpu.memory_space<hbm>>)
    %dma_start3A_821 = arith.constant 30 : i32
    %dma_start3A_822 = arith.constant 0 : i32
    %dma_start3A_823 = tpu.memref_slice %arg5[%dma_start3A_821, %dma_start3A_822] : memref<50x512xi32, #tpu.memory_space<vmem>> -> memref<1x512xi32, #tpu.memory_space<vmem>>
    %dma_start3A_824 = tpu.memref_squeeze %dma_start3A_823 : memref<1x512xi32, #tpu.memory_space<vmem>> -> memref<512xi32, #tpu.memory_space<vmem>>
    %dma_start3A_825 = arith.constant 0 : i32
    %dma_start3A_826 = arith.constant 0 : i32
    %dma_start3A_827 = tpu.memref_slice %arg3[%dma_start3A_825, %dma_start3A_826] : memref<1000000x64xf32, #tpu.memory_space<hbm>> -> memref<1000000x64xf32, #tpu.memory_space<hbm>>
    tpu.enqueue_indirect_dma source(%dma_start3A_827 : memref<1000000x64xf32, #tpu.memory_space<hbm>>) target(%arg6 : memref<512x64xf32, #tpu.memory_space<vmem>>) offsets(%dma_start3A_824 : memref<512xi32, #tpu.memory_space<vmem>>) semaphore(%arg10 : memref<!tpu.dma_semaphore, #tpu.memory_space<semaphore_mem>>)
    %dma_wait3A_828 = arith.constant 29 : i32
    %dma_wait3A_829 = arith.constant 0 : i32
    %dma_wait3A_830 = tpu.memref_slice %arg5[%dma_wait3A_828, %dma_wait3A_829] : memref<50x512xi32, #tpu.memory_space<vmem>> -> memref<1x512xi32, #tpu.memory_space<vmem>>
    %dma_wait3A_831 = tpu.memref_squeeze %dma_wait3A_830 : memref<1x512xi32, #tpu.memory_space<vmem>> -> memref<512xi32, #tpu.memory_space<vmem>>
    %dma_wait3A_832 = arith.constant 0 : i32
    %dma_wait3A_833 = arith.constant 0 : i32
    %dma_wait3A_834 = tpu.memref_slice %arg3[%dma_wait3A_832, %dma_wait3A_833] : memref<1000000x64xf32, #tpu.memory_space<hbm>> -> memref<1000000x64xf32, #tpu.memory_space<hbm>>
    tpu.wait_indirect_dma semaphore(%arg12 : memref<!tpu.dma_semaphore, #tpu.memory_space<semaphore_mem>>) src(%dma_wait3A_834 : memref<1000000x64xf32, #tpu.memory_space<hbm>>) dst(%arg8 : memref<512x64xf32, #tpu.memory_space<vmem>>)
    %dma_start3A_835 = arith.constant 29 : i32
    %dma_start3A_836 = arith.constant 0 : i32
    %dma_start3A_837 = tpu.memref_slice %arg4[%dma_start3A_835, %mul3A_2, %dma_start3A_836] : memref<50x16384x64xf32, #tpu.memory_space<hbm>> -> memref<1x512x64xf32, #tpu.memory_space<hbm>>
    %dma_start3A_838 = tpu.memref_squeeze %dma_start3A_837 : memref<1x512x64xf32, #tpu.memory_space<hbm>> -> memref<512x64xf32, #tpu.memory_space<hbm>>
    %dma_start3A_839 = arith.constant 0 : i32
    %dma_start3A_840 = tpu.memref_slice %arg4[%dma_start3A_835, %mul3A_2, %dma_start3A_839] : memref<50x16384x64xf32, #tpu.memory_space<hbm>> -> memref<1x512x64xf32, #tpu.memory_space<hbm>>
    %dma_start3A_841 = tpu.memref_squeeze %dma_start3A_840 : memref<1x512x64xf32, #tpu.memory_space<hbm>> -> memref<512x64xf32, #tpu.memory_space<hbm>>
    tpu.enqueue_dma source(%arg8 : memref<512x64xf32, #tpu.memory_space<vmem>>) target(%dma_start3A_841 : memref<512x64xf32, #tpu.memory_space<hbm>>) target_semaphore(%arg15 : memref<!tpu.dma_semaphore, #tpu.memory_space<semaphore_mem>>)
    %dma_wait3A_842 = arith.constant 28 : i32
    %dma_wait3A_843 = arith.constant 0 : i32
    %dma_wait3A_844 = tpu.memref_slice %arg4[%dma_wait3A_842, %mul3A_2, %dma_wait3A_843] : memref<50x16384x64xf32, #tpu.memory_space<hbm>> -> memref<1x512x64xf32, #tpu.memory_space<hbm>>
    %dma_wait3A_845 = tpu.memref_squeeze %dma_wait3A_844 : memref<1x512x64xf32, #tpu.memory_space<hbm>> -> memref<512x64xf32, #tpu.memory_space<hbm>>
    %dma_wait3A_846 = arith.constant 0 : i32
    %dma_wait3A_847 = tpu.memref_slice %arg4[%dma_wait3A_842, %mul3A_2, %dma_wait3A_846] : memref<50x16384x64xf32, #tpu.memory_space<hbm>> -> memref<1x512x64xf32, #tpu.memory_space<hbm>>
    %dma_wait3A_848 = tpu.memref_squeeze %dma_wait3A_847 : memref<1x512x64xf32, #tpu.memory_space<hbm>> -> memref<512x64xf32, #tpu.memory_space<hbm>>
    tpu.wait_dma2 semaphore(%arg14 : memref<!tpu.dma_semaphore, #tpu.memory_space<semaphore_mem>>) src(%arg7 : memref<512x64xf32, #tpu.memory_space<vmem>>) dst(%dma_wait3A_848 : memref<512x64xf32, #tpu.memory_space<hbm>>)
    %dma_start3A_849 = arith.constant 31 : i32
    %dma_start3A_850 = arith.constant 0 : i32
    %dma_start3A_851 = tpu.memref_slice %arg5[%dma_start3A_849, %dma_start3A_850] : memref<50x512xi32, #tpu.memory_space<vmem>> -> memref<1x512xi32, #tpu.memory_space<vmem>>
    %dma_start3A_852 = tpu.memref_squeeze %dma_start3A_851 : memref<1x512xi32, #tpu.memory_space<vmem>> -> memref<512xi32, #tpu.memory_space<vmem>>
    %dma_start3A_853 = arith.constant 0 : i32
    %dma_start3A_854 = arith.constant 0 : i32
    %dma_start3A_855 = tpu.memref_slice %arg3[%dma_start3A_853, %dma_start3A_854] : memref<1000000x64xf32, #tpu.memory_space<hbm>> -> memref<1000000x64xf32, #tpu.memory_space<hbm>>
    tpu.enqueue_indirect_dma source(%dma_start3A_855 : memref<1000000x64xf32, #tpu.memory_space<hbm>>) target(%arg7 : memref<512x64xf32, #tpu.memory_space<vmem>>) offsets(%dma_start3A_852 : memref<512xi32, #tpu.memory_space<vmem>>) semaphore(%arg11 : memref<!tpu.dma_semaphore, #tpu.memory_space<semaphore_mem>>)
    %dma_wait3A_856 = arith.constant 30 : i32
    %dma_wait3A_857 = arith.constant 0 : i32
    %dma_wait3A_858 = tpu.memref_slice %arg5[%dma_wait3A_856, %dma_wait3A_857] : memref<50x512xi32, #tpu.memory_space<vmem>> -> memref<1x512xi32, #tpu.memory_space<vmem>>
    %dma_wait3A_859 = tpu.memref_squeeze %dma_wait3A_858 : memref<1x512xi32, #tpu.memory_space<vmem>> -> memref<512xi32, #tpu.memory_space<vmem>>
    %dma_wait3A_860 = arith.constant 0 : i32
    %dma_wait3A_861 = arith.constant 0 : i32
    %dma_wait3A_862 = tpu.memref_slice %arg3[%dma_wait3A_860, %dma_wait3A_861] : memref<1000000x64xf32, #tpu.memory_space<hbm>> -> memref<1000000x64xf32, #tpu.memory_space<hbm>>
    tpu.wait_indirect_dma semaphore(%arg10 : memref<!tpu.dma_semaphore, #tpu.memory_space<semaphore_mem>>) src(%dma_wait3A_862 : memref<1000000x64xf32, #tpu.memory_space<hbm>>) dst(%arg6 : memref<512x64xf32, #tpu.memory_space<vmem>>)
    %dma_start3A_863 = arith.constant 30 : i32
    %dma_start3A_864 = arith.constant 0 : i32
    %dma_start3A_865 = tpu.memref_slice %arg4[%dma_start3A_863, %mul3A_2, %dma_start3A_864] : memref<50x16384x64xf32, #tpu.memory_space<hbm>> -> memref<1x512x64xf32, #tpu.memory_space<hbm>>
    %dma_start3A_866 = tpu.memref_squeeze %dma_start3A_865 : memref<1x512x64xf32, #tpu.memory_space<hbm>> -> memref<512x64xf32, #tpu.memory_space<hbm>>
    %dma_start3A_867 = arith.constant 0 : i32
    %dma_start3A_868 = tpu.memref_slice %arg4[%dma_start3A_863, %mul3A_2, %dma_start3A_867] : memref<50x16384x64xf32, #tpu.memory_space<hbm>> -> memref<1x512x64xf32, #tpu.memory_space<hbm>>
    %dma_start3A_869 = tpu.memref_squeeze %dma_start3A_868 : memref<1x512x64xf32, #tpu.memory_space<hbm>> -> memref<512x64xf32, #tpu.memory_space<hbm>>
    tpu.enqueue_dma source(%arg6 : memref<512x64xf32, #tpu.memory_space<vmem>>) target(%dma_start3A_869 : memref<512x64xf32, #tpu.memory_space<hbm>>) target_semaphore(%arg13 : memref<!tpu.dma_semaphore, #tpu.memory_space<semaphore_mem>>)
    %dma_wait3A_870 = arith.constant 29 : i32
    %dma_wait3A_871 = arith.constant 0 : i32
    %dma_wait3A_872 = tpu.memref_slice %arg4[%dma_wait3A_870, %mul3A_2, %dma_wait3A_871] : memref<50x16384x64xf32, #tpu.memory_space<hbm>> -> memref<1x512x64xf32, #tpu.memory_space<hbm>>
    %dma_wait3A_873 = tpu.memref_squeeze %dma_wait3A_872 : memref<1x512x64xf32, #tpu.memory_space<hbm>> -> memref<512x64xf32, #tpu.memory_space<hbm>>
    %dma_wait3A_874 = arith.constant 0 : i32
    %dma_wait3A_875 = tpu.memref_slice %arg4[%dma_wait3A_870, %mul3A_2, %dma_wait3A_874] : memref<50x16384x64xf32, #tpu.memory_space<hbm>> -> memref<1x512x64xf32, #tpu.memory_space<hbm>>
    %dma_wait3A_876 = tpu.memref_squeeze %dma_wait3A_875 : memref<1x512x64xf32, #tpu.memory_space<hbm>> -> memref<512x64xf32, #tpu.memory_space<hbm>>
    tpu.wait_dma2 semaphore(%arg15 : memref<!tpu.dma_semaphore, #tpu.memory_space<semaphore_mem>>) src(%arg8 : memref<512x64xf32, #tpu.memory_space<vmem>>) dst(%dma_wait3A_876 : memref<512x64xf32, #tpu.memory_space<hbm>>)
    %dma_start3A_877 = arith.constant 32 : i32
    %dma_start3A_878 = arith.constant 0 : i32
    %dma_start3A_879 = tpu.memref_slice %arg5[%dma_start3A_877, %dma_start3A_878] : memref<50x512xi32, #tpu.memory_space<vmem>> -> memref<1x512xi32, #tpu.memory_space<vmem>>
    %dma_start3A_880 = tpu.memref_squeeze %dma_start3A_879 : memref<1x512xi32, #tpu.memory_space<vmem>> -> memref<512xi32, #tpu.memory_space<vmem>>
    %dma_start3A_881 = arith.constant 0 : i32
    %dma_start3A_882 = arith.constant 0 : i32
    %dma_start3A_883 = tpu.memref_slice %arg3[%dma_start3A_881, %dma_start3A_882] : memref<1000000x64xf32, #tpu.memory_space<hbm>> -> memref<1000000x64xf32, #tpu.memory_space<hbm>>
    tpu.enqueue_indirect_dma source(%dma_start3A_883 : memref<1000000x64xf32, #tpu.memory_space<hbm>>) target(%arg8 : memref<512x64xf32, #tpu.memory_space<vmem>>) offsets(%dma_start3A_880 : memref<512xi32, #tpu.memory_space<vmem>>) semaphore(%arg12 : memref<!tpu.dma_semaphore, #tpu.memory_space<semaphore_mem>>)
    %dma_wait3A_884 = arith.constant 31 : i32
    %dma_wait3A_885 = arith.constant 0 : i32
    %dma_wait3A_886 = tpu.memref_slice %arg5[%dma_wait3A_884, %dma_wait3A_885] : memref<50x512xi32, #tpu.memory_space<vmem>> -> memref<1x512xi32, #tpu.memory_space<vmem>>
    %dma_wait3A_887 = tpu.memref_squeeze %dma_wait3A_886 : memref<1x512xi32, #tpu.memory_space<vmem>> -> memref<512xi32, #tpu.memory_space<vmem>>
    %dma_wait3A_888 = arith.constant 0 : i32
    %dma_wait3A_889 = arith.constant 0 : i32
    %dma_wait3A_890 = tpu.memref_slice %arg3[%dma_wait3A_888, %dma_wait3A_889] : memref<1000000x64xf32, #tpu.memory_space<hbm>> -> memref<1000000x64xf32, #tpu.memory_space<hbm>>
    tpu.wait_indirect_dma semaphore(%arg11 : memref<!tpu.dma_semaphore, #tpu.memory_space<semaphore_mem>>) src(%dma_wait3A_890 : memref<1000000x64xf32, #tpu.memory_space<hbm>>) dst(%arg7 : memref<512x64xf32, #tpu.memory_space<vmem>>)
    %dma_start3A_891 = arith.constant 31 : i32
    %dma_start3A_892 = arith.constant 0 : i32
    %dma_start3A_893 = tpu.memref_slice %arg4[%dma_start3A_891, %mul3A_2, %dma_start3A_892] : memref<50x16384x64xf32, #tpu.memory_space<hbm>> -> memref<1x512x64xf32, #tpu.memory_space<hbm>>
    %dma_start3A_894 = tpu.memref_squeeze %dma_start3A_893 : memref<1x512x64xf32, #tpu.memory_space<hbm>> -> memref<512x64xf32, #tpu.memory_space<hbm>>
    %dma_start3A_895 = arith.constant 0 : i32
    %dma_start3A_896 = tpu.memref_slice %arg4[%dma_start3A_891, %mul3A_2, %dma_start3A_895] : memref<50x16384x64xf32, #tpu.memory_space<hbm>> -> memref<1x512x64xf32, #tpu.memory_space<hbm>>
    %dma_start3A_897 = tpu.memref_squeeze %dma_start3A_896 : memref<1x512x64xf32, #tpu.memory_space<hbm>> -> memref<512x64xf32, #tpu.memory_space<hbm>>
    tpu.enqueue_dma source(%arg7 : memref<512x64xf32, #tpu.memory_space<vmem>>) target(%dma_start3A_897 : memref<512x64xf32, #tpu.memory_space<hbm>>) target_semaphore(%arg14 : memref<!tpu.dma_semaphore, #tpu.memory_space<semaphore_mem>>)
    %dma_wait3A_898 = arith.constant 30 : i32
    %dma_wait3A_899 = arith.constant 0 : i32
    %dma_wait3A_900 = tpu.memref_slice %arg4[%dma_wait3A_898, %mul3A_2, %dma_wait3A_899] : memref<50x16384x64xf32, #tpu.memory_space<hbm>> -> memref<1x512x64xf32, #tpu.memory_space<hbm>>
    %dma_wait3A_901 = tpu.memref_squeeze %dma_wait3A_900 : memref<1x512x64xf32, #tpu.memory_space<hbm>> -> memref<512x64xf32, #tpu.memory_space<hbm>>
    %dma_wait3A_902 = arith.constant 0 : i32
    %dma_wait3A_903 = tpu.memref_slice %arg4[%dma_wait3A_898, %mul3A_2, %dma_wait3A_902] : memref<50x16384x64xf32, #tpu.memory_space<hbm>> -> memref<1x512x64xf32, #tpu.memory_space<hbm>>
    %dma_wait3A_904 = tpu.memref_squeeze %dma_wait3A_903 : memref<1x512x64xf32, #tpu.memory_space<hbm>> -> memref<512x64xf32, #tpu.memory_space<hbm>>
    tpu.wait_dma2 semaphore(%arg13 : memref<!tpu.dma_semaphore, #tpu.memory_space<semaphore_mem>>) src(%arg6 : memref<512x64xf32, #tpu.memory_space<vmem>>) dst(%dma_wait3A_904 : memref<512x64xf32, #tpu.memory_space<hbm>>)
    %dma_start3A_905 = arith.constant 33 : i32
    %dma_start3A_906 = arith.constant 0 : i32
    %dma_start3A_907 = tpu.memref_slice %arg5[%dma_start3A_905, %dma_start3A_906] : memref<50x512xi32, #tpu.memory_space<vmem>> -> memref<1x512xi32, #tpu.memory_space<vmem>>
    %dma_start3A_908 = tpu.memref_squeeze %dma_start3A_907 : memref<1x512xi32, #tpu.memory_space<vmem>> -> memref<512xi32, #tpu.memory_space<vmem>>
    %dma_start3A_909 = arith.constant 0 : i32
    %dma_start3A_910 = arith.constant 0 : i32
    %dma_start3A_911 = tpu.memref_slice %arg3[%dma_start3A_909, %dma_start3A_910] : memref<1000000x64xf32, #tpu.memory_space<hbm>> -> memref<1000000x64xf32, #tpu.memory_space<hbm>>
    tpu.enqueue_indirect_dma source(%dma_start3A_911 : memref<1000000x64xf32, #tpu.memory_space<hbm>>) target(%arg6 : memref<512x64xf32, #tpu.memory_space<vmem>>) offsets(%dma_start3A_908 : memref<512xi32, #tpu.memory_space<vmem>>) semaphore(%arg10 : memref<!tpu.dma_semaphore, #tpu.memory_space<semaphore_mem>>)
    %dma_wait3A_912 = arith.constant 32 : i32
    %dma_wait3A_913 = arith.constant 0 : i32
    %dma_wait3A_914 = tpu.memref_slice %arg5[%dma_wait3A_912, %dma_wait3A_913] : memref<50x512xi32, #tpu.memory_space<vmem>> -> memref<1x512xi32, #tpu.memory_space<vmem>>
    %dma_wait3A_915 = tpu.memref_squeeze %dma_wait3A_914 : memref<1x512xi32, #tpu.memory_space<vmem>> -> memref<512xi32, #tpu.memory_space<vmem>>
    %dma_wait3A_916 = arith.constant 0 : i32
    %dma_wait3A_917 = arith.constant 0 : i32
    %dma_wait3A_918 = tpu.memref_slice %arg3[%dma_wait3A_916, %dma_wait3A_917] : memref<1000000x64xf32, #tpu.memory_space<hbm>> -> memref<1000000x64xf32, #tpu.memory_space<hbm>>
    tpu.wait_indirect_dma semaphore(%arg12 : memref<!tpu.dma_semaphore, #tpu.memory_space<semaphore_mem>>) src(%dma_wait3A_918 : memref<1000000x64xf32, #tpu.memory_space<hbm>>) dst(%arg8 : memref<512x64xf32, #tpu.memory_space<vmem>>)
    %dma_start3A_919 = arith.constant 32 : i32
    %dma_start3A_920 = arith.constant 0 : i32
    %dma_start3A_921 = tpu.memref_slice %arg4[%dma_start3A_919, %mul3A_2, %dma_start3A_920] : memref<50x16384x64xf32, #tpu.memory_space<hbm>> -> memref<1x512x64xf32, #tpu.memory_space<hbm>>
    %dma_start3A_922 = tpu.memref_squeeze %dma_start3A_921 : memref<1x512x64xf32, #tpu.memory_space<hbm>> -> memref<512x64xf32, #tpu.memory_space<hbm>>
    %dma_start3A_923 = arith.constant 0 : i32
    %dma_start3A_924 = tpu.memref_slice %arg4[%dma_start3A_919, %mul3A_2, %dma_start3A_923] : memref<50x16384x64xf32, #tpu.memory_space<hbm>> -> memref<1x512x64xf32, #tpu.memory_space<hbm>>
    %dma_start3A_925 = tpu.memref_squeeze %dma_start3A_924 : memref<1x512x64xf32, #tpu.memory_space<hbm>> -> memref<512x64xf32, #tpu.memory_space<hbm>>
    tpu.enqueue_dma source(%arg8 : memref<512x64xf32, #tpu.memory_space<vmem>>) target(%dma_start3A_925 : memref<512x64xf32, #tpu.memory_space<hbm>>) target_semaphore(%arg15 : memref<!tpu.dma_semaphore, #tpu.memory_space<semaphore_mem>>)
    %dma_wait3A_926 = arith.constant 31 : i32
    %dma_wait3A_927 = arith.constant 0 : i32
    %dma_wait3A_928 = tpu.memref_slice %arg4[%dma_wait3A_926, %mul3A_2, %dma_wait3A_927] : memref<50x16384x64xf32, #tpu.memory_space<hbm>> -> memref<1x512x64xf32, #tpu.memory_space<hbm>>
    %dma_wait3A_929 = tpu.memref_squeeze %dma_wait3A_928 : memref<1x512x64xf32, #tpu.memory_space<hbm>> -> memref<512x64xf32, #tpu.memory_space<hbm>>
    %dma_wait3A_930 = arith.constant 0 : i32
    %dma_wait3A_931 = tpu.memref_slice %arg4[%dma_wait3A_926, %mul3A_2, %dma_wait3A_930] : memref<50x16384x64xf32, #tpu.memory_space<hbm>> -> memref<1x512x64xf32, #tpu.memory_space<hbm>>
    %dma_wait3A_932 = tpu.memref_squeeze %dma_wait3A_931 : memref<1x512x64xf32, #tpu.memory_space<hbm>> -> memref<512x64xf32, #tpu.memory_space<hbm>>
    tpu.wait_dma2 semaphore(%arg14 : memref<!tpu.dma_semaphore, #tpu.memory_space<semaphore_mem>>) src(%arg7 : memref<512x64xf32, #tpu.memory_space<vmem>>) dst(%dma_wait3A_932 : memref<512x64xf32, #tpu.memory_space<hbm>>)
    %dma_start3A_933 = arith.constant 34 : i32
    %dma_start3A_934 = arith.constant 0 : i32
    %dma_start3A_935 = tpu.memref_slice %arg5[%dma_start3A_933, %dma_start3A_934] : memref<50x512xi32, #tpu.memory_space<vmem>> -> memref<1x512xi32, #tpu.memory_space<vmem>>
    %dma_start3A_936 = tpu.memref_squeeze %dma_start3A_935 : memref<1x512xi32, #tpu.memory_space<vmem>> -> memref<512xi32, #tpu.memory_space<vmem>>
    %dma_start3A_937 = arith.constant 0 : i32
    %dma_start3A_938 = arith.constant 0 : i32
    %dma_start3A_939 = tpu.memref_slice %arg3[%dma_start3A_937, %dma_start3A_938] : memref<1000000x64xf32, #tpu.memory_space<hbm>> -> memref<1000000x64xf32, #tpu.memory_space<hbm>>
    tpu.enqueue_indirect_dma source(%dma_start3A_939 : memref<1000000x64xf32, #tpu.memory_space<hbm>>) target(%arg7 : memref<512x64xf32, #tpu.memory_space<vmem>>) offsets(%dma_start3A_936 : memref<512xi32, #tpu.memory_space<vmem>>) semaphore(%arg11 : memref<!tpu.dma_semaphore, #tpu.memory_space<semaphore_mem>>)
    %dma_wait3A_940 = arith.constant 33 : i32
    %dma_wait3A_941 = arith.constant 0 : i32
    %dma_wait3A_942 = tpu.memref_slice %arg5[%dma_wait3A_940, %dma_wait3A_941] : memref<50x512xi32, #tpu.memory_space<vmem>> -> memref<1x512xi32, #tpu.memory_space<vmem>>
    %dma_wait3A_943 = tpu.memref_squeeze %dma_wait3A_942 : memref<1x512xi32, #tpu.memory_space<vmem>> -> memref<512xi32, #tpu.memory_space<vmem>>
    %dma_wait3A_944 = arith.constant 0 : i32
    %dma_wait3A_945 = arith.constant 0 : i32
    %dma_wait3A_946 = tpu.memref_slice %arg3[%dma_wait3A_944, %dma_wait3A_945] : memref<1000000x64xf32, #tpu.memory_space<hbm>> -> memref<1000000x64xf32, #tpu.memory_space<hbm>>
    tpu.wait_indirect_dma semaphore(%arg10 : memref<!tpu.dma_semaphore, #tpu.memory_space<semaphore_mem>>) src(%dma_wait3A_946 : memref<1000000x64xf32, #tpu.memory_space<hbm>>) dst(%arg6 : memref<512x64xf32, #tpu.memory_space<vmem>>)
    %dma_start3A_947 = arith.constant 33 : i32
    %dma_start3A_948 = arith.constant 0 : i32
    %dma_start3A_949 = tpu.memref_slice %arg4[%dma_start3A_947, %mul3A_2, %dma_start3A_948] : memref<50x16384x64xf32, #tpu.memory_space<hbm>> -> memref<1x512x64xf32, #tpu.memory_space<hbm>>
    %dma_start3A_950 = tpu.memref_squeeze %dma_start3A_949 : memref<1x512x64xf32, #tpu.memory_space<hbm>> -> memref<512x64xf32, #tpu.memory_space<hbm>>
    %dma_start3A_951 = arith.constant 0 : i32
    %dma_start3A_952 = tpu.memref_slice %arg4[%dma_start3A_947, %mul3A_2, %dma_start3A_951] : memref<50x16384x64xf32, #tpu.memory_space<hbm>> -> memref<1x512x64xf32, #tpu.memory_space<hbm>>
    %dma_start3A_953 = tpu.memref_squeeze %dma_start3A_952 : memref<1x512x64xf32, #tpu.memory_space<hbm>> -> memref<512x64xf32, #tpu.memory_space<hbm>>
    tpu.enqueue_dma source(%arg6 : memref<512x64xf32, #tpu.memory_space<vmem>>) target(%dma_start3A_953 : memref<512x64xf32, #tpu.memory_space<hbm>>) target_semaphore(%arg13 : memref<!tpu.dma_semaphore, #tpu.memory_space<semaphore_mem>>)
    %dma_wait3A_954 = arith.constant 32 : i32
    %dma_wait3A_955 = arith.constant 0 : i32
    %dma_wait3A_956 = tpu.memref_slice %arg4[%dma_wait3A_954, %mul3A_2, %dma_wait3A_955] : memref<50x16384x64xf32, #tpu.memory_space<hbm>> -> memref<1x512x64xf32, #tpu.memory_space<hbm>>
    %dma_wait3A_957 = tpu.memref_squeeze %dma_wait3A_956 : memref<1x512x64xf32, #tpu.memory_space<hbm>> -> memref<512x64xf32, #tpu.memory_space<hbm>>
    %dma_wait3A_958 = arith.constant 0 : i32
    %dma_wait3A_959 = tpu.memref_slice %arg4[%dma_wait3A_954, %mul3A_2, %dma_wait3A_958] : memref<50x16384x64xf32, #tpu.memory_space<hbm>> -> memref<1x512x64xf32, #tpu.memory_space<hbm>>
    %dma_wait3A_960 = tpu.memref_squeeze %dma_wait3A_959 : memref<1x512x64xf32, #tpu.memory_space<hbm>> -> memref<512x64xf32, #tpu.memory_space<hbm>>
    tpu.wait_dma2 semaphore(%arg15 : memref<!tpu.dma_semaphore, #tpu.memory_space<semaphore_mem>>) src(%arg8 : memref<512x64xf32, #tpu.memory_space<vmem>>) dst(%dma_wait3A_960 : memref<512x64xf32, #tpu.memory_space<hbm>>)
    %dma_start3A_961 = arith.constant 35 : i32
    %dma_start3A_962 = arith.constant 0 : i32
    %dma_start3A_963 = tpu.memref_slice %arg5[%dma_start3A_961, %dma_start3A_962] : memref<50x512xi32, #tpu.memory_space<vmem>> -> memref<1x512xi32, #tpu.memory_space<vmem>>
    %dma_start3A_964 = tpu.memref_squeeze %dma_start3A_963 : memref<1x512xi32, #tpu.memory_space<vmem>> -> memref<512xi32, #tpu.memory_space<vmem>>
    %dma_start3A_965 = arith.constant 0 : i32
    %dma_start3A_966 = arith.constant 0 : i32
    %dma_start3A_967 = tpu.memref_slice %arg3[%dma_start3A_965, %dma_start3A_966] : memref<1000000x64xf32, #tpu.memory_space<hbm>> -> memref<1000000x64xf32, #tpu.memory_space<hbm>>
    tpu.enqueue_indirect_dma source(%dma_start3A_967 : memref<1000000x64xf32, #tpu.memory_space<hbm>>) target(%arg8 : memref<512x64xf32, #tpu.memory_space<vmem>>) offsets(%dma_start3A_964 : memref<512xi32, #tpu.memory_space<vmem>>) semaphore(%arg12 : memref<!tpu.dma_semaphore, #tpu.memory_space<semaphore_mem>>)
    %dma_wait3A_968 = arith.constant 34 : i32
    %dma_wait3A_969 = arith.constant 0 : i32
    %dma_wait3A_970 = tpu.memref_slice %arg5[%dma_wait3A_968, %dma_wait3A_969] : memref<50x512xi32, #tpu.memory_space<vmem>> -> memref<1x512xi32, #tpu.memory_space<vmem>>
    %dma_wait3A_971 = tpu.memref_squeeze %dma_wait3A_970 : memref<1x512xi32, #tpu.memory_space<vmem>> -> memref<512xi32, #tpu.memory_space<vmem>>
    %dma_wait3A_972 = arith.constant 0 : i32
    %dma_wait3A_973 = arith.constant 0 : i32
    %dma_wait3A_974 = tpu.memref_slice %arg3[%dma_wait3A_972, %dma_wait3A_973] : memref<1000000x64xf32, #tpu.memory_space<hbm>> -> memref<1000000x64xf32, #tpu.memory_space<hbm>>
    tpu.wait_indirect_dma semaphore(%arg11 : memref<!tpu.dma_semaphore, #tpu.memory_space<semaphore_mem>>) src(%dma_wait3A_974 : memref<1000000x64xf32, #tpu.memory_space<hbm>>) dst(%arg7 : memref<512x64xf32, #tpu.memory_space<vmem>>)
    %dma_start3A_975 = arith.constant 34 : i32
    %dma_start3A_976 = arith.constant 0 : i32
    %dma_start3A_977 = tpu.memref_slice %arg4[%dma_start3A_975, %mul3A_2, %dma_start3A_976] : memref<50x16384x64xf32, #tpu.memory_space<hbm>> -> memref<1x512x64xf32, #tpu.memory_space<hbm>>
    %dma_start3A_978 = tpu.memref_squeeze %dma_start3A_977 : memref<1x512x64xf32, #tpu.memory_space<hbm>> -> memref<512x64xf32, #tpu.memory_space<hbm>>
    %dma_start3A_979 = arith.constant 0 : i32
    %dma_start3A_980 = tpu.memref_slice %arg4[%dma_start3A_975, %mul3A_2, %dma_start3A_979] : memref<50x16384x64xf32, #tpu.memory_space<hbm>> -> memref<1x512x64xf32, #tpu.memory_space<hbm>>
    %dma_start3A_981 = tpu.memref_squeeze %dma_start3A_980 : memref<1x512x64xf32, #tpu.memory_space<hbm>> -> memref<512x64xf32, #tpu.memory_space<hbm>>
    tpu.enqueue_dma source(%arg7 : memref<512x64xf32, #tpu.memory_space<vmem>>) target(%dma_start3A_981 : memref<512x64xf32, #tpu.memory_space<hbm>>) target_semaphore(%arg14 : memref<!tpu.dma_semaphore, #tpu.memory_space<semaphore_mem>>)
    %dma_wait3A_982 = arith.constant 33 : i32
    %dma_wait3A_983 = arith.constant 0 : i32
    %dma_wait3A_984 = tpu.memref_slice %arg4[%dma_wait3A_982, %mul3A_2, %dma_wait3A_983] : memref<50x16384x64xf32, #tpu.memory_space<hbm>> -> memref<1x512x64xf32, #tpu.memory_space<hbm>>
    %dma_wait3A_985 = tpu.memref_squeeze %dma_wait3A_984 : memref<1x512x64xf32, #tpu.memory_space<hbm>> -> memref<512x64xf32, #tpu.memory_space<hbm>>
    %dma_wait3A_986 = arith.constant 0 : i32
    %dma_wait3A_987 = tpu.memref_slice %arg4[%dma_wait3A_982, %mul3A_2, %dma_wait3A_986] : memref<50x16384x64xf32, #tpu.memory_space<hbm>> -> memref<1x512x64xf32, #tpu.memory_space<hbm>>
    %dma_wait3A_988 = tpu.memref_squeeze %dma_wait3A_987 : memref<1x512x64xf32, #tpu.memory_space<hbm>> -> memref<512x64xf32, #tpu.memory_space<hbm>>
    tpu.wait_dma2 semaphore(%arg13 : memref<!tpu.dma_semaphore, #tpu.memory_space<semaphore_mem>>) src(%arg6 : memref<512x64xf32, #tpu.memory_space<vmem>>) dst(%dma_wait3A_988 : memref<512x64xf32, #tpu.memory_space<hbm>>)
    %dma_start3A_989 = arith.constant 36 : i32
    %dma_start3A_990 = arith.constant 0 : i32
    %dma_start3A_991 = tpu.memref_slice %arg5[%dma_start3A_989, %dma_start3A_990] : memref<50x512xi32, #tpu.memory_space<vmem>> -> memref<1x512xi32, #tpu.memory_space<vmem>>
    %dma_start3A_992 = tpu.memref_squeeze %dma_start3A_991 : memref<1x512xi32, #tpu.memory_space<vmem>> -> memref<512xi32, #tpu.memory_space<vmem>>
    %dma_start3A_993 = arith.constant 0 : i32
    %dma_start3A_994 = arith.constant 0 : i32
    %dma_start3A_995 = tpu.memref_slice %arg3[%dma_start3A_993, %dma_start3A_994] : memref<1000000x64xf32, #tpu.memory_space<hbm>> -> memref<1000000x64xf32, #tpu.memory_space<hbm>>
    tpu.enqueue_indirect_dma source(%dma_start3A_995 : memref<1000000x64xf32, #tpu.memory_space<hbm>>) target(%arg6 : memref<512x64xf32, #tpu.memory_space<vmem>>) offsets(%dma_start3A_992 : memref<512xi32, #tpu.memory_space<vmem>>) semaphore(%arg10 : memref<!tpu.dma_semaphore, #tpu.memory_space<semaphore_mem>>)
    %dma_wait3A_996 = arith.constant 35 : i32
    %dma_wait3A_997 = arith.constant 0 : i32
    %dma_wait3A_998 = tpu.memref_slice %arg5[%dma_wait3A_996, %dma_wait3A_997] : memref<50x512xi32, #tpu.memory_space<vmem>> -> memref<1x512xi32, #tpu.memory_space<vmem>>
    %dma_wait3A_999 = tpu.memref_squeeze %dma_wait3A_998 : memref<1x512xi32, #tpu.memory_space<vmem>> -> memref<512xi32, #tpu.memory_space<vmem>>
    %dma_wait3A_1000 = arith.constant 0 : i32
    %dma_wait3A_1001 = arith.constant 0 : i32
    %dma_wait3A_1002 = tpu.memref_slice %arg3[%dma_wait3A_1000, %dma_wait3A_1001] : memref<1000000x64xf32, #tpu.memory_space<hbm>> -> memref<1000000x64xf32, #tpu.memory_space<hbm>>
    tpu.wait_indirect_dma semaphore(%arg12 : memref<!tpu.dma_semaphore, #tpu.memory_space<semaphore_mem>>) src(%dma_wait3A_1002 : memref<1000000x64xf32, #tpu.memory_space<hbm>>) dst(%arg8 : memref<512x64xf32, #tpu.memory_space<vmem>>)
    %dma_start3A_1003 = arith.constant 35 : i32
    %dma_start3A_1004 = arith.constant 0 : i32
    %dma_start3A_1005 = tpu.memref_slice %arg4[%dma_start3A_1003, %mul3A_2, %dma_start3A_1004] : memref<50x16384x64xf32, #tpu.memory_space<hbm>> -> memref<1x512x64xf32, #tpu.memory_space<hbm>>
    %dma_start3A_1006 = tpu.memref_squeeze %dma_start3A_1005 : memref<1x512x64xf32, #tpu.memory_space<hbm>> -> memref<512x64xf32, #tpu.memory_space<hbm>>
    %dma_start3A_1007 = arith.constant 0 : i32
    %dma_start3A_1008 = tpu.memref_slice %arg4[%dma_start3A_1003, %mul3A_2, %dma_start3A_1007] : memref<50x16384x64xf32, #tpu.memory_space<hbm>> -> memref<1x512x64xf32, #tpu.memory_space<hbm>>
    %dma_start3A_1009 = tpu.memref_squeeze %dma_start3A_1008 : memref<1x512x64xf32, #tpu.memory_space<hbm>> -> memref<512x64xf32, #tpu.memory_space<hbm>>
    tpu.enqueue_dma source(%arg8 : memref<512x64xf32, #tpu.memory_space<vmem>>) target(%dma_start3A_1009 : memref<512x64xf32, #tpu.memory_space<hbm>>) target_semaphore(%arg15 : memref<!tpu.dma_semaphore, #tpu.memory_space<semaphore_mem>>)
    %dma_wait3A_1010 = arith.constant 34 : i32
    %dma_wait3A_1011 = arith.constant 0 : i32
    %dma_wait3A_1012 = tpu.memref_slice %arg4[%dma_wait3A_1010, %mul3A_2, %dma_wait3A_1011] : memref<50x16384x64xf32, #tpu.memory_space<hbm>> -> memref<1x512x64xf32, #tpu.memory_space<hbm>>
    %dma_wait3A_1013 = tpu.memref_squeeze %dma_wait3A_1012 : memref<1x512x64xf32, #tpu.memory_space<hbm>> -> memref<512x64xf32, #tpu.memory_space<hbm>>
    %dma_wait3A_1014 = arith.constant 0 : i32
    %dma_wait3A_1015 = tpu.memref_slice %arg4[%dma_wait3A_1010, %mul3A_2, %dma_wait3A_1014] : memref<50x16384x64xf32, #tpu.memory_space<hbm>> -> memref<1x512x64xf32, #tpu.memory_space<hbm>>
    %dma_wait3A_1016 = tpu.memref_squeeze %dma_wait3A_1015 : memref<1x512x64xf32, #tpu.memory_space<hbm>> -> memref<512x64xf32, #tpu.memory_space<hbm>>
    tpu.wait_dma2 semaphore(%arg14 : memref<!tpu.dma_semaphore, #tpu.memory_space<semaphore_mem>>) src(%arg7 : memref<512x64xf32, #tpu.memory_space<vmem>>) dst(%dma_wait3A_1016 : memref<512x64xf32, #tpu.memory_space<hbm>>)
    %dma_start3A_1017 = arith.constant 37 : i32
    %dma_start3A_1018 = arith.constant 0 : i32
    %dma_start3A_1019 = tpu.memref_slice %arg5[%dma_start3A_1017, %dma_start3A_1018] : memref<50x512xi32, #tpu.memory_space<vmem>> -> memref<1x512xi32, #tpu.memory_space<vmem>>
    %dma_start3A_1020 = tpu.memref_squeeze %dma_start3A_1019 : memref<1x512xi32, #tpu.memory_space<vmem>> -> memref<512xi32, #tpu.memory_space<vmem>>
    %dma_start3A_1021 = arith.constant 0 : i32
    %dma_start3A_1022 = arith.constant 0 : i32
    %dma_start3A_1023 = tpu.memref_slice %arg3[%dma_start3A_1021, %dma_start3A_1022] : memref<1000000x64xf32, #tpu.memory_space<hbm>> -> memref<1000000x64xf32, #tpu.memory_space<hbm>>
    tpu.enqueue_indirect_dma source(%dma_start3A_1023 : memref<1000000x64xf32, #tpu.memory_space<hbm>>) target(%arg7 : memref<512x64xf32, #tpu.memory_space<vmem>>) offsets(%dma_start3A_1020 : memref<512xi32, #tpu.memory_space<vmem>>) semaphore(%arg11 : memref<!tpu.dma_semaphore, #tpu.memory_space<semaphore_mem>>)
    %dma_wait3A_1024 = arith.constant 36 : i32
    %dma_wait3A_1025 = arith.constant 0 : i32
    %dma_wait3A_1026 = tpu.memref_slice %arg5[%dma_wait3A_1024, %dma_wait3A_1025] : memref<50x512xi32, #tpu.memory_space<vmem>> -> memref<1x512xi32, #tpu.memory_space<vmem>>
    %dma_wait3A_1027 = tpu.memref_squeeze %dma_wait3A_1026 : memref<1x512xi32, #tpu.memory_space<vmem>> -> memref<512xi32, #tpu.memory_space<vmem>>
    %dma_wait3A_1028 = arith.constant 0 : i32
    %dma_wait3A_1029 = arith.constant 0 : i32
    %dma_wait3A_1030 = tpu.memref_slice %arg3[%dma_wait3A_1028, %dma_wait3A_1029] : memref<1000000x64xf32, #tpu.memory_space<hbm>> -> memref<1000000x64xf32, #tpu.memory_space<hbm>>
    tpu.wait_indirect_dma semaphore(%arg10 : memref<!tpu.dma_semaphore, #tpu.memory_space<semaphore_mem>>) src(%dma_wait3A_1030 : memref<1000000x64xf32, #tpu.memory_space<hbm>>) dst(%arg6 : memref<512x64xf32, #tpu.memory_space<vmem>>)
    %dma_start3A_1031 = arith.constant 36 : i32
    %dma_start3A_1032 = arith.constant 0 : i32
    %dma_start3A_1033 = tpu.memref_slice %arg4[%dma_start3A_1031, %mul3A_2, %dma_start3A_1032] : memref<50x16384x64xf32, #tpu.memory_space<hbm>> -> memref<1x512x64xf32, #tpu.memory_space<hbm>>
    %dma_start3A_1034 = tpu.memref_squeeze %dma_start3A_1033 : memref<1x512x64xf32, #tpu.memory_space<hbm>> -> memref<512x64xf32, #tpu.memory_space<hbm>>
    %dma_start3A_1035 = arith.constant 0 : i32
    %dma_start3A_1036 = tpu.memref_slice %arg4[%dma_start3A_1031, %mul3A_2, %dma_start3A_1035] : memref<50x16384x64xf32, #tpu.memory_space<hbm>> -> memref<1x512x64xf32, #tpu.memory_space<hbm>>
    %dma_start3A_1037 = tpu.memref_squeeze %dma_start3A_1036 : memref<1x512x64xf32, #tpu.memory_space<hbm>> -> memref<512x64xf32, #tpu.memory_space<hbm>>
    tpu.enqueue_dma source(%arg6 : memref<512x64xf32, #tpu.memory_space<vmem>>) target(%dma_start3A_1037 : memref<512x64xf32, #tpu.memory_space<hbm>>) target_semaphore(%arg13 : memref<!tpu.dma_semaphore, #tpu.memory_space<semaphore_mem>>)
    %dma_wait3A_1038 = arith.constant 35 : i32
    %dma_wait3A_1039 = arith.constant 0 : i32
    %dma_wait3A_1040 = tpu.memref_slice %arg4[%dma_wait3A_1038, %mul3A_2, %dma_wait3A_1039] : memref<50x16384x64xf32, #tpu.memory_space<hbm>> -> memref<1x512x64xf32, #tpu.memory_space<hbm>>
    %dma_wait3A_1041 = tpu.memref_squeeze %dma_wait3A_1040 : memref<1x512x64xf32, #tpu.memory_space<hbm>> -> memref<512x64xf32, #tpu.memory_space<hbm>>
    %dma_wait3A_1042 = arith.constant 0 : i32
    %dma_wait3A_1043 = tpu.memref_slice %arg4[%dma_wait3A_1038, %mul3A_2, %dma_wait3A_1042] : memref<50x16384x64xf32, #tpu.memory_space<hbm>> -> memref<1x512x64xf32, #tpu.memory_space<hbm>>
    %dma_wait3A_1044 = tpu.memref_squeeze %dma_wait3A_1043 : memref<1x512x64xf32, #tpu.memory_space<hbm>> -> memref<512x64xf32, #tpu.memory_space<hbm>>
    tpu.wait_dma2 semaphore(%arg15 : memref<!tpu.dma_semaphore, #tpu.memory_space<semaphore_mem>>) src(%arg8 : memref<512x64xf32, #tpu.memory_space<vmem>>) dst(%dma_wait3A_1044 : memref<512x64xf32, #tpu.memory_space<hbm>>)
    %dma_start3A_1045 = arith.constant 38 : i32
    %dma_start3A_1046 = arith.constant 0 : i32
    %dma_start3A_1047 = tpu.memref_slice %arg5[%dma_start3A_1045, %dma_start3A_1046] : memref<50x512xi32, #tpu.memory_space<vmem>> -> memref<1x512xi32, #tpu.memory_space<vmem>>
    %dma_start3A_1048 = tpu.memref_squeeze %dma_start3A_1047 : memref<1x512xi32, #tpu.memory_space<vmem>> -> memref<512xi32, #tpu.memory_space<vmem>>
    %dma_start3A_1049 = arith.constant 0 : i32
    %dma_start3A_1050 = arith.constant 0 : i32
    %dma_start3A_1051 = tpu.memref_slice %arg3[%dma_start3A_1049, %dma_start3A_1050] : memref<1000000x64xf32, #tpu.memory_space<hbm>> -> memref<1000000x64xf32, #tpu.memory_space<hbm>>
    tpu.enqueue_indirect_dma source(%dma_start3A_1051 : memref<1000000x64xf32, #tpu.memory_space<hbm>>) target(%arg8 : memref<512x64xf32, #tpu.memory_space<vmem>>) offsets(%dma_start3A_1048 : memref<512xi32, #tpu.memory_space<vmem>>) semaphore(%arg12 : memref<!tpu.dma_semaphore, #tpu.memory_space<semaphore_mem>>)
    %dma_wait3A_1052 = arith.constant 37 : i32
    %dma_wait3A_1053 = arith.constant 0 : i32
    %dma_wait3A_1054 = tpu.memref_slice %arg5[%dma_wait3A_1052, %dma_wait3A_1053] : memref<50x512xi32, #tpu.memory_space<vmem>> -> memref<1x512xi32, #tpu.memory_space<vmem>>
    %dma_wait3A_1055 = tpu.memref_squeeze %dma_wait3A_1054 : memref<1x512xi32, #tpu.memory_space<vmem>> -> memref<512xi32, #tpu.memory_space<vmem>>
    %dma_wait3A_1056 = arith.constant 0 : i32
    %dma_wait3A_1057 = arith.constant 0 : i32
    %dma_wait3A_1058 = tpu.memref_slice %arg3[%dma_wait3A_1056, %dma_wait3A_1057] : memref<1000000x64xf32, #tpu.memory_space<hbm>> -> memref<1000000x64xf32, #tpu.memory_space<hbm>>
    tpu.wait_indirect_dma semaphore(%arg11 : memref<!tpu.dma_semaphore, #tpu.memory_space<semaphore_mem>>) src(%dma_wait3A_1058 : memref<1000000x64xf32, #tpu.memory_space<hbm>>) dst(%arg7 : memref<512x64xf32, #tpu.memory_space<vmem>>)
    %dma_start3A_1059 = arith.constant 37 : i32
    %dma_start3A_1060 = arith.constant 0 : i32
    %dma_start3A_1061 = tpu.memref_slice %arg4[%dma_start3A_1059, %mul3A_2, %dma_start3A_1060] : memref<50x16384x64xf32, #tpu.memory_space<hbm>> -> memref<1x512x64xf32, #tpu.memory_space<hbm>>
    %dma_start3A_1062 = tpu.memref_squeeze %dma_start3A_1061 : memref<1x512x64xf32, #tpu.memory_space<hbm>> -> memref<512x64xf32, #tpu.memory_space<hbm>>
    %dma_start3A_1063 = arith.constant 0 : i32
    %dma_start3A_1064 = tpu.memref_slice %arg4[%dma_start3A_1059, %mul3A_2, %dma_start3A_1063] : memref<50x16384x64xf32, #tpu.memory_space<hbm>> -> memref<1x512x64xf32, #tpu.memory_space<hbm>>
    %dma_start3A_1065 = tpu.memref_squeeze %dma_start3A_1064 : memref<1x512x64xf32, #tpu.memory_space<hbm>> -> memref<512x64xf32, #tpu.memory_space<hbm>>
    tpu.enqueue_dma source(%arg7 : memref<512x64xf32, #tpu.memory_space<vmem>>) target(%dma_start3A_1065 : memref<512x64xf32, #tpu.memory_space<hbm>>) target_semaphore(%arg14 : memref<!tpu.dma_semaphore, #tpu.memory_space<semaphore_mem>>)
    %dma_wait3A_1066 = arith.constant 36 : i32
    %dma_wait3A_1067 = arith.constant 0 : i32
    %dma_wait3A_1068 = tpu.memref_slice %arg4[%dma_wait3A_1066, %mul3A_2, %dma_wait3A_1067] : memref<50x16384x64xf32, #tpu.memory_space<hbm>> -> memref<1x512x64xf32, #tpu.memory_space<hbm>>
    %dma_wait3A_1069 = tpu.memref_squeeze %dma_wait3A_1068 : memref<1x512x64xf32, #tpu.memory_space<hbm>> -> memref<512x64xf32, #tpu.memory_space<hbm>>
    %dma_wait3A_1070 = arith.constant 0 : i32
    %dma_wait3A_1071 = tpu.memref_slice %arg4[%dma_wait3A_1066, %mul3A_2, %dma_wait3A_1070] : memref<50x16384x64xf32, #tpu.memory_space<hbm>> -> memref<1x512x64xf32, #tpu.memory_space<hbm>>
    %dma_wait3A_1072 = tpu.memref_squeeze %dma_wait3A_1071 : memref<1x512x64xf32, #tpu.memory_space<hbm>> -> memref<512x64xf32, #tpu.memory_space<hbm>>
    tpu.wait_dma2 semaphore(%arg13 : memref<!tpu.dma_semaphore, #tpu.memory_space<semaphore_mem>>) src(%arg6 : memref<512x64xf32, #tpu.memory_space<vmem>>) dst(%dma_wait3A_1072 : memref<512x64xf32, #tpu.memory_space<hbm>>)
    %dma_start3A_1073 = arith.constant 39 : i32
    %dma_start3A_1074 = arith.constant 0 : i32
    %dma_start3A_1075 = tpu.memref_slice %arg5[%dma_start3A_1073, %dma_start3A_1074] : memref<50x512xi32, #tpu.memory_space<vmem>> -> memref<1x512xi32, #tpu.memory_space<vmem>>
    %dma_start3A_1076 = tpu.memref_squeeze %dma_start3A_1075 : memref<1x512xi32, #tpu.memory_space<vmem>> -> memref<512xi32, #tpu.memory_space<vmem>>
    %dma_start3A_1077 = arith.constant 0 : i32
    %dma_start3A_1078 = arith.constant 0 : i32
    %dma_start3A_1079 = tpu.memref_slice %arg3[%dma_start3A_1077, %dma_start3A_1078] : memref<1000000x64xf32, #tpu.memory_space<hbm>> -> memref<1000000x64xf32, #tpu.memory_space<hbm>>
    tpu.enqueue_indirect_dma source(%dma_start3A_1079 : memref<1000000x64xf32, #tpu.memory_space<hbm>>) target(%arg6 : memref<512x64xf32, #tpu.memory_space<vmem>>) offsets(%dma_start3A_1076 : memref<512xi32, #tpu.memory_space<vmem>>) semaphore(%arg10 : memref<!tpu.dma_semaphore, #tpu.memory_space<semaphore_mem>>)
    %dma_wait3A_1080 = arith.constant 38 : i32
    %dma_wait3A_1081 = arith.constant 0 : i32
    %dma_wait3A_1082 = tpu.memref_slice %arg5[%dma_wait3A_1080, %dma_wait3A_1081] : memref<50x512xi32, #tpu.memory_space<vmem>> -> memref<1x512xi32, #tpu.memory_space<vmem>>
    %dma_wait3A_1083 = tpu.memref_squeeze %dma_wait3A_1082 : memref<1x512xi32, #tpu.memory_space<vmem>> -> memref<512xi32, #tpu.memory_space<vmem>>
    %dma_wait3A_1084 = arith.constant 0 : i32
    %dma_wait3A_1085 = arith.constant 0 : i32
    %dma_wait3A_1086 = tpu.memref_slice %arg3[%dma_wait3A_1084, %dma_wait3A_1085] : memref<1000000x64xf32, #tpu.memory_space<hbm>> -> memref<1000000x64xf32, #tpu.memory_space<hbm>>
    tpu.wait_indirect_dma semaphore(%arg12 : memref<!tpu.dma_semaphore, #tpu.memory_space<semaphore_mem>>) src(%dma_wait3A_1086 : memref<1000000x64xf32, #tpu.memory_space<hbm>>) dst(%arg8 : memref<512x64xf32, #tpu.memory_space<vmem>>)
    %dma_start3A_1087 = arith.constant 38 : i32
    %dma_start3A_1088 = arith.constant 0 : i32
    %dma_start3A_1089 = tpu.memref_slice %arg4[%dma_start3A_1087, %mul3A_2, %dma_start3A_1088] : memref<50x16384x64xf32, #tpu.memory_space<hbm>> -> memref<1x512x64xf32, #tpu.memory_space<hbm>>
    %dma_start3A_1090 = tpu.memref_squeeze %dma_start3A_1089 : memref<1x512x64xf32, #tpu.memory_space<hbm>> -> memref<512x64xf32, #tpu.memory_space<hbm>>
    %dma_start3A_1091 = arith.constant 0 : i32
    %dma_start3A_1092 = tpu.memref_slice %arg4[%dma_start3A_1087, %mul3A_2, %dma_start3A_1091] : memref<50x16384x64xf32, #tpu.memory_space<hbm>> -> memref<1x512x64xf32, #tpu.memory_space<hbm>>
    %dma_start3A_1093 = tpu.memref_squeeze %dma_start3A_1092 : memref<1x512x64xf32, #tpu.memory_space<hbm>> -> memref<512x64xf32, #tpu.memory_space<hbm>>
    tpu.enqueue_dma source(%arg8 : memref<512x64xf32, #tpu.memory_space<vmem>>) target(%dma_start3A_1093 : memref<512x64xf32, #tpu.memory_space<hbm>>) target_semaphore(%arg15 : memref<!tpu.dma_semaphore, #tpu.memory_space<semaphore_mem>>)
    %dma_wait3A_1094 = arith.constant 37 : i32
    %dma_wait3A_1095 = arith.constant 0 : i32
    %dma_wait3A_1096 = tpu.memref_slice %arg4[%dma_wait3A_1094, %mul3A_2, %dma_wait3A_1095] : memref<50x16384x64xf32, #tpu.memory_space<hbm>> -> memref<1x512x64xf32, #tpu.memory_space<hbm>>
    %dma_wait3A_1097 = tpu.memref_squeeze %dma_wait3A_1096 : memref<1x512x64xf32, #tpu.memory_space<hbm>> -> memref<512x64xf32, #tpu.memory_space<hbm>>
    %dma_wait3A_1098 = arith.constant 0 : i32
    %dma_wait3A_1099 = tpu.memref_slice %arg4[%dma_wait3A_1094, %mul3A_2, %dma_wait3A_1098] : memref<50x16384x64xf32, #tpu.memory_space<hbm>> -> memref<1x512x64xf32, #tpu.memory_space<hbm>>
    %dma_wait3A_1100 = tpu.memref_squeeze %dma_wait3A_1099 : memref<1x512x64xf32, #tpu.memory_space<hbm>> -> memref<512x64xf32, #tpu.memory_space<hbm>>
    tpu.wait_dma2 semaphore(%arg14 : memref<!tpu.dma_semaphore, #tpu.memory_space<semaphore_mem>>) src(%arg7 : memref<512x64xf32, #tpu.memory_space<vmem>>) dst(%dma_wait3A_1100 : memref<512x64xf32, #tpu.memory_space<hbm>>)
    %dma_start3A_1101 = arith.constant 40 : i32
    %dma_start3A_1102 = arith.constant 0 : i32
    %dma_start3A_1103 = tpu.memref_slice %arg5[%dma_start3A_1101, %dma_start3A_1102] : memref<50x512xi32, #tpu.memory_space<vmem>> -> memref<1x512xi32, #tpu.memory_space<vmem>>
    %dma_start3A_1104 = tpu.memref_squeeze %dma_start3A_1103 : memref<1x512xi32, #tpu.memory_space<vmem>> -> memref<512xi32, #tpu.memory_space<vmem>>
    %dma_start3A_1105 = arith.constant 0 : i32
    %dma_start3A_1106 = arith.constant 0 : i32
    %dma_start3A_1107 = tpu.memref_slice %arg3[%dma_start3A_1105, %dma_start3A_1106] : memref<1000000x64xf32, #tpu.memory_space<hbm>> -> memref<1000000x64xf32, #tpu.memory_space<hbm>>
    tpu.enqueue_indirect_dma source(%dma_start3A_1107 : memref<1000000x64xf32, #tpu.memory_space<hbm>>) target(%arg7 : memref<512x64xf32, #tpu.memory_space<vmem>>) offsets(%dma_start3A_1104 : memref<512xi32, #tpu.memory_space<vmem>>) semaphore(%arg11 : memref<!tpu.dma_semaphore, #tpu.memory_space<semaphore_mem>>)
    %dma_wait3A_1108 = arith.constant 39 : i32
    %dma_wait3A_1109 = arith.constant 0 : i32
    %dma_wait3A_1110 = tpu.memref_slice %arg5[%dma_wait3A_1108, %dma_wait3A_1109] : memref<50x512xi32, #tpu.memory_space<vmem>> -> memref<1x512xi32, #tpu.memory_space<vmem>>
    %dma_wait3A_1111 = tpu.memref_squeeze %dma_wait3A_1110 : memref<1x512xi32, #tpu.memory_space<vmem>> -> memref<512xi32, #tpu.memory_space<vmem>>
    %dma_wait3A_1112 = arith.constant 0 : i32
    %dma_wait3A_1113 = arith.constant 0 : i32
    %dma_wait3A_1114 = tpu.memref_slice %arg3[%dma_wait3A_1112, %dma_wait3A_1113] : memref<1000000x64xf32, #tpu.memory_space<hbm>> -> memref<1000000x64xf32, #tpu.memory_space<hbm>>
    tpu.wait_indirect_dma semaphore(%arg10 : memref<!tpu.dma_semaphore, #tpu.memory_space<semaphore_mem>>) src(%dma_wait3A_1114 : memref<1000000x64xf32, #tpu.memory_space<hbm>>) dst(%arg6 : memref<512x64xf32, #tpu.memory_space<vmem>>)
    %dma_start3A_1115 = arith.constant 39 : i32
    %dma_start3A_1116 = arith.constant 0 : i32
    %dma_start3A_1117 = tpu.memref_slice %arg4[%dma_start3A_1115, %mul3A_2, %dma_start3A_1116] : memref<50x16384x64xf32, #tpu.memory_space<hbm>> -> memref<1x512x64xf32, #tpu.memory_space<hbm>>
    %dma_start3A_1118 = tpu.memref_squeeze %dma_start3A_1117 : memref<1x512x64xf32, #tpu.memory_space<hbm>> -> memref<512x64xf32, #tpu.memory_space<hbm>>
    %dma_start3A_1119 = arith.constant 0 : i32
    %dma_start3A_1120 = tpu.memref_slice %arg4[%dma_start3A_1115, %mul3A_2, %dma_start3A_1119] : memref<50x16384x64xf32, #tpu.memory_space<hbm>> -> memref<1x512x64xf32, #tpu.memory_space<hbm>>
    %dma_start3A_1121 = tpu.memref_squeeze %dma_start3A_1120 : memref<1x512x64xf32, #tpu.memory_space<hbm>> -> memref<512x64xf32, #tpu.memory_space<hbm>>
    tpu.enqueue_dma source(%arg6 : memref<512x64xf32, #tpu.memory_space<vmem>>) target(%dma_start3A_1121 : memref<512x64xf32, #tpu.memory_space<hbm>>) target_semaphore(%arg13 : memref<!tpu.dma_semaphore, #tpu.memory_space<semaphore_mem>>)
    %dma_wait3A_1122 = arith.constant 38 : i32
    %dma_wait3A_1123 = arith.constant 0 : i32
    %dma_wait3A_1124 = tpu.memref_slice %arg4[%dma_wait3A_1122, %mul3A_2, %dma_wait3A_1123] : memref<50x16384x64xf32, #tpu.memory_space<hbm>> -> memref<1x512x64xf32, #tpu.memory_space<hbm>>
    %dma_wait3A_1125 = tpu.memref_squeeze %dma_wait3A_1124 : memref<1x512x64xf32, #tpu.memory_space<hbm>> -> memref<512x64xf32, #tpu.memory_space<hbm>>
    %dma_wait3A_1126 = arith.constant 0 : i32
    %dma_wait3A_1127 = tpu.memref_slice %arg4[%dma_wait3A_1122, %mul3A_2, %dma_wait3A_1126] : memref<50x16384x64xf32, #tpu.memory_space<hbm>> -> memref<1x512x64xf32, #tpu.memory_space<hbm>>
    %dma_wait3A_1128 = tpu.memref_squeeze %dma_wait3A_1127 : memref<1x512x64xf32, #tpu.memory_space<hbm>> -> memref<512x64xf32, #tpu.memory_space<hbm>>
    tpu.wait_dma2 semaphore(%arg15 : memref<!tpu.dma_semaphore, #tpu.memory_space<semaphore_mem>>) src(%arg8 : memref<512x64xf32, #tpu.memory_space<vmem>>) dst(%dma_wait3A_1128 : memref<512x64xf32, #tpu.memory_space<hbm>>)
    %dma_start3A_1129 = arith.constant 41 : i32
    %dma_start3A_1130 = arith.constant 0 : i32
    %dma_start3A_1131 = tpu.memref_slice %arg5[%dma_start3A_1129, %dma_start3A_1130] : memref<50x512xi32, #tpu.memory_space<vmem>> -> memref<1x512xi32, #tpu.memory_space<vmem>>
    %dma_start3A_1132 = tpu.memref_squeeze %dma_start3A_1131 : memref<1x512xi32, #tpu.memory_space<vmem>> -> memref<512xi32, #tpu.memory_space<vmem>>
    %dma_start3A_1133 = arith.constant 0 : i32
    %dma_start3A_1134 = arith.constant 0 : i32
    %dma_start3A_1135 = tpu.memref_slice %arg3[%dma_start3A_1133, %dma_start3A_1134] : memref<1000000x64xf32, #tpu.memory_space<hbm>> -> memref<1000000x64xf32, #tpu.memory_space<hbm>>
    tpu.enqueue_indirect_dma source(%dma_start3A_1135 : memref<1000000x64xf32, #tpu.memory_space<hbm>>) target(%arg8 : memref<512x64xf32, #tpu.memory_space<vmem>>) offsets(%dma_start3A_1132 : memref<512xi32, #tpu.memory_space<vmem>>) semaphore(%arg12 : memref<!tpu.dma_semaphore, #tpu.memory_space<semaphore_mem>>)
    %dma_wait3A_1136 = arith.constant 40 : i32
    %dma_wait3A_1137 = arith.constant 0 : i32
    %dma_wait3A_1138 = tpu.memref_slice %arg5[%dma_wait3A_1136, %dma_wait3A_1137] : memref<50x512xi32, #tpu.memory_space<vmem>> -> memref<1x512xi32, #tpu.memory_space<vmem>>
    %dma_wait3A_1139 = tpu.memref_squeeze %dma_wait3A_1138 : memref<1x512xi32, #tpu.memory_space<vmem>> -> memref<512xi32, #tpu.memory_space<vmem>>
    %dma_wait3A_1140 = arith.constant 0 : i32
    %dma_wait3A_1141 = arith.constant 0 : i32
    %dma_wait3A_1142 = tpu.memref_slice %arg3[%dma_wait3A_1140, %dma_wait3A_1141] : memref<1000000x64xf32, #tpu.memory_space<hbm>> -> memref<1000000x64xf32, #tpu.memory_space<hbm>>
    tpu.wait_indirect_dma semaphore(%arg11 : memref<!tpu.dma_semaphore, #tpu.memory_space<semaphore_mem>>) src(%dma_wait3A_1142 : memref<1000000x64xf32, #tpu.memory_space<hbm>>) dst(%arg7 : memref<512x64xf32, #tpu.memory_space<vmem>>)
    %dma_start3A_1143 = arith.constant 40 : i32
    %dma_start3A_1144 = arith.constant 0 : i32
    %dma_start3A_1145 = tpu.memref_slice %arg4[%dma_start3A_1143, %mul3A_2, %dma_start3A_1144] : memref<50x16384x64xf32, #tpu.memory_space<hbm>> -> memref<1x512x64xf32, #tpu.memory_space<hbm>>
    %dma_start3A_1146 = tpu.memref_squeeze %dma_start3A_1145 : memref<1x512x64xf32, #tpu.memory_space<hbm>> -> memref<512x64xf32, #tpu.memory_space<hbm>>
    %dma_start3A_1147 = arith.constant 0 : i32
    %dma_start3A_1148 = tpu.memref_slice %arg4[%dma_start3A_1143, %mul3A_2, %dma_start3A_1147] : memref<50x16384x64xf32, #tpu.memory_space<hbm>> -> memref<1x512x64xf32, #tpu.memory_space<hbm>>
    %dma_start3A_1149 = tpu.memref_squeeze %dma_start3A_1148 : memref<1x512x64xf32, #tpu.memory_space<hbm>> -> memref<512x64xf32, #tpu.memory_space<hbm>>
    tpu.enqueue_dma source(%arg7 : memref<512x64xf32, #tpu.memory_space<vmem>>) target(%dma_start3A_1149 : memref<512x64xf32, #tpu.memory_space<hbm>>) target_semaphore(%arg14 : memref<!tpu.dma_semaphore, #tpu.memory_space<semaphore_mem>>)
    %dma_wait3A_1150 = arith.constant 39 : i32
    %dma_wait3A_1151 = arith.constant 0 : i32
    %dma_wait3A_1152 = tpu.memref_slice %arg4[%dma_wait3A_1150, %mul3A_2, %dma_wait3A_1151] : memref<50x16384x64xf32, #tpu.memory_space<hbm>> -> memref<1x512x64xf32, #tpu.memory_space<hbm>>
    %dma_wait3A_1153 = tpu.memref_squeeze %dma_wait3A_1152 : memref<1x512x64xf32, #tpu.memory_space<hbm>> -> memref<512x64xf32, #tpu.memory_space<hbm>>
    %dma_wait3A_1154 = arith.constant 0 : i32
    %dma_wait3A_1155 = tpu.memref_slice %arg4[%dma_wait3A_1150, %mul3A_2, %dma_wait3A_1154] : memref<50x16384x64xf32, #tpu.memory_space<hbm>> -> memref<1x512x64xf32, #tpu.memory_space<hbm>>
    %dma_wait3A_1156 = tpu.memref_squeeze %dma_wait3A_1155 : memref<1x512x64xf32, #tpu.memory_space<hbm>> -> memref<512x64xf32, #tpu.memory_space<hbm>>
    tpu.wait_dma2 semaphore(%arg13 : memref<!tpu.dma_semaphore, #tpu.memory_space<semaphore_mem>>) src(%arg6 : memref<512x64xf32, #tpu.memory_space<vmem>>) dst(%dma_wait3A_1156 : memref<512x64xf32, #tpu.memory_space<hbm>>)
    %dma_start3A_1157 = arith.constant 42 : i32
    %dma_start3A_1158 = arith.constant 0 : i32
    %dma_start3A_1159 = tpu.memref_slice %arg5[%dma_start3A_1157, %dma_start3A_1158] : memref<50x512xi32, #tpu.memory_space<vmem>> -> memref<1x512xi32, #tpu.memory_space<vmem>>
    %dma_start3A_1160 = tpu.memref_squeeze %dma_start3A_1159 : memref<1x512xi32, #tpu.memory_space<vmem>> -> memref<512xi32, #tpu.memory_space<vmem>>
    %dma_start3A_1161 = arith.constant 0 : i32
    %dma_start3A_1162 = arith.constant 0 : i32
    %dma_start3A_1163 = tpu.memref_slice %arg3[%dma_start3A_1161, %dma_start3A_1162] : memref<1000000x64xf32, #tpu.memory_space<hbm>> -> memref<1000000x64xf32, #tpu.memory_space<hbm>>
    tpu.enqueue_indirect_dma source(%dma_start3A_1163 : memref<1000000x64xf32, #tpu.memory_space<hbm>>) target(%arg6 : memref<512x64xf32, #tpu.memory_space<vmem>>) offsets(%dma_start3A_1160 : memref<512xi32, #tpu.memory_space<vmem>>) semaphore(%arg10 : memref<!tpu.dma_semaphore, #tpu.memory_space<semaphore_mem>>)
    %dma_wait3A_1164 = arith.constant 41 : i32
    %dma_wait3A_1165 = arith.constant 0 : i32
    %dma_wait3A_1166 = tpu.memref_slice %arg5[%dma_wait3A_1164, %dma_wait3A_1165] : memref<50x512xi32, #tpu.memory_space<vmem>> -> memref<1x512xi32, #tpu.memory_space<vmem>>
    %dma_wait3A_1167 = tpu.memref_squeeze %dma_wait3A_1166 : memref<1x512xi32, #tpu.memory_space<vmem>> -> memref<512xi32, #tpu.memory_space<vmem>>
    %dma_wait3A_1168 = arith.constant 0 : i32
    %dma_wait3A_1169 = arith.constant 0 : i32
    %dma_wait3A_1170 = tpu.memref_slice %arg3[%dma_wait3A_1168, %dma_wait3A_1169] : memref<1000000x64xf32, #tpu.memory_space<hbm>> -> memref<1000000x64xf32, #tpu.memory_space<hbm>>
    tpu.wait_indirect_dma semaphore(%arg12 : memref<!tpu.dma_semaphore, #tpu.memory_space<semaphore_mem>>) src(%dma_wait3A_1170 : memref<1000000x64xf32, #tpu.memory_space<hbm>>) dst(%arg8 : memref<512x64xf32, #tpu.memory_space<vmem>>)
    %dma_start3A_1171 = arith.constant 41 : i32
    %dma_start3A_1172 = arith.constant 0 : i32
    %dma_start3A_1173 = tpu.memref_slice %arg4[%dma_start3A_1171, %mul3A_2, %dma_start3A_1172] : memref<50x16384x64xf32, #tpu.memory_space<hbm>> -> memref<1x512x64xf32, #tpu.memory_space<hbm>>
    %dma_start3A_1174 = tpu.memref_squeeze %dma_start3A_1173 : memref<1x512x64xf32, #tpu.memory_space<hbm>> -> memref<512x64xf32, #tpu.memory_space<hbm>>
    %dma_start3A_1175 = arith.constant 0 : i32
    %dma_start3A_1176 = tpu.memref_slice %arg4[%dma_start3A_1171, %mul3A_2, %dma_start3A_1175] : memref<50x16384x64xf32, #tpu.memory_space<hbm>> -> memref<1x512x64xf32, #tpu.memory_space<hbm>>
    %dma_start3A_1177 = tpu.memref_squeeze %dma_start3A_1176 : memref<1x512x64xf32, #tpu.memory_space<hbm>> -> memref<512x64xf32, #tpu.memory_space<hbm>>
    tpu.enqueue_dma source(%arg8 : memref<512x64xf32, #tpu.memory_space<vmem>>) target(%dma_start3A_1177 : memref<512x64xf32, #tpu.memory_space<hbm>>) target_semaphore(%arg15 : memref<!tpu.dma_semaphore, #tpu.memory_space<semaphore_mem>>)
    %dma_wait3A_1178 = arith.constant 40 : i32
    %dma_wait3A_1179 = arith.constant 0 : i32
    %dma_wait3A_1180 = tpu.memref_slice %arg4[%dma_wait3A_1178, %mul3A_2, %dma_wait3A_1179] : memref<50x16384x64xf32, #tpu.memory_space<hbm>> -> memref<1x512x64xf32, #tpu.memory_space<hbm>>
    %dma_wait3A_1181 = tpu.memref_squeeze %dma_wait3A_1180 : memref<1x512x64xf32, #tpu.memory_space<hbm>> -> memref<512x64xf32, #tpu.memory_space<hbm>>
    %dma_wait3A_1182 = arith.constant 0 : i32
    %dma_wait3A_1183 = tpu.memref_slice %arg4[%dma_wait3A_1178, %mul3A_2, %dma_wait3A_1182] : memref<50x16384x64xf32, #tpu.memory_space<hbm>> -> memref<1x512x64xf32, #tpu.memory_space<hbm>>
    %dma_wait3A_1184 = tpu.memref_squeeze %dma_wait3A_1183 : memref<1x512x64xf32, #tpu.memory_space<hbm>> -> memref<512x64xf32, #tpu.memory_space<hbm>>
    tpu.wait_dma2 semaphore(%arg14 : memref<!tpu.dma_semaphore, #tpu.memory_space<semaphore_mem>>) src(%arg7 : memref<512x64xf32, #tpu.memory_space<vmem>>) dst(%dma_wait3A_1184 : memref<512x64xf32, #tpu.memory_space<hbm>>)
    %dma_start3A_1185 = arith.constant 43 : i32
    %dma_start3A_1186 = arith.constant 0 : i32
    %dma_start3A_1187 = tpu.memref_slice %arg5[%dma_start3A_1185, %dma_start3A_1186] : memref<50x512xi32, #tpu.memory_space<vmem>> -> memref<1x512xi32, #tpu.memory_space<vmem>>
    %dma_start3A_1188 = tpu.memref_squeeze %dma_start3A_1187 : memref<1x512xi32, #tpu.memory_space<vmem>> -> memref<512xi32, #tpu.memory_space<vmem>>
    %dma_start3A_1189 = arith.constant 0 : i32
    %dma_start3A_1190 = arith.constant 0 : i32
    %dma_start3A_1191 = tpu.memref_slice %arg3[%dma_start3A_1189, %dma_start3A_1190] : memref<1000000x64xf32, #tpu.memory_space<hbm>> -> memref<1000000x64xf32, #tpu.memory_space<hbm>>
    tpu.enqueue_indirect_dma source(%dma_start3A_1191 : memref<1000000x64xf32, #tpu.memory_space<hbm>>) target(%arg7 : memref<512x64xf32, #tpu.memory_space<vmem>>) offsets(%dma_start3A_1188 : memref<512xi32, #tpu.memory_space<vmem>>) semaphore(%arg11 : memref<!tpu.dma_semaphore, #tpu.memory_space<semaphore_mem>>)
    %dma_wait3A_1192 = arith.constant 42 : i32
    %dma_wait3A_1193 = arith.constant 0 : i32
    %dma_wait3A_1194 = tpu.memref_slice %arg5[%dma_wait3A_1192, %dma_wait3A_1193] : memref<50x512xi32, #tpu.memory_space<vmem>> -> memref<1x512xi32, #tpu.memory_space<vmem>>
    %dma_wait3A_1195 = tpu.memref_squeeze %dma_wait3A_1194 : memref<1x512xi32, #tpu.memory_space<vmem>> -> memref<512xi32, #tpu.memory_space<vmem>>
    %dma_wait3A_1196 = arith.constant 0 : i32
    %dma_wait3A_1197 = arith.constant 0 : i32
    %dma_wait3A_1198 = tpu.memref_slice %arg3[%dma_wait3A_1196, %dma_wait3A_1197] : memref<1000000x64xf32, #tpu.memory_space<hbm>> -> memref<1000000x64xf32, #tpu.memory_space<hbm>>
    tpu.wait_indirect_dma semaphore(%arg10 : memref<!tpu.dma_semaphore, #tpu.memory_space<semaphore_mem>>) src(%dma_wait3A_1198 : memref<1000000x64xf32, #tpu.memory_space<hbm>>) dst(%arg6 : memref<512x64xf32, #tpu.memory_space<vmem>>)
    %dma_start3A_1199 = arith.constant 42 : i32
    %dma_start3A_1200 = arith.constant 0 : i32
    %dma_start3A_1201 = tpu.memref_slice %arg4[%dma_start3A_1199, %mul3A_2, %dma_start3A_1200] : memref<50x16384x64xf32, #tpu.memory_space<hbm>> -> memref<1x512x64xf32, #tpu.memory_space<hbm>>
    %dma_start3A_1202 = tpu.memref_squeeze %dma_start3A_1201 : memref<1x512x64xf32, #tpu.memory_space<hbm>> -> memref<512x64xf32, #tpu.memory_space<hbm>>
    %dma_start3A_1203 = arith.constant 0 : i32
    %dma_start3A_1204 = tpu.memref_slice %arg4[%dma_start3A_1199, %mul3A_2, %dma_start3A_1203] : memref<50x16384x64xf32, #tpu.memory_space<hbm>> -> memref<1x512x64xf32, #tpu.memory_space<hbm>>
    %dma_start3A_1205 = tpu.memref_squeeze %dma_start3A_1204 : memref<1x512x64xf32, #tpu.memory_space<hbm>> -> memref<512x64xf32, #tpu.memory_space<hbm>>
    tpu.enqueue_dma source(%arg6 : memref<512x64xf32, #tpu.memory_space<vmem>>) target(%dma_start3A_1205 : memref<512x64xf32, #tpu.memory_space<hbm>>) target_semaphore(%arg13 : memref<!tpu.dma_semaphore, #tpu.memory_space<semaphore_mem>>)
    %dma_wait3A_1206 = arith.constant 41 : i32
    %dma_wait3A_1207 = arith.constant 0 : i32
    %dma_wait3A_1208 = tpu.memref_slice %arg4[%dma_wait3A_1206, %mul3A_2, %dma_wait3A_1207] : memref<50x16384x64xf32, #tpu.memory_space<hbm>> -> memref<1x512x64xf32, #tpu.memory_space<hbm>>
    %dma_wait3A_1209 = tpu.memref_squeeze %dma_wait3A_1208 : memref<1x512x64xf32, #tpu.memory_space<hbm>> -> memref<512x64xf32, #tpu.memory_space<hbm>>
    %dma_wait3A_1210 = arith.constant 0 : i32
    %dma_wait3A_1211 = tpu.memref_slice %arg4[%dma_wait3A_1206, %mul3A_2, %dma_wait3A_1210] : memref<50x16384x64xf32, #tpu.memory_space<hbm>> -> memref<1x512x64xf32, #tpu.memory_space<hbm>>
    %dma_wait3A_1212 = tpu.memref_squeeze %dma_wait3A_1211 : memref<1x512x64xf32, #tpu.memory_space<hbm>> -> memref<512x64xf32, #tpu.memory_space<hbm>>
    tpu.wait_dma2 semaphore(%arg15 : memref<!tpu.dma_semaphore, #tpu.memory_space<semaphore_mem>>) src(%arg8 : memref<512x64xf32, #tpu.memory_space<vmem>>) dst(%dma_wait3A_1212 : memref<512x64xf32, #tpu.memory_space<hbm>>)
    %dma_start3A_1213 = arith.constant 44 : i32
    %dma_start3A_1214 = arith.constant 0 : i32
    %dma_start3A_1215 = tpu.memref_slice %arg5[%dma_start3A_1213, %dma_start3A_1214] : memref<50x512xi32, #tpu.memory_space<vmem>> -> memref<1x512xi32, #tpu.memory_space<vmem>>
    %dma_start3A_1216 = tpu.memref_squeeze %dma_start3A_1215 : memref<1x512xi32, #tpu.memory_space<vmem>> -> memref<512xi32, #tpu.memory_space<vmem>>
    %dma_start3A_1217 = arith.constant 0 : i32
    %dma_start3A_1218 = arith.constant 0 : i32
    %dma_start3A_1219 = tpu.memref_slice %arg3[%dma_start3A_1217, %dma_start3A_1218] : memref<1000000x64xf32, #tpu.memory_space<hbm>> -> memref<1000000x64xf32, #tpu.memory_space<hbm>>
    tpu.enqueue_indirect_dma source(%dma_start3A_1219 : memref<1000000x64xf32, #tpu.memory_space<hbm>>) target(%arg8 : memref<512x64xf32, #tpu.memory_space<vmem>>) offsets(%dma_start3A_1216 : memref<512xi32, #tpu.memory_space<vmem>>) semaphore(%arg12 : memref<!tpu.dma_semaphore, #tpu.memory_space<semaphore_mem>>)
    %dma_wait3A_1220 = arith.constant 43 : i32
    %dma_wait3A_1221 = arith.constant 0 : i32
    %dma_wait3A_1222 = tpu.memref_slice %arg5[%dma_wait3A_1220, %dma_wait3A_1221] : memref<50x512xi32, #tpu.memory_space<vmem>> -> memref<1x512xi32, #tpu.memory_space<vmem>>
    %dma_wait3A_1223 = tpu.memref_squeeze %dma_wait3A_1222 : memref<1x512xi32, #tpu.memory_space<vmem>> -> memref<512xi32, #tpu.memory_space<vmem>>
    %dma_wait3A_1224 = arith.constant 0 : i32
    %dma_wait3A_1225 = arith.constant 0 : i32
    %dma_wait3A_1226 = tpu.memref_slice %arg3[%dma_wait3A_1224, %dma_wait3A_1225] : memref<1000000x64xf32, #tpu.memory_space<hbm>> -> memref<1000000x64xf32, #tpu.memory_space<hbm>>
    tpu.wait_indirect_dma semaphore(%arg11 : memref<!tpu.dma_semaphore, #tpu.memory_space<semaphore_mem>>) src(%dma_wait3A_1226 : memref<1000000x64xf32, #tpu.memory_space<hbm>>) dst(%arg7 : memref<512x64xf32, #tpu.memory_space<vmem>>)
    %dma_start3A_1227 = arith.constant 43 : i32
    %dma_start3A_1228 = arith.constant 0 : i32
    %dma_start3A_1229 = tpu.memref_slice %arg4[%dma_start3A_1227, %mul3A_2, %dma_start3A_1228] : memref<50x16384x64xf32, #tpu.memory_space<hbm>> -> memref<1x512x64xf32, #tpu.memory_space<hbm>>
    %dma_start3A_1230 = tpu.memref_squeeze %dma_start3A_1229 : memref<1x512x64xf32, #tpu.memory_space<hbm>> -> memref<512x64xf32, #tpu.memory_space<hbm>>
    %dma_start3A_1231 = arith.constant 0 : i32
    %dma_start3A_1232 = tpu.memref_slice %arg4[%dma_start3A_1227, %mul3A_2, %dma_start3A_1231] : memref<50x16384x64xf32, #tpu.memory_space<hbm>> -> memref<1x512x64xf32, #tpu.memory_space<hbm>>
    %dma_start3A_1233 = tpu.memref_squeeze %dma_start3A_1232 : memref<1x512x64xf32, #tpu.memory_space<hbm>> -> memref<512x64xf32, #tpu.memory_space<hbm>>
    tpu.enqueue_dma source(%arg7 : memref<512x64xf32, #tpu.memory_space<vmem>>) target(%dma_start3A_1233 : memref<512x64xf32, #tpu.memory_space<hbm>>) target_semaphore(%arg14 : memref<!tpu.dma_semaphore, #tpu.memory_space<semaphore_mem>>)
    %dma_wait3A_1234 = arith.constant 42 : i32
    %dma_wait3A_1235 = arith.constant 0 : i32
    %dma_wait3A_1236 = tpu.memref_slice %arg4[%dma_wait3A_1234, %mul3A_2, %dma_wait3A_1235] : memref<50x16384x64xf32, #tpu.memory_space<hbm>> -> memref<1x512x64xf32, #tpu.memory_space<hbm>>
    %dma_wait3A_1237 = tpu.memref_squeeze %dma_wait3A_1236 : memref<1x512x64xf32, #tpu.memory_space<hbm>> -> memref<512x64xf32, #tpu.memory_space<hbm>>
    %dma_wait3A_1238 = arith.constant 0 : i32
    %dma_wait3A_1239 = tpu.memref_slice %arg4[%dma_wait3A_1234, %mul3A_2, %dma_wait3A_1238] : memref<50x16384x64xf32, #tpu.memory_space<hbm>> -> memref<1x512x64xf32, #tpu.memory_space<hbm>>
    %dma_wait3A_1240 = tpu.memref_squeeze %dma_wait3A_1239 : memref<1x512x64xf32, #tpu.memory_space<hbm>> -> memref<512x64xf32, #tpu.memory_space<hbm>>
    tpu.wait_dma2 semaphore(%arg13 : memref<!tpu.dma_semaphore, #tpu.memory_space<semaphore_mem>>) src(%arg6 : memref<512x64xf32, #tpu.memory_space<vmem>>) dst(%dma_wait3A_1240 : memref<512x64xf32, #tpu.memory_space<hbm>>)
    %dma_start3A_1241 = arith.constant 45 : i32
    %dma_start3A_1242 = arith.constant 0 : i32
    %dma_start3A_1243 = tpu.memref_slice %arg5[%dma_start3A_1241, %dma_start3A_1242] : memref<50x512xi32, #tpu.memory_space<vmem>> -> memref<1x512xi32, #tpu.memory_space<vmem>>
    %dma_start3A_1244 = tpu.memref_squeeze %dma_start3A_1243 : memref<1x512xi32, #tpu.memory_space<vmem>> -> memref<512xi32, #tpu.memory_space<vmem>>
    %dma_start3A_1245 = arith.constant 0 : i32
    %dma_start3A_1246 = arith.constant 0 : i32
    %dma_start3A_1247 = tpu.memref_slice %arg3[%dma_start3A_1245, %dma_start3A_1246] : memref<1000000x64xf32, #tpu.memory_space<hbm>> -> memref<1000000x64xf32, #tpu.memory_space<hbm>>
    tpu.enqueue_indirect_dma source(%dma_start3A_1247 : memref<1000000x64xf32, #tpu.memory_space<hbm>>) target(%arg6 : memref<512x64xf32, #tpu.memory_space<vmem>>) offsets(%dma_start3A_1244 : memref<512xi32, #tpu.memory_space<vmem>>) semaphore(%arg10 : memref<!tpu.dma_semaphore, #tpu.memory_space<semaphore_mem>>)
    %dma_wait3A_1248 = arith.constant 44 : i32
    %dma_wait3A_1249 = arith.constant 0 : i32
    %dma_wait3A_1250 = tpu.memref_slice %arg5[%dma_wait3A_1248, %dma_wait3A_1249] : memref<50x512xi32, #tpu.memory_space<vmem>> -> memref<1x512xi32, #tpu.memory_space<vmem>>
    %dma_wait3A_1251 = tpu.memref_squeeze %dma_wait3A_1250 : memref<1x512xi32, #tpu.memory_space<vmem>> -> memref<512xi32, #tpu.memory_space<vmem>>
    %dma_wait3A_1252 = arith.constant 0 : i32
    %dma_wait3A_1253 = arith.constant 0 : i32
    %dma_wait3A_1254 = tpu.memref_slice %arg3[%dma_wait3A_1252, %dma_wait3A_1253] : memref<1000000x64xf32, #tpu.memory_space<hbm>> -> memref<1000000x64xf32, #tpu.memory_space<hbm>>
    tpu.wait_indirect_dma semaphore(%arg12 : memref<!tpu.dma_semaphore, #tpu.memory_space<semaphore_mem>>) src(%dma_wait3A_1254 : memref<1000000x64xf32, #tpu.memory_space<hbm>>) dst(%arg8 : memref<512x64xf32, #tpu.memory_space<vmem>>)
    %dma_start3A_1255 = arith.constant 44 : i32
    %dma_start3A_1256 = arith.constant 0 : i32
    %dma_start3A_1257 = tpu.memref_slice %arg4[%dma_start3A_1255, %mul3A_2, %dma_start3A_1256] : memref<50x16384x64xf32, #tpu.memory_space<hbm>> -> memref<1x512x64xf32, #tpu.memory_space<hbm>>
    %dma_start3A_1258 = tpu.memref_squeeze %dma_start3A_1257 : memref<1x512x64xf32, #tpu.memory_space<hbm>> -> memref<512x64xf32, #tpu.memory_space<hbm>>
    %dma_start3A_1259 = arith.constant 0 : i32
    %dma_start3A_1260 = tpu.memref_slice %arg4[%dma_start3A_1255, %mul3A_2, %dma_start3A_1259] : memref<50x16384x64xf32, #tpu.memory_space<hbm>> -> memref<1x512x64xf32, #tpu.memory_space<hbm>>
    %dma_start3A_1261 = tpu.memref_squeeze %dma_start3A_1260 : memref<1x512x64xf32, #tpu.memory_space<hbm>> -> memref<512x64xf32, #tpu.memory_space<hbm>>
    tpu.enqueue_dma source(%arg8 : memref<512x64xf32, #tpu.memory_space<vmem>>) target(%dma_start3A_1261 : memref<512x64xf32, #tpu.memory_space<hbm>>) target_semaphore(%arg15 : memref<!tpu.dma_semaphore, #tpu.memory_space<semaphore_mem>>)
    %dma_wait3A_1262 = arith.constant 43 : i32
    %dma_wait3A_1263 = arith.constant 0 : i32
    %dma_wait3A_1264 = tpu.memref_slice %arg4[%dma_wait3A_1262, %mul3A_2, %dma_wait3A_1263] : memref<50x16384x64xf32, #tpu.memory_space<hbm>> -> memref<1x512x64xf32, #tpu.memory_space<hbm>>
    %dma_wait3A_1265 = tpu.memref_squeeze %dma_wait3A_1264 : memref<1x512x64xf32, #tpu.memory_space<hbm>> -> memref<512x64xf32, #tpu.memory_space<hbm>>
    %dma_wait3A_1266 = arith.constant 0 : i32
    %dma_wait3A_1267 = tpu.memref_slice %arg4[%dma_wait3A_1262, %mul3A_2, %dma_wait3A_1266] : memref<50x16384x64xf32, #tpu.memory_space<hbm>> -> memref<1x512x64xf32, #tpu.memory_space<hbm>>
    %dma_wait3A_1268 = tpu.memref_squeeze %dma_wait3A_1267 : memref<1x512x64xf32, #tpu.memory_space<hbm>> -> memref<512x64xf32, #tpu.memory_space<hbm>>
    tpu.wait_dma2 semaphore(%arg14 : memref<!tpu.dma_semaphore, #tpu.memory_space<semaphore_mem>>) src(%arg7 : memref<512x64xf32, #tpu.memory_space<vmem>>) dst(%dma_wait3A_1268 : memref<512x64xf32, #tpu.memory_space<hbm>>)
    %dma_start3A_1269 = arith.constant 46 : i32
    %dma_start3A_1270 = arith.constant 0 : i32
    %dma_start3A_1271 = tpu.memref_slice %arg5[%dma_start3A_1269, %dma_start3A_1270] : memref<50x512xi32, #tpu.memory_space<vmem>> -> memref<1x512xi32, #tpu.memory_space<vmem>>
    %dma_start3A_1272 = tpu.memref_squeeze %dma_start3A_1271 : memref<1x512xi32, #tpu.memory_space<vmem>> -> memref<512xi32, #tpu.memory_space<vmem>>
    %dma_start3A_1273 = arith.constant 0 : i32
    %dma_start3A_1274 = arith.constant 0 : i32
    %dma_start3A_1275 = tpu.memref_slice %arg3[%dma_start3A_1273, %dma_start3A_1274] : memref<1000000x64xf32, #tpu.memory_space<hbm>> -> memref<1000000x64xf32, #tpu.memory_space<hbm>>
    tpu.enqueue_indirect_dma source(%dma_start3A_1275 : memref<1000000x64xf32, #tpu.memory_space<hbm>>) target(%arg7 : memref<512x64xf32, #tpu.memory_space<vmem>>) offsets(%dma_start3A_1272 : memref<512xi32, #tpu.memory_space<vmem>>) semaphore(%arg11 : memref<!tpu.dma_semaphore, #tpu.memory_space<semaphore_mem>>)
    %dma_wait3A_1276 = arith.constant 45 : i32
    %dma_wait3A_1277 = arith.constant 0 : i32
    %dma_wait3A_1278 = tpu.memref_slice %arg5[%dma_wait3A_1276, %dma_wait3A_1277] : memref<50x512xi32, #tpu.memory_space<vmem>> -> memref<1x512xi32, #tpu.memory_space<vmem>>
    %dma_wait3A_1279 = tpu.memref_squeeze %dma_wait3A_1278 : memref<1x512xi32, #tpu.memory_space<vmem>> -> memref<512xi32, #tpu.memory_space<vmem>>
    %dma_wait3A_1280 = arith.constant 0 : i32
    %dma_wait3A_1281 = arith.constant 0 : i32
    %dma_wait3A_1282 = tpu.memref_slice %arg3[%dma_wait3A_1280, %dma_wait3A_1281] : memref<1000000x64xf32, #tpu.memory_space<hbm>> -> memref<1000000x64xf32, #tpu.memory_space<hbm>>
    tpu.wait_indirect_dma semaphore(%arg10 : memref<!tpu.dma_semaphore, #tpu.memory_space<semaphore_mem>>) src(%dma_wait3A_1282 : memref<1000000x64xf32, #tpu.memory_space<hbm>>) dst(%arg6 : memref<512x64xf32, #tpu.memory_space<vmem>>)
    %dma_start3A_1283 = arith.constant 45 : i32
    %dma_start3A_1284 = arith.constant 0 : i32
    %dma_start3A_1285 = tpu.memref_slice %arg4[%dma_start3A_1283, %mul3A_2, %dma_start3A_1284] : memref<50x16384x64xf32, #tpu.memory_space<hbm>> -> memref<1x512x64xf32, #tpu.memory_space<hbm>>
    %dma_start3A_1286 = tpu.memref_squeeze %dma_start3A_1285 : memref<1x512x64xf32, #tpu.memory_space<hbm>> -> memref<512x64xf32, #tpu.memory_space<hbm>>
    %dma_start3A_1287 = arith.constant 0 : i32
    %dma_start3A_1288 = tpu.memref_slice %arg4[%dma_start3A_1283, %mul3A_2, %dma_start3A_1287] : memref<50x16384x64xf32, #tpu.memory_space<hbm>> -> memref<1x512x64xf32, #tpu.memory_space<hbm>>
    %dma_start3A_1289 = tpu.memref_squeeze %dma_start3A_1288 : memref<1x512x64xf32, #tpu.memory_space<hbm>> -> memref<512x64xf32, #tpu.memory_space<hbm>>
    tpu.enqueue_dma source(%arg6 : memref<512x64xf32, #tpu.memory_space<vmem>>) target(%dma_start3A_1289 : memref<512x64xf32, #tpu.memory_space<hbm>>) target_semaphore(%arg13 : memref<!tpu.dma_semaphore, #tpu.memory_space<semaphore_mem>>)
    %dma_wait3A_1290 = arith.constant 44 : i32
    %dma_wait3A_1291 = arith.constant 0 : i32
    %dma_wait3A_1292 = tpu.memref_slice %arg4[%dma_wait3A_1290, %mul3A_2, %dma_wait3A_1291] : memref<50x16384x64xf32, #tpu.memory_space<hbm>> -> memref<1x512x64xf32, #tpu.memory_space<hbm>>
    %dma_wait3A_1293 = tpu.memref_squeeze %dma_wait3A_1292 : memref<1x512x64xf32, #tpu.memory_space<hbm>> -> memref<512x64xf32, #tpu.memory_space<hbm>>
    %dma_wait3A_1294 = arith.constant 0 : i32
    %dma_wait3A_1295 = tpu.memref_slice %arg4[%dma_wait3A_1290, %mul3A_2, %dma_wait3A_1294] : memref<50x16384x64xf32, #tpu.memory_space<hbm>> -> memref<1x512x64xf32, #tpu.memory_space<hbm>>
    %dma_wait3A_1296 = tpu.memref_squeeze %dma_wait3A_1295 : memref<1x512x64xf32, #tpu.memory_space<hbm>> -> memref<512x64xf32, #tpu.memory_space<hbm>>
    tpu.wait_dma2 semaphore(%arg15 : memref<!tpu.dma_semaphore, #tpu.memory_space<semaphore_mem>>) src(%arg8 : memref<512x64xf32, #tpu.memory_space<vmem>>) dst(%dma_wait3A_1296 : memref<512x64xf32, #tpu.memory_space<hbm>>)
    %dma_start3A_1297 = arith.constant 47 : i32
    %dma_start3A_1298 = arith.constant 0 : i32
    %dma_start3A_1299 = tpu.memref_slice %arg5[%dma_start3A_1297, %dma_start3A_1298] : memref<50x512xi32, #tpu.memory_space<vmem>> -> memref<1x512xi32, #tpu.memory_space<vmem>>
    %dma_start3A_1300 = tpu.memref_squeeze %dma_start3A_1299 : memref<1x512xi32, #tpu.memory_space<vmem>> -> memref<512xi32, #tpu.memory_space<vmem>>
    %dma_start3A_1301 = arith.constant 0 : i32
    %dma_start3A_1302 = arith.constant 0 : i32
    %dma_start3A_1303 = tpu.memref_slice %arg3[%dma_start3A_1301, %dma_start3A_1302] : memref<1000000x64xf32, #tpu.memory_space<hbm>> -> memref<1000000x64xf32, #tpu.memory_space<hbm>>
    tpu.enqueue_indirect_dma source(%dma_start3A_1303 : memref<1000000x64xf32, #tpu.memory_space<hbm>>) target(%arg8 : memref<512x64xf32, #tpu.memory_space<vmem>>) offsets(%dma_start3A_1300 : memref<512xi32, #tpu.memory_space<vmem>>) semaphore(%arg12 : memref<!tpu.dma_semaphore, #tpu.memory_space<semaphore_mem>>)
    %dma_wait3A_1304 = arith.constant 46 : i32
    %dma_wait3A_1305 = arith.constant 0 : i32
    %dma_wait3A_1306 = tpu.memref_slice %arg5[%dma_wait3A_1304, %dma_wait3A_1305] : memref<50x512xi32, #tpu.memory_space<vmem>> -> memref<1x512xi32, #tpu.memory_space<vmem>>
    %dma_wait3A_1307 = tpu.memref_squeeze %dma_wait3A_1306 : memref<1x512xi32, #tpu.memory_space<vmem>> -> memref<512xi32, #tpu.memory_space<vmem>>
    %dma_wait3A_1308 = arith.constant 0 : i32
    %dma_wait3A_1309 = arith.constant 0 : i32
    %dma_wait3A_1310 = tpu.memref_slice %arg3[%dma_wait3A_1308, %dma_wait3A_1309] : memref<1000000x64xf32, #tpu.memory_space<hbm>> -> memref<1000000x64xf32, #tpu.memory_space<hbm>>
    tpu.wait_indirect_dma semaphore(%arg11 : memref<!tpu.dma_semaphore, #tpu.memory_space<semaphore_mem>>) src(%dma_wait3A_1310 : memref<1000000x64xf32, #tpu.memory_space<hbm>>) dst(%arg7 : memref<512x64xf32, #tpu.memory_space<vmem>>)
    %dma_start3A_1311 = arith.constant 46 : i32
    %dma_start3A_1312 = arith.constant 0 : i32
    %dma_start3A_1313 = tpu.memref_slice %arg4[%dma_start3A_1311, %mul3A_2, %dma_start3A_1312] : memref<50x16384x64xf32, #tpu.memory_space<hbm>> -> memref<1x512x64xf32, #tpu.memory_space<hbm>>
    %dma_start3A_1314 = tpu.memref_squeeze %dma_start3A_1313 : memref<1x512x64xf32, #tpu.memory_space<hbm>> -> memref<512x64xf32, #tpu.memory_space<hbm>>
    %dma_start3A_1315 = arith.constant 0 : i32
    %dma_start3A_1316 = tpu.memref_slice %arg4[%dma_start3A_1311, %mul3A_2, %dma_start3A_1315] : memref<50x16384x64xf32, #tpu.memory_space<hbm>> -> memref<1x512x64xf32, #tpu.memory_space<hbm>>
    %dma_start3A_1317 = tpu.memref_squeeze %dma_start3A_1316 : memref<1x512x64xf32, #tpu.memory_space<hbm>> -> memref<512x64xf32, #tpu.memory_space<hbm>>
    tpu.enqueue_dma source(%arg7 : memref<512x64xf32, #tpu.memory_space<vmem>>) target(%dma_start3A_1317 : memref<512x64xf32, #tpu.memory_space<hbm>>) target_semaphore(%arg14 : memref<!tpu.dma_semaphore, #tpu.memory_space<semaphore_mem>>)
    %dma_wait3A_1318 = arith.constant 45 : i32
    %dma_wait3A_1319 = arith.constant 0 : i32
    %dma_wait3A_1320 = tpu.memref_slice %arg4[%dma_wait3A_1318, %mul3A_2, %dma_wait3A_1319] : memref<50x16384x64xf32, #tpu.memory_space<hbm>> -> memref<1x512x64xf32, #tpu.memory_space<hbm>>
    %dma_wait3A_1321 = tpu.memref_squeeze %dma_wait3A_1320 : memref<1x512x64xf32, #tpu.memory_space<hbm>> -> memref<512x64xf32, #tpu.memory_space<hbm>>
    %dma_wait3A_1322 = arith.constant 0 : i32
    %dma_wait3A_1323 = tpu.memref_slice %arg4[%dma_wait3A_1318, %mul3A_2, %dma_wait3A_1322] : memref<50x16384x64xf32, #tpu.memory_space<hbm>> -> memref<1x512x64xf32, #tpu.memory_space<hbm>>
    %dma_wait3A_1324 = tpu.memref_squeeze %dma_wait3A_1323 : memref<1x512x64xf32, #tpu.memory_space<hbm>> -> memref<512x64xf32, #tpu.memory_space<hbm>>
    tpu.wait_dma2 semaphore(%arg13 : memref<!tpu.dma_semaphore, #tpu.memory_space<semaphore_mem>>) src(%arg6 : memref<512x64xf32, #tpu.memory_space<vmem>>) dst(%dma_wait3A_1324 : memref<512x64xf32, #tpu.memory_space<hbm>>)
    %dma_start3A_1325 = arith.constant 48 : i32
    %dma_start3A_1326 = arith.constant 0 : i32
    %dma_start3A_1327 = tpu.memref_slice %arg5[%dma_start3A_1325, %dma_start3A_1326] : memref<50x512xi32, #tpu.memory_space<vmem>> -> memref<1x512xi32, #tpu.memory_space<vmem>>
    %dma_start3A_1328 = tpu.memref_squeeze %dma_start3A_1327 : memref<1x512xi32, #tpu.memory_space<vmem>> -> memref<512xi32, #tpu.memory_space<vmem>>
    %dma_start3A_1329 = arith.constant 0 : i32
    %dma_start3A_1330 = arith.constant 0 : i32
    %dma_start3A_1331 = tpu.memref_slice %arg3[%dma_start3A_1329, %dma_start3A_1330] : memref<1000000x64xf32, #tpu.memory_space<hbm>> -> memref<1000000x64xf32, #tpu.memory_space<hbm>>
    tpu.enqueue_indirect_dma source(%dma_start3A_1331 : memref<1000000x64xf32, #tpu.memory_space<hbm>>) target(%arg6 : memref<512x64xf32, #tpu.memory_space<vmem>>) offsets(%dma_start3A_1328 : memref<512xi32, #tpu.memory_space<vmem>>) semaphore(%arg10 : memref<!tpu.dma_semaphore, #tpu.memory_space<semaphore_mem>>)
    %dma_wait3A_1332 = arith.constant 47 : i32
    %dma_wait3A_1333 = arith.constant 0 : i32
    %dma_wait3A_1334 = tpu.memref_slice %arg5[%dma_wait3A_1332, %dma_wait3A_1333] : memref<50x512xi32, #tpu.memory_space<vmem>> -> memref<1x512xi32, #tpu.memory_space<vmem>>
    %dma_wait3A_1335 = tpu.memref_squeeze %dma_wait3A_1334 : memref<1x512xi32, #tpu.memory_space<vmem>> -> memref<512xi32, #tpu.memory_space<vmem>>
    %dma_wait3A_1336 = arith.constant 0 : i32
    %dma_wait3A_1337 = arith.constant 0 : i32
    %dma_wait3A_1338 = tpu.memref_slice %arg3[%dma_wait3A_1336, %dma_wait3A_1337] : memref<1000000x64xf32, #tpu.memory_space<hbm>> -> memref<1000000x64xf32, #tpu.memory_space<hbm>>
    tpu.wait_indirect_dma semaphore(%arg12 : memref<!tpu.dma_semaphore, #tpu.memory_space<semaphore_mem>>) src(%dma_wait3A_1338 : memref<1000000x64xf32, #tpu.memory_space<hbm>>) dst(%arg8 : memref<512x64xf32, #tpu.memory_space<vmem>>)
    %dma_start3A_1339 = arith.constant 47 : i32
    %dma_start3A_1340 = arith.constant 0 : i32
    %dma_start3A_1341 = tpu.memref_slice %arg4[%dma_start3A_1339, %mul3A_2, %dma_start3A_1340] : memref<50x16384x64xf32, #tpu.memory_space<hbm>> -> memref<1x512x64xf32, #tpu.memory_space<hbm>>
    %dma_start3A_1342 = tpu.memref_squeeze %dma_start3A_1341 : memref<1x512x64xf32, #tpu.memory_space<hbm>> -> memref<512x64xf32, #tpu.memory_space<hbm>>
    %dma_start3A_1343 = arith.constant 0 : i32
    %dma_start3A_1344 = tpu.memref_slice %arg4[%dma_start3A_1339, %mul3A_2, %dma_start3A_1343] : memref<50x16384x64xf32, #tpu.memory_space<hbm>> -> memref<1x512x64xf32, #tpu.memory_space<hbm>>
    %dma_start3A_1345 = tpu.memref_squeeze %dma_start3A_1344 : memref<1x512x64xf32, #tpu.memory_space<hbm>> -> memref<512x64xf32, #tpu.memory_space<hbm>>
    tpu.enqueue_dma source(%arg8 : memref<512x64xf32, #tpu.memory_space<vmem>>) target(%dma_start3A_1345 : memref<512x64xf32, #tpu.memory_space<hbm>>) target_semaphore(%arg15 : memref<!tpu.dma_semaphore, #tpu.memory_space<semaphore_mem>>)
    %dma_wait3A_1346 = arith.constant 46 : i32
    %dma_wait3A_1347 = arith.constant 0 : i32
    %dma_wait3A_1348 = tpu.memref_slice %arg4[%dma_wait3A_1346, %mul3A_2, %dma_wait3A_1347] : memref<50x16384x64xf32, #tpu.memory_space<hbm>> -> memref<1x512x64xf32, #tpu.memory_space<hbm>>
    %dma_wait3A_1349 = tpu.memref_squeeze %dma_wait3A_1348 : memref<1x512x64xf32, #tpu.memory_space<hbm>> -> memref<512x64xf32, #tpu.memory_space<hbm>>
    %dma_wait3A_1350 = arith.constant 0 : i32
    %dma_wait3A_1351 = tpu.memref_slice %arg4[%dma_wait3A_1346, %mul3A_2, %dma_wait3A_1350] : memref<50x16384x64xf32, #tpu.memory_space<hbm>> -> memref<1x512x64xf32, #tpu.memory_space<hbm>>
    %dma_wait3A_1352 = tpu.memref_squeeze %dma_wait3A_1351 : memref<1x512x64xf32, #tpu.memory_space<hbm>> -> memref<512x64xf32, #tpu.memory_space<hbm>>
    tpu.wait_dma2 semaphore(%arg14 : memref<!tpu.dma_semaphore, #tpu.memory_space<semaphore_mem>>) src(%arg7 : memref<512x64xf32, #tpu.memory_space<vmem>>) dst(%dma_wait3A_1352 : memref<512x64xf32, #tpu.memory_space<hbm>>)
    %dma_start3A_1353 = arith.constant 49 : i32
    %dma_start3A_1354 = arith.constant 0 : i32
    %dma_start3A_1355 = tpu.memref_slice %arg5[%dma_start3A_1353, %dma_start3A_1354] : memref<50x512xi32, #tpu.memory_space<vmem>> -> memref<1x512xi32, #tpu.memory_space<vmem>>
    %dma_start3A_1356 = tpu.memref_squeeze %dma_start3A_1355 : memref<1x512xi32, #tpu.memory_space<vmem>> -> memref<512xi32, #tpu.memory_space<vmem>>
    %dma_start3A_1357 = arith.constant 0 : i32
    %dma_start3A_1358 = arith.constant 0 : i32
    %dma_start3A_1359 = tpu.memref_slice %arg3[%dma_start3A_1357, %dma_start3A_1358] : memref<1000000x64xf32, #tpu.memory_space<hbm>> -> memref<1000000x64xf32, #tpu.memory_space<hbm>>
    tpu.enqueue_indirect_dma source(%dma_start3A_1359 : memref<1000000x64xf32, #tpu.memory_space<hbm>>) target(%arg7 : memref<512x64xf32, #tpu.memory_space<vmem>>) offsets(%dma_start3A_1356 : memref<512xi32, #tpu.memory_space<vmem>>) semaphore(%arg11 : memref<!tpu.dma_semaphore, #tpu.memory_space<semaphore_mem>>)
    %dma_wait3A_1360 = arith.constant 48 : i32
    %dma_wait3A_1361 = arith.constant 0 : i32
    %dma_wait3A_1362 = tpu.memref_slice %arg5[%dma_wait3A_1360, %dma_wait3A_1361] : memref<50x512xi32, #tpu.memory_space<vmem>> -> memref<1x512xi32, #tpu.memory_space<vmem>>
    %dma_wait3A_1363 = tpu.memref_squeeze %dma_wait3A_1362 : memref<1x512xi32, #tpu.memory_space<vmem>> -> memref<512xi32, #tpu.memory_space<vmem>>
    %dma_wait3A_1364 = arith.constant 0 : i32
    %dma_wait3A_1365 = arith.constant 0 : i32
    %dma_wait3A_1366 = tpu.memref_slice %arg3[%dma_wait3A_1364, %dma_wait3A_1365] : memref<1000000x64xf32, #tpu.memory_space<hbm>> -> memref<1000000x64xf32, #tpu.memory_space<hbm>>
    tpu.wait_indirect_dma semaphore(%arg10 : memref<!tpu.dma_semaphore, #tpu.memory_space<semaphore_mem>>) src(%dma_wait3A_1366 : memref<1000000x64xf32, #tpu.memory_space<hbm>>) dst(%arg6 : memref<512x64xf32, #tpu.memory_space<vmem>>)
    %dma_start3A_1367 = arith.constant 48 : i32
    %dma_start3A_1368 = arith.constant 0 : i32
    %dma_start3A_1369 = tpu.memref_slice %arg4[%dma_start3A_1367, %mul3A_2, %dma_start3A_1368] : memref<50x16384x64xf32, #tpu.memory_space<hbm>> -> memref<1x512x64xf32, #tpu.memory_space<hbm>>
    %dma_start3A_1370 = tpu.memref_squeeze %dma_start3A_1369 : memref<1x512x64xf32, #tpu.memory_space<hbm>> -> memref<512x64xf32, #tpu.memory_space<hbm>>
    %dma_start3A_1371 = arith.constant 0 : i32
    %dma_start3A_1372 = tpu.memref_slice %arg4[%dma_start3A_1367, %mul3A_2, %dma_start3A_1371] : memref<50x16384x64xf32, #tpu.memory_space<hbm>> -> memref<1x512x64xf32, #tpu.memory_space<hbm>>
    %dma_start3A_1373 = tpu.memref_squeeze %dma_start3A_1372 : memref<1x512x64xf32, #tpu.memory_space<hbm>> -> memref<512x64xf32, #tpu.memory_space<hbm>>
    tpu.enqueue_dma source(%arg6 : memref<512x64xf32, #tpu.memory_space<vmem>>) target(%dma_start3A_1373 : memref<512x64xf32, #tpu.memory_space<hbm>>) target_semaphore(%arg13 : memref<!tpu.dma_semaphore, #tpu.memory_space<semaphore_mem>>)
    %dma_wait3A_1374 = arith.constant 49 : i32
    %dma_wait3A_1375 = arith.constant 0 : i32
    %dma_wait3A_1376 = tpu.memref_slice %arg5[%dma_wait3A_1374, %dma_wait3A_1375] : memref<50x512xi32, #tpu.memory_space<vmem>> -> memref<1x512xi32, #tpu.memory_space<vmem>>
    %dma_wait3A_1377 = tpu.memref_squeeze %dma_wait3A_1376 : memref<1x512xi32, #tpu.memory_space<vmem>> -> memref<512xi32, #tpu.memory_space<vmem>>
    %dma_wait3A_1378 = arith.constant 0 : i32
    %dma_wait3A_1379 = arith.constant 0 : i32
    %dma_wait3A_1380 = tpu.memref_slice %arg3[%dma_wait3A_1378, %dma_wait3A_1379] : memref<1000000x64xf32, #tpu.memory_space<hbm>> -> memref<1000000x64xf32, #tpu.memory_space<hbm>>
    tpu.wait_indirect_dma semaphore(%arg11 : memref<!tpu.dma_semaphore, #tpu.memory_space<semaphore_mem>>) src(%dma_wait3A_1380 : memref<1000000x64xf32, #tpu.memory_space<hbm>>) dst(%arg7 : memref<512x64xf32, #tpu.memory_space<vmem>>)
    %dma_start3A_1381 = arith.constant 49 : i32
    %dma_start3A_1382 = arith.constant 0 : i32
    %dma_start3A_1383 = tpu.memref_slice %arg4[%dma_start3A_1381, %mul3A_2, %dma_start3A_1382] : memref<50x16384x64xf32, #tpu.memory_space<hbm>> -> memref<1x512x64xf32, #tpu.memory_space<hbm>>
    %dma_start3A_1384 = tpu.memref_squeeze %dma_start3A_1383 : memref<1x512x64xf32, #tpu.memory_space<hbm>> -> memref<512x64xf32, #tpu.memory_space<hbm>>
    %dma_start3A_1385 = arith.constant 0 : i32
    %dma_start3A_1386 = tpu.memref_slice %arg4[%dma_start3A_1381, %mul3A_2, %dma_start3A_1385] : memref<50x16384x64xf32, #tpu.memory_space<hbm>> -> memref<1x512x64xf32, #tpu.memory_space<hbm>>
    %dma_start3A_1387 = tpu.memref_squeeze %dma_start3A_1386 : memref<1x512x64xf32, #tpu.memory_space<hbm>> -> memref<512x64xf32, #tpu.memory_space<hbm>>
    tpu.enqueue_dma source(%arg7 : memref<512x64xf32, #tpu.memory_space<vmem>>) target(%dma_start3A_1387 : memref<512x64xf32, #tpu.memory_space<hbm>>) target_semaphore(%arg14 : memref<!tpu.dma_semaphore, #tpu.memory_space<semaphore_mem>>)
    %dma_wait3A_1388 = arith.constant 48 : i32
    %dma_wait3A_1389 = arith.constant 0 : i32
    %dma_wait3A_1390 = tpu.memref_slice %arg4[%dma_wait3A_1388, %mul3A_2, %dma_wait3A_1389] : memref<50x16384x64xf32, #tpu.memory_space<hbm>> -> memref<1x512x64xf32, #tpu.memory_space<hbm>>
    %dma_wait3A_1391 = tpu.memref_squeeze %dma_wait3A_1390 : memref<1x512x64xf32, #tpu.memory_space<hbm>> -> memref<512x64xf32, #tpu.memory_space<hbm>>
    %dma_wait3A_1392 = arith.constant 0 : i32
    %dma_wait3A_1393 = tpu.memref_slice %arg4[%dma_wait3A_1388, %mul3A_2, %dma_wait3A_1392] : memref<50x16384x64xf32, #tpu.memory_space<hbm>> -> memref<1x512x64xf32, #tpu.memory_space<hbm>>
    %dma_wait3A_1394 = tpu.memref_squeeze %dma_wait3A_1393 : memref<1x512x64xf32, #tpu.memory_space<hbm>> -> memref<512x64xf32, #tpu.memory_space<hbm>>
    tpu.wait_dma2 semaphore(%arg13 : memref<!tpu.dma_semaphore, #tpu.memory_space<semaphore_mem>>) src(%arg6 : memref<512x64xf32, #tpu.memory_space<vmem>>) dst(%dma_wait3A_1394 : memref<512x64xf32, #tpu.memory_space<hbm>>)
    %dma_wait3A_1395 = arith.constant 49 : i32
    %dma_wait3A_1396 = arith.constant 0 : i32
    %dma_wait3A_1397 = tpu.memref_slice %arg4[%dma_wait3A_1395, %mul3A_2, %dma_wait3A_1396] : memref<50x16384x64xf32, #tpu.memory_space<hbm>> -> memref<1x512x64xf32, #tpu.memory_space<hbm>>
    %dma_wait3A_1398 = tpu.memref_squeeze %dma_wait3A_1397 : memref<1x512x64xf32, #tpu.memory_space<hbm>> -> memref<512x64xf32, #tpu.memory_space<hbm>>
    %dma_wait3A_1399 = arith.constant 0 : i32
    %dma_wait3A_1400 = tpu.memref_slice %arg4[%dma_wait3A_1395, %mul3A_2, %dma_wait3A_1399] : memref<50x16384x64xf32, #tpu.memory_space<hbm>> -> memref<1x512x64xf32, #tpu.memory_space<hbm>>
    %dma_wait3A_1401 = tpu.memref_squeeze %dma_wait3A_1400 : memref<1x512x64xf32, #tpu.memory_space<hbm>> -> memref<512x64xf32, #tpu.memory_space<hbm>>
    tpu.wait_dma2 semaphore(%arg14 : memref<!tpu.dma_semaphore, #tpu.memory_space<semaphore_mem>>) src(%arg7 : memref<512x64xf32, #tpu.memory_space<vmem>>) dst(%dma_wait3A_1401 : memref<512x64xf32, #tpu.memory_space<hbm>>)
    return
  }
}

</mosaic_0001>

<sc_bundles>
// kernel: _gather.3.cloned.1.call-start
scs
__scs_entry_jumppad:
0x0: {  	(pc) =	sbr.rel $0x88, $3  }
0x1: {  	(tag) =	ssettag $0x0;
	lr =	simm.s32 $0x1  }
0x2: {  	[smem:$0x3F9F] =	sst lr;
	_ =	strace $0xD0000000  }
0x3: {  	_ = 	snop  }
0x4: {  	_ = 	snop  }
0x5: {  	_ = 	snop  }
0x6: {  	_ = 	snop  }
0x7: {  	_ = 	snop  }
__scs_overlays_trampoline_lowered:
0x8: {  	[smem:$0x3FAE] =	sst s0  }
0x9: {  	[smem:$0x3FAF] =	sst s1  }
0xa: {  	[smem:$0x3FB0] =	sst s2  }
0xb: {  	[smem:$0x3FB1] =	sst s3  }
0xc: {  	[smem:$0x3FB2] =	sst s4  }
0xd: {  	[smem:$0x3FB3] =	sst s5  }
0xe: {  	[smem:$0x3FB4] =	sst s6  }
0xf: {  	[smem:$0x3FB5] =	sst s7  }
0x10: {  	[smem:$0x3FB6] =	sst s8  }
0x11: {  	[smem:$0x3FB7] =	sst s9;
	s0 =	simm.s32 @!p0 $0x0  }
0x12: {  	s1 =	sld [smem:$0x3F9D];
	s0 =	simm.s32 @p0 $0x1  }
0x13: {  	[smem:$0x3FB8] =	sst s0;
	s0 =	simm.s32 @!p1 $0x0  }
0x14: {  	s2 =	sld [smem:$0x3F9C];
	s0 =	simm.s32 @p1 $0x1  }
0x15: {  	[smem:$0x3FB9] =	sst s0;
	s0 =	simm.s32 @!p2 $0x0  }
0x16: {  	s3 =	sld [smem:$0x3FDB];
	s0 =	simm.s32 @p2 $0x1  }
0x17: {  	s4 =	simm.s32 $0x1BF5;
	[smem:$0x3FBB] =	sst s0  }
0x18: {  	s0 =	sld [smem:$0x3F9E];
	_ =	swait.ge [sflag:s4], $0x0  }
0x19: {  	s7 =	sld [smem:$0x3F9F]  }
0x1a: {  	s8 =	sadd.s32 $0xFFFFE003, lr  }
0x1b: {  	s9 =	sadd.s32 $0xFFFFFEF7, lr;
	s5 =	simm.s32 $0xFFFFFFFF;
	p2 =	slt.u32 s8, $0xFFFFF086  }
0x1c: {  	p1 =	slt.u32 s9, $0xF7A;
	s5 =	simm.s32 @!p2 $0x0  }
0x1d: {  	s5 =	simm.s32 @p1 $0x1;
	p0 =	seq.s32 s7, s2  }
0x1e: {  	s7 =	smul.u32 @!p0 $0xF7A, s2;
	p2 =	seq.s32 @!p0 s5, $0x0  }
0x1f: {  	s9 =	smul.u32 $0xF7A, s1;
	s8 =	simm.s32 @!p0 $0x1BF5;
	p2 =	por !p2, p0  }
0x20: {  	[sflag:s8] =	ssyncset.s32 @!p0 $0xFFFFF086;
	s6 =	sadd.s32 @!p0 s3, s7;
	s7 =	simm.s32 @!p0 $0x108  }
0x21: {  	s3 =	sadd.s32 s3, s9;
	s6 =	sadd.s32 @!p0 $0x88, s6;
	s7 =	simm.s32 @p2 $0x1082  }
0x22: {  	[simem:s7], [sflag:s8] =	dma.local @!p0 [hbm:s6], $0xF7A  }
0x23: {  	s9 =	sor.u32 $0xD0000000, s2;
	s6 =	simm.s32 $0x108;
	_ =	swait.ge @!p0 [sflag:s8], $0x0  }
0x24: {  	s3 =	sadd.s32 $0x88, s3;
	s6 =	simm.s32 @!p1 $0x1082;
	[sflag:s4] =	ssyncset.s32 $0xFFFFF086  }
0x25: {  	[simem:s6], [sflag:s4] =	dma.local [hbm:s3], $0xF7A  }
0x26: {  	[smem:$0x3F9F] =	sst s1;
	(tag) =	ssettag s2;
	_ =	strace s9  }
0x27: {  	s1 =	sld [smem:$0x3FAF]  }
0x28: {  	s2 =	sld [smem:$0x3FB0]  }
0x29: {  	s4 =	sld [smem:$0x3FB2]  }
0x2a: {  	p0 =	seq.s32 s5, $0x0;
	s5 =	sld [smem:$0x3FB3]  }
0x2b: {  	s6 =	sld [smem:$0x3FB4]  }
0x2c: {  	s7 =	sld [smem:$0x3FB5]  }
0x2d: {  	s3 =	simm.s32 $0x108;
	s8 =	sld [smem:$0x3FB6]  }
0x2e: {  	s3 =	simm.s32 @!p0 $0x1082;
	s9 =	sld [smem:$0x3FB7]  }
0x2f: {  	lr =	sadd.s32 s0, s3;
	s0 =	sld [smem:$0x3FAE]  }
0x30: {  	s3 =	sld [smem:$0x3FB1]  }
0x31: {  	[smem:$0x3FBA] =	sst s10  }
0x32: {  	s10 =	sld [smem:$0x3FB8];
	_ =	sdelay $0x3  }
0x33: {  	p0 =	seq.s32 s10, $0x1;
	s10 =	sld [smem:$0x3FBA];
	_ =	sdelay $0x3  }
0x34: {  	[smem:$0x3FBA] =	sst s10  }
0x35: {  	s10 =	sld [smem:$0x3FB9];
	_ =	sdelay $0x3  }
0x36: {  	p1 =	seq.s32 s10, $0x1;
	s10 =	sld [smem:$0x3FBA];
	_ =	sdelay $0x3  }
0x37: {  	[smem:$0x3FBA] =	sst s10  }
0x38: {  	s10 =	sld [smem:$0x3FBB]  }
0x39: {  	_ = 	snop;
	(pc) =	sbr.ind lr, $3  }
0x3a: {  	_ = 	snop  }
0x3b: {  	_ = 	snop  }
0x3c: {  	p2 =	seq.s32 s10, $0x1;
	s10 =	sld [smem:$0x3FBA]  }
0x3d: {  	_ =	shalt  }
0x3e: {  	_ =	shalt  }
0x3f: {  	_ =	shalt  }
0x40: {  	_ =	shalt  }
0x41: {  	_ =	shalt  }
0x42: {  	_ =	shalt  }
0x43: {  	_ =	shalt  }
0x44: {  	_ =	shalt  }
0x45: {  	_ =	shalt  }
0x46: {  	_ =	shalt  }
0x47: {  	_ =	shalt  }
0x48: {  	_ =	shalt  }
0x49: {  	_ =	shalt  }
0x4a: {  	_ =	shalt  }
0x4b: {  	_ =	shalt  }
0x4c: {  	_ =	shalt  }
0x4d: {  	_ =	shalt  }
0x4e: {  	_ =	shalt  }
0x4f: {  	_ =	shalt  }
0x50: {  	_ =	shalt  }
0x51: {  	_ =	shalt  }
0x52: {  	_ =	shalt  }
0x53: {  	_ =	shalt  }
0x54: {  	_ =	shalt  }
0x55: {  	_ =	shalt  }
0x56: {  	_ =	shalt  }
0x57: {  	_ =	shalt  }
0x58: {  	_ =	shalt  }
0x59: {  	_ =	shalt  }
0x5a: {  	_ =	shalt  }
0x5b: {  	_ =	shalt  }
0x5c: {  	_ =	shalt  }
0x5d: {  	_ =	shalt  }
0x5e: {  	_ =	shalt  }
0x5f: {  	_ =	shalt  }
0x60: {  	_ =	shalt  }
0x61: {  	_ =	shalt  }
0x62: {  	_ =	shalt  }
0x63: {  	_ =	shalt  }
0x64: {  	_ =	shalt  }
0x65: {  	_ =	shalt  }
0x66: {  	_ =	shalt  }
0x67: {  	_ =	shalt  }
0x68: {  	_ =	shalt  }
0x69: {  	_ =	shalt  }
0x6a: {  	_ =	shalt  }
0x6b: {  	_ =	shalt  }
0x6c: {  	_ =	shalt  }
0x6d: {  	_ =	shalt  }
0x6e: {  	_ =	shalt  }
0x6f: {  	_ =	shalt  }
0x70: {  	_ =	shalt  }
0x71: {  	_ =	shalt  }
0x72: {  	_ =	shalt  }
0x73: {  	_ =	shalt  }
0x74: {  	_ =	shalt  }
0x75: {  	_ =	shalt  }
0x76: {  	_ =	shalt  }
0x77: {  	_ =	shalt  }
0x78: {  	_ =	shalt  }
0x79: {  	_ =	shalt  }
0x7a: {  	_ =	shalt  }
0x7b: {  	_ =	shalt  }
0x7c: {  	_ =	shalt  }
0x7d: {  	_ =	shalt  }
0x7e: {  	_ =	shalt  }
0x7f: {  	_ =	shalt  }
0x80: {  	_ =	shalt  }
0x81: {  	_ =	shalt  }
0x82: {  	_ =	shalt  }
0x83: {  	_ =	shalt  }
0x84: {  	_ =	shalt  }
0x85: {  	_ =	shalt  }
0x86: {  	_ =	shalt  }
0x87: {  	_ =	shalt  }
.Lfunc_end0:
.L_simem_size_0:
called_computation.1_lowered:
.L_overlay_start_0:
0x88: {  	s2 =	sld [smem:$0x3FD9]  }
0x89: {  	s3 =	sld [smem:$0x3FFE];
	_ =	sdelay $0x1  }
0x8a: {  	s1 =	srdreg.scid  }
0x8b: {  	s0 =	sand.u32 $0x1, s1  }
0x8c: {  	s17 =	sshll.u32 s0, $0xA;
	s2 =	sadd.s32 s3, s2  }
0x8d: {  	s2 =	sadd.s32 s2, s17  }
0x8e: {  	[smem:$0x3FC6] =	sst s2  }
0x8f: {  	_ = 	snop  }
0x90: {  	s2 =	sld [smem:$0x3FD0];
	(tm) =	ssettm $0x1  }
0x91: {  	s18 =	sld [smem:$0x3FFB];
	_ =	sdelay $0x3  }
0x92: {  	_ =	strace s18  }
0x93: {  	s3 =	sld [smem:$0x3FFC];
	_ =	sdelay $0x3  }
0x94: {  	_ =	strace s3  }
0x95: {  	s3 =	sld [smem:$0x3FFD];
	_ =	sdelay $0x3  }
0x96: {  	_ =	strace s3  }
0x97: {  	_ =	strace $0x8FFFFFFF  }
0x98: {  	s19 =	sld [smem:$0x3FDB];
	_ =	sdelay $0x1  }
0x99: {  	s4 =	simm.s32 $_scs_section_size  }
0x9a: {  	s5 =	simm.s32 $_size__tile_overlayer_lowered;
	s6 =	simm.s32 $_tile_overlayer_lowered  }
0x9b: {  	s22 =	simm.s32 $0x1BFF;
	s21 =	sshll.u32 s6, $0x1;
	s3 =	sadd.s32 s4, s19  }
0x9c: {  	s7 =	simm.s32 $0x0;
	s20 =	sshll.u32 s5, $0x1;
	s5 =	sadd.s32 s21, s3  }
0x9d: {  	[timem:s7], [sflag:s22] =	dma.local [hbm:s5], s20  }
0x9e: {  	_ =	swait.ge [sflag:s22], s20  }
0x9f: {  	s4 =	ssub.s32 $0x0, s20;
	[sflag:s22] =	ssyncset.done $0x0  }
0xa0: {  	[sflag:s22] =	ssyncadd.s32 s4;
	_ =	sdelay $0x1  }
0xa1: {  	s23 =	simm.s32 $0x1B8B  }
0xa2: {  	_ =	swait.ge [sflag:s23], $0x1  }
0xa3: {  	[sflag:s23] =	ssyncset.done $0x0  }
0xa4: {  	s25 =	simm.s32 $0x1B8E;
	s24 =	sld [smem:$0x3FFE];
	[sflag:s23] =	ssyncadd.s32 $0xFFFFFFFF  }
0xa5: {  	s26 =	simm.s32 $execute0_lowered;
	[smem:$0x3FD2] =	sst s25  }
0xa6: {  	s5 =	sshll.u32 s26, $0x1;
	_ =	strace $0x80000046;
	[dreg:$0x1] =	wrdreg $0xFFFFFFFF  }
0xa7: {  	s28 =	simm.s32 $_size_execute0_lowered;
	s3 =	sadd.s32 s3, s5;
	[dreg:$0x0] =	wrdreg $0x0  }
0xa8: {  	s5 =	sshll.u32 s28, $0x1;
	[dreg:$0x2] =	wrdreg s3  }
0xa9: {  	[dreg:$0x3] =	wrdreg s5  }
0xaa: {  	[dreg:$0x4] =	wrdreg $0xC0  }
0xab: {  	_ =	task [dreg:s7], $0x5FFFF  }
0xac: {  	[dreg:$0x1] =	wrdreg $0xFFFFFFFF  }
0xad: {  	[dreg:$0x0] =	wrdreg $0x60  }
0xae: {  	[dreg:$0x2] =	wrdreg s24  }
0xaf: {  	[dreg:$0x3] =	wrdreg s2  }
0xb0: {  	[dreg:$0x4] =	wrdreg $0x9  }
0xb1: {  	_ =	task.clear_ibuf [dreg:s7], $0x5FFFF;
	_ =	strace $0x90000046  }
0xb2: {  	s29 =	simm.s32 $0x9;
	_ =	strace $0x80000048  }
0xb3: {  	_ =	swait.ge [sflag:s29], $0x1  }
0xb4: {  	[sflag:s29] =	ssyncadd.s32 $0xFFFFFFFF  }
0xb5: {  	_ =	strace $0x90000048  }
0xb6: {  	_ =	sfence  }
0xb7: {  	s30 =	sld [smem:$0x0];
	_ =	sdelay $0x2  }
0xb8: {  	s31 =	sshll.u32 s1, $0xD;
	s1 =	sshrl.u32 s1, $0x2  }
0xb9: {  	s3 =	sand.u32 $0x4000, s31;
	s1 =	sadd.s32 s1, s30  }
0xba: {  	s0 =	sor.u32 s3, s0;
	s1 =	sshll.u32 s1, $0x11  }
0xbb: {  	s0 =	sor.u32 s1, s0  }
0xbc: {  	s0 =	sadd.s32 $0x8F2B, s0  }
0xbd: {  	[sflag:s0] =	ssyncadd.remote.s32 $0x1  }
0xbe: {  	_ =	sfence.sel $0xFFFF  }
0xbf: {  	[dreg:$0x0] =	wrdreg $0xFFFFFFFF;
	(pc) =	sbr.abs _section_cstart, $3  }
0xc0: {  	[dreg:$0x1] =	wrdreg $0xFFFFFFFF  }
0xc1: {  	_ =	task.clear_ibuf [dreg:s7], $0x2FFFF;
	_ =	strace $0x9FFFFFFF  }
0xc2: {  	(tm) =	ssettm $0x7FFFFFFF  }
0xc3: {  	_ =	shalt  }
tec
execute0_lowered:
.L_overlay_start_1:
0x0: {  	(tag) =	ssettag $0x1  }
0x1: {  	s0 =	srdreg.scid  }
0x2: {  	s2 =	stileid.u32;
	s1 =	sand.u32 $0x1, s0  }
0x3: {  	s12 =	sshll.u32 s2, $0xA;
	s13 =	sshll.u32 s1, $0x9  }
0x4: {  	s3 =	rddreg [dreg:$0x0];
	s0 =	sor.u32 s13, s12  }
0x5: {  	s4 =	rddreg [dreg:$0x1];
	s5 =	sshrl.u32 s0, $0x3  }
0x6: {  	s2 =	simm.s32 $0x0;
	s0 =	sshll.u32 s0, $0x3;
	s5 =	sadd.s32 s5, s3  }
0x7: {  	[smem:$0x7FF] =	sst s2;
	s30 =	sadd.s32 s4, s0;
	s5 =	sadd.s32 $0xA00, s5  }
0x8: {  	_ =	strace $0x80000047;
	s0 =	sadd.s32 $0x20000, s30;
	[dreg:$0x3] =	wrdreg s5  }
0x9: {  	s14 =	sadd.s32 $0x40000, s30;
	[dreg:$0x4] =	wrdreg s0  }
0xa: {  	s15 =	sadd.s32 $0x60000, s30;
	[dreg:$0x5] =	wrdreg s14  }
0xb: {  	s16 =	sadd.s32 $0x80000, s30;
	[dreg:$0x6] =	wrdreg s15  }
0xc: {  	s17 =	sadd.s32 $0xA0000, s30;
	[dreg:$0x7] =	wrdreg s16  }
0xd: {  	s18 =	sadd.s32 $0xC0000, s30;
	[dreg:$0x8] =	wrdreg s17  }
0xe: {  	s19 =	sadd.s32 $0xE0000, s30;
	[dreg:$0x9] =	wrdreg s18  }
0xf: {  	s20 =	sadd.s32 $0x100000, s30;
	[dreg:$0xa] =	wrdreg s19  }
0x10: {  	s21 =	sadd.s32 $0x120000, s30;
	[dreg:$0xb] =	wrdreg s20  }
0x11: {  	s22 =	sadd.s32 $0x140000, s30;
	[dreg:$0xc] =	wrdreg s21  }
0x12: {  	s23 =	sadd.s32 $0x160000, s30;
	[dreg:$0xd] =	wrdreg s22  }
0x13: {  	s24 =	sadd.s32 $0x180000, s30;
	[dreg:$0xe] =	wrdreg s23  }
0x14: {  	s25 =	sadd.s32 $0x1A0000, s30;
	[dreg:$0xf] =	wrdreg s24  }
0x15: {  	s26 =	sadd.s32 $0x1C0000, s30;
	[dreg:$0x10] =	wrdreg s25  }
0x16: {  	s4 =	sadd.s32 $0x1E0000, s30;
	[dreg:$0x11] =	wrdreg s26  }
0x17: {  	s6 =	sadd.s32 $0x220000, s30;
	[dreg:$0x12] =	wrdreg s4  }
0x18: {  	s7 =	sadd.s32 $0x240000, s30;
	[dreg:$0x14] =	wrdreg s6  }
0x19: {  	s8 =	sadd.s32 $0x260000, s30;
	[dreg:$0x15] =	wrdreg s7  }
0x1a: {  	s9 =	sadd.s32 $0x280000, s30;
	[dreg:$0x16] =	wrdreg s8  }
0x1b: {  	s10 =	sadd.s32 $0x2A0000, s30;
	[dreg:$0x17] =	wrdreg s9  }
0x1c: {  	s11 =	sadd.s32 $0x2C0000, s30;
	[dreg:$0x18] =	wrdreg s10  }
0x1d: {  	s12 =	sadd.s32 $0x2E0000, s30;
	[dreg:$0x19] =	wrdreg s11  }
0x1e: {  	s13 =	sadd.s32 $0x300000, s30;
	[dreg:$0x1a] =	wrdreg s12  }
0x1f: {  	s5 =	sadd.s32 $0x200000, s30;
	[dreg:$0x1b] =	wrdreg s13  }
0x20: {  	s14 =	sadd.s32 $0x320000, s30;
	[dreg:$0x13] =	wrdreg s5  }
0x21: {  	s15 =	sadd.s32 $0x340000, s30;
	[dreg:$0x1c] =	wrdreg s14  }
0x22: {  	s16 =	sadd.s32 $0x360000, s30;
	[dreg:$0x1d] =	wrdreg s15  }
0x23: {  	s17 =	sadd.s32 $0x380000, s30;
	[dreg:$0x1e] =	wrdreg s16  }
0x24: {  	s18 =	sadd.s32 $0x3A0000, s30;
	[dreg:$0x1f] =	wrdreg s17  }
0x25: {  	s19 =	sadd.s32 $0x3C0000, s30;
	[smem:$0x7C8] =	sst s18  }
0x26: {  	s20 =	sadd.s32 $0x3E0000, s30;
	[smem:$0x7C9] =	sst s19  }
0x27: {  	s21 =	sadd.s32 $0x400000, s30;
	[smem:$0x7CA] =	sst s20  }
0x28: {  	s22 =	sadd.s32 $0x420000, s30;
	[smem:$0x7CB] =	sst s21  }
0x29: {  	s23 =	sadd.s32 $0x440000, s30;
	[smem:$0x7CC] =	sst s22  }
0x2a: {  	s24 =	sadd.s32 $0x460000, s30;
	[smem:$0x7CD] =	sst s23  }
0x2b: {  	s25 =	sadd.s32 $0x480000, s30;
	[smem:$0x7CE] =	sst s24  }
0x2c: {  	s26 =	sadd.s32 $0x4A0000, s30;
	[smem:$0x7CF] =	sst s25  }
0x2d: {  	s4 =	sadd.s32 $0x4C0000, s30;
	[smem:$0x7D0] =	sst s26  }
0x2e: {  	s6 =	sadd.s32 $0x500000, s30;
	[smem:$0x7D1] =	sst s4  }
0x2f: {  	s7 =	sadd.s32 $0x520000, s30;
	[smem:$0x7D3] =	sst s6  }
0x30: {  	s8 =	sadd.s32 $0x540000, s30;
	[smem:$0x7D4] =	sst s7  }
0x31: {  	s9 =	sadd.s32 $0x560000, s30;
	[smem:$0x7D5] =	sst s8  }
0x32: {  	s10 =	sadd.s32 $0x580000, s30;
	[smem:$0x7D6] =	sst s9  }
0x33: {  	s11 =	sadd.s32 $0x5A0000, s30;
	[smem:$0x7D7] =	sst s10  }
0x34: {  	s12 =	sadd.s32 $0x5C0000, s30;
	[smem:$0x7D8] =	sst s11  }
0x35: {  	s13 =	sadd.s32 $0x5E0000, s30;
	[smem:$0x7D9] =	sst s12  }
0x36: {  	[smem:$0x7DA] =	sst s13  }
0x37: {  	s5 =	sadd.s32 $0x4E0000, s30;
	s0 =	rddreg [dreg:$0x3]  }
0x38: {  	s14 =	sadd.s32 $0x600000, s30;
	[smem:$0x7D2] =	sst s5  }
0x39: {  	s15 =	sadd.s32 $0x620000, s30;
	[smem:$0x7DB] =	sst s14  }
0x3a: {  	s16 =	simm.s32 $0x400;
	[smem:$0x7DC] =	sst s15  }
0x3b: {  	s17 =	simm.s32 $0x600;
	[smem:$0x7DD] =	sst s16  }
0x3c: {  	s18 =	simm.s32 $0x800;
	[smem:$0x7DE] =	sst s17  }
0x3d: {  	s19 =	simm.s32 $0xA00;
	[smem:$0x7DF] =	sst s18  }
0x3e: {  	s20 =	simm.s32 $0xC00;
	[smem:$0x7E0] =	sst s19  }
0x3f: {  	s21 =	simm.s32 $0xE00;
	[smem:$0x7E1] =	sst s20  }
0x40: {  	s22 =	simm.s32 $0x1000;
	[smem:$0x7E2] =	sst s21  }
0x41: {  	s23 =	simm.s32 $0x1200;
	[smem:$0x7E3] =	sst s22  }
0x42: {  	s24 =	simm.s32 $0x1400;
	[smem:$0x7E4] =	sst s23  }
0x43: {  	s25 =	simm.s32 $0x1600;
	[smem:$0x7E5] =	sst s24  }
0x44: {  	s26 =	simm.s32 $0x1800;
	[smem:$0x7E6] =	sst s25  }
0x45: {  	s4 =	simm.s32 $0x1A00;
	[smem:$0x7E7] =	sst s26  }
0x46: {  	s29 =	simm.s32 $0x4000;
	s6 =	simm.s32 $0x1E00;
	[smem:$0x7E8] =	sst s4  }
0x47: {  	s31 =	simm.s32 $0x1;
	s7 =	simm.s32 $0x2000;
	[smem:$0x7EA] =	sst s6  }
0x48: {  	s28 =	simm.s32 $0x4800;
	s8 =	simm.s32 $0x2200;
	[smem:$0x7EB] =	sst s7  }
0x49: {  	p0 =	por $0x0, $0x0;
	s9 =	simm.s32 $0x2400;
	[smem:$0x7EC] =	sst s8  }
0x4a: {  	s1 =	ssub.s32 $0x2, s1;
	s10 =	simm.s32 $0x2600;
	[smem:$0x7ED] =	sst s9  }
0x4b: {  	s3 =	sadd.s32 $0xF42E00, s3;
	s11 =	simm.s32 $0x2800;
	[smem:$0x7EE] =	sst s10  }
0x4c: {  	s12 =	simm.s32 $0x2A00;
	s13 =	sshrl.u32 s1, $0x1;
	[smem:$0x7EF] =	sst s11  }
0x4d: {  	s5 =	simm.s32 $0x1C00;
	[smem:$0x7F0] =	sst s12;
	s14 =	simm.s32 $0x2C00  }
0x4e: {  	s1 =	ssub.s32 s1, s13;
	s15 =	simm.s32 $0x2E00;
	[smem:$0x7E9] =	sst s5  }
0x4f: {  	s16 =	simm.s32 $0x3000;
	s4 =	simm.s32 $0x200;
	[smem:$0x7F1] =	sst s14  }
0x50: {  	s17 =	simm.s32 $0x3200;
	s18 =	simm.s32 $0x3400;
	[smem:$0x7F2] =	sst s15  }
0x51: {  	s19 =	simm.s32 $0x3600;
	s6 =	simm.s32 $0x6400;
	[smem:$0x7F3] =	sst s16  }
0x52: {  	s20 =	simm.s32 $0x3800;
	s21 =	simm.s32 $0x3A00;
	[smem:$0x7F4] =	sst s17  }
0x53: {  	s7 =	simm.s32 $0x2;
	s22 =	simm.s32 $0x3C00;
	[smem:$0x7F5] =	sst s18  }
0x54: {  	s11 =	simm.s32 $0x16400;
	s23 =	simm.s32 $0x3E00;
	[smem:$0x7F6] =	sst s19  }
0x55: {  	s9 =	simm.s32 $0x3;
	s24 =	simm.s32 $0x4200;
	[smem:$0x7F7] =	sst s20  }
0x56: {  	s8 =	simm.s32 $0x5;
	s25 =	simm.s32 $0x4400;
	[smem:$0x7F8] =	sst s21  }
0x57: {  	s12 =	simm.s32 $0x4;
	s26 =	simm.s32 $0x4600;
	[smem:$0x7F9] =	sst s22  }
0x58: {  	s10 =	simm.s32 $0x6;
	s13 =	simm.s32 $0x6200;
	[smem:$0x7FA] =	sst s23  }
0x59: {  	s1 =	smax.u32 s1, $0x1;
	s5 =	simm.s32 $0xE400;
	[smem:$0x7FB] =	sst s24  }
0x5a: {  	[smem:$0x7FC] =	sst s25;
	s14 =	simm.s32 $0x7;
	p1 =	sne.s32 s1, $0x1  }
.Ltmp0:
0x5b: {  	[smem:$0x7FD] =	sst s26;
	s26 =	simm.s32 $0x4A00;
	(pc) =	sbr.rel @!p1 .LBB2_3-.Ltmp0, $4  }
0x5c: {  	s25 =	simm.s32 $0x4C00;
	s24 =	simm.s32 $0x4E00;
	s23 =	simm.s32 $0x5000  }
0x5d: {  	s22 =	simm.s32 $0x5200;
	s21 =	simm.s32 $0x5400;
	s20 =	simm.s32 $0x5600  }
0x5e: {  	s19 =	simm.s32 $0x5800;
	s18 =	simm.s32 $0x5A00;
	s17 =	simm.s32 $0x5C00  }
0x5f: {  	s16 =	simm.s32 $0x5E00;
	s15 =	simm.s32 $0x6000;
	s1 =	sadd.s32 $0xFFFFFFFF, s1  }
0x60: {  	[tilespmem:s2], [sflag:$0x1] =	stream.strided.gather [hbm4b:s0+s4], $0x6400, s29, s4, $0x38;
	[tilespmem:$0x1E400] =	vst v63  }
0x61: {  	_ =	swait.ge [sflag:s31], $0x6400  }
0x62: {  	[sflag:s31] =	ssyncset.done $0x0  }
0x63: {  	[sflag:s31] =	ssyncadd.s32 $0xFFFF9C00  }
0x64: {  	[tilespmem:s6], [sflag:$0x2] =	stream.indirect.gather [hbm4b:s3+s4], $0x40, s2, s4, $0xb8;
	[tilespmem:$0x1E400] =	vst v63  }
0x65: {  	_ = 	snop  }
0x66: {  	[tilespmem:s5], [sflag:$0x3] =	stream.indirect.gather [hbm4b:s3+s4], $0x40, s4, s4, $0xb8;
	[tilespmem:$0x1E400] =	vst v63  }
0x67: {  	_ =	swait.ge [sflag:s7], $0x8000  }
0x68: {  	[sflag:s7] =	ssyncset.done $0x0  }
0x69: {  	s0 =	sld [smem:$0x7DD];
	[sflag:s7] =	ssyncadd.s32 $0xFFFF8000  }
0x6a: {  	[hbm4b:s30+s2] =	stream.linear.scatter [tilespmem:s6], [sflag:$0x5], $0x8000, $0x38;
	[tilespmem:$0x1E400] =	vst v63  }
0x6b: {  	_ = 	snop  }
0x6c: {  	[tilespmem:s11], [sflag:$0x4] =	stream.indirect.gather [hbm4b:s3+s4], $0x40, s0, s4, $0xb8;
	[tilespmem:$0x1E400] =	vst v63  }
0x6d: {  	_ =	swait.ge [sflag:s9], $0x8000  }
0x6e: {  	[sflag:s9] =	ssyncset.done $0x0  }
0x6f: {  	s0 =	rddreg [dreg:$0x4];
	[sflag:s9] =	ssyncadd.s32 $0xFFFF8000  }
0x70: {  	[hbm4b:s0+s2] =	stream.linear.scatter [tilespmem:s5], [sflag:$0x6], $0x8000, $0x38;
	[tilespmem:$0x1E400] =	vst v63  }
0x71: {  	_ =	swait.ge [sflag:s8], $0x8000  }
0x72: {  	s0 =	sld [smem:$0x7DE]  }
0x73: {  	[sflag:s8] =	ssyncset.done $0x0  }
0x74: {  	[sflag:s8] =	ssyncadd.s32 $0xFFFF8000  }
0x75: {  	[tilespmem:s6], [sflag:$0x2] =	stream.indirect.gather [hbm4b:s3+s4], $0x40, s0, s4, $0xb8;
	[tilespmem:$0x1E400] =	vst v63  }
0x76: {  	_ =	swait.ge [sflag:s12], $0x8000  }
0x77: {  	[sflag:s12] =	ssyncset.done $0x0  }
0x78: {  	s0 =	rddreg [dreg:$0x5];
	[sflag:s12] =	ssyncadd.s32 $0xFFFF8000  }
0x79: {  	[hbm4b:s0+s2] =	stream.linear.scatter [tilespmem:s11], [sflag:$0x7], $0x8000, $0x38;
	[tilespmem:$0x1E400] =	vst v63  }
0x7a: {  	_ =	swait.ge [sflag:s10], $0x8000  }
0x7b: {  	s0 =	sld [smem:$0x7DF]  }
0x7c: {  	[sflag:s10] =	ssyncset.done $0x0  }
0x7d: {  	[sflag:s10] =	ssyncadd.s32 $0xFFFF8000  }
0x7e: {  	[tilespmem:s5], [sflag:$0x3] =	stream.indirect.gather [hbm4b:s3+s4], $0x40, s0, s4, $0xb8;
	[tilespmem:$0x1E400] =	vst v63  }
0x7f: {  	_ =	swait.ge [sflag:s7], $0x8000  }
0x80: {  	[sflag:s7] =	ssyncset.done $0x0  }
0x81: {  	s0 =	rddreg [dreg:$0x6];
	[sflag:s7] =	ssyncadd.s32 $0xFFFF8000  }
0x82: {  	[hbm4b:s0+s2] =	stream.linear.scatter [tilespmem:s6], [sflag:$0x5], $0x8000, $0x38;
	[tilespmem:$0x1E400] =	vst v63  }
0x83: {  	_ =	swait.ge [sflag:s14], $0x8000  }
0x84: {  	s0 =	sld [smem:$0x7E0]  }
0x85: {  	[sflag:s14] =	ssyncset.done $0x0  }
0x86: {  	[sflag:s14] =	ssyncadd.s32 $0xFFFF8000  }
0x87: {  	[tilespmem:s11], [sflag:$0x4] =	stream.indirect.gather [hbm4b:s3+s4], $0x40, s0, s4, $0xb8;
	[tilespmem:$0x1E400] =	vst v63  }
0x88: {  	_ =	swait.ge [sflag:s9], $0x8000  }
0x89: {  	[sflag:s9] =	ssyncset.done $0x0  }
0x8a: {  	s0 =	rddreg [dreg:$0x7];
	[sflag:s9] =	ssyncadd.s32 $0xFFFF8000  }
0x8b: {  	[hbm4b:s0+s2] =	stream.linear.scatter [tilespmem:s5], [sflag:$0x6], $0x8000, $0x38;
	[tilespmem:$0x1E400] =	vst v63  }
0x8c: {  	_ =	swait.ge [sflag:s8], $0x8000  }
0x8d: {  	s0 =	sld [smem:$0x7E1]  }
0x8e: {  	[sflag:s8] =	ssyncset.done $0x0  }
0x8f: {  	[sflag:s8] =	ssyncadd.s32 $0xFFFF8000  }
0x90: {  	[tilespmem:s6], [sflag:$0x2] =	stream.indirect.gather [hbm4b:s3+s4], $0x40, s0, s4, $0xb8;
	[tilespmem:$0x1E400] =	vst v63  }
0x91: {  	_ =	swait.ge [sflag:s12], $0x8000  }
0x92: {  	[sflag:s12] =	ssyncset.done $0x0  }
0x93: {  	s0 =	rddreg [dreg:$0x8];
	[sflag:s12] =	ssyncadd.s32 $0xFFFF8000  }
0x94: {  	[hbm4b:s0+s2] =	stream.linear.scatter [tilespmem:s11], [sflag:$0x7], $0x8000, $0x38;
	[tilespmem:$0x1E400] =	vst v63  }
0x95: {  	_ =	swait.ge [sflag:s10], $0x8000  }
0x96: {  	s0 =	sld [smem:$0x7E2]  }
0x97: {  	[sflag:s10] =	ssyncset.done $0x0  }
0x98: {  	[sflag:s10] =	ssyncadd.s32 $0xFFFF8000  }
0x99: {  	[tilespmem:s5], [sflag:$0x3] =	stream.indirect.gather [hbm4b:s3+s4], $0x40, s0, s4, $0xb8;
	[tilespmem:$0x1E400] =	vst v63  }
0x9a: {  	_ =	swait.ge [sflag:s7], $0x8000  }
0x9b: {  	[sflag:s7] =	ssyncset.done $0x0  }
0x9c: {  	s0 =	rddreg [dreg:$0x9];
	[sflag:s7] =	ssyncadd.s32 $0xFFFF8000  }
0x9d: {  	[hbm4b:s0+s2] =	stream.linear.scatter [tilespmem:s6], [sflag:$0x5], $0x8000, $0x38;
	[tilespmem:$0x1E400] =	vst v63  }
0x9e: {  	_ =	swait.ge [sflag:s14], $0x8000  }
0x9f: {  	s0 =	sld [smem:$0x7E3]  }
0xa0: {  	[sflag:s14] =	ssyncset.done $0x0  }
0xa1: {  	[sflag:s14] =	ssyncadd.s32 $0xFFFF8000  }
0xa2: {  	[tilespmem:s11], [sflag:$0x4] =	stream.indirect.gather [hbm4b:s3+s4], $0x40, s0, s4, $0xb8;
	[tilespmem:$0x1E400] =	vst v63  }
0xa3: {  	_ =	swait.ge [sflag:s9], $0x8000  }
0xa4: {  	[sflag:s9] =	ssyncset.done $0x0  }
0xa5: {  	s0 =	rddreg [dreg:$0xa];
	[sflag:s9] =	ssyncadd.s32 $0xFFFF8000  }
0xa6: {  	[hbm4b:s0+s2] =	stream.linear.scatter [tilespmem:s5], [sflag:$0x6], $0x8000, $0x38;
	[tilespmem:$0x1E400] =	vst v63  }
0xa7: {  	_ =	swait.ge [sflag:s8], $0x8000  }
0xa8: {  	s0 =	sld [smem:$0x7E4]  }
0xa9: {  	[sflag:s8] =	ssyncset.done $0x0  }
0xaa: {  	[sflag:s8] =	ssyncadd.s32 $0xFFFF8000  }
0xab: {  	[tilespmem:s6], [sflag:$0x2] =	stream.indirect.gather [hbm4b:s3+s4], $0x40, s0, s4, $0xb8;
	[tilespmem:$0x1E400] =	vst v63  }
0xac: {  	_ =	swait.ge [sflag:s12], $0x8000  }
0xad: {  	[sflag:s12] =	ssyncset.done $0x0  }
0xae: {  	s0 =	rddreg [dreg:$0xb];
	[sflag:s12] =	ssyncadd.s32 $0xFFFF8000  }
0xaf: {  	[hbm4b:s0+s2] =	stream.linear.scatter [tilespmem:s11], [sflag:$0x7], $0x8000, $0x38;
	[tilespmem:$0x1E400] =	vst v63  }
0xb0: {  	_ =	swait.ge [sflag:s10], $0x8000  }
0xb1: {  	s0 =	sld [smem:$0x7E5]  }
0xb2: {  	[sflag:s10] =	ssyncset.done $0x0  }
0xb3: {  	[sflag:s10] =	ssyncadd.s32 $0xFFFF8000  }
0xb4: {  	[tilespmem:s5], [sflag:$0x3] =	stream.indirect.gather [hbm4b:s3+s4], $0x40, s0, s4, $0xb8;
	[tilespmem:$0x1E400] =	vst v63  }
0xb5: {  	_ =	swait.ge [sflag:s7], $0x8000  }
0xb6: {  	[sflag:s7] =	ssyncset.done $0x0  }
0xb7: {  	s0 =	rddreg [dreg:$0xc];
	[sflag:s7] =	ssyncadd.s32 $0xFFFF8000  }
0xb8: {  	[hbm4b:s0+s2] =	stream.linear.scatter [tilespmem:s6], [sflag:$0x5], $0x8000, $0x38;
	[tilespmem:$0x1E400] =	vst v63  }
0xb9: {  	_ =	swait.ge [sflag:s14], $0x8000  }
0xba: {  	s0 =	sld [smem:$0x7E6]  }
0xbb: {  	[sflag:s14] =	ssyncset.done $0x0  }
0xbc: {  	[sflag:s14] =	ssyncadd.s32 $0xFFFF8000  }
0xbd: {  	[tilespmem:s11], [sflag:$0x4] =	stream.indirect.gather [hbm4b:s3+s4], $0x40, s0, s4, $0xb8;
	[tilespmem:$0x1E400] =	vst v63  }
0xbe: {  	_ =	swait.ge [sflag:s9], $0x8000  }
0xbf: {  	[sflag:s9] =	ssyncset.done $0x0  }
0xc0: {  	s0 =	rddreg [dreg:$0xd];
	[sflag:s9] =	ssyncadd.s32 $0xFFFF8000  }
0xc1: {  	[hbm4b:s0+s2] =	stream.linear.scatter [tilespmem:s5], [sflag:$0x6], $0x8000, $0x38;
	[tilespmem:$0x1E400] =	vst v63  }
0xc2: {  	_ =	swait.ge [sflag:s8], $0x8000  }
0xc3: {  	s0 =	sld [smem:$0x7E7]  }
0xc4: {  	[sflag:s8] =	ssyncset.done $0x0  }
0xc5: {  	[sflag:s8] =	ssyncadd.s32 $0xFFFF8000  }
0xc6: {  	[tilespmem:s6], [sflag:$0x2] =	stream.indirect.gather [hbm4b:s3+s4], $0x40, s0, s4, $0xb8;
	[tilespmem:$0x1E400] =	vst v63  }
0xc7: {  	_ =	swait.ge [sflag:s12], $0x8000  }
0xc8: {  	[sflag:s12] =	ssyncset.done $0x0  }
0xc9: {  	s0 =	rddreg [dreg:$0xe];
	[sflag:s12] =	ssyncadd.s32 $0xFFFF8000  }
0xca: {  	[hbm4b:s0+s2] =	stream.linear.scatter [tilespmem:s11], [sflag:$0x7], $0x8000, $0x38;
	[tilespmem:$0x1E400] =	vst v63  }
0xcb: {  	_ =	swait.ge [sflag:s10], $0x8000  }
0xcc: {  	s0 =	sld [smem:$0x7E8]  }
0xcd: {  	[sflag:s10] =	ssyncset.done $0x0  }
0xce: {  	[sflag:s10] =	ssyncadd.s32 $0xFFFF8000  }
0xcf: {  	[tilespmem:s5], [sflag:$0x3] =	stream.indirect.gather [hbm4b:s3+s4], $0x40, s0, s4, $0xb8;
	[tilespmem:$0x1E400] =	vst v63  }
0xd0: {  	_ =	swait.ge [sflag:s7], $0x8000  }
0xd1: {  	[sflag:s7] =	ssyncset.done $0x0  }
0xd2: {  	s0 =	rddreg [dreg:$0xf];
	[sflag:s7] =	ssyncadd.s32 $0xFFFF8000  }
0xd3: {  	[hbm4b:s0+s2] =	stream.linear.scatter [tilespmem:s6], [sflag:$0x5], $0x8000, $0x38;
	[tilespmem:$0x1E400] =	vst v63  }
0xd4: {  	_ =	swait.ge [sflag:s14], $0x8000  }
0xd5: {  	s0 =	sld [smem:$0x7E9]  }
0xd6: {  	[sflag:s14] =	ssyncset.done $0x0  }
0xd7: {  	[sflag:s14] =	ssyncadd.s32 $0xFFFF8000  }
0xd8: {  	[tilespmem:s11], [sflag:$0x4] =	stream.indirect.gather [hbm4b:s3+s4], $0x40, s0, s4, $0xb8;
	[tilespmem:$0x1E400] =	vst v63  }
0xd9: {  	_ =	swait.ge [sflag:s9], $0x8000  }
0xda: {  	[sflag:s9] =	ssyncset.done $0x0  }
0xdb: {  	s0 =	rddreg [dreg:$0x10];
	[sflag:s9] =	ssyncadd.s32 $0xFFFF8000  }
0xdc: {  	[hbm4b:s0+s2] =	stream.linear.scatter [tilespmem:s5], [sflag:$0x6], $0x8000, $0x38;
	[tilespmem:$0x1E400] =	vst v63  }
0xdd: {  	_ =	swait.ge [sflag:s8], $0x8000  }
0xde: {  	s0 =	sld [smem:$0x7EA]  }
0xdf: {  	[sflag:s8] =	ssyncset.done $0x0  }
0xe0: {  	[sflag:s8] =	ssyncadd.s32 $0xFFFF8000  }
0xe1: {  	[tilespmem:s6], [sflag:$0x2] =	stream.indirect.gather [hbm4b:s3+s4], $0x40, s0, s4, $0xb8;
	[tilespmem:$0x1E400] =	vst v63  }
0xe2: {  	_ =	swait.ge [sflag:s12], $0x8000  }
0xe3: {  	[sflag:s12] =	ssyncset.done $0x0  }
0xe4: {  	s0 =	rddreg [dreg:$0x11];
	[sflag:s12] =	ssyncadd.s32 $0xFFFF8000  }
0xe5: {  	[hbm4b:s0+s2] =	stream.linear.scatter [tilespmem:s11], [sflag:$0x7], $0x8000, $0x38;
	[tilespmem:$0x1E400] =	vst v63  }
0xe6: {  	_ =	swait.ge [sflag:s10], $0x8000  }
0xe7: {  	s0 =	sld [smem:$0x7EB]  }
0xe8: {  	[sflag:s10] =	ssyncset.done $0x0  }
0xe9: {  	[sflag:s10] =	ssyncadd.s32 $0xFFFF8000  }
0xea: {  	[tilespmem:s5], [sflag:$0x3] =	stream.indirect.gather [hbm4b:s3+s4], $0x40, s0, s4, $0xb8;
	[tilespmem:$0x1E400] =	vst v63  }
0xeb: {  	_ =	swait.ge [sflag:s7], $0x8000  }
0xec: {  	[sflag:s7] =	ssyncset.done $0x0  }
0xed: {  	s0 =	rddreg [dreg:$0x12];
	[sflag:s7] =	ssyncadd.s32 $0xFFFF8000  }
0xee: {  	[hbm4b:s0+s2] =	stream.linear.scatter [tilespmem:s6], [sflag:$0x5], $0x8000, $0x38;
	[tilespmem:$0x1E400] =	vst v63  }
0xef: {  	_ =	swait.ge [sflag:s14], $0x8000  }
0xf0: {  	s0 =	sld [smem:$0x7EC]  }
0xf1: {  	[sflag:s14] =	ssyncset.done $0x0  }
0xf2: {  	[sflag:s14] =	ssyncadd.s32 $0xFFFF8000  }
0xf3: {  	[tilespmem:s11], [sflag:$0x4] =	stream.indirect.gather [hbm4b:s3+s4], $0x40, s0, s4, $0xb8;
	[tilespmem:$0x1E400] =	vst v63  }
0xf4: {  	_ =	swait.ge [sflag:s9], $0x8000  }
0xf5: {  	[sflag:s9] =	ssyncset.done $0x0  }
0xf6: {  	s0 =	rddreg [dreg:$0x13];
	[sflag:s9] =	ssyncadd.s32 $0xFFFF8000  }
0xf7: {  	[hbm4b:s0+s2] =	stream.linear.scatter [tilespmem:s5], [sflag:$0x6], $0x8000, $0x38;
	[tilespmem:$0x1E400] =	vst v63  }
0xf8: {  	_ =	swait.ge [sflag:s8], $0x8000  }
0xf9: {  	s0 =	sld [smem:$0x7ED]  }
0xfa: {  	[sflag:s8] =	ssyncset.done $0x0  }
0xfb: {  	[sflag:s8] =	ssyncadd.s32 $0xFFFF8000  }
0xfc: {  	[tilespmem:s6], [sflag:$0x2] =	stream.indirect.gather [hbm4b:s3+s4], $0x40, s0, s4, $0xb8;
	[tilespmem:$0x1E400] =	vst v63  }
0xfd: {  	_ =	swait.ge [sflag:s12], $0x8000  }
0xfe: {  	[sflag:s12] =	ssyncset.done $0x0  }
0xff: {  	s0 =	rddreg [dreg:$0x14];
	[sflag:s12] =	ssyncadd.s32 $0xFFFF8000  }
0x100: {  	[hbm4b:s0+s2] =	stream.linear.scatter [tilespmem:s11], [sflag:$0x7], $0x8000, $0x38;
	[tilespmem:$0x1E400] =	vst v63  }
0x101: {  	_ =	swait.ge [sflag:s10], $0x8000  }
0x102: {  	s0 =	sld [smem:$0x7EE]  }
0x103: {  	[sflag:s10] =	ssyncset.done $0x0  }
0x104: {  	[sflag:s10] =	ssyncadd.s32 $0xFFFF8000  }
0x105: {  	[tilespmem:s5], [sflag:$0x3] =	stream.indirect.gather [hbm4b:s3+s4], $0x40, s0, s4, $0xb8;
	[tilespmem:$0x1E400] =	vst v63  }
0x106: {  	_ =	swait.ge [sflag:s7], $0x8000  }
0x107: {  	[sflag:s7] =	ssyncset.done $0x0  }
0x108: {  	s0 =	rddreg [dreg:$0x15];
	[sflag:s7] =	ssyncadd.s32 $0xFFFF8000  }
0x109: {  	[hbm4b:s0+s2] =	stream.linear.scatter [tilespmem:s6], [sflag:$0x5], $0x8000, $0x38;
	[tilespmem:$0x1E400] =	vst v63  }
0x10a: {  	_ =	swait.ge [sflag:s14], $0x8000  }
0x10b: {  	s0 =	sld [smem:$0x7EF]  }
0x10c: {  	[sflag:s14] =	ssyncset.done $0x0  }
0x10d: {  	[sflag:s14] =	ssyncadd.s32 $0xFFFF8000  }
0x10e: {  	[tilespmem:s11], [sflag:$0x4] =	stream.indirect.gather [hbm4b:s3+s4], $0x40, s0, s4, $0xb8;
	[tilespmem:$0x1E400] =	vst v63  }
0x10f: {  	_ =	swait.ge [sflag:s9], $0x8000  }
0x110: {  	[sflag:s9] =	ssyncset.done $0x0  }
0x111: {  	s0 =	rddreg [dreg:$0x16];
	[sflag:s9] =	ssyncadd.s32 $0xFFFF8000  }
0x112: {  	[hbm4b:s0+s2] =	stream.linear.scatter [tilespmem:s5], [sflag:$0x6], $0x8000, $0x38;
	[tilespmem:$0x1E400] =	vst v63  }
0x113: {  	_ =	swait.ge [sflag:s8], $0x8000  }
0x114: {  	s0 =	sld [smem:$0x7F0]  }
0x115: {  	[sflag:s8] =	ssyncset.done $0x0  }
0x116: {  	[sflag:s8] =	ssyncadd.s32 $0xFFFF8000  }
0x117: {  	[tilespmem:s6], [sflag:$0x2] =	stream.indirect.gather [hbm4b:s3+s4], $0x40, s0, s4, $0xb8;
	[tilespmem:$0x1E400] =	vst v63  }
0x118: {  	_ =	swait.ge [sflag:s12], $0x8000  }
0x119: {  	[sflag:s12] =	ssyncset.done $0x0  }
0x11a: {  	s0 =	rddreg [dreg:$0x17];
	[sflag:s12] =	ssyncadd.s32 $0xFFFF8000  }
0x11b: {  	[hbm4b:s0+s2] =	stream.linear.scatter [tilespmem:s11], [sflag:$0x7], $0x8000, $0x38;
	[tilespmem:$0x1E400] =	vst v63  }
0x11c: {  	_ =	swait.ge [sflag:s10], $0x8000  }
0x11d: {  	s0 =	sld [smem:$0x7F1]  }
0x11e: {  	[sflag:s10] =	ssyncset.done $0x0  }
0x11f: {  	[sflag:s10] =	ssyncadd.s32 $0xFFFF8000  }
0x120: {  	[tilespmem:s5], [sflag:$0x3] =	stream.indirect.gather [hbm4b:s3+s4], $0x40, s0, s4, $0xb8;
	[tilespmem:$0x1E400] =	vst v63  }
0x121: {  	_ =	swait.ge [sflag:s7], $0x8000  }
0x122: {  	[sflag:s7] =	ssyncset.done $0x0  }
0x123: {  	s0 =	rddreg [dreg:$0x18];
	[sflag:s7] =	ssyncadd.s32 $0xFFFF8000  }
0x124: {  	[hbm4b:s0+s2] =	stream.linear.scatter [tilespmem:s6], [sflag:$0x5], $0x8000, $0x38;
	[tilespmem:$0x1E400] =	vst v63  }
0x125: {  	_ =	swait.ge [sflag:s14], $0x8000  }
0x126: {  	s0 =	sld [smem:$0x7F2]  }
0x127: {  	[sflag:s14] =	ssyncset.done $0x0  }
0x128: {  	[sflag:s14] =	ssyncadd.s32 $0xFFFF8000  }
0x129: {  	[tilespmem:s11], [sflag:$0x4] =	stream.indirect.gather [hbm4b:s3+s4], $0x40, s0, s4, $0xb8;
	[tilespmem:$0x1E400] =	vst v63  }
0x12a: {  	_ =	swait.ge [sflag:s9], $0x8000  }
0x12b: {  	[sflag:s9] =	ssyncset.done $0x0  }
0x12c: {  	s0 =	rddreg [dreg:$0x19];
	[sflag:s9] =	ssyncadd.s32 $0xFFFF8000  }
0x12d: {  	[hbm4b:s0+s2] =	stream.linear.scatter [tilespmem:s5], [sflag:$0x6], $0x8000, $0x38;
	[tilespmem:$0x1E400] =	vst v63  }
0x12e: {  	_ =	swait.ge [sflag:s8], $0x8000  }
0x12f: {  	s0 =	sld [smem:$0x7F3]  }
0x130: {  	[sflag:s8] =	ssyncset.done $0x0  }
0x131: {  	[sflag:s8] =	ssyncadd.s32 $0xFFFF8000  }
0x132: {  	[tilespmem:s6], [sflag:$0x2] =	stream.indirect.gather [hbm4b:s3+s4], $0x40, s0, s4, $0xb8;
	[tilespmem:$0x1E400] =	vst v63  }
0x133: {  	_ =	swait.ge [sflag:s12], $0x8000  }
0x134: {  	[sflag:s12] =	ssyncset.done $0x0  }
0x135: {  	s0 =	rddreg [dreg:$0x1a];
	[sflag:s12] =	ssyncadd.s32 $0xFFFF8000  }
0x136: {  	[hbm4b:s0+s2] =	stream.linear.scatter [tilespmem:s11], [sflag:$0x7], $0x8000, $0x38;
	[tilespmem:$0x1E400] =	vst v63  }
0x137: {  	_ =	swait.ge [sflag:s10], $0x8000  }
0x138: {  	s0 =	sld [smem:$0x7F4]  }
0x139: {  	[sflag:s10] =	ssyncset.done $0x0  }
0x13a: {  	[sflag:s10] =	ssyncadd.s32 $0xFFFF8000  }
0x13b: {  	[tilespmem:s5], [sflag:$0x3] =	stream.indirect.gather [hbm4b:s3+s4], $0x40, s0, s4, $0xb8;
	[tilespmem:$0x1E400] =	vst v63  }
0x13c: {  	_ =	swait.ge [sflag:s7], $0x8000  }
0x13d: {  	[sflag:s7] =	ssyncset.done $0x0  }
0x13e: {  	s0 =	rddreg [dreg:$0x1b];
	[sflag:s7] =	ssyncadd.s32 $0xFFFF8000  }
0x13f: {  	[hbm4b:s0+s2] =	stream.linear.scatter [tilespmem:s6], [sflag:$0x5], $0x8000, $0x38;
	[tilespmem:$0x1E400] =	vst v63  }
0x140: {  	_ =	swait.ge [sflag:s14], $0x8000  }
0x141: {  	s0 =	sld [smem:$0x7F5]  }
0x142: {  	[sflag:s14] =	ssyncset.done $0x0  }
0x143: {  	[sflag:s14] =	ssyncadd.s32 $0xFFFF8000  }
0x144: {  	[tilespmem:s11], [sflag:$0x4] =	stream.indirect.gather [hbm4b:s3+s4], $0x40, s0, s4, $0xb8;
	[tilespmem:$0x1E400] =	vst v63  }
0x145: {  	_ =	swait.ge [sflag:s9], $0x8000  }
0x146: {  	[sflag:s9] =	ssyncset.done $0x0  }
0x147: {  	s0 =	rddreg [dreg:$0x1c];
	[sflag:s9] =	ssyncadd.s32 $0xFFFF8000  }
0x148: {  	[hbm4b:s0+s2] =	stream.linear.scatter [tilespmem:s5], [sflag:$0x6], $0x8000, $0x38;
	[tilespmem:$0x1E400] =	vst v63  }
0x149: {  	_ =	swait.ge [sflag:s8], $0x8000  }
0x14a: {  	s0 =	sld [smem:$0x7F6]  }
0x14b: {  	[sflag:s8] =	ssyncset.done $0x0  }
0x14c: {  	[sflag:s8] =	ssyncadd.s32 $0xFFFF8000  }
0x14d: {  	[tilespmem:s6], [sflag:$0x2] =	stream.indirect.gather [hbm4b:s3+s4], $0x40, s0, s4, $0xb8;
	[tilespmem:$0x1E400] =	vst v63  }
0x14e: {  	_ =	swait.ge [sflag:s12], $0x8000  }
0x14f: {  	[sflag:s12] =	ssyncset.done $0x0  }
0x150: {  	s0 =	rddreg [dreg:$0x1d];
	[sflag:s12] =	ssyncadd.s32 $0xFFFF8000  }
0x151: {  	[hbm4b:s0+s2] =	stream.linear.scatter [tilespmem:s11], [sflag:$0x7], $0x8000, $0x38;
	[tilespmem:$0x1E400] =	vst v63  }
0x152: {  	_ =	swait.ge [sflag:s10], $0x8000  }
0x153: {  	s0 =	sld [smem:$0x7F7]  }
0x154: {  	[sflag:s10] =	ssyncset.done $0x0  }
0x155: {  	[sflag:s10] =	ssyncadd.s32 $0xFFFF8000  }
0x156: {  	[tilespmem:s5], [sflag:$0x3] =	stream.indirect.gather [hbm4b:s3+s4], $0x40, s0, s4, $0xb8;
	[tilespmem:$0x1E400] =	vst v63  }
0x157: {  	_ =	swait.ge [sflag:s7], $0x8000  }
0x158: {  	[sflag:s7] =	ssyncset.done $0x0  }
0x159: {  	s0 =	rddreg [dreg:$0x1e];
	[sflag:s7] =	ssyncadd.s32 $0xFFFF8000  }
0x15a: {  	[hbm4b:s0+s2] =	stream.linear.scatter [tilespmem:s6], [sflag:$0x5], $0x8000, $0x38;
	[tilespmem:$0x1E400] =	vst v63  }
0x15b: {  	_ =	swait.ge [sflag:s14], $0x8000  }
0x15c: {  	s0 =	sld [smem:$0x7F8]  }
0x15d: {  	[sflag:s14] =	ssyncset.done $0x0  }
0x15e: {  	[sflag:s14] =	ssyncadd.s32 $0xFFFF8000  }
0x15f: {  	[tilespmem:s11], [sflag:$0x4] =	stream.indirect.gather [hbm4b:s3+s4], $0x40, s0, s4, $0xb8;
	[tilespmem:$0x1E400] =	vst v63  }
0x160: {  	_ =	swait.ge [sflag:s9], $0x8000  }
0x161: {  	[sflag:s9] =	ssyncset.done $0x0  }
0x162: {  	s0 =	rddreg [dreg:$0x1f];
	[sflag:s9] =	ssyncadd.s32 $0xFFFF8000  }
0x163: {  	[hbm4b:s0+s2] =	stream.linear.scatter [tilespmem:s5], [sflag:$0x6], $0x8000, $0x38;
	[tilespmem:$0x1E400] =	vst v63  }
0x164: {  	_ =	swait.ge [sflag:s8], $0x8000  }
0x165: {  	s0 =	sld [smem:$0x7F9]  }
0x166: {  	[sflag:s8] =	ssyncset.done $0x0  }
0x167: {  	[sflag:s8] =	ssyncadd.s32 $0xFFFF8000  }
0x168: {  	[tilespmem:s6], [sflag:$0x2] =	stream.indirect.gather [hbm4b:s3+s4], $0x40, s0, s4, $0xb8;
	[tilespmem:$0x1E400] =	vst v63  }
0x169: {  	_ =	swait.ge [sflag:s12], $0x8000  }
0x16a: {  	s0 =	sld [smem:$0x7C8]  }
0x16b: {  	[sflag:s12] =	ssyncset.done $0x0  }
0x16c: {  	[sflag:s12] =	ssyncadd.s32 $0xFFFF8000  }
0x16d: {  	[hbm4b:s0+s2] =	stream.linear.scatter [tilespmem:s11], [sflag:$0x7], $0x8000, $0x38;
	[tilespmem:$0x1E400] =	vst v63  }
0x16e: {  	_ =	swait.ge [sflag:s10], $0x8000  }
0x16f: {  	s0 =	sld [smem:$0x7FA]  }
0x170: {  	[sflag:s10] =	ssyncset.done $0x0  }
0x171: {  	[sflag:s10] =	ssyncadd.s32 $0xFFFF8000  }
0x172: {  	[tilespmem:s5], [sflag:$0x3] =	stream.indirect.gather [hbm4b:s3+s4], $0x40, s0, s4, $0xb8;
	[tilespmem:$0x1E400] =	vst v63  }
0x173: {  	_ =	swait.ge [sflag:s7], $0x8000  }
0x174: {  	s0 =	sld [smem:$0x7C9]  }
0x175: {  	[sflag:s7] =	ssyncset.done $0x0  }
0x176: {  	[sflag:s7] =	ssyncadd.s32 $0xFFFF8000  }
0x177: {  	[hbm4b:s0+s2] =	stream.linear.scatter [tilespmem:s6], [sflag:$0x5], $0x8000, $0x38;
	[tilespmem:$0x1E400] =	vst v63  }
0x178: {  	_ =	swait.ge [sflag:s14], $0x8000  }
0x179: {  	[sflag:s14] =	ssyncset.done $0x0  }
0x17a: {  	[sflag:s14] =	ssyncadd.s32 $0xFFFF8000  }
0x17b: {  	[tilespmem:s11], [sflag:$0x4] =	stream.indirect.gather [hbm4b:s3+s4], $0x40, s29, s4, $0xb8;
	[tilespmem:$0x1E400] =	vst v63  }
0x17c: {  	_ =	swait.ge [sflag:s9], $0x8000  }
0x17d: {  	s0 =	sld [smem:$0x7CA]  }
0x17e: {  	[sflag:s9] =	ssyncset.done $0x0  }
0x17f: {  	[sflag:s9] =	ssyncadd.s32 $0xFFFF8000  }
0x180: {  	[hbm4b:s0+s2] =	stream.linear.scatter [tilespmem:s5], [sflag:$0x6], $0x8000, $0x38;
	[tilespmem:$0x1E400] =	vst v63  }
0x181: {  	_ =	swait.ge [sflag:s8], $0x8000  }
0x182: {  	s0 =	sld [smem:$0x7FB]  }
0x183: {  	[sflag:s8] =	ssyncset.done $0x0  }
0x184: {  	[sflag:s8] =	ssyncadd.s32 $0xFFFF8000  }
0x185: {  	[tilespmem:s6], [sflag:$0x2] =	stream.indirect.gather [hbm4b:s3+s4], $0x40, s0, s4, $0xb8;
	[tilespmem:$0x1E400] =	vst v63  }
0x186: {  	_ =	swait.ge [sflag:s12], $0x8000  }
0x187: {  	s0 =	sld [smem:$0x7CB]  }
0x188: {  	[sflag:s12] =	ssyncset.done $0x0  }
0x189: {  	[sflag:s12] =	ssyncadd.s32 $0xFFFF8000  }
0x18a: {  	[hbm4b:s0+s2] =	stream.linear.scatter [tilespmem:s11], [sflag:$0x7], $0x8000, $0x38;
	[tilespmem:$0x1E400] =	vst v63  }
0x18b: {  	_ =	swait.ge [sflag:s10], $0x8000  }
0x18c: {  	s0 =	sld [smem:$0x7FC]  }
0x18d: {  	[sflag:s10] =	ssyncset.done $0x0  }
0x18e: {  	[sflag:s10] =	ssyncadd.s32 $0xFFFF8000  }
0x18f: {  	[tilespmem:s5], [sflag:$0x3] =	stream.indirect.gather [hbm4b:s3+s4], $0x40, s0, s4, $0xb8;
	[tilespmem:$0x1E400] =	vst v63  }
0x190: {  	_ =	swait.ge [sflag:s7], $0x8000  }
0x191: {  	s0 =	sld [smem:$0x7CC]  }
0x192: {  	[sflag:s7] =	ssyncset.done $0x0  }
0x193: {  	[sflag:s7] =	ssyncadd.s32 $0xFFFF8000  }
0x194: {  	[hbm4b:s0+s2] =	stream.linear.scatter [tilespmem:s6], [sflag:$0x5], $0x8000, $0x38;
	[tilespmem:$0x1E400] =	vst v63  }
0x195: {  	_ =	swait.ge [sflag:s14], $0x8000  }
0x196: {  	s0 =	sld [smem:$0x7FD]  }
0x197: {  	[sflag:s14] =	ssyncset.done $0x0  }
0x198: {  	[sflag:s14] =	ssyncadd.s32 $0xFFFF8000  }
0x199: {  	[tilespmem:s11], [sflag:$0x4] =	stream.indirect.gather [hbm4b:s3+s4], $0x40, s0, s4, $0xb8;
	[tilespmem:$0x1E400] =	vst v63  }
0x19a: {  	_ =	swait.ge [sflag:s9], $0x8000  }
0x19b: {  	s0 =	sld [smem:$0x7CD]  }
0x19c: {  	[sflag:s9] =	ssyncset.done $0x0  }
0x19d: {  	[sflag:s9] =	ssyncadd.s32 $0xFFFF8000  }
0x19e: {  	[hbm4b:s0+s2] =	stream.linear.scatter [tilespmem:s5], [sflag:$0x6], $0x8000, $0x38;
	[tilespmem:$0x1E400] =	vst v63  }
0x19f: {  	_ =	swait.ge [sflag:s8], $0x8000  }
0x1a0: {  	[sflag:s8] =	ssyncset.done $0x0  }
0x1a1: {  	[sflag:s8] =	ssyncadd.s32 $0xFFFF8000  }
0x1a2: {  	[tilespmem:s6], [sflag:$0x2] =	stream.indirect.gather [hbm4b:s3+s4], $0x40, s28, s4, $0xb8;
	[tilespmem:$0x1E400] =	vst v63  }
0x1a3: {  	_ =	swait.ge [sflag:s12], $0x8000  }
0x1a4: {  	s0 =	sld [smem:$0x7CE]  }
0x1a5: {  	[sflag:s12] =	ssyncset.done $0x0  }
0x1a6: {  	[sflag:s12] =	ssyncadd.s32 $0xFFFF8000  }
0x1a7: {  	[hbm4b:s0+s2] =	stream.linear.scatter [tilespmem:s11], [sflag:$0x7], $0x8000, $0x38;
	[tilespmem:$0x1E400] =	vst v63  }
0x1a8: {  	_ =	swait.ge [sflag:s10], $0x8000  }
0x1a9: {  	[sflag:s10] =	ssyncset.done $0x0  }
0x1aa: {  	[sflag:s10] =	ssyncadd.s32 $0xFFFF8000  }
0x1ab: {  	[tilespmem:s5], [sflag:$0x3] =	stream.indirect.gather [hbm4b:s3+s4], $0x40, s26, s4, $0xb8;
	[tilespmem:$0x1E400] =	vst v63  }
0x1ac: {  	_ =	swait.ge [sflag:s7], $0x8000  }
0x1ad: {  	s0 =	sld [smem:$0x7CF]  }
0x1ae: {  	[sflag:s7] =	ssyncset.done $0x0  }
0x1af: {  	[sflag:s7] =	ssyncadd.s32 $0xFFFF8000  }
0x1b0: {  	[hbm4b:s0+s2] =	stream.linear.scatter [tilespmem:s6], [sflag:$0x5], $0x8000, $0x38;
	[tilespmem:$0x1E400] =	vst v63  }
0x1b1: {  	_ =	swait.ge [sflag:s14], $0x8000  }
0x1b2: {  	[sflag:s14] =	ssyncset.done $0x0  }
0x1b3: {  	[sflag:s14] =	ssyncadd.s32 $0xFFFF8000  }
0x1b4: {  	[tilespmem:s11], [sflag:$0x4] =	stream.indirect.gather [hbm4b:s3+s4], $0x40, s25, s4, $0xb8;
	[tilespmem:$0x1E400] =	vst v63  }
0x1b5: {  	_ =	swait.ge [sflag:s9], $0x8000  }
0x1b6: {  	s0 =	sld [smem:$0x7D0]  }
0x1b7: {  	[sflag:s9] =	ssyncset.done $0x0  }
0x1b8: {  	[sflag:s9] =	ssyncadd.s32 $0xFFFF8000  }
0x1b9: {  	[hbm4b:s0+s2] =	stream.linear.scatter [tilespmem:s5], [sflag:$0x6], $0x8000, $0x38;
	[tilespmem:$0x1E400] =	vst v63  }
0x1ba: {  	_ =	swait.ge [sflag:s8], $0x8000  }
0x1bb: {  	[sflag:s8] =	ssyncset.done $0x0  }
0x1bc: {  	[sflag:s8] =	ssyncadd.s32 $0xFFFF8000  }
0x1bd: {  	[tilespmem:s6], [sflag:$0x2] =	stream.indirect.gather [hbm4b:s3+s4], $0x40, s24, s4, $0xb8;
	[tilespmem:$0x1E400] =	vst v63  }
0x1be: {  	_ =	swait.ge [sflag:s12], $0x8000  }
0x1bf: {  	s0 =	sld [smem:$0x7D1]  }
0x1c0: {  	[sflag:s12] =	ssyncset.done $0x0  }
0x1c1: {  	[sflag:s12] =	ssyncadd.s32 $0xFFFF8000  }
0x1c2: {  	[hbm4b:s0+s2] =	stream.linear.scatter [tilespmem:s11], [sflag:$0x7], $0x8000, $0x38;
	[tilespmem:$0x1E400] =	vst v63  }
0x1c3: {  	_ =	swait.ge [sflag:s10], $0x8000  }
0x1c4: {  	[sflag:s10] =	ssyncset.done $0x0  }
0x1c5: {  	[sflag:s10] =	ssyncadd.s32 $0xFFFF8000  }
0x1c6: {  	[tilespmem:s5], [sflag:$0x3] =	stream.indirect.gather [hbm4b:s3+s4], $0x40, s23, s4, $0xb8;
	[tilespmem:$0x1E400] =	vst v63  }
0x1c7: {  	_ =	swait.ge [sflag:s7], $0x8000  }
0x1c8: {  	s0 =	sld [smem:$0x7D2]  }
0x1c9: {  	[sflag:s7] =	ssyncset.done $0x0  }
0x1ca: {  	[sflag:s7] =	ssyncadd.s32 $0xFFFF8000  }
0x1cb: {  	[hbm4b:s0+s2] =	stream.linear.scatter [tilespmem:s6], [sflag:$0x5], $0x8000, $0x38;
	[tilespmem:$0x1E400] =	vst v63  }
0x1cc: {  	_ =	swait.ge [sflag:s14], $0x8000  }
0x1cd: {  	[sflag:s14] =	ssyncset.done $0x0  }
0x1ce: {  	[sflag:s14] =	ssyncadd.s32 $0xFFFF8000  }
0x1cf: {  	[tilespmem:s11], [sflag:$0x4] =	stream.indirect.gather [hbm4b:s3+s4], $0x40, s22, s4, $0xb8;
	[tilespmem:$0x1E400] =	vst v63  }
0x1d0: {  	_ =	swait.ge [sflag:s9], $0x8000  }
0x1d1: {  	s0 =	sld [smem:$0x7D3]  }
0x1d2: {  	[sflag:s9] =	ssyncset.done $0x0  }
0x1d3: {  	[sflag:s9] =	ssyncadd.s32 $0xFFFF8000  }
0x1d4: {  	[hbm4b:s0+s2] =	stream.linear.scatter [tilespmem:s5], [sflag:$0x6], $0x8000, $0x38;
	[tilespmem:$0x1E400] =	vst v63  }
0x1d5: {  	_ =	swait.ge [sflag:s8], $0x8000  }
0x1d6: {  	[sflag:s8] =	ssyncset.done $0x0  }
0x1d7: {  	[sflag:s8] =	ssyncadd.s32 $0xFFFF8000  }
0x1d8: {  	[tilespmem:s6], [sflag:$0x2] =	stream.indirect.gather [hbm4b:s3+s4], $0x40, s21, s4, $0xb8;
	[tilespmem:$0x1E400] =	vst v63  }
0x1d9: {  	_ =	swait.ge [sflag:s12], $0x8000  }
0x1da: {  	s0 =	sld [smem:$0x7D4]  }
0x1db: {  	[sflag:s12] =	ssyncset.done $0x0  }
0x1dc: {  	[sflag:s12] =	ssyncadd.s32 $0xFFFF8000  }
0x1dd: {  	[hbm4b:s0+s2] =	stream.linear.scatter [tilespmem:s11], [sflag:$0x7], $0x8000, $0x38;
	[tilespmem:$0x1E400] =	vst v63  }
0x1de: {  	_ =	swait.ge [sflag:s10], $0x8000  }
0x1df: {  	[sflag:s10] =	ssyncset.done $0x0  }
0x1e0: {  	[sflag:s10] =	ssyncadd.s32 $0xFFFF8000  }
0x1e1: {  	[tilespmem:s5], [sflag:$0x3] =	stream.indirect.gather [hbm4b:s3+s4], $0x40, s20, s4, $0xb8;
	[tilespmem:$0x1E400] =	vst v63  }
0x1e2: {  	_ =	swait.ge [sflag:s7], $0x8000  }
0x1e3: {  	s0 =	sld [smem:$0x7D5]  }
0x1e4: {  	[sflag:s7] =	ssyncset.done $0x0  }
0x1e5: {  	[sflag:s7] =	ssyncadd.s32 $0xFFFF8000  }
0x1e6: {  	[hbm4b:s0+s2] =	stream.linear.scatter [tilespmem:s6], [sflag:$0x5], $0x8000, $0x38;
	[tilespmem:$0x1E400] =	vst v63  }
0x1e7: {  	_ =	swait.ge [sflag:s14], $0x8000  }
0x1e8: {  	[sflag:s14] =	ssyncset.done $0x0  }
0x1e9: {  	[sflag:s14] =	ssyncadd.s32 $0xFFFF8000  }
0x1ea: {  	[tilespmem:s11], [sflag:$0x4] =	stream.indirect.gather [hbm4b:s3+s4], $0x40, s19, s4, $0xb8;
	[tilespmem:$0x1E400] =	vst v63  }
0x1eb: {  	_ =	swait.ge [sflag:s9], $0x8000  }
0x1ec: {  	s0 =	sld [smem:$0x7D6]  }
0x1ed: {  	[sflag:s9] =	ssyncset.done $0x0  }
0x1ee: {  	[sflag:s9] =	ssyncadd.s32 $0xFFFF8000  }
0x1ef: {  	[hbm4b:s0+s2] =	stream.linear.scatter [tilespmem:s5], [sflag:$0x6], $0x8000, $0x38;
	[tilespmem:$0x1E400] =	vst v63  }
0x1f0: {  	_ =	swait.ge [sflag:s8], $0x8000  }
0x1f1: {  	[sflag:s8] =	ssyncset.done $0x0  }
0x1f2: {  	[sflag:s8] =	ssyncadd.s32 $0xFFFF8000  }
0x1f3: {  	[tilespmem:s6], [sflag:$0x2] =	stream.indirect.gather [hbm4b:s3+s4], $0x40, s18, s4, $0xb8;
	[tilespmem:$0x1E400] =	vst v63  }
0x1f4: {  	_ =	swait.ge [sflag:s12], $0x8000  }
0x1f5: {  	s0 =	sld [smem:$0x7D7]  }
0x1f6: {  	[sflag:s12] =	ssyncset.done $0x0  }
0x1f7: {  	[sflag:s12] =	ssyncadd.s32 $0xFFFF8000  }
0x1f8: {  	[hbm4b:s0+s2] =	stream.linear.scatter [tilespmem:s11], [sflag:$0x7], $0x8000, $0x38;
	[tilespmem:$0x1E400] =	vst v63  }
0x1f9: {  	_ =	swait.ge [sflag:s10], $0x8000  }
0x1fa: {  	[sflag:s10] =	ssyncset.done $0x0  }
0x1fb: {  	[sflag:s10] =	ssyncadd.s32 $0xFFFF8000  }
0x1fc: {  	[tilespmem:s5], [sflag:$0x3] =	stream.indirect.gather [hbm4b:s3+s4], $0x40, s17, s4, $0xb8;
	[tilespmem:$0x1E400] =	vst v63  }
0x1fd: {  	_ =	swait.ge [sflag:s7], $0x8000  }
0x1fe: {  	s0 =	sld [smem:$0x7D8]  }
0x1ff: {  	[sflag:s7] =	ssyncset.done $0x0  }
0x200: {  	[sflag:s7] =	ssyncadd.s32 $0xFFFF8000  }
0x201: {  	[hbm4b:s0+s2] =	stream.linear.scatter [tilespmem:s6], [sflag:$0x5], $0x8000, $0x38;
	[tilespmem:$0x1E400] =	vst v63  }
0x202: {  	_ =	swait.ge [sflag:s14], $0x8000  }
0x203: {  	[sflag:s14] =	ssyncset.done $0x0  }
0x204: {  	[sflag:s14] =	ssyncadd.s32 $0xFFFF8000  }
0x205: {  	[tilespmem:s11], [sflag:$0x4] =	stream.indirect.gather [hbm4b:s3+s4], $0x40, s16, s4, $0xb8;
	[tilespmem:$0x1E400] =	vst v63  }
0x206: {  	_ =	swait.ge [sflag:s9], $0x8000  }
0x207: {  	s0 =	sld [smem:$0x7D9]  }
0x208: {  	[sflag:s9] =	ssyncset.done $0x0  }
0x209: {  	[sflag:s9] =	ssyncadd.s32 $0xFFFF8000  }
0x20a: {  	[hbm4b:s0+s2] =	stream.linear.scatter [tilespmem:s5], [sflag:$0x6], $0x8000, $0x38;
	[tilespmem:$0x1E400] =	vst v63  }
0x20b: {  	_ =	swait.ge [sflag:s8], $0x8000  }
0x20c: {  	[sflag:s8] =	ssyncset.done $0x0  }
0x20d: {  	[sflag:s8] =	ssyncadd.s32 $0xFFFF8000  }
0x20e: {  	[tilespmem:s6], [sflag:$0x2] =	stream.indirect.gather [hbm4b:s3+s4], $0x40, s15, s4, $0xb8;
	[tilespmem:$0x1E400] =	vst v63  }
0x20f: {  	_ =	swait.ge [sflag:s12], $0x8000  }
0x210: {  	s0 =	sld [smem:$0x7DA]  }
0x211: {  	[sflag:s12] =	ssyncset.done $0x0  }
0x212: {  	[sflag:s12] =	ssyncadd.s32 $0xFFFF8000  }
0x213: {  	[hbm4b:s0+s2] =	stream.linear.scatter [tilespmem:s11], [sflag:$0x7], $0x8000, $0x38;
	[tilespmem:$0x1E400] =	vst v63  }
0x214: {  	_ =	swait.ge [sflag:s10], $0x8000  }
0x215: {  	[sflag:s10] =	ssyncset.done $0x0  }
0x216: {  	[sflag:s10] =	ssyncadd.s32 $0xFFFF8000  }
0x217: {  	[tilespmem:s5], [sflag:$0x3] =	stream.indirect.gather [hbm4b:s3+s4], $0x40, s13, s4, $0xb8;
	[tilespmem:$0x1E400] =	vst v63  }
0x218: {  	_ =	swait.ge [sflag:s7], $0x8000  }
0x219: {  	s0 =	sld [smem:$0x7DB]  }
0x21a: {  	[sflag:s7] =	ssyncset.done $0x0  }
0x21b: {  	[sflag:s7] =	ssyncadd.s32 $0xFFFF8000  }
0x21c: {  	[hbm4b:s0+s2] =	stream.linear.scatter [tilespmem:s6], [sflag:$0x5], $0x8000, $0x38;
	[tilespmem:$0x1E400] =	vst v63  }
0x21d: {  	_ =	swait.ge [sflag:s9], $0x8000  }
0x21e: {  	s0 =	sld [smem:$0x7DC]  }
0x21f: {  	[sflag:s9] =	ssyncset.done $0x0  }
0x220: {  	p1 =	sne.s32 s1, $0x1;
	[sflag:s9] =	ssyncadd.s32 $0xFFFF8000  }
0x221: {  	[hbm4b:s0+s2] =	stream.linear.scatter [tilespmem:s5], [sflag:$0x6], $0x8000, $0x38;
	[tilespmem:$0x1E400] =	vst v63  }
.Ltmp1:
0x222: {  	_ =	swait.ge [sflag:s8], $0x8000;
	(pc) =	sbr.rel @!p1 .LBB2_3-.Ltmp1, $4  }
0x223: {  	[sflag:s8] =	ssyncset.done $0x0  }
0x224: {  	[sflag:s8] =	ssyncadd.s32 $0xFFFF8000  }
0x225: {  	s1 =	sadd.s32 $0xFFFFFFFF, s1;
	_ =	swait.ge [sflag:s10], $0x8000  }
0x226: {  	p0 =	por $0x1, $0x1;
	s0 =	rddreg [dreg:$0x3];
	[sflag:s10] =	ssyncset.done $0x0  }
.LBB2_2:
0x227: {  	[sflag:s10] =	ssyncadd.s32 $0xFFFF8000  }
0x228: {  	[tilespmem:s2], [sflag:$0x1] =	stream.strided.gather [hbm4b:s0+s4], $0x6400, s29, s4, $0x38;
	[tilespmem:$0x1E400] =	vst v63  }
0x229: {  	_ =	swait.ge [sflag:s31], $0x6400  }
0x22a: {  	[sflag:s31] =	ssyncset.done $0x0  }
0x22b: {  	[sflag:s31] =	ssyncadd.s32 $0xFFFF9C00  }
0x22c: {  	[tilespmem:s6], [sflag:$0x2] =	stream.indirect.gather [hbm4b:s3+s4], $0x40, s2, s4, $0xb8;
	[tilespmem:$0x1E400] =	vst v63  }
0x22d: {  	_ = 	snop  }
0x22e: {  	[tilespmem:s5], [sflag:$0x3] =	stream.indirect.gather [hbm4b:s3+s4], $0x40, s4, s4, $0xb8;
	[tilespmem:$0x1E400] =	vst v63  }
0x22f: {  	_ =	swait.ge [sflag:s7], $0x8000  }
0x230: {  	[sflag:s7] =	ssyncset.done $0x0  }
0x231: {  	s0 =	sld [smem:$0x7DD];
	[sflag:s7] =	ssyncadd.s32 $0xFFFF8000  }
0x232: {  	[hbm4b:s30+s2] =	stream.linear.scatter [tilespmem:s6], [sflag:$0x5], $0x8000, $0x38;
	[tilespmem:$0x1E400] =	vst v63  }
0x233: {  	_ = 	snop  }
0x234: {  	[tilespmem:s11], [sflag:$0x4] =	stream.indirect.gather [hbm4b:s3+s4], $0x40, s0, s4, $0xb8;
	[tilespmem:$0x1E400] =	vst v63  }
0x235: {  	_ =	swait.ge [sflag:s9], $0x8000  }
0x236: {  	[sflag:s9] =	ssyncset.done $0x0  }
0x237: {  	s0 =	rddreg [dreg:$0x4];
	[sflag:s9] =	ssyncadd.s32 $0xFFFF8000  }
0x238: {  	[hbm4b:s0+s2] =	stream.linear.scatter [tilespmem:s5], [sflag:$0x6], $0x8000, $0x38;
	[tilespmem:$0x1E400] =	vst v63  }
0x239: {  	_ =	swait.ge [sflag:s8], $0x8000  }
0x23a: {  	s0 =	sld [smem:$0x7DE]  }
0x23b: {  	[sflag:s8] =	ssyncset.done $0x0  }
0x23c: {  	[sflag:s8] =	ssyncadd.s32 $0xFFFF8000  }
0x23d: {  	[tilespmem:s6], [sflag:$0x2] =	stream.indirect.gather [hbm4b:s3+s4], $0x40, s0, s4, $0xb8;
	[tilespmem:$0x1E400] =	vst v63  }
0x23e: {  	_ =	swait.ge [sflag:s12], $0x8000  }
0x23f: {  	[sflag:s12] =	ssyncset.done $0x0  }
0x240: {  	s0 =	rddreg [dreg:$0x5];
	[sflag:s12] =	ssyncadd.s32 $0xFFFF8000  }
0x241: {  	[hbm4b:s0+s2] =	stream.linear.scatter [tilespmem:s11], [sflag:$0x7], $0x8000, $0x38;
	[tilespmem:$0x1E400] =	vst v63  }
0x242: {  	_ =	swait.ge [sflag:s10], $0x8000  }
0x243: {  	s0 =	sld [smem:$0x7DF]  }
0x244: {  	[sflag:s10] =	ssyncset.done $0x0  }
0x245: {  	[sflag:s10] =	ssyncadd.s32 $0xFFFF8000  }
0x246: {  	[tilespmem:s5], [sflag:$0x3] =	stream.indirect.gather [hbm4b:s3+s4], $0x40, s0, s4, $0xb8;
	[tilespmem:$0x1E400] =	vst v63  }
0x247: {  	_ =	swait.ge [sflag:s7], $0x8000  }
0x248: {  	[sflag:s7] =	ssyncset.done $0x0  }
0x249: {  	s0 =	rddreg [dreg:$0x6];
	[sflag:s7] =	ssyncadd.s32 $0xFFFF8000  }
0x24a: {  	[hbm4b:s0+s2] =	stream.linear.scatter [tilespmem:s6], [sflag:$0x5], $0x8000, $0x38;
	[tilespmem:$0x1E400] =	vst v63  }
0x24b: {  	_ =	swait.ge [sflag:s14], $0x8000  }
0x24c: {  	s0 =	sld [smem:$0x7E0]  }
0x24d: {  	[sflag:s14] =	ssyncset.done $0x0  }
0x24e: {  	[sflag:s14] =	ssyncadd.s32 $0xFFFF8000  }
0x24f: {  	[tilespmem:s11], [sflag:$0x4] =	stream.indirect.gather [hbm4b:s3+s4], $0x40, s0, s4, $0xb8;
	[tilespmem:$0x1E400] =	vst v63  }
0x250: {  	_ =	swait.ge [sflag:s9], $0x8000  }
0x251: {  	[sflag:s9] =	ssyncset.done $0x0  }
0x252: {  	s0 =	rddreg [dreg:$0x7];
	[sflag:s9] =	ssyncadd.s32 $0xFFFF8000  }
0x253: {  	[hbm4b:s0+s2] =	stream.linear.scatter [tilespmem:s5], [sflag:$0x6], $0x8000, $0x38;
	[tilespmem:$0x1E400] =	vst v63  }
0x254: {  	_ =	swait.ge [sflag:s8], $0x8000  }
0x255: {  	s0 =	sld [smem:$0x7E1]  }
0x256: {  	[sflag:s8] =	ssyncset.done $0x0  }
0x257: {  	[sflag:s8] =	ssyncadd.s32 $0xFFFF8000  }
0x258: {  	[tilespmem:s6], [sflag:$0x2] =	stream.indirect.gather [hbm4b:s3+s4], $0x40, s0, s4, $0xb8;
	[tilespmem:$0x1E400] =	vst v63  }
0x259: {  	_ =	swait.ge [sflag:s12], $0x8000  }
0x25a: {  	[sflag:s12] =	ssyncset.done $0x0  }
0x25b: {  	s0 =	rddreg [dreg:$0x8];
	[sflag:s12] =	ssyncadd.s32 $0xFFFF8000  }
0x25c: {  	[hbm4b:s0+s2] =	stream.linear.scatter [tilespmem:s11], [sflag:$0x7], $0x8000, $0x38;
	[tilespmem:$0x1E400] =	vst v63  }
0x25d: {  	_ =	swait.ge [sflag:s10], $0x8000  }
0x25e: {  	s0 =	sld [smem:$0x7E2]  }
0x25f: {  	[sflag:s10] =	ssyncset.done $0x0  }
0x260: {  	[sflag:s10] =	ssyncadd.s32 $0xFFFF8000  }
0x261: {  	[tilespmem:s5], [sflag:$0x3] =	stream.indirect.gather [hbm4b:s3+s4], $0x40, s0, s4, $0xb8;
	[tilespmem:$0x1E400] =	vst v63  }
0x262: {  	_ =	swait.ge [sflag:s7], $0x8000  }
0x263: {  	[sflag:s7] =	ssyncset.done $0x0  }
0x264: {  	s0 =	rddreg [dreg:$0x9];
	[sflag:s7] =	ssyncadd.s32 $0xFFFF8000  }
0x265: {  	[hbm4b:s0+s2] =	stream.linear.scatter [tilespmem:s6], [sflag:$0x5], $0x8000, $0x38;
	[tilespmem:$0x1E400] =	vst v63  }
0x266: {  	_ =	swait.ge [sflag:s14], $0x8000  }
0x267: {  	s0 =	sld [smem:$0x7E3]  }
0x268: {  	[sflag:s14] =	ssyncset.done $0x0  }
0x269: {  	[sflag:s14] =	ssyncadd.s32 $0xFFFF8000  }
0x26a: {  	[tilespmem:s11], [sflag:$0x4] =	stream.indirect.gather [hbm4b:s3+s4], $0x40, s0, s4, $0xb8;
	[tilespmem:$0x1E400] =	vst v63  }
0x26b: {  	_ =	swait.ge [sflag:s9], $0x8000  }
0x26c: {  	[sflag:s9] =	ssyncset.done $0x0  }
0x26d: {  	s0 =	rddreg [dreg:$0xa];
	[sflag:s9] =	ssyncadd.s32 $0xFFFF8000  }
0x26e: {  	[hbm4b:s0+s2] =	stream.linear.scatter [tilespmem:s5], [sflag:$0x6], $0x8000, $0x38;
	[tilespmem:$0x1E400] =	vst v63  }
0x26f: {  	_ =	swait.ge [sflag:s8], $0x8000  }
0x270: {  	s0 =	sld [smem:$0x7E4]  }
0x271: {  	[sflag:s8] =	ssyncset.done $0x0  }
0x272: {  	[sflag:s8] =	ssyncadd.s32 $0xFFFF8000  }
0x273: {  	[tilespmem:s6], [sflag:$0x2] =	stream.indirect.gather [hbm4b:s3+s4], $0x40, s0, s4, $0xb8;
	[tilespmem:$0x1E400] =	vst v63  }
0x274: {  	_ =	swait.ge [sflag:s12], $0x8000  }
0x275: {  	[sflag:s12] =	ssyncset.done $0x0  }
0x276: {  	s0 =	rddreg [dreg:$0xb];
	[sflag:s12] =	ssyncadd.s32 $0xFFFF8000  }
0x277: {  	[hbm4b:s0+s2] =	stream.linear.scatter [tilespmem:s11], [sflag:$0x7], $0x8000, $0x38;
	[tilespmem:$0x1E400] =	vst v63  }
0x278: {  	_ =	swait.ge [sflag:s10], $0x8000  }
0x279: {  	s0 =	sld [smem:$0x7E5]  }
0x27a: {  	[sflag:s10] =	ssyncset.done $0x0  }
0x27b: {  	[sflag:s10] =	ssyncadd.s32 $0xFFFF8000  }
0x27c: {  	[tilespmem:s5], [sflag:$0x3] =	stream.indirect.gather [hbm4b:s3+s4], $0x40, s0, s4, $0xb8;
	[tilespmem:$0x1E400] =	vst v63  }
0x27d: {  	_ =	swait.ge [sflag:s7], $0x8000  }
0x27e: {  	[sflag:s7] =	ssyncset.done $0x0  }
0x27f: {  	s0 =	rddreg [dreg:$0xc];
	[sflag:s7] =	ssyncadd.s32 $0xFFFF8000  }
0x280: {  	[hbm4b:s0+s2] =	stream.linear.scatter [tilespmem:s6], [sflag:$0x5], $0x8000, $0x38;
	[tilespmem:$0x1E400] =	vst v63  }
0x281: {  	_ =	swait.ge [sflag:s14], $0x8000  }
0x282: {  	s0 =	sld [smem:$0x7E6]  }
0x283: {  	[sflag:s14] =	ssyncset.done $0x0  }
0x284: {  	[sflag:s14] =	ssyncadd.s32 $0xFFFF8000  }
0x285: {  	[tilespmem:s11], [sflag:$0x4] =	stream.indirect.gather [hbm4b:s3+s4], $0x40, s0, s4, $0xb8;
	[tilespmem:$0x1E400] =	vst v63  }
0x286: {  	_ =	swait.ge [sflag:s9], $0x8000  }
0x287: {  	[sflag:s9] =	ssyncset.done $0x0  }
0x288: {  	s0 =	rddreg [dreg:$0xd];
	[sflag:s9] =	ssyncadd.s32 $0xFFFF8000  }
0x289: {  	[hbm4b:s0+s2] =	stream.linear.scatter [tilespmem:s5], [sflag:$0x6], $0x8000, $0x38;
	[tilespmem:$0x1E400] =	vst v63  }
0x28a: {  	_ =	swait.ge [sflag:s8], $0x8000  }
0x28b: {  	s0 =	sld [smem:$0x7E7]  }
0x28c: {  	[sflag:s8] =	ssyncset.done $0x0  }
0x28d: {  	[sflag:s8] =	ssyncadd.s32 $0xFFFF8000  }
0x28e: {  	[tilespmem:s6], [sflag:$0x2] =	stream.indirect.gather [hbm4b:s3+s4], $0x40, s0, s4, $0xb8;
	[tilespmem:$0x1E400] =	vst v63  }
0x28f: {  	_ =	swait.ge [sflag:s12], $0x8000  }
0x290: {  	[sflag:s12] =	ssyncset.done $0x0  }
0x291: {  	s0 =	rddreg [dreg:$0xe];
	[sflag:s12] =	ssyncadd.s32 $0xFFFF8000  }
0x292: {  	[hbm4b:s0+s2] =	stream.linear.scatter [tilespmem:s11], [sflag:$0x7], $0x8000, $0x38;
	[tilespmem:$0x1E400] =	vst v63  }
0x293: {  	_ =	swait.ge [sflag:s10], $0x8000  }
0x294: {  	s0 =	sld [smem:$0x7E8]  }
0x295: {  	[sflag:s10] =	ssyncset.done $0x0  }
0x296: {  	[sflag:s10] =	ssyncadd.s32 $0xFFFF8000  }
0x297: {  	[tilespmem:s5], [sflag:$0x3] =	stream.indirect.gather [hbm4b:s3+s4], $0x40, s0, s4, $0xb8;
	[tilespmem:$0x1E400] =	vst v63  }
0x298: {  	_ =	swait.ge [sflag:s7], $0x8000  }
0x299: {  	[sflag:s7] =	ssyncset.done $0x0  }
0x29a: {  	s0 =	rddreg [dreg:$0xf];
	[sflag:s7] =	ssyncadd.s32 $0xFFFF8000  }
0x29b: {  	[hbm4b:s0+s2] =	stream.linear.scatter [tilespmem:s6], [sflag:$0x5], $0x8000, $0x38;
	[tilespmem:$0x1E400] =	vst v63  }
0x29c: {  	_ =	swait.ge [sflag:s14], $0x8000  }
0x29d: {  	s0 =	sld [smem:$0x7E9]  }
0x29e: {  	[sflag:s14] =	ssyncset.done $0x0  }
0x29f: {  	[sflag:s14] =	ssyncadd.s32 $0xFFFF8000  }
0x2a0: {  	[tilespmem:s11], [sflag:$0x4] =	stream.indirect.gather [hbm4b:s3+s4], $0x40, s0, s4, $0xb8;
	[tilespmem:$0x1E400] =	vst v63  }
0x2a1: {  	_ =	swait.ge [sflag:s9], $0x8000  }
0x2a2: {  	[sflag:s9] =	ssyncset.done $0x0  }
0x2a3: {  	s0 =	rddreg [dreg:$0x10];
	[sflag:s9] =	ssyncadd.s32 $0xFFFF8000  }
0x2a4: {  	[hbm4b:s0+s2] =	stream.linear.scatter [tilespmem:s5], [sflag:$0x6], $0x8000, $0x38;
	[tilespmem:$0x1E400] =	vst v63  }
0x2a5: {  	_ =	swait.ge [sflag:s8], $0x8000  }
0x2a6: {  	s0 =	sld [smem:$0x7EA]  }
0x2a7: {  	[sflag:s8] =	ssyncset.done $0x0  }
0x2a8: {  	[sflag:s8] =	ssyncadd.s32 $0xFFFF8000  }
0x2a9: {  	[tilespmem:s6], [sflag:$0x2] =	stream.indirect.gather [hbm4b:s3+s4], $0x40, s0, s4, $0xb8;
	[tilespmem:$0x1E400] =	vst v63  }
0x2aa: {  	_ =	swait.ge [sflag:s12], $0x8000  }
0x2ab: {  	[sflag:s12] =	ssyncset.done $0x0  }
0x2ac: {  	s0 =	rddreg [dreg:$0x11];
	[sflag:s12] =	ssyncadd.s32 $0xFFFF8000  }
0x2ad: {  	[hbm4b:s0+s2] =	stream.linear.scatter [tilespmem:s11], [sflag:$0x7], $0x8000, $0x38;
	[tilespmem:$0x1E400] =	vst v63  }
0x2ae: {  	_ =	swait.ge [sflag:s10], $0x8000  }
0x2af: {  	s0 =	sld [smem:$0x7EB]  }
0x2b0: {  	[sflag:s10] =	ssyncset.done $0x0  }
0x2b1: {  	[sflag:s10] =	ssyncadd.s32 $0xFFFF8000  }
0x2b2: {  	[tilespmem:s5], [sflag:$0x3] =	stream.indirect.gather [hbm4b:s3+s4], $0x40, s0, s4, $0xb8;
	[tilespmem:$0x1E400] =	vst v63  }
0x2b3: {  	_ =	swait.ge [sflag:s7], $0x8000  }
0x2b4: {  	[sflag:s7] =	ssyncset.done $0x0  }
0x2b5: {  	s0 =	rddreg [dreg:$0x12];
	[sflag:s7] =	ssyncadd.s32 $0xFFFF8000  }
0x2b6: {  	[hbm4b:s0+s2] =	stream.linear.scatter [tilespmem:s6], [sflag:$0x5], $0x8000, $0x38;
	[tilespmem:$0x1E400] =	vst v63  }
0x2b7: {  	_ =	swait.ge [sflag:s14], $0x8000  }
0x2b8: {  	s0 =	sld [smem:$0x7EC]  }
0x2b9: {  	[sflag:s14] =	ssyncset.done $0x0  }
0x2ba: {  	[sflag:s14] =	ssyncadd.s32 $0xFFFF8000  }
0x2bb: {  	[tilespmem:s11], [sflag:$0x4] =	stream.indirect.gather [hbm4b:s3+s4], $0x40, s0, s4, $0xb8;
	[tilespmem:$0x1E400] =	vst v63  }
0x2bc: {  	_ =	swait.ge [sflag:s9], $0x8000  }
0x2bd: {  	[sflag:s9] =	ssyncset.done $0x0  }
0x2be: {  	s0 =	rddreg [dreg:$0x13];
	[sflag:s9] =	ssyncadd.s32 $0xFFFF8000  }
0x2bf: {  	[hbm4b:s0+s2] =	stream.linear.scatter [tilespmem:s5], [sflag:$0x6], $0x8000, $0x38;
	[tilespmem:$0x1E400] =	vst v63  }
0x2c0: {  	_ =	swait.ge [sflag:s8], $0x8000  }
0x2c1: {  	s0 =	sld [smem:$0x7ED]  }
0x2c2: {  	[sflag:s8] =	ssyncset.done $0x0  }
0x2c3: {  	[sflag:s8] =	ssyncadd.s32 $0xFFFF8000  }
0x2c4: {  	[tilespmem:s6], [sflag:$0x2] =	stream.indirect.gather [hbm4b:s3+s4], $0x40, s0, s4, $0xb8;
	[tilespmem:$0x1E400] =	vst v63  }
0x2c5: {  	_ =	swait.ge [sflag:s12], $0x8000  }
0x2c6: {  	[sflag:s12] =	ssyncset.done $0x0  }
0x2c7: {  	s0 =	rddreg [dreg:$0x14];
	[sflag:s12] =	ssyncadd.s32 $0xFFFF8000  }
0x2c8: {  	[hbm4b:s0+s2] =	stream.linear.scatter [tilespmem:s11], [sflag:$0x7], $0x8000, $0x38;
	[tilespmem:$0x1E400] =	vst v63  }
0x2c9: {  	_ =	swait.ge [sflag:s10], $0x8000  }
0x2ca: {  	s0 =	sld [smem:$0x7EE]  }
0x2cb: {  	[sflag:s10] =	ssyncset.done $0x0  }
0x2cc: {  	[sflag:s10] =	ssyncadd.s32 $0xFFFF8000  }
0x2cd: {  	[tilespmem:s5], [sflag:$0x3] =	stream.indirect.gather [hbm4b:s3+s4], $0x40, s0, s4, $0xb8;
	[tilespmem:$0x1E400] =	vst v63  }
0x2ce: {  	_ =	swait.ge [sflag:s7], $0x8000  }
0x2cf: {  	[sflag:s7] =	ssyncset.done $0x0  }
0x2d0: {  	s0 =	rddreg [dreg:$0x15];
	[sflag:s7] =	ssyncadd.s32 $0xFFFF8000  }
0x2d1: {  	[hbm4b:s0+s2] =	stream.linear.scatter [tilespmem:s6], [sflag:$0x5], $0x8000, $0x38;
	[tilespmem:$0x1E400] =	vst v63  }
0x2d2: {  	_ =	swait.ge [sflag:s14], $0x8000  }
0x2d3: {  	s0 =	sld [smem:$0x7EF]  }
0x2d4: {  	[sflag:s14] =	ssyncset.done $0x0  }
0x2d5: {  	[sflag:s14] =	ssyncadd.s32 $0xFFFF8000  }
0x2d6: {  	[tilespmem:s11], [sflag:$0x4] =	stream.indirect.gather [hbm4b:s3+s4], $0x40, s0, s4, $0xb8;
	[tilespmem:$0x1E400] =	vst v63  }
0x2d7: {  	_ =	swait.ge [sflag:s9], $0x8000  }
0x2d8: {  	[sflag:s9] =	ssyncset.done $0x0  }
0x2d9: {  	s0 =	rddreg [dreg:$0x16];
	[sflag:s9] =	ssyncadd.s32 $0xFFFF8000  }
0x2da: {  	[hbm4b:s0+s2] =	stream.linear.scatter [tilespmem:s5], [sflag:$0x6], $0x8000, $0x38;
	[tilespmem:$0x1E400] =	vst v63  }
0x2db: {  	_ =	swait.ge [sflag:s8], $0x8000  }
0x2dc: {  	s0 =	sld [smem:$0x7F0]  }
0x2dd: {  	[sflag:s8] =	ssyncset.done $0x0  }
0x2de: {  	[sflag:s8] =	ssyncadd.s32 $0xFFFF8000  }
0x2df: {  	[tilespmem:s6], [sflag:$0x2] =	stream.indirect.gather [hbm4b:s3+s4], $0x40, s0, s4, $0xb8;
	[tilespmem:$0x1E400] =	vst v63  }
0x2e0: {  	_ =	swait.ge [sflag:s12], $0x8000  }
0x2e1: {  	[sflag:s12] =	ssyncset.done $0x0  }
0x2e2: {  	s0 =	rddreg [dreg:$0x17];
	[sflag:s12] =	ssyncadd.s32 $0xFFFF8000  }
0x2e3: {  	[hbm4b:s0+s2] =	stream.linear.scatter [tilespmem:s11], [sflag:$0x7], $0x8000, $0x38;
	[tilespmem:$0x1E400] =	vst v63  }
0x2e4: {  	_ =	swait.ge [sflag:s10], $0x8000  }
0x2e5: {  	s0 =	sld [smem:$0x7F1]  }
0x2e6: {  	[sflag:s10] =	ssyncset.done $0x0  }
0x2e7: {  	[sflag:s10] =	ssyncadd.s32 $0xFFFF8000  }
0x2e8: {  	[tilespmem:s5], [sflag:$0x3] =	stream.indirect.gather [hbm4b:s3+s4], $0x40, s0, s4, $0xb8;
	[tilespmem:$0x1E400] =	vst v63  }
0x2e9: {  	_ =	swait.ge [sflag:s7], $0x8000  }
0x2ea: {  	[sflag:s7] =	ssyncset.done $0x0  }
0x2eb: {  	s0 =	rddreg [dreg:$0x18];
	[sflag:s7] =	ssyncadd.s32 $0xFFFF8000  }
0x2ec: {  	[hbm4b:s0+s2] =	stream.linear.scatter [tilespmem:s6], [sflag:$0x5], $0x8000, $0x38;
	[tilespmem:$0x1E400] =	vst v63  }
0x2ed: {  	_ =	swait.ge [sflag:s14], $0x8000  }
0x2ee: {  	s0 =	sld [smem:$0x7F2]  }
0x2ef: {  	[sflag:s14] =	ssyncset.done $0x0  }
0x2f0: {  	[sflag:s14] =	ssyncadd.s32 $0xFFFF8000  }
0x2f1: {  	[tilespmem:s11], [sflag:$0x4] =	stream.indirect.gather [hbm4b:s3+s4], $0x40, s0, s4, $0xb8;
	[tilespmem:$0x1E400] =	vst v63  }
0x2f2: {  	_ =	swait.ge [sflag:s9], $0x8000  }
0x2f3: {  	[sflag:s9] =	ssyncset.done $0x0  }
0x2f4: {  	s0 =	rddreg [dreg:$0x19];
	[sflag:s9] =	ssyncadd.s32 $0xFFFF8000  }
0x2f5: {  	[hbm4b:s0+s2] =	stream.linear.scatter [tilespmem:s5], [sflag:$0x6], $0x8000, $0x38;
	[tilespmem:$0x1E400] =	vst v63  }
0x2f6: {  	_ =	swait.ge [sflag:s8], $0x8000  }
0x2f7: {  	s0 =	sld [smem:$0x7F3]  }
0x2f8: {  	[sflag:s8] =	ssyncset.done $0x0  }
0x2f9: {  	[sflag:s8] =	ssyncadd.s32 $0xFFFF8000  }
0x2fa: {  	[tilespmem:s6], [sflag:$0x2] =	stream.indirect.gather [hbm4b:s3+s4], $0x40, s0, s4, $0xb8;
	[tilespmem:$0x1E400] =	vst v63  }
0x2fb: {  	_ =	swait.ge [sflag:s12], $0x8000  }
0x2fc: {  	[sflag:s12] =	ssyncset.done $0x0  }
0x2fd: {  	s0 =	rddreg [dreg:$0x1a];
	[sflag:s12] =	ssyncadd.s32 $0xFFFF8000  }
0x2fe: {  	[hbm4b:s0+s2] =	stream.linear.scatter [tilespmem:s11], [sflag:$0x7], $0x8000, $0x38;
	[tilespmem:$0x1E400] =	vst v63  }
0x2ff: {  	_ =	swait.ge [sflag:s10], $0x8000  }
0x300: {  	s0 =	sld [smem:$0x7F4]  }
0x301: {  	[sflag:s10] =	ssyncset.done $0x0  }
0x302: {  	[sflag:s10] =	ssyncadd.s32 $0xFFFF8000  }
0x303: {  	[tilespmem:s5], [sflag:$0x3] =	stream.indirect.gather [hbm4b:s3+s4], $0x40, s0, s4, $0xb8;
	[tilespmem:$0x1E400] =	vst v63  }
0x304: {  	_ =	swait.ge [sflag:s7], $0x8000  }
0x305: {  	[sflag:s7] =	ssyncset.done $0x0  }
0x306: {  	s0 =	rddreg [dreg:$0x1b];
	[sflag:s7] =	ssyncadd.s32 $0xFFFF8000  }
0x307: {  	[hbm4b:s0+s2] =	stream.linear.scatter [tilespmem:s6], [sflag:$0x5], $0x8000, $0x38;
	[tilespmem:$0x1E400] =	vst v63  }
0x308: {  	_ =	swait.ge [sflag:s14], $0x8000  }
0x309: {  	s0 =	sld [smem:$0x7F5]  }
0x30a: {  	[sflag:s14] =	ssyncset.done $0x0  }
0x30b: {  	[sflag:s14] =	ssyncadd.s32 $0xFFFF8000  }
0x30c: {  	[tilespmem:s11], [sflag:$0x4] =	stream.indirect.gather [hbm4b:s3+s4], $0x40, s0, s4, $0xb8;
	[tilespmem:$0x1E400] =	vst v63  }
0x30d: {  	_ =	swait.ge [sflag:s9], $0x8000  }
0x30e: {  	[sflag:s9] =	ssyncset.done $0x0  }
0x30f: {  	s0 =	rddreg [dreg:$0x1c];
	[sflag:s9] =	ssyncadd.s32 $0xFFFF8000  }
0x310: {  	[hbm4b:s0+s2] =	stream.linear.scatter [tilespmem:s5], [sflag:$0x6], $0x8000, $0x38;
	[tilespmem:$0x1E400] =	vst v63  }
0x311: {  	_ =	swait.ge [sflag:s8], $0x8000  }
0x312: {  	s0 =	sld [smem:$0x7F6]  }
0x313: {  	[sflag:s8] =	ssyncset.done $0x0  }
0x314: {  	[sflag:s8] =	ssyncadd.s32 $0xFFFF8000  }
0x315: {  	[tilespmem:s6], [sflag:$0x2] =	stream.indirect.gather [hbm4b:s3+s4], $0x40, s0, s4, $0xb8;
	[tilespmem:$0x1E400] =	vst v63  }
0x316: {  	_ =	swait.ge [sflag:s12], $0x8000  }
0x317: {  	[sflag:s12] =	ssyncset.done $0x0  }
0x318: {  	s0 =	rddreg [dreg:$0x1d];
	[sflag:s12] =	ssyncadd.s32 $0xFFFF8000  }
0x319: {  	[hbm4b:s0+s2] =	stream.linear.scatter [tilespmem:s11], [sflag:$0x7], $0x8000, $0x38;
	[tilespmem:$0x1E400] =	vst v63  }
0x31a: {  	_ =	swait.ge [sflag:s10], $0x8000  }
0x31b: {  	s0 =	sld [smem:$0x7F7]  }
0x31c: {  	[sflag:s10] =	ssyncset.done $0x0  }
0x31d: {  	[sflag:s10] =	ssyncadd.s32 $0xFFFF8000  }
0x31e: {  	[tilespmem:s5], [sflag:$0x3] =	stream.indirect.gather [hbm4b:s3+s4], $0x40, s0, s4, $0xb8;
	[tilespmem:$0x1E400] =	vst v63  }
0x31f: {  	_ =	swait.ge [sflag:s7], $0x8000  }
0x320: {  	[sflag:s7] =	ssyncset.done $0x0  }
0x321: {  	s0 =	rddreg [dreg:$0x1e];
	[sflag:s7] =	ssyncadd.s32 $0xFFFF8000  }
0x322: {  	[hbm4b:s0+s2] =	stream.linear.scatter [tilespmem:s6], [sflag:$0x5], $0x8000, $0x38;
	[tilespmem:$0x1E400] =	vst v63  }
0x323: {  	_ =	swait.ge [sflag:s14], $0x8000  }
0x324: {  	s0 =	sld [smem:$0x7F8]  }
0x325: {  	[sflag:s14] =	ssyncset.done $0x0  }
0x326: {  	[sflag:s14] =	ssyncadd.s32 $0xFFFF8000  }
0x327: {  	[tilespmem:s11], [sflag:$0x4] =	stream.indirect.gather [hbm4b:s3+s4], $0x40, s0, s4, $0xb8;
	[tilespmem:$0x1E400] =	vst v63  }
0x328: {  	_ =	swait.ge [sflag:s9], $0x8000  }
0x329: {  	[sflag:s9] =	ssyncset.done $0x0  }
0x32a: {  	s0 =	rddreg [dreg:$0x1f];
	[sflag:s9] =	ssyncadd.s32 $0xFFFF8000  }
0x32b: {  	[hbm4b:s0+s2] =	stream.linear.scatter [tilespmem:s5], [sflag:$0x6], $0x8000, $0x38;
	[tilespmem:$0x1E400] =	vst v63  }
0x32c: {  	_ =	swait.ge [sflag:s8], $0x8000  }
0x32d: {  	s0 =	sld [smem:$0x7F9]  }
0x32e: {  	[sflag:s8] =	ssyncset.done $0x0  }
0x32f: {  	[sflag:s8] =	ssyncadd.s32 $0xFFFF8000  }
0x330: {  	[tilespmem:s6], [sflag:$0x2] =	stream.indirect.gather [hbm4b:s3+s4], $0x40, s0, s4, $0xb8;
	[tilespmem:$0x1E400] =	vst v63  }
0x331: {  	_ =	swait.ge [sflag:s12], $0x8000  }
0x332: {  	s0 =	sld [smem:$0x7C8]  }
0x333: {  	[sflag:s12] =	ssyncset.done $0x0  }
0x334: {  	[sflag:s12] =	ssyncadd.s32 $0xFFFF8000  }
0x335: {  	[hbm4b:s0+s2] =	stream.linear.scatter [tilespmem:s11], [sflag:$0x7], $0x8000, $0x38;
	[tilespmem:$0x1E400] =	vst v63  }
0x336: {  	_ =	swait.ge [sflag:s10], $0x8000  }
0x337: {  	s0 =	sld [smem:$0x7FA]  }
0x338: {  	[sflag:s10] =	ssyncset.done $0x0  }
0x339: {  	[sflag:s10] =	ssyncadd.s32 $0xFFFF8000  }
0x33a: {  	[tilespmem:s5], [sflag:$0x3] =	stream.indirect.gather [hbm4b:s3+s4], $0x40, s0, s4, $0xb8;
	[tilespmem:$0x1E400] =	vst v63  }
0x33b: {  	_ =	swait.ge [sflag:s7], $0x8000  }
0x33c: {  	s0 =	sld [smem:$0x7C9]  }
0x33d: {  	[sflag:s7] =	ssyncset.done $0x0  }
0x33e: {  	[sflag:s7] =	ssyncadd.s32 $0xFFFF8000  }
0x33f: {  	[hbm4b:s0+s2] =	stream.linear.scatter [tilespmem:s6], [sflag:$0x5], $0x8000, $0x38;
	[tilespmem:$0x1E400] =	vst v63  }
0x340: {  	_ =	swait.ge [sflag:s14], $0x8000  }
0x341: {  	[sflag:s14] =	ssyncset.done $0x0  }
0x342: {  	[sflag:s14] =	ssyncadd.s32 $0xFFFF8000  }
0x343: {  	[tilespmem:s11], [sflag:$0x4] =	stream.indirect.gather [hbm4b:s3+s4], $0x40, s29, s4, $0xb8;
	[tilespmem:$0x1E400] =	vst v63  }
0x344: {  	_ =	swait.ge [sflag:s9], $0x8000  }
0x345: {  	s0 =	sld [smem:$0x7CA]  }
0x346: {  	[sflag:s9] =	ssyncset.done $0x0  }
0x347: {  	[sflag:s9] =	ssyncadd.s32 $0xFFFF8000  }
0x348: {  	[hbm4b:s0+s2] =	stream.linear.scatter [tilespmem:s5], [sflag:$0x6], $0x8000, $0x38;
	[tilespmem:$0x1E400] =	vst v63  }
0x349: {  	_ =	swait.ge [sflag:s8], $0x8000  }
0x34a: {  	s0 =	sld [smem:$0x7FB]  }
0x34b: {  	[sflag:s8] =	ssyncset.done $0x0  }
0x34c: {  	[sflag:s8] =	ssyncadd.s32 $0xFFFF8000  }
0x34d: {  	[tilespmem:s6], [sflag:$0x2] =	stream.indirect.gather [hbm4b:s3+s4], $0x40, s0, s4, $0xb8;
	[tilespmem:$0x1E400] =	vst v63  }
0x34e: {  	_ =	swait.ge [sflag:s12], $0x8000  }
0x34f: {  	s0 =	sld [smem:$0x7CB]  }
0x350: {  	[sflag:s12] =	ssyncset.done $0x0  }
0x351: {  	[sflag:s12] =	ssyncadd.s32 $0xFFFF8000  }
0x352: {  	[hbm4b:s0+s2] =	stream.linear.scatter [tilespmem:s11], [sflag:$0x7], $0x8000, $0x38;
	[tilespmem:$0x1E400] =	vst v63  }
0x353: {  	_ =	swait.ge [sflag:s10], $0x8000  }
0x354: {  	s0 =	sld [smem:$0x7FC]  }
0x355: {  	[sflag:s10] =	ssyncset.done $0x0  }
0x356: {  	[sflag:s10] =	ssyncadd.s32 $0xFFFF8000  }
0x357: {  	[tilespmem:s5], [sflag:$0x3] =	stream.indirect.gather [hbm4b:s3+s4], $0x40, s0, s4, $0xb8;
	[tilespmem:$0x1E400] =	vst v63  }
0x358: {  	_ =	swait.ge [sflag:s7], $0x8000  }
0x359: {  	s0 =	sld [smem:$0x7CC]  }
0x35a: {  	[sflag:s7] =	ssyncset.done $0x0  }
0x35b: {  	[sflag:s7] =	ssyncadd.s32 $0xFFFF8000  }
0x35c: {  	[hbm4b:s0+s2] =	stream.linear.scatter [tilespmem:s6], [sflag:$0x5], $0x8000, $0x38;
	[tilespmem:$0x1E400] =	vst v63  }
0x35d: {  	_ =	swait.ge [sflag:s14], $0x8000  }
0x35e: {  	s0 =	sld [smem:$0x7FD]  }
0x35f: {  	[sflag:s14] =	ssyncset.done $0x0  }
0x360: {  	[sflag:s14] =	ssyncadd.s32 $0xFFFF8000  }
0x361: {  	[tilespmem:s11], [sflag:$0x4] =	stream.indirect.gather [hbm4b:s3+s4], $0x40, s0, s4, $0xb8;
	[tilespmem:$0x1E400] =	vst v63  }
0x362: {  	_ =	swait.ge [sflag:s9], $0x8000  }
0x363: {  	s0 =	sld [smem:$0x7CD]  }
0x364: {  	[sflag:s9] =	ssyncset.done $0x0  }
0x365: {  	[sflag:s9] =	ssyncadd.s32 $0xFFFF8000  }
0x366: {  	[hbm4b:s0+s2] =	stream.linear.scatter [tilespmem:s5], [sflag:$0x6], $0x8000, $0x38;
	[tilespmem:$0x1E400] =	vst v63  }
0x367: {  	_ =	swait.ge [sflag:s8], $0x8000  }
0x368: {  	[sflag:s8] =	ssyncset.done $0x0  }
0x369: {  	[sflag:s8] =	ssyncadd.s32 $0xFFFF8000  }
0x36a: {  	[tilespmem:s6], [sflag:$0x2] =	stream.indirect.gather [hbm4b:s3+s4], $0x40, s28, s4, $0xb8;
	[tilespmem:$0x1E400] =	vst v63  }
0x36b: {  	_ =	swait.ge [sflag:s12], $0x8000  }
0x36c: {  	s0 =	sld [smem:$0x7CE]  }
0x36d: {  	[sflag:s12] =	ssyncset.done $0x0  }
0x36e: {  	[sflag:s12] =	ssyncadd.s32 $0xFFFF8000  }
0x36f: {  	[hbm4b:s0+s2] =	stream.linear.scatter [tilespmem:s11], [sflag:$0x7], $0x8000, $0x38;
	[tilespmem:$0x1E400] =	vst v63  }
0x370: {  	_ =	swait.ge [sflag:s10], $0x8000  }
0x371: {  	[sflag:s10] =	ssyncset.done $0x0  }
0x372: {  	[sflag:s10] =	ssyncadd.s32 $0xFFFF8000  }
0x373: {  	[tilespmem:s5], [sflag:$0x3] =	stream.indirect.gather [hbm4b:s3+s4], $0x40, s26, s4, $0xb8;
	[tilespmem:$0x1E400] =	vst v63  }
0x374: {  	_ =	swait.ge [sflag:s7], $0x8000  }
0x375: {  	s0 =	sld [smem:$0x7CF]  }
0x376: {  	[sflag:s7] =	ssyncset.done $0x0  }
0x377: {  	[sflag:s7] =	ssyncadd.s32 $0xFFFF8000  }
0x378: {  	[hbm4b:s0+s2] =	stream.linear.scatter [tilespmem:s6], [sflag:$0x5], $0x8000, $0x38;
	[tilespmem:$0x1E400] =	vst v63  }
0x379: {  	_ =	swait.ge [sflag:s14], $0x8000  }
0x37a: {  	[sflag:s14] =	ssyncset.done $0x0  }
0x37b: {  	[sflag:s14] =	ssyncadd.s32 $0xFFFF8000  }
0x37c: {  	[tilespmem:s11], [sflag:$0x4] =	stream.indirect.gather [hbm4b:s3+s4], $0x40, s25, s4, $0xb8;
	[tilespmem:$0x1E400] =	vst v63  }
0x37d: {  	_ =	swait.ge [sflag:s9], $0x8000  }
0x37e: {  	s0 =	sld [smem:$0x7D0]  }
0x37f: {  	[sflag:s9] =	ssyncset.done $0x0  }
0x380: {  	[sflag:s9] =	ssyncadd.s32 $0xFFFF8000  }
0x381: {  	[hbm4b:s0+s2] =	stream.linear.scatter [tilespmem:s5], [sflag:$0x6], $0x8000, $0x38;
	[tilespmem:$0x1E400] =	vst v63  }
0x382: {  	_ =	swait.ge [sflag:s8], $0x8000  }
0x383: {  	[sflag:s8] =	ssyncset.done $0x0  }
0x384: {  	[sflag:s8] =	ssyncadd.s32 $0xFFFF8000  }
0x385: {  	[tilespmem:s6], [sflag:$0x2] =	stream.indirect.gather [hbm4b:s3+s4], $0x40, s24, s4, $0xb8;
	[tilespmem:$0x1E400] =	vst v63  }
0x386: {  	_ =	swait.ge [sflag:s12], $0x8000  }
0x387: {  	s0 =	sld [smem:$0x7D1]  }
0x388: {  	[sflag:s12] =	ssyncset.done $0x0  }
0x389: {  	[sflag:s12] =	ssyncadd.s32 $0xFFFF8000  }
0x38a: {  	[hbm4b:s0+s2] =	stream.linear.scatter [tilespmem:s11], [sflag:$0x7], $0x8000, $0x38;
	[tilespmem:$0x1E400] =	vst v63  }
0x38b: {  	_ =	swait.ge [sflag:s10], $0x8000  }
0x38c: {  	[sflag:s10] =	ssyncset.done $0x0  }
0x38d: {  	[sflag:s10] =	ssyncadd.s32 $0xFFFF8000  }
0x38e: {  	[tilespmem:s5], [sflag:$0x3] =	stream.indirect.gather [hbm4b:s3+s4], $0x40, s23, s4, $0xb8;
	[tilespmem:$0x1E400] =	vst v63  }
0x38f: {  	_ =	swait.ge [sflag:s7], $0x8000  }
0x390: {  	s0 =	sld [smem:$0x7D2]  }
0x391: {  	[sflag:s7] =	ssyncset.done $0x0  }
0x392: {  	[sflag:s7] =	ssyncadd.s32 $0xFFFF8000  }
0x393: {  	[hbm4b:s0+s2] =	stream.linear.scatter [tilespmem:s6], [sflag:$0x5], $0x8000, $0x38;
	[tilespmem:$0x1E400] =	vst v63  }
0x394: {  	_ =	swait.ge [sflag:s14], $0x8000  }
0x395: {  	[sflag:s14] =	ssyncset.done $0x0  }
0x396: {  	[sflag:s14] =	ssyncadd.s32 $0xFFFF8000  }
0x397: {  	[tilespmem:s11], [sflag:$0x4] =	stream.indirect.gather [hbm4b:s3+s4], $0x40, s22, s4, $0xb8;
	[tilespmem:$0x1E400] =	vst v63  }
0x398: {  	_ =	swait.ge [sflag:s9], $0x8000  }
0x399: {  	s0 =	sld [smem:$0x7D3]  }
0x39a: {  	[sflag:s9] =	ssyncset.done $0x0  }
0x39b: {  	[sflag:s9] =	ssyncadd.s32 $0xFFFF8000  }
0x39c: {  	[hbm4b:s0+s2] =	stream.linear.scatter [tilespmem:s5], [sflag:$0x6], $0x8000, $0x38;
	[tilespmem:$0x1E400] =	vst v63  }
0x39d: {  	_ =	swait.ge [sflag:s8], $0x8000  }
0x39e: {  	[sflag:s8] =	ssyncset.done $0x0  }
0x39f: {  	[sflag:s8] =	ssyncadd.s32 $0xFFFF8000  }
0x3a0: {  	[tilespmem:s6], [sflag:$0x2] =	stream.indirect.gather [hbm4b:s3+s4], $0x40, s21, s4, $0xb8;
	[tilespmem:$0x1E400] =	vst v63  }
0x3a1: {  	_ =	swait.ge [sflag:s12], $0x8000  }
0x3a2: {  	s0 =	sld [smem:$0x7D4]  }
0x3a3: {  	[sflag:s12] =	ssyncset.done $0x0  }
0x3a4: {  	[sflag:s12] =	ssyncadd.s32 $0xFFFF8000  }
0x3a5: {  	[hbm4b:s0+s2] =	stream.linear.scatter [tilespmem:s11], [sflag:$0x7], $0x8000, $0x38;
	[tilespmem:$0x1E400] =	vst v63  }
0x3a6: {  	_ =	swait.ge [sflag:s10], $0x8000  }
0x3a7: {  	[sflag:s10] =	ssyncset.done $0x0  }
0x3a8: {  	[sflag:s10] =	ssyncadd.s32 $0xFFFF8000  }
0x3a9: {  	[tilespmem:s5], [sflag:$0x3] =	stream.indirect.gather [hbm4b:s3+s4], $0x40, s20, s4, $0xb8;
	[tilespmem:$0x1E400] =	vst v63  }
0x3aa: {  	_ =	swait.ge [sflag:s7], $0x8000  }
0x3ab: {  	s0 =	sld [smem:$0x7D5]  }
0x3ac: {  	[sflag:s7] =	ssyncset.done $0x0  }
0x3ad: {  	[sflag:s7] =	ssyncadd.s32 $0xFFFF8000  }
0x3ae: {  	[hbm4b:s0+s2] =	stream.linear.scatter [tilespmem:s6], [sflag:$0x5], $0x8000, $0x38;
	[tilespmem:$0x1E400] =	vst v63  }
0x3af: {  	_ =	swait.ge [sflag:s14], $0x8000  }
0x3b0: {  	[sflag:s14] =	ssyncset.done $0x0  }
0x3b1: {  	[sflag:s14] =	ssyncadd.s32 $0xFFFF8000  }
0x3b2: {  	[tilespmem:s11], [sflag:$0x4] =	stream.indirect.gather [hbm4b:s3+s4], $0x40, s19, s4, $0xb8;
	[tilespmem:$0x1E400] =	vst v63  }
0x3b3: {  	_ =	swait.ge [sflag:s9], $0x8000  }
0x3b4: {  	s0 =	sld [smem:$0x7D6]  }
0x3b5: {  	[sflag:s9] =	ssyncset.done $0x0  }
0x3b6: {  	[sflag:s9] =	ssyncadd.s32 $0xFFFF8000  }
0x3b7: {  	[hbm4b:s0+s2] =	stream.linear.scatter [tilespmem:s5], [sflag:$0x6], $0x8000, $0x38;
	[tilespmem:$0x1E400] =	vst v63  }
0x3b8: {  	_ =	swait.ge [sflag:s8], $0x8000  }
0x3b9: {  	[sflag:s8] =	ssyncset.done $0x0  }
0x3ba: {  	[sflag:s8] =	ssyncadd.s32 $0xFFFF8000  }
0x3bb: {  	[tilespmem:s6], [sflag:$0x2] =	stream.indirect.gather [hbm4b:s3+s4], $0x40, s18, s4, $0xb8;
	[tilespmem:$0x1E400] =	vst v63  }
0x3bc: {  	_ =	swait.ge [sflag:s12], $0x8000  }
0x3bd: {  	s0 =	sld [smem:$0x7D7]  }
0x3be: {  	[sflag:s12] =	ssyncset.done $0x0  }
0x3bf: {  	[sflag:s12] =	ssyncadd.s32 $0xFFFF8000  }
0x3c0: {  	[hbm4b:s0+s2] =	stream.linear.scatter [tilespmem:s11], [sflag:$0x7], $0x8000, $0x38;
	[tilespmem:$0x1E400] =	vst v63  }
0x3c1: {  	_ =	swait.ge [sflag:s10], $0x8000  }
0x3c2: {  	[sflag:s10] =	ssyncset.done $0x0  }
0x3c3: {  	[sflag:s10] =	ssyncadd.s32 $0xFFFF8000  }
0x3c4: {  	[tilespmem:s5], [sflag:$0x3] =	stream.indirect.gather [hbm4b:s3+s4], $0x40, s17, s4, $0xb8;
	[tilespmem:$0x1E400] =	vst v63  }
0x3c5: {  	_ =	swait.ge [sflag:s7], $0x8000  }
0x3c6: {  	s0 =	sld [smem:$0x7D8]  }
0x3c7: {  	[sflag:s7] =	ssyncset.done $0x0  }
0x3c8: {  	[sflag:s7] =	ssyncadd.s32 $0xFFFF8000  }
0x3c9: {  	[hbm4b:s0+s2] =	stream.linear.scatter [tilespmem:s6], [sflag:$0x5], $0x8000, $0x38;
	[tilespmem:$0x1E400] =	vst v63  }
0x3ca: {  	_ =	swait.ge [sflag:s14], $0x8000  }
0x3cb: {  	[sflag:s14] =	ssyncset.done $0x0  }
0x3cc: {  	[sflag:s14] =	ssyncadd.s32 $0xFFFF8000  }
0x3cd: {  	[tilespmem:s11], [sflag:$0x4] =	stream.indirect.gather [hbm4b:s3+s4], $0x40, s16, s4, $0xb8;
	[tilespmem:$0x1E400] =	vst v63  }
0x3ce: {  	_ =	swait.ge [sflag:s9], $0x8000  }
0x3cf: {  	s0 =	sld [smem:$0x7D9]  }
0x3d0: {  	[sflag:s9] =	ssyncset.done $0x0  }
0x3d1: {  	[sflag:s9] =	ssyncadd.s32 $0xFFFF8000  }
0x3d2: {  	[hbm4b:s0+s2] =	stream.linear.scatter [tilespmem:s5], [sflag:$0x6], $0x8000, $0x38;
	[tilespmem:$0x1E400] =	vst v63  }
0x3d3: {  	_ =	swait.ge [sflag:s8], $0x8000  }
0x3d4: {  	[sflag:s8] =	ssyncset.done $0x0  }
0x3d5: {  	[sflag:s8] =	ssyncadd.s32 $0xFFFF8000  }
0x3d6: {  	[tilespmem:s6], [sflag:$0x2] =	stream.indirect.gather [hbm4b:s3+s4], $0x40, s15, s4, $0xb8;
	[tilespmem:$0x1E400] =	vst v63  }
0x3d7: {  	_ =	swait.ge [sflag:s12], $0x8000  }
0x3d8: {  	s0 =	sld [smem:$0x7DA]  }
0x3d9: {  	[sflag:s12] =	ssyncset.done $0x0  }
0x3da: {  	[sflag:s12] =	ssyncadd.s32 $0xFFFF8000  }
0x3db: {  	[hbm4b:s0+s2] =	stream.linear.scatter [tilespmem:s11], [sflag:$0x7], $0x8000, $0x38;
	[tilespmem:$0x1E400] =	vst v63  }
0x3dc: {  	_ =	swait.ge [sflag:s10], $0x8000  }
0x3dd: {  	[sflag:s10] =	ssyncset.done $0x0  }
0x3de: {  	[sflag:s10] =	ssyncadd.s32 $0xFFFF8000  }
0x3df: {  	[tilespmem:s5], [sflag:$0x3] =	stream.indirect.gather [hbm4b:s3+s4], $0x40, s13, s4, $0xb8;
	[tilespmem:$0x1E400] =	vst v63  }
0x3e0: {  	_ =	swait.ge [sflag:s7], $0x8000  }
0x3e1: {  	s0 =	sld [smem:$0x7DB]  }
0x3e2: {  	[sflag:s7] =	ssyncset.done $0x0  }
0x3e3: {  	[sflag:s7] =	ssyncadd.s32 $0xFFFF8000  }
0x3e4: {  	[hbm4b:s0+s2] =	stream.linear.scatter [tilespmem:s6], [sflag:$0x5], $0x8000, $0x38;
	[tilespmem:$0x1E400] =	vst v63  }
0x3e5: {  	_ =	swait.ge [sflag:s9], $0x8000  }
0x3e6: {  	s0 =	sld [smem:$0x7DC]  }
0x3e7: {  	[sflag:s9] =	ssyncset.done $0x0  }
0x3e8: {  	p1 =	sne.s32 s1, $0x1;
	[sflag:s9] =	ssyncadd.s32 $0xFFFF8000  }
0x3e9: {  	[hbm4b:s0+s2] =	stream.linear.scatter [tilespmem:s5], [sflag:$0x6], $0x8000, $0x38;
	[tilespmem:$0x1E400] =	vst v63  }
.Ltmp2:
0x3ea: {  	_ =	swait.ge [sflag:s8], $0x8000;
	(pc) =	sbr.rel @p1 .LBB2_2-.Ltmp2, $4  }
0x3eb: {  	[sflag:s8] =	ssyncset.done $0x0  }
0x3ec: {  	[sflag:s8] =	ssyncadd.s32 $0xFFFF8000  }
0x3ed: {  	_ =	swait.ge [sflag:s10], $0x8000  }
0x3ee: {  	s1 =	sadd.s32 $0xFFFFFFFF, s1;
	s0 =	rddreg [dreg:$0x3];
	[sflag:s10] =	ssyncset.done $0x0  }
.LBB2_3:
0x3ef: {  	[sflag:s10] =	ssyncadd.s32 @p0 $0xFFFF8000  }
0x3f0: {  	[tilespmem:s2], [sflag:$0x1] =	stream.strided.gather [hbm4b:s0+s4], $0x6400, s29, s4, $0x38;
	[tilespmem:$0x1E400] =	vst v63  }
0x3f1: {  	_ =	swait.ge [sflag:s31], $0x6400  }
0x3f2: {  	[sflag:s31] =	ssyncset.done $0x0  }
0x3f3: {  	[sflag:s31] =	ssyncadd.s32 $0xFFFF9C00  }
0x3f4: {  	[tilespmem:s6], [sflag:$0x2] =	stream.indirect.gather [hbm4b:s3+s4], $0x40, s2, s4, $0xb8;
	[tilespmem:$0x1E400] =	vst v63  }
0x3f5: {  	_ = 	snop  }
0x3f6: {  	[tilespmem:s5], [sflag:$0x3] =	stream.indirect.gather [hbm4b:s3+s4], $0x40, s4, s4, $0xb8;
	[tilespmem:$0x1E400] =	vst v63  }
0x3f7: {  	_ =	swait.ge [sflag:s7], $0x8000  }
0x3f8: {  	[sflag:s7] =	ssyncset.done $0x0  }
0x3f9: {  	s1 =	sld [smem:$0x7DD];
	[sflag:s7] =	ssyncadd.s32 $0xFFFF8000  }
0x3fa: {  	[hbm4b:s30+s2] =	stream.linear.scatter [tilespmem:s6], [sflag:$0x5], $0x8000, $0x38;
	[tilespmem:$0x1E400] =	vst v63  }
0x3fb: {  	_ = 	snop  }
0x3fc: {  	[tilespmem:s11], [sflag:$0x4] =	stream.indirect.gather [hbm4b:s3+s4], $0x40, s1, s4, $0xb8;
	[tilespmem:$0x1E400] =	vst v63  }
0x3fd: {  	_ =	swait.ge [sflag:s9], $0x8000  }
0x3fe: {  	[sflag:s9] =	ssyncset.done $0x0  }
0x3ff: {  	s31 =	rddreg [dreg:$0x4];
	[sflag:s9] =	ssyncadd.s32 $0xFFFF8000  }
0x400: {  	[hbm4b:s31+s2] =	stream.linear.scatter [tilespmem:s5], [sflag:$0x6], $0x8000, $0x38;
	[tilespmem:$0x1E400] =	vst v63  }
0x401: {  	_ =	swait.ge [sflag:s8], $0x8000  }
0x402: {  	s1 =	sld [smem:$0x7DE]  }
0x403: {  	[sflag:s8] =	ssyncset.done $0x0  }
0x404: {  	[sflag:s8] =	ssyncadd.s32 $0xFFFF8000  }
0x405: {  	[tilespmem:s6], [sflag:$0x2] =	stream.indirect.gather [hbm4b:s3+s4], $0x40, s1, s4, $0xb8;
	[tilespmem:$0x1E400] =	vst v63  }
0x406: {  	_ =	swait.ge [sflag:s12], $0x8000  }
0x407: {  	[sflag:s12] =	ssyncset.done $0x0  }
0x408: {  	s30 =	rddreg [dreg:$0x5];
	[sflag:s12] =	ssyncadd.s32 $0xFFFF8000  }
0x409: {  	[hbm4b:s30+s2] =	stream.linear.scatter [tilespmem:s11], [sflag:$0x7], $0x8000, $0x38;
	[tilespmem:$0x1E400] =	vst v63  }
0x40a: {  	_ =	swait.ge [sflag:s10], $0x8000  }
0x40b: {  	s31 =	sld [smem:$0x7DF]  }
0x40c: {  	[sflag:s10] =	ssyncset.done $0x0  }
0x40d: {  	[sflag:s10] =	ssyncadd.s32 $0xFFFF8000  }
0x40e: {  	[tilespmem:s5], [sflag:$0x3] =	stream.indirect.gather [hbm4b:s3+s4], $0x40, s31, s4, $0xb8;
	[tilespmem:$0x1E400] =	vst v63  }
0x40f: {  	_ =	swait.ge [sflag:s7], $0x8000  }
0x410: {  	[sflag:s7] =	ssyncset.done $0x0  }
0x411: {  	s1 =	rddreg [dreg:$0x6];
	[sflag:s7] =	ssyncadd.s32 $0xFFFF8000  }
0x412: {  	[hbm4b:s1+s2] =	stream.linear.scatter [tilespmem:s6], [sflag:$0x5], $0x8000, $0x38;
	[tilespmem:$0x1E400] =	vst v63  }
0x413: {  	_ =	swait.ge [sflag:s14], $0x8000  }
0x414: {  	s30 =	sld [smem:$0x7E0]  }
0x415: {  	[sflag:s14] =	ssyncset.done $0x0  }
0x416: {  	[sflag:s14] =	ssyncadd.s32 $0xFFFF8000  }
0x417: {  	[tilespmem:s11], [sflag:$0x4] =	stream.indirect.gather [hbm4b:s3+s4], $0x40, s30, s4, $0xb8;
	[tilespmem:$0x1E400] =	vst v63  }
0x418: {  	_ =	swait.ge [sflag:s9], $0x8000  }
0x419: {  	[sflag:s9] =	ssyncset.done $0x0  }
0x41a: {  	s31 =	rddreg [dreg:$0x7];
	[sflag:s9] =	ssyncadd.s32 $0xFFFF8000  }
0x41b: {  	[hbm4b:s31+s2] =	stream.linear.scatter [tilespmem:s5], [sflag:$0x6], $0x8000, $0x38;
	[tilespmem:$0x1E400] =	vst v63  }
0x41c: {  	_ =	swait.ge [sflag:s8], $0x8000  }
0x41d: {  	s1 =	sld [smem:$0x7E1]  }
0x41e: {  	[sflag:s8] =	ssyncset.done $0x0  }
0x41f: {  	[sflag:s8] =	ssyncadd.s32 $0xFFFF8000  }
0x420: {  	[tilespmem:s6], [sflag:$0x2] =	stream.indirect.gather [hbm4b:s3+s4], $0x40, s1, s4, $0xb8;
	[tilespmem:$0x1E400] =	vst v63  }
0x421: {  	_ =	swait.ge [sflag:s12], $0x8000  }
0x422: {  	[sflag:s12] =	ssyncset.done $0x0  }
0x423: {  	s30 =	rddreg [dreg:$0x8];
	[sflag:s12] =	ssyncadd.s32 $0xFFFF8000  }
0x424: {  	[hbm4b:s30+s2] =	stream.linear.scatter [tilespmem:s11], [sflag:$0x7], $0x8000, $0x38;
	[tilespmem:$0x1E400] =	vst v63  }
0x425: {  	_ =	swait.ge [sflag:s10], $0x8000  }
0x426: {  	s31 =	sld [smem:$0x7E2]  }
0x427: {  	[sflag:s10] =	ssyncset.done $0x0  }
0x428: {  	[sflag:s10] =	ssyncadd.s32 $0xFFFF8000  }
0x429: {  	[tilespmem:s5], [sflag:$0x3] =	stream.indirect.gather [hbm4b:s3+s4], $0x40, s31, s4, $0xb8;
	[tilespmem:$0x1E400] =	vst v63  }
0x42a: {  	_ =	swait.ge [sflag:s7], $0x8000  }
0x42b: {  	[sflag:s7] =	ssyncset.done $0x0  }
0x42c: {  	s1 =	rddreg [dreg:$0x9];
	[sflag:s7] =	ssyncadd.s32 $0xFFFF8000  }
0x42d: {  	[hbm4b:s1+s2] =	stream.linear.scatter [tilespmem:s6], [sflag:$0x5], $0x8000, $0x38;
	[tilespmem:$0x1E400] =	vst v63  }
0x42e: {  	_ =	swait.ge [sflag:s14], $0x8000  }
0x42f: {  	s30 =	sld [smem:$0x7E3]  }
0x430: {  	[sflag:s14] =	ssyncset.done $0x0  }
0x431: {  	[sflag:s14] =	ssyncadd.s32 $0xFFFF8000  }
0x432: {  	[tilespmem:s11], [sflag:$0x4] =	stream.indirect.gather [hbm4b:s3+s4], $0x40, s30, s4, $0xb8;
	[tilespmem:$0x1E400] =	vst v63  }
0x433: {  	_ =	swait.ge [sflag:s9], $0x8000  }
0x434: {  	[sflag:s9] =	ssyncset.done $0x0  }
0x435: {  	s31 =	rddreg [dreg:$0xa];
	[sflag:s9] =	ssyncadd.s32 $0xFFFF8000  }
0x436: {  	[hbm4b:s31+s2] =	stream.linear.scatter [tilespmem:s5], [sflag:$0x6], $0x8000, $0x38;
	[tilespmem:$0x1E400] =	vst v63  }
0x437: {  	_ =	swait.ge [sflag:s8], $0x8000  }
0x438: {  	s1 =	sld [smem:$0x7E4]  }
0x439: {  	[sflag:s8] =	ssyncset.done $0x0  }
0x43a: {  	[sflag:s8] =	ssyncadd.s32 $0xFFFF8000  }
0x43b: {  	[tilespmem:s6], [sflag:$0x2] =	stream.indirect.gather [hbm4b:s3+s4], $0x40, s1, s4, $0xb8;
	[tilespmem:$0x1E400] =	vst v63  }
0x43c: {  	_ =	swait.ge [sflag:s12], $0x8000  }
0x43d: {  	[sflag:s12] =	ssyncset.done $0x0  }
0x43e: {  	s30 =	rddreg [dreg:$0xb];
	[sflag:s12] =	ssyncadd.s32 $0xFFFF8000  }
0x43f: {  	[hbm4b:s30+s2] =	stream.linear.scatter [tilespmem:s11], [sflag:$0x7], $0x8000, $0x38;
	[tilespmem:$0x1E400] =	vst v63  }
0x440: {  	_ =	swait.ge [sflag:s10], $0x8000  }
0x441: {  	s31 =	sld [smem:$0x7E5]  }
0x442: {  	[sflag:s10] =	ssyncset.done $0x0  }
0x443: {  	[sflag:s10] =	ssyncadd.s32 $0xFFFF8000  }
0x444: {  	[tilespmem:s5], [sflag:$0x3] =	stream.indirect.gather [hbm4b:s3+s4], $0x40, s31, s4, $0xb8;
	[tilespmem:$0x1E400] =	vst v63  }
0x445: {  	_ =	swait.ge [sflag:s7], $0x8000  }
0x446: {  	[sflag:s7] =	ssyncset.done $0x0  }
0x447: {  	s1 =	rddreg [dreg:$0xc];
	[sflag:s7] =	ssyncadd.s32 $0xFFFF8000  }
0x448: {  	[hbm4b:s1+s2] =	stream.linear.scatter [tilespmem:s6], [sflag:$0x5], $0x8000, $0x38;
	[tilespmem:$0x1E400] =	vst v63  }
0x449: {  	_ =	swait.ge [sflag:s14], $0x8000  }
0x44a: {  	s30 =	sld [smem:$0x7E6]  }
0x44b: {  	[sflag:s14] =	ssyncset.done $0x0  }
0x44c: {  	[sflag:s14] =	ssyncadd.s32 $0xFFFF8000  }
0x44d: {  	[tilespmem:s11], [sflag:$0x4] =	stream.indirect.gather [hbm4b:s3+s4], $0x40, s30, s4, $0xb8;
	[tilespmem:$0x1E400] =	vst v63  }
0x44e: {  	_ =	swait.ge [sflag:s9], $0x8000  }
0x44f: {  	[sflag:s9] =	ssyncset.done $0x0  }
0x450: {  	s31 =	rddreg [dreg:$0xd];
	[sflag:s9] =	ssyncadd.s32 $0xFFFF8000  }
0x451: {  	[hbm4b:s31+s2] =	stream.linear.scatter [tilespmem:s5], [sflag:$0x6], $0x8000, $0x38;
	[tilespmem:$0x1E400] =	vst v63  }
0x452: {  	_ =	swait.ge [sflag:s8], $0x8000  }
0x453: {  	s1 =	sld [smem:$0x7E7]  }
0x454: {  	[sflag:s8] =	ssyncset.done $0x0  }
0x455: {  	[sflag:s8] =	ssyncadd.s32 $0xFFFF8000  }
0x456: {  	[tilespmem:s6], [sflag:$0x2] =	stream.indirect.gather [hbm4b:s3+s4], $0x40, s1, s4, $0xb8;
	[tilespmem:$0x1E400] =	vst v63  }
0x457: {  	_ =	swait.ge [sflag:s12], $0x8000  }
0x458: {  	[sflag:s12] =	ssyncset.done $0x0  }
0x459: {  	s30 =	rddreg [dreg:$0xe];
	[sflag:s12] =	ssyncadd.s32 $0xFFFF8000  }
0x45a: {  	[hbm4b:s30+s2] =	stream.linear.scatter [tilespmem:s11], [sflag:$0x7], $0x8000, $0x38;
	[tilespmem:$0x1E400] =	vst v63  }
0x45b: {  	_ =	swait.ge [sflag:s10], $0x8000  }
0x45c: {  	s31 =	sld [smem:$0x7E8]  }
0x45d: {  	[sflag:s10] =	ssyncset.done $0x0  }
0x45e: {  	[sflag:s10] =	ssyncadd.s32 $0xFFFF8000  }
0x45f: {  	[tilespmem:s5], [sflag:$0x3] =	stream.indirect.gather [hbm4b:s3+s4], $0x40, s31, s4, $0xb8;
	[tilespmem:$0x1E400] =	vst v63  }
0x460: {  	_ =	swait.ge [sflag:s7], $0x8000  }
0x461: {  	[sflag:s7] =	ssyncset.done $0x0  }
0x462: {  	s1 =	rddreg [dreg:$0xf];
	[sflag:s7] =	ssyncadd.s32 $0xFFFF8000  }
0x463: {  	[hbm4b:s1+s2] =	stream.linear.scatter [tilespmem:s6], [sflag:$0x5], $0x8000, $0x38;
	[tilespmem:$0x1E400] =	vst v63  }
0x464: {  	_ =	swait.ge [sflag:s14], $0x8000  }
0x465: {  	s30 =	sld [smem:$0x7E9]  }
0x466: {  	[sflag:s14] =	ssyncset.done $0x0  }
0x467: {  	[sflag:s14] =	ssyncadd.s32 $0xFFFF8000  }
0x468: {  	[tilespmem:s11], [sflag:$0x4] =	stream.indirect.gather [hbm4b:s3+s4], $0x40, s30, s4, $0xb8;
	[tilespmem:$0x1E400] =	vst v63  }
0x469: {  	_ =	swait.ge [sflag:s9], $0x8000  }
0x46a: {  	[sflag:s9] =	ssyncset.done $0x0  }
0x46b: {  	s31 =	rddreg [dreg:$0x10];
	[sflag:s9] =	ssyncadd.s32 $0xFFFF8000  }
0x46c: {  	[hbm4b:s31+s2] =	stream.linear.scatter [tilespmem:s5], [sflag:$0x6], $0x8000, $0x38;
	[tilespmem:$0x1E400] =	vst v63  }
0x46d: {  	_ =	swait.ge [sflag:s8], $0x8000  }
0x46e: {  	s1 =	sld [smem:$0x7EA]  }
0x46f: {  	[sflag:s8] =	ssyncset.done $0x0  }
0x470: {  	[sflag:s8] =	ssyncadd.s32 $0xFFFF8000  }
0x471: {  	[tilespmem:s6], [sflag:$0x2] =	stream.indirect.gather [hbm4b:s3+s4], $0x40, s1, s4, $0xb8;
	[tilespmem:$0x1E400] =	vst v63  }
0x472: {  	_ =	swait.ge [sflag:s12], $0x8000  }
0x473: {  	[sflag:s12] =	ssyncset.done $0x0  }
0x474: {  	s30 =	rddreg [dreg:$0x11];
	[sflag:s12] =	ssyncadd.s32 $0xFFFF8000  }
0x475: {  	[hbm4b:s30+s2] =	stream.linear.scatter [tilespmem:s11], [sflag:$0x7], $0x8000, $0x38;
	[tilespmem:$0x1E400] =	vst v63  }
0x476: {  	_ =	swait.ge [sflag:s10], $0x8000  }
0x477: {  	s31 =	sld [smem:$0x7EB]  }
0x478: {  	[sflag:s10] =	ssyncset.done $0x0  }
0x479: {  	[sflag:s10] =	ssyncadd.s32 $0xFFFF8000  }
0x47a: {  	[tilespmem:s5], [sflag:$0x3] =	stream.indirect.gather [hbm4b:s3+s4], $0x40, s31, s4, $0xb8;
	[tilespmem:$0x1E400] =	vst v63  }
0x47b: {  	_ =	swait.ge [sflag:s7], $0x8000  }
0x47c: {  	[sflag:s7] =	ssyncset.done $0x0  }
0x47d: {  	s1 =	rddreg [dreg:$0x12];
	[sflag:s7] =	ssyncadd.s32 $0xFFFF8000  }
0x47e: {  	[hbm4b:s1+s2] =	stream.linear.scatter [tilespmem:s6], [sflag:$0x5], $0x8000, $0x38;
	[tilespmem:$0x1E400] =	vst v63  }
0x47f: {  	_ =	swait.ge [sflag:s14], $0x8000  }
0x480: {  	s30 =	sld [smem:$0x7EC]  }
0x481: {  	[sflag:s14] =	ssyncset.done $0x0  }
0x482: {  	[sflag:s14] =	ssyncadd.s32 $0xFFFF8000  }
0x483: {  	[tilespmem:s11], [sflag:$0x4] =	stream.indirect.gather [hbm4b:s3+s4], $0x40, s30, s4, $0xb8;
	[tilespmem:$0x1E400] =	vst v63  }
0x484: {  	_ =	swait.ge [sflag:s9], $0x8000  }
0x485: {  	[sflag:s9] =	ssyncset.done $0x0  }
0x486: {  	s31 =	rddreg [dreg:$0x13];
	[sflag:s9] =	ssyncadd.s32 $0xFFFF8000  }
0x487: {  	[hbm4b:s31+s2] =	stream.linear.scatter [tilespmem:s5], [sflag:$0x6], $0x8000, $0x38;
	[tilespmem:$0x1E400] =	vst v63  }
0x488: {  	_ =	swait.ge [sflag:s8], $0x8000  }
0x489: {  	s1 =	sld [smem:$0x7ED]  }
0x48a: {  	[sflag:s8] =	ssyncset.done $0x0  }
0x48b: {  	[sflag:s8] =	ssyncadd.s32 $0xFFFF8000  }
0x48c: {  	[tilespmem:s6], [sflag:$0x2] =	stream.indirect.gather [hbm4b:s3+s4], $0x40, s1, s4, $0xb8;
	[tilespmem:$0x1E400] =	vst v63  }
0x48d: {  	_ =	swait.ge [sflag:s12], $0x8000  }
0x48e: {  	[sflag:s12] =	ssyncset.done $0x0  }
0x48f: {  	s30 =	rddreg [dreg:$0x14];
	[sflag:s12] =	ssyncadd.s32 $0xFFFF8000  }
0x490: {  	[hbm4b:s30+s2] =	stream.linear.scatter [tilespmem:s11], [sflag:$0x7], $0x8000, $0x38;
	[tilespmem:$0x1E400] =	vst v63  }
0x491: {  	_ =	swait.ge [sflag:s10], $0x8000  }
0x492: {  	s31 =	sld [smem:$0x7EE]  }
0x493: {  	[sflag:s10] =	ssyncset.done $0x0  }
0x494: {  	[sflag:s10] =	ssyncadd.s32 $0xFFFF8000  }
0x495: {  	[tilespmem:s5], [sflag:$0x3] =	stream.indirect.gather [hbm4b:s3+s4], $0x40, s31, s4, $0xb8;
	[tilespmem:$0x1E400] =	vst v63  }
0x496: {  	_ =	swait.ge [sflag:s7], $0x8000  }
0x497: {  	[sflag:s7] =	ssyncset.done $0x0  }
0x498: {  	s1 =	rddreg [dreg:$0x15];
	[sflag:s7] =	ssyncadd.s32 $0xFFFF8000  }
0x499: {  	[hbm4b:s1+s2] =	stream.linear.scatter [tilespmem:s6], [sflag:$0x5], $0x8000, $0x38;
	[tilespmem:$0x1E400] =	vst v63  }
0x49a: {  	_ =	swait.ge [sflag:s14], $0x8000  }
0x49b: {  	s30 =	sld [smem:$0x7EF]  }
0x49c: {  	[sflag:s14] =	ssyncset.done $0x0  }
0x49d: {  	[sflag:s14] =	ssyncadd.s32 $0xFFFF8000  }
0x49e: {  	[tilespmem:s11], [sflag:$0x4] =	stream.indirect.gather [hbm4b:s3+s4], $0x40, s30, s4, $0xb8;
	[tilespmem:$0x1E400] =	vst v63  }
0x49f: {  	_ =	swait.ge [sflag:s9], $0x8000  }
0x4a0: {  	[sflag:s9] =	ssyncset.done $0x0  }
0x4a1: {  	s31 =	rddreg [dreg:$0x16];
	[sflag:s9] =	ssyncadd.s32 $0xFFFF8000  }
0x4a2: {  	[hbm4b:s31+s2] =	stream.linear.scatter [tilespmem:s5], [sflag:$0x6], $0x8000, $0x38;
	[tilespmem:$0x1E400] =	vst v63  }
0x4a3: {  	_ =	swait.ge [sflag:s8], $0x8000  }
0x4a4: {  	s1 =	sld [smem:$0x7F0]  }
0x4a5: {  	[sflag:s8] =	ssyncset.done $0x0  }
0x4a6: {  	[sflag:s8] =	ssyncadd.s32 $0xFFFF8000  }
0x4a7: {  	[tilespmem:s6], [sflag:$0x2] =	stream.indirect.gather [hbm4b:s3+s4], $0x40, s1, s4, $0xb8;
	[tilespmem:$0x1E400] =	vst v63  }
0x4a8: {  	_ =	swait.ge [sflag:s12], $0x8000  }
0x4a9: {  	[sflag:s12] =	ssyncset.done $0x0  }
0x4aa: {  	s30 =	rddreg [dreg:$0x17];
	[sflag:s12] =	ssyncadd.s32 $0xFFFF8000  }
0x4ab: {  	[hbm4b:s30+s2] =	stream.linear.scatter [tilespmem:s11], [sflag:$0x7], $0x8000, $0x38;
	[tilespmem:$0x1E400] =	vst v63  }
0x4ac: {  	_ =	swait.ge [sflag:s10], $0x8000  }
0x4ad: {  	s31 =	sld [smem:$0x7F1]  }
0x4ae: {  	[sflag:s10] =	ssyncset.done $0x0  }
0x4af: {  	[sflag:s10] =	ssyncadd.s32 $0xFFFF8000  }
0x4b0: {  	[tilespmem:s5], [sflag:$0x3] =	stream.indirect.gather [hbm4b:s3+s4], $0x40, s31, s4, $0xb8;
	[tilespmem:$0x1E400] =	vst v63  }
0x4b1: {  	_ =	swait.ge [sflag:s7], $0x8000  }
0x4b2: {  	[sflag:s7] =	ssyncset.done $0x0  }
0x4b3: {  	s1 =	rddreg [dreg:$0x18];
	[sflag:s7] =	ssyncadd.s32 $0xFFFF8000  }
0x4b4: {  	[hbm4b:s1+s2] =	stream.linear.scatter [tilespmem:s6], [sflag:$0x5], $0x8000, $0x38;
	[tilespmem:$0x1E400] =	vst v63  }
0x4b5: {  	_ =	swait.ge [sflag:s14], $0x8000  }
0x4b6: {  	s30 =	sld [smem:$0x7F2]  }
0x4b7: {  	[sflag:s14] =	ssyncset.done $0x0  }
0x4b8: {  	[sflag:s14] =	ssyncadd.s32 $0xFFFF8000  }
0x4b9: {  	[tilespmem:s11], [sflag:$0x4] =	stream.indirect.gather [hbm4b:s3+s4], $0x40, s30, s4, $0xb8;
	[tilespmem:$0x1E400] =	vst v63  }
0x4ba: {  	_ =	swait.ge [sflag:s9], $0x8000  }
0x4bb: {  	[sflag:s9] =	ssyncset.done $0x0  }
0x4bc: {  	s31 =	rddreg [dreg:$0x19];
	[sflag:s9] =	ssyncadd.s32 $0xFFFF8000  }
0x4bd: {  	[hbm4b:s31+s2] =	stream.linear.scatter [tilespmem:s5], [sflag:$0x6], $0x8000, $0x38;
	[tilespmem:$0x1E400] =	vst v63  }
0x4be: {  	_ =	swait.ge [sflag:s8], $0x8000  }
0x4bf: {  	s1 =	sld [smem:$0x7F3]  }
0x4c0: {  	[sflag:s8] =	ssyncset.done $0x0  }
0x4c1: {  	[sflag:s8] =	ssyncadd.s32 $0xFFFF8000  }
0x4c2: {  	[tilespmem:s6], [sflag:$0x2] =	stream.indirect.gather [hbm4b:s3+s4], $0x40, s1, s4, $0xb8;
	[tilespmem:$0x1E400] =	vst v63  }
0x4c3: {  	_ =	swait.ge [sflag:s12], $0x8000  }
0x4c4: {  	[sflag:s12] =	ssyncset.done $0x0  }
0x4c5: {  	s30 =	rddreg [dreg:$0x1a];
	[sflag:s12] =	ssyncadd.s32 $0xFFFF8000  }
0x4c6: {  	[hbm4b:s30+s2] =	stream.linear.scatter [tilespmem:s11], [sflag:$0x7], $0x8000, $0x38;
	[tilespmem:$0x1E400] =	vst v63  }
0x4c7: {  	_ =	swait.ge [sflag:s10], $0x8000  }
0x4c8: {  	s31 =	sld [smem:$0x7F4]  }
0x4c9: {  	[sflag:s10] =	ssyncset.done $0x0  }
0x4ca: {  	[sflag:s10] =	ssyncadd.s32 $0xFFFF8000  }
0x4cb: {  	[tilespmem:s5], [sflag:$0x3] =	stream.indirect.gather [hbm4b:s3+s4], $0x40, s31, s4, $0xb8;
	[tilespmem:$0x1E400] =	vst v63  }
0x4cc: {  	_ =	swait.ge [sflag:s7], $0x8000  }
0x4cd: {  	[sflag:s7] =	ssyncset.done $0x0  }
0x4ce: {  	s1 =	rddreg [dreg:$0x1b];
	[sflag:s7] =	ssyncadd.s32 $0xFFFF8000  }
0x4cf: {  	[hbm4b:s1+s2] =	stream.linear.scatter [tilespmem:s6], [sflag:$0x5], $0x8000, $0x38;
	[tilespmem:$0x1E400] =	vst v63  }
0x4d0: {  	_ =	swait.ge [sflag:s14], $0x8000  }
0x4d1: {  	s30 =	sld [smem:$0x7F5]  }
0x4d2: {  	[sflag:s14] =	ssyncset.done $0x0  }
0x4d3: {  	[sflag:s14] =	ssyncadd.s32 $0xFFFF8000  }
0x4d4: {  	[tilespmem:s11], [sflag:$0x4] =	stream.indirect.gather [hbm4b:s3+s4], $0x40, s30, s4, $0xb8;
	[tilespmem:$0x1E400] =	vst v63  }
0x4d5: {  	_ =	swait.ge [sflag:s9], $0x8000  }
0x4d6: {  	[sflag:s9] =	ssyncset.done $0x0  }
0x4d7: {  	s31 =	rddreg [dreg:$0x1c];
	[sflag:s9] =	ssyncadd.s32 $0xFFFF8000  }
0x4d8: {  	[hbm4b:s31+s2] =	stream.linear.scatter [tilespmem:s5], [sflag:$0x6], $0x8000, $0x38;
	[tilespmem:$0x1E400] =	vst v63  }
0x4d9: {  	_ =	swait.ge [sflag:s8], $0x8000  }
0x4da: {  	s1 =	sld [smem:$0x7F6]  }
0x4db: {  	[sflag:s8] =	ssyncset.done $0x0  }
0x4dc: {  	[sflag:s8] =	ssyncadd.s32 $0xFFFF8000  }
0x4dd: {  	[tilespmem:s6], [sflag:$0x2] =	stream.indirect.gather [hbm4b:s3+s4], $0x40, s1, s4, $0xb8;
	[tilespmem:$0x1E400] =	vst v63  }
0x4de: {  	_ =	swait.ge [sflag:s12], $0x8000  }
0x4df: {  	[sflag:s12] =	ssyncset.done $0x0  }
0x4e0: {  	s30 =	rddreg [dreg:$0x1d];
	[sflag:s12] =	ssyncadd.s32 $0xFFFF8000  }
0x4e1: {  	[hbm4b:s30+s2] =	stream.linear.scatter [tilespmem:s11], [sflag:$0x7], $0x8000, $0x38;
	[tilespmem:$0x1E400] =	vst v63  }
0x4e2: {  	_ =	swait.ge [sflag:s10], $0x8000  }
0x4e3: {  	s31 =	sld [smem:$0x7F7]  }
0x4e4: {  	[sflag:s10] =	ssyncset.done $0x0  }
0x4e5: {  	[sflag:s10] =	ssyncadd.s32 $0xFFFF8000  }
0x4e6: {  	[tilespmem:s5], [sflag:$0x3] =	stream.indirect.gather [hbm4b:s3+s4], $0x40, s31, s4, $0xb8;
	[tilespmem:$0x1E400] =	vst v63  }
0x4e7: {  	_ =	swait.ge [sflag:s7], $0x8000  }
0x4e8: {  	[sflag:s7] =	ssyncset.done $0x0  }
0x4e9: {  	s1 =	rddreg [dreg:$0x1e];
	[sflag:s7] =	ssyncadd.s32 $0xFFFF8000  }
0x4ea: {  	[hbm4b:s1+s2] =	stream.linear.scatter [tilespmem:s6], [sflag:$0x5], $0x8000, $0x38;
	[tilespmem:$0x1E400] =	vst v63  }
0x4eb: {  	_ =	swait.ge [sflag:s14], $0x8000  }
0x4ec: {  	s30 =	sld [smem:$0x7F8]  }
0x4ed: {  	[sflag:s14] =	ssyncset.done $0x0  }
0x4ee: {  	[sflag:s14] =	ssyncadd.s32 $0xFFFF8000  }
0x4ef: {  	[tilespmem:s11], [sflag:$0x4] =	stream.indirect.gather [hbm4b:s3+s4], $0x40, s30, s4, $0xb8;
	[tilespmem:$0x1E400] =	vst v63  }
0x4f0: {  	_ =	swait.ge [sflag:s9], $0x8000  }
0x4f1: {  	[sflag:s9] =	ssyncset.done $0x0  }
0x4f2: {  	s31 =	rddreg [dreg:$0x1f];
	[sflag:s9] =	ssyncadd.s32 $0xFFFF8000  }
0x4f3: {  	[hbm4b:s31+s2] =	stream.linear.scatter [tilespmem:s5], [sflag:$0x6], $0x8000, $0x38;
	[tilespmem:$0x1E400] =	vst v63  }
0x4f4: {  	_ =	swait.ge [sflag:s8], $0x8000  }
0x4f5: {  	s1 =	sld [smem:$0x7F9]  }
0x4f6: {  	[sflag:s8] =	ssyncset.done $0x0  }
0x4f7: {  	[sflag:s8] =	ssyncadd.s32 $0xFFFF8000  }
0x4f8: {  	[tilespmem:s6], [sflag:$0x2] =	stream.indirect.gather [hbm4b:s3+s4], $0x40, s1, s4, $0xb8;
	[tilespmem:$0x1E400] =	vst v63  }
0x4f9: {  	_ =	swait.ge [sflag:s12], $0x8000  }
0x4fa: {  	s30 =	sld [smem:$0x7C8]  }
0x4fb: {  	[sflag:s12] =	ssyncset.done $0x0  }
0x4fc: {  	[sflag:s12] =	ssyncadd.s32 $0xFFFF8000  }
0x4fd: {  	[hbm4b:s30+s2] =	stream.linear.scatter [tilespmem:s11], [sflag:$0x7], $0x8000, $0x38;
	[tilespmem:$0x1E400] =	vst v63  }
0x4fe: {  	_ =	swait.ge [sflag:s10], $0x8000  }
0x4ff: {  	s31 =	sld [smem:$0x7FA]  }
0x500: {  	[sflag:s10] =	ssyncset.done $0x0  }
0x501: {  	[sflag:s10] =	ssyncadd.s32 $0xFFFF8000  }
0x502: {  	[tilespmem:s5], [sflag:$0x3] =	stream.indirect.gather [hbm4b:s3+s4], $0x40, s31, s4, $0xb8;
	[tilespmem:$0x1E400] =	vst v63  }
0x503: {  	_ =	swait.ge [sflag:s7], $0x8000  }
0x504: {  	s1 =	sld [smem:$0x7C9]  }
0x505: {  	[sflag:s7] =	ssyncset.done $0x0  }
0x506: {  	[sflag:s7] =	ssyncadd.s32 $0xFFFF8000  }
0x507: {  	[hbm4b:s1+s2] =	stream.linear.scatter [tilespmem:s6], [sflag:$0x5], $0x8000, $0x38;
	[tilespmem:$0x1E400] =	vst v63  }
0x508: {  	_ =	swait.ge [sflag:s14], $0x8000  }
0x509: {  	[sflag:s14] =	ssyncset.done $0x0  }
0x50a: {  	[sflag:s14] =	ssyncadd.s32 $0xFFFF8000  }
0x50b: {  	[tilespmem:s11], [sflag:$0x4] =	stream.indirect.gather [hbm4b:s3+s4], $0x40, s29, s4, $0xb8;
	[tilespmem:$0x1E400] =	vst v63  }
0x50c: {  	_ =	swait.ge [sflag:s9], $0x8000  }
0x50d: {  	s29 =	sld [smem:$0x7CA]  }
0x50e: {  	[sflag:s9] =	ssyncset.done $0x0  }
0x50f: {  	[sflag:s9] =	ssyncadd.s32 $0xFFFF8000  }
0x510: {  	[hbm4b:s29+s2] =	stream.linear.scatter [tilespmem:s5], [sflag:$0x6], $0x8000, $0x38;
	[tilespmem:$0x1E400] =	vst v63  }
0x511: {  	_ =	swait.ge [sflag:s8], $0x8000  }
0x512: {  	s30 =	sld [smem:$0x7FB]  }
0x513: {  	[sflag:s8] =	ssyncset.done $0x0  }
0x514: {  	[sflag:s8] =	ssyncadd.s32 $0xFFFF8000  }
0x515: {  	[tilespmem:s6], [sflag:$0x2] =	stream.indirect.gather [hbm4b:s3+s4], $0x40, s30, s4, $0xb8;
	[tilespmem:$0x1E400] =	vst v63  }
0x516: {  	_ =	swait.ge [sflag:s12], $0x8000  }
0x517: {  	s31 =	sld [smem:$0x7CB]  }
0x518: {  	[sflag:s12] =	ssyncset.done $0x0  }
0x519: {  	[sflag:s12] =	ssyncadd.s32 $0xFFFF8000  }
0x51a: {  	[hbm4b:s31+s2] =	stream.linear.scatter [tilespmem:s11], [sflag:$0x7], $0x8000, $0x38;
	[tilespmem:$0x1E400] =	vst v63  }
0x51b: {  	_ =	swait.ge [sflag:s10], $0x8000  }
0x51c: {  	s1 =	sld [smem:$0x7FC]  }
0x51d: {  	[sflag:s10] =	ssyncset.done $0x0  }
0x51e: {  	[sflag:s10] =	ssyncadd.s32 $0xFFFF8000  }
0x51f: {  	[tilespmem:s5], [sflag:$0x3] =	stream.indirect.gather [hbm4b:s3+s4], $0x40, s1, s4, $0xb8;
	[tilespmem:$0x1E400] =	vst v63  }
0x520: {  	_ =	swait.ge [sflag:s7], $0x8000  }
0x521: {  	s29 =	sld [smem:$0x7CC]  }
0x522: {  	[sflag:s7] =	ssyncset.done $0x0  }
0x523: {  	[sflag:s7] =	ssyncadd.s32 $0xFFFF8000  }
0x524: {  	[hbm4b:s29+s2] =	stream.linear.scatter [tilespmem:s6], [sflag:$0x5], $0x8000, $0x38;
	[tilespmem:$0x1E400] =	vst v63  }
0x525: {  	_ =	swait.ge [sflag:s14], $0x8000  }
0x526: {  	s30 =	sld [smem:$0x7FD]  }
0x527: {  	[sflag:s14] =	ssyncset.done $0x0  }
0x528: {  	[sflag:s14] =	ssyncadd.s32 $0xFFFF8000  }
0x529: {  	[tilespmem:s11], [sflag:$0x4] =	stream.indirect.gather [hbm4b:s3+s4], $0x40, s30, s4, $0xb8;
	[tilespmem:$0x1E400] =	vst v63  }
0x52a: {  	_ =	swait.ge [sflag:s9], $0x8000  }
0x52b: {  	s31 =	sld [smem:$0x7CD]  }
0x52c: {  	[sflag:s9] =	ssyncset.done $0x0  }
0x52d: {  	[sflag:s9] =	ssyncadd.s32 $0xFFFF8000  }
0x52e: {  	[hbm4b:s31+s2] =	stream.linear.scatter [tilespmem:s5], [sflag:$0x6], $0x8000, $0x38;
	[tilespmem:$0x1E400] =	vst v63  }
0x52f: {  	_ =	swait.ge [sflag:s8], $0x8000  }
0x530: {  	[sflag:s8] =	ssyncset.done $0x0  }
0x531: {  	[sflag:s8] =	ssyncadd.s32 $0xFFFF8000  }
0x532: {  	[tilespmem:s6], [sflag:$0x2] =	stream.indirect.gather [hbm4b:s3+s4], $0x40, s28, s4, $0xb8;
	[tilespmem:$0x1E400] =	vst v63  }
0x533: {  	_ =	swait.ge [sflag:s12], $0x8000  }
0x534: {  	s1 =	sld [smem:$0x7CE]  }
0x535: {  	[sflag:s12] =	ssyncset.done $0x0  }
0x536: {  	[sflag:s12] =	ssyncadd.s32 $0xFFFF8000  }
0x537: {  	[hbm4b:s1+s2] =	stream.linear.scatter [tilespmem:s11], [sflag:$0x7], $0x8000, $0x38;
	[tilespmem:$0x1E400] =	vst v63  }
0x538: {  	_ =	swait.ge [sflag:s10], $0x8000  }
0x539: {  	[sflag:s10] =	ssyncset.done $0x0  }
0x53a: {  	[sflag:s10] =	ssyncadd.s32 $0xFFFF8000  }
0x53b: {  	[tilespmem:s5], [sflag:$0x3] =	stream.indirect.gather [hbm4b:s3+s4], $0x40, s26, s4, $0xb8;
	[tilespmem:$0x1E400] =	vst v63  }
0x53c: {  	_ =	swait.ge [sflag:s7], $0x8000  }
0x53d: {  	s28 =	sld [smem:$0x7CF]  }
0x53e: {  	[sflag:s7] =	ssyncset.done $0x0  }
0x53f: {  	[sflag:s7] =	ssyncadd.s32 $0xFFFF8000  }
0x540: {  	[hbm4b:s28+s2] =	stream.linear.scatter [tilespmem:s6], [sflag:$0x5], $0x8000, $0x38;
	[tilespmem:$0x1E400] =	vst v63  }
0x541: {  	_ =	swait.ge [sflag:s14], $0x8000  }
0x542: {  	[sflag:s14] =	ssyncset.done $0x0  }
0x543: {  	[sflag:s14] =	ssyncadd.s32 $0xFFFF8000  }
0x544: {  	[tilespmem:s11], [sflag:$0x4] =	stream.indirect.gather [hbm4b:s3+s4], $0x40, s25, s4, $0xb8;
	[tilespmem:$0x1E400] =	vst v63  }
0x545: {  	_ =	swait.ge [sflag:s9], $0x8000  }
0x546: {  	s29 =	sld [smem:$0x7D0]  }
0x547: {  	[sflag:s9] =	ssyncset.done $0x0  }
0x548: {  	[sflag:s9] =	ssyncadd.s32 $0xFFFF8000  }
0x549: {  	[hbm4b:s29+s2] =	stream.linear.scatter [tilespmem:s5], [sflag:$0x6], $0x8000, $0x38;
	[tilespmem:$0x1E400] =	vst v63  }
0x54a: {  	_ =	swait.ge [sflag:s8], $0x8000  }
0x54b: {  	[sflag:s8] =	ssyncset.done $0x0  }
0x54c: {  	[sflag:s8] =	ssyncadd.s32 $0xFFFF8000  }
0x54d: {  	[tilespmem:s6], [sflag:$0x2] =	stream.indirect.gather [hbm4b:s3+s4], $0x40, s24, s4, $0xb8;
	[tilespmem:$0x1E400] =	vst v63  }
0x54e: {  	_ =	swait.ge [sflag:s12], $0x8000  }
0x54f: {  	s30 =	sld [smem:$0x7D1]  }
0x550: {  	[sflag:s12] =	ssyncset.done $0x0  }
0x551: {  	[sflag:s12] =	ssyncadd.s32 $0xFFFF8000  }
0x552: {  	[hbm4b:s30+s2] =	stream.linear.scatter [tilespmem:s11], [sflag:$0x7], $0x8000, $0x38;
	[tilespmem:$0x1E400] =	vst v63  }
0x553: {  	_ =	swait.ge [sflag:s10], $0x8000  }
0x554: {  	[sflag:s10] =	ssyncset.done $0x0  }
0x555: {  	[sflag:s10] =	ssyncadd.s32 $0xFFFF8000  }
0x556: {  	[tilespmem:s5], [sflag:$0x3] =	stream.indirect.gather [hbm4b:s3+s4], $0x40, s23, s4, $0xb8;
	[tilespmem:$0x1E400] =	vst v63  }
0x557: {  	_ =	swait.ge [sflag:s7], $0x8000  }
0x558: {  	s31 =	sld [smem:$0x7D2]  }
0x559: {  	[sflag:s7] =	ssyncset.done $0x0  }
0x55a: {  	[sflag:s7] =	ssyncadd.s32 $0xFFFF8000  }
0x55b: {  	[hbm4b:s31+s2] =	stream.linear.scatter [tilespmem:s6], [sflag:$0x5], $0x8000, $0x38;
	[tilespmem:$0x1E400] =	vst v63  }
0x55c: {  	_ =	swait.ge [sflag:s14], $0x8000  }
0x55d: {  	[sflag:s14] =	ssyncset.done $0x0  }
0x55e: {  	[sflag:s14] =	ssyncadd.s32 $0xFFFF8000  }
0x55f: {  	[tilespmem:s11], [sflag:$0x4] =	stream.indirect.gather [hbm4b:s3+s4], $0x40, s22, s4, $0xb8;
	[tilespmem:$0x1E400] =	vst v63  }
0x560: {  	_ =	swait.ge [sflag:s9], $0x8000  }
0x561: {  	s1 =	sld [smem:$0x7D3]  }
0x562: {  	[sflag:s9] =	ssyncset.done $0x0  }
0x563: {  	[sflag:s9] =	ssyncadd.s32 $0xFFFF8000  }
0x564: {  	[hbm4b:s1+s2] =	stream.linear.scatter [tilespmem:s5], [sflag:$0x6], $0x8000, $0x38;
	[tilespmem:$0x1E400] =	vst v63  }
0x565: {  	_ =	swait.ge [sflag:s8], $0x8000  }
0x566: {  	[sflag:s8] =	ssyncset.done $0x0  }
0x567: {  	[sflag:s8] =	ssyncadd.s32 $0xFFFF8000  }
0x568: {  	[tilespmem:s6], [sflag:$0x2] =	stream.indirect.gather [hbm4b:s3+s4], $0x40, s21, s4, $0xb8;
	[tilespmem:$0x1E400] =	vst v63  }
0x569: {  	_ =	swait.ge [sflag:s12], $0x8000  }
0x56a: {  	s21 =	sld [smem:$0x7D4]  }
0x56b: {  	[sflag:s12] =	ssyncset.done $0x0  }
0x56c: {  	[sflag:s12] =	ssyncadd.s32 $0xFFFF8000  }
0x56d: {  	[hbm4b:s21+s2] =	stream.linear.scatter [tilespmem:s11], [sflag:$0x7], $0x8000, $0x38;
	[tilespmem:$0x1E400] =	vst v63  }
0x56e: {  	_ =	swait.ge [sflag:s10], $0x8000  }
0x56f: {  	[sflag:s10] =	ssyncset.done $0x0  }
0x570: {  	[sflag:s10] =	ssyncadd.s32 $0xFFFF8000  }
0x571: {  	[tilespmem:s5], [sflag:$0x3] =	stream.indirect.gather [hbm4b:s3+s4], $0x40, s20, s4, $0xb8;
	[tilespmem:$0x1E400] =	vst v63  }
0x572: {  	_ =	swait.ge [sflag:s7], $0x8000  }
0x573: {  	s22 =	sld [smem:$0x7D5]  }
0x574: {  	[sflag:s7] =	ssyncset.done $0x0  }
0x575: {  	[sflag:s7] =	ssyncadd.s32 $0xFFFF8000  }
0x576: {  	[hbm4b:s22+s2] =	stream.linear.scatter [tilespmem:s6], [sflag:$0x5], $0x8000, $0x38;
	[tilespmem:$0x1E400] =	vst v63  }
0x577: {  	_ =	swait.ge [sflag:s14], $0x8000  }
0x578: {  	[sflag:s14] =	ssyncset.done $0x0  }
0x579: {  	[sflag:s14] =	ssyncadd.s32 $0xFFFF8000  }
0x57a: {  	[tilespmem:s11], [sflag:$0x4] =	stream.indirect.gather [hbm4b:s3+s4], $0x40, s19, s4, $0xb8;
	[tilespmem:$0x1E400] =	vst v63  }
0x57b: {  	_ =	swait.ge [sflag:s9], $0x8000  }
0x57c: {  	s23 =	sld [smem:$0x7D6]  }
0x57d: {  	[sflag:s9] =	ssyncset.done $0x0  }
0x57e: {  	[sflag:s9] =	ssyncadd.s32 $0xFFFF8000  }
0x57f: {  	[hbm4b:s23+s2] =	stream.linear.scatter [tilespmem:s5], [sflag:$0x6], $0x8000, $0x38;
	[tilespmem:$0x1E400] =	vst v63  }
0x580: {  	_ =	swait.ge [sflag:s8], $0x8000  }
0x581: {  	[sflag:s8] =	ssyncset.done $0x0  }
0x582: {  	[sflag:s8] =	ssyncadd.s32 $0xFFFF8000  }
0x583: {  	[tilespmem:s6], [sflag:$0x2] =	stream.indirect.gather [hbm4b:s3+s4], $0x40, s18, s4, $0xb8;
	[tilespmem:$0x1E400] =	vst v63  }
0x584: {  	_ =	swait.ge [sflag:s12], $0x8000  }
0x585: {  	s24 =	sld [smem:$0x7D7]  }
0x586: {  	[sflag:s12] =	ssyncset.done $0x0  }
0x587: {  	[sflag:s12] =	ssyncadd.s32 $0xFFFF8000  }
0x588: {  	[hbm4b:s24+s2] =	stream.linear.scatter [tilespmem:s11], [sflag:$0x7], $0x8000, $0x38;
	[tilespmem:$0x1E400] =	vst v63  }
0x589: {  	_ =	swait.ge [sflag:s10], $0x8000  }
0x58a: {  	[sflag:s10] =	ssyncset.done $0x0  }
0x58b: {  	[sflag:s10] =	ssyncadd.s32 $0xFFFF8000  }
0x58c: {  	[tilespmem:s5], [sflag:$0x3] =	stream.indirect.gather [hbm4b:s3+s4], $0x40, s17, s4, $0xb8;
	[tilespmem:$0x1E400] =	vst v63  }
0x58d: {  	_ =	swait.ge [sflag:s7], $0x8000  }
0x58e: {  	s25 =	sld [smem:$0x7D8]  }
0x58f: {  	[sflag:s7] =	ssyncset.done $0x0  }
0x590: {  	[sflag:s7] =	ssyncadd.s32 $0xFFFF8000  }
0x591: {  	[hbm4b:s25+s2] =	stream.linear.scatter [tilespmem:s6], [sflag:$0x5], $0x8000, $0x38;
	[tilespmem:$0x1E400] =	vst v63  }
0x592: {  	_ =	swait.ge [sflag:s14], $0x8000  }
0x593: {  	[sflag:s14] =	ssyncset.done $0x0  }
0x594: {  	[sflag:s14] =	ssyncadd.s32 $0xFFFF8000  }
0x595: {  	[tilespmem:s11], [sflag:$0x4] =	stream.indirect.gather [hbm4b:s3+s4], $0x40, s16, s4, $0xb8;
	[tilespmem:$0x1E400] =	vst v63  }
0x596: {  	_ =	swait.ge [sflag:s9], $0x8000  }
0x597: {  	s26 =	sld [smem:$0x7D9]  }
0x598: {  	[sflag:s9] =	ssyncset.done $0x0  }
0x599: {  	[sflag:s9] =	ssyncadd.s32 $0xFFFF8000  }
0x59a: {  	[hbm4b:s26+s2] =	stream.linear.scatter [tilespmem:s5], [sflag:$0x6], $0x8000, $0x38;
	[tilespmem:$0x1E400] =	vst v63  }
0x59b: {  	_ =	swait.ge [sflag:s8], $0x8000  }
0x59c: {  	[sflag:s8] =	ssyncset.done $0x0  }
0x59d: {  	[sflag:s8] =	ssyncadd.s32 $0xFFFF8000  }
0x59e: {  	[tilespmem:s6], [sflag:$0x2] =	stream.indirect.gather [hbm4b:s3+s4], $0x40, s15, s4, $0xb8;
	[tilespmem:$0x1E400] =	vst v63  }
0x59f: {  	_ =	swait.ge [sflag:s12], $0x8000  }
0x5a0: {  	s28 =	sld [smem:$0x7DA]  }
0x5a1: {  	[sflag:s12] =	ssyncset.done $0x0  }
0x5a2: {  	[sflag:s12] =	ssyncadd.s32 $0xFFFF8000  }
0x5a3: {  	[hbm4b:s28+s2] =	stream.linear.scatter [tilespmem:s11], [sflag:$0x7], $0x8000, $0x38;
	[tilespmem:$0x1E400] =	vst v63  }
0x5a4: {  	_ =	swait.ge [sflag:s10], $0x8000  }
0x5a5: {  	[sflag:s10] =	ssyncset.done $0x0  }
0x5a6: {  	[sflag:s10] =	ssyncadd.s32 $0xFFFF8000  }
0x5a7: {  	[tilespmem:s5], [sflag:$0x3] =	stream.indirect.gather [hbm4b:s3+s4], $0x40, s13, s4, $0xb8;
	[tilespmem:$0x1E400] =	vst v63  }
0x5a8: {  	_ =	swait.ge [sflag:s7], $0x8000  }
0x5a9: {  	s29 =	sld [smem:$0x7DB]  }
0x5aa: {  	[sflag:s7] =	ssyncset.done $0x0  }
0x5ab: {  	[sflag:s7] =	ssyncadd.s32 $0xFFFF8000  }
0x5ac: {  	[hbm4b:s29+s2] =	stream.linear.scatter [tilespmem:s6], [sflag:$0x5], $0x8000, $0x38;
	[tilespmem:$0x1E400] =	vst v63  }
0x5ad: {  	_ =	swait.ge [sflag:s9], $0x8000  }
0x5ae: {  	s30 =	sld [smem:$0x7DC]  }
0x5af: {  	[sflag:s9] =	ssyncset.done $0x0  }
0x5b0: {  	[sflag:s9] =	ssyncadd.s32 $0xFFFF8000  }
0x5b1: {  	[hbm4b:s30+s2] =	stream.linear.scatter [tilespmem:s5], [sflag:$0x6], $0x8000, $0x38;
	[tilespmem:$0x1E400] =	vst v63  }
0x5b2: {  	_ =	swait.ge [sflag:s8], $0x8000  }
0x5b3: {  	[sflag:s8] =	ssyncset.done $0x0  }
0x5b4: {  	[sflag:s8] =	ssyncadd.s32 $0xFFFF8000  }
0x5b5: {  	_ =	swait.ge [sflag:s10], $0x8000  }
0x5b6: {  	[sflag:s10] =	ssyncset.done $0x0  }
0x5b7: {  	[sflag:s10] =	ssyncadd.s32 $0xFFFF8000  }
0x5b8: {  	_ =	sfence.sel $0x180000  }
0x5b9: {  	[bflag:$0x0] =	sbarrier.arrive $0xFFFF  }
0x5ba: {  	_ =	strace $0x90000047  }
0x5bb: {  	s31 =	stileid.u32;
	[bflag:$0x2] =	sbarrier.arrive $0xFFFF  }
0x5bc: {  	p0 =	sne.s32 s31, $0x0;
	s0 =	rddreg [dreg:$0x2]  }
0x5bd: {  	s0 =	sadd.s32 @!p0 $0x100000, s0  }
0x5be: {  	[sflag:s0] =	ssyncadd.tile.s32 @!p0 $0x1;
	_ =	shalt  }
.Lfunc_end2:
_tile_overlayer_lowered:
.L_overlay_start_2:
0x5bf: {  	(tag) =	ssettag $0x2  }
0x5c0: {  	s0 =	rddreg [dreg:$0x0];
	s2 =	stileid.u32  }
0x5c1: {  	s1 =	rddreg [dreg:$0x1];
	p0 =	sne.s32 s2, $0x0  }
0x5c2: {  	s3 =	rddreg [dreg:$0x2];
	[bflag:$0x3] =	sbarrier.arrive $0xFFFF;
	s2 =	simm.s32 @!p0 $0x1C08  }
0x5c3: {  	[timem:s3], [sflag:s2] =	dma.local @!p0 [hbm:s0], s1  }
0x5c4: {  	s0 =	simm.s32 @!p0 $0x8  }
0x5c5: {  	_ =	swait.ge @!p0 [sflag:s0], s1  }
0x5c6: {  	s1 =	ssub.s32 @!p0 $0x0, s1;
	[sflag:s0] =	ssyncset.done @!p0 $0x0  }
0x5c7: {  	[sflag:s0] =	ssyncadd.s32 @!p0 s1  }
0x5c8: {  	[bflag:$0x3] =	sbarrier.arrive $0xFFFF  }
0x5c9: {  	_ =	shalt  }

// kernel: sparse-core-data-format-call.cloned.1.call-start
scs
called_computation_lowered:
.L_overlay_start_0:
0x0: {  	s2 =	sld [smem:$0x3FD9]  }
0x1: {  	s3 =	sld [smem:$0x3FFE];
	_ =	sdelay $0x1  }
0x2: {  	s1 =	srdreg.scid  }
0x3: {  	s0 =	sand.u32 $0x1, s1  }
0x4: {  	s18 =	sshll.u32 s0, $0xA;
	s2 =	sadd.s32 s3, s2  }
0x5: {  	s2 =	sadd.s32 s2, s18  }
0x6: {  	[smem:$0x3FC6] =	sst s2  }
0x7: {  	_ = 	snop  }
0x8: {  	s2 =	sld [smem:$0x3FD0];
	(tm) =	ssettm $0x1  }
0x9: {  	s19 =	sld [smem:$0x3FFB];
	_ =	sdelay $0x3  }
0xa: {  	_ =	strace s19  }
0xb: {  	s3 =	sld [smem:$0x3FFC];
	_ =	sdelay $0x3  }
0xc: {  	_ =	strace s3  }
0xd: {  	s3 =	sld [smem:$0x3FFD];
	_ =	sdelay $0x3  }
0xe: {  	_ =	strace s3  }
0xf: {  	_ =	strace $0x8FFFFFFF  }
0x10: {  	s20 =	sld [smem:$0x3FDB];
	_ =	sdelay $0x1  }
0x11: {  	s4 =	simm.s32 $_scs_section_size  }
0x12: {  	s5 =	simm.s32 $_size__tile_overlayer_lowered;
	s6 =	simm.s32 $_tile_overlayer_lowered  }
0x13: {  	s23 =	simm.s32 $0x1BFF;
	s22 =	sshll.u32 s6, $0x1;
	s3 =	sadd.s32 s4, s20  }
0x14: {  	s7 =	simm.s32 $0x0;
	s21 =	sshll.u32 s5, $0x1;
	s5 =	sadd.s32 s22, s3  }
0x15: {  	[timem:s7], [sflag:s23] =	dma.local [hbm:s5], s21  }
0x16: {  	_ =	swait.ge [sflag:s23], s21  }
0x17: {  	s4 =	ssub.s32 $0x0, s21;
	[sflag:s23] =	ssyncset.done $0x0  }
0x18: {  	[sflag:s23] =	ssyncadd.s32 s4;
	_ =	sdelay $0x1  }
0x19: {  	s24 =	simm.s32 $0x1B8B  }
0x1a: {  	_ =	swait.ge [sflag:s24], $0x1  }
0x1b: {  	[sflag:s24] =	ssyncset.done $0x0  }
0x1c: {  	s26 =	simm.s32 $0x1B8E;
	s25 =	sld [smem:$0x3FFE];
	[sflag:s24] =	ssyncadd.s32 $0xFFFFFFFF  }
0x1d: {  	s27 =	simm.s32 $execute0_lowered;
	[smem:$0x3FD2] =	sst s26  }
0x1e: {  	s5 =	sshll.u32 s27, $0x1;
	_ =	strace $0x80000049;
	[dreg:$0x1] =	wrdreg $0xFFFFFFFF  }
0x1f: {  	s28 =	simm.s32 $_size_execute0_lowered;
	s3 =	sadd.s32 s3, s5;
	[dreg:$0x0] =	wrdreg $0x0  }
0x20: {  	s5 =	sshll.u32 s28, $0x1;
	[dreg:$0x2] =	wrdreg s3  }
0x21: {  	[dreg:$0x3] =	wrdreg s5  }
0x22: {  	[dreg:$0x4] =	wrdreg $0xC0  }
0x23: {  	_ =	task [dreg:s7], $0x5FFFF  }
0x24: {  	[dreg:$0x1] =	wrdreg $0xFFFFFFFF  }
0x25: {  	[dreg:$0x0] =	wrdreg $0x60  }
0x26: {  	[dreg:$0x2] =	wrdreg s25  }
0x27: {  	[dreg:$0x3] =	wrdreg s2  }
0x28: {  	[dreg:$0x4] =	wrdreg $0x9  }
0x29: {  	_ =	task.clear_ibuf [dreg:s7], $0x5FFFF;
	_ =	strace $0x90000049  }
0x2a: {  	s29 =	simm.s32 $0x9;
	_ =	strace $0x8000004B  }
0x2b: {  	_ =	swait.ge [sflag:s29], $0x1  }
0x2c: {  	[sflag:s29] =	ssyncadd.s32 $0xFFFFFFFF  }
0x2d: {  	_ =	strace $0x9000004B  }
0x2e: {  	_ =	sfence  }
0x2f: {  	s30 =	sld [smem:$0x0];
	_ =	sdelay $0x2  }
0x30: {  	s31 =	sshll.u32 s1, $0xD;
	s1 =	sshrl.u32 s1, $0x2  }
0x31: {  	s3 =	sand.u32 $0x4000, s31;
	s1 =	sadd.s32 s1, s30  }
0x32: {  	s0 =	sor.u32 s3, s0;
	s1 =	sshll.u32 s1, $0x11  }
0x33: {  	s0 =	sor.u32 s1, s0  }
0x34: {  	s0 =	sadd.s32 $0x8F2B, s0  }
0x35: {  	[sflag:s0] =	ssyncadd.remote.s32 $0x1  }
0x36: {  	_ =	sfence.sel $0xFFFF  }
0x37: {  	[dreg:$0x0] =	wrdreg $0xFFFFFFFF;
	(pc) =	sbr.abs _section_cstart, $3  }
0x38: {  	[dreg:$0x1] =	wrdreg $0xFFFFFFFF  }
0x39: {  	_ =	task.clear_ibuf [dreg:s7], $0x2FFFF;
	_ =	strace $0x9FFFFFFF  }
0x3a: {  	(tm) =	ssettm $0x7FFFFFFF  }
0x3b: {  	_ =	shalt  }
tec
execute0_lowered:
.L_overlay_start_1:
0x0: {  	(tag) =	ssettag $0x1  }
0x1: {  	s0 =	srdreg.scid  }
0x2: {  	s1 =	sshll.u32 s0, $0x4  }
0x3: {  	s0 =	stileid.u32;
	s1 =	sand.u32 $0x10, s1  }
0x4: {  	s7 =	rddreg [dreg:$0x0];
	s1 =	sor.u32 s0, s1  }
0x5: {  	s4 =	simm.s32 $0x1;
	s8 =	simm.s32 $0x2;
	s2 =	sshll.u32 s1, $0x7  }
0x6: {  	s13 =	simm.s32 $0x0;
	s9 =	simm.s32 $0x20000;
	s1 =	ssub.s32 $0x4000, s2  }
0x7: {  	s14 =	simm.s32 $0x0;
	s11 =	simm.s32 $0x0;
	s3 =	sand.u32 $0xF80, s1  }
0x8: {  	s12 =	simm.s32 $0x0;
	s5 =	sshrl.u32 s1, $0xC;
	p0 =	sne.s32 s3, $0x0  }
.Ltmp0:
0x9: {  	s1 =	rddreg [dreg:$0x2];
	s4 =	simm.s32 @!p0 $0x0;
	(pc) =	sbr.rel .LBB1_1-.Ltmp0, $4  }
0xa: {  	s6 =	sadd.s32 $0xA00, s7;
	s3 =	rddreg [dreg:$0x1];
	s5 =	sadd.s32 s4, s5  }
0xb: {  	_ =	strace $0x8000004A;
	s4 =	simm.s32 $0x1;
	s5 =	smul.u32 $0x19, s5  }
0xc: {  	s7 =	sadd.s32 $0x40A00, s7;
	s10 =	smov.u32 s2;
	[sflag:s4] =	ssyncpa.u1 $0x0  }
0xd: {  	p0 =	por $0x0, $0x0;
	[sflag:s8] =	ssyncpa.u1 $0x0;
	s8 =	sadd.s32 $0x1, s5  }
.LBB1_7:
0xe: {  	s15 =	sadd.s32 $0x1000, s10  }
0xf: {  	s13 =	sadd.s32 $0x2, s11;
	s17 =	smov.u32 s11;
	p2 =	sgt.s32 s15, $0x3FFF  }
0x10: {  	s17 =	smov.u32 @p2 s13  }
0x11: {  	s15 =	smov.u32 @p2 s2;
	p2 =	sgt.s32 s17, $0x31  }
0x12: {  	s17 =	simm.s32 @p2 $0x0;
	p2 =	sne.s32 s12, s8  }
.Ltmp1:
0x13: {  	p1 =	slt.u32 s12, $0x2;
	(pc) =	sbr.rel @!p2 .LBB1_8-.Ltmp1, $4  }
0x14: {  	s16 =	simm.s32 @!p1 $0x2  }
0x15: {  	s14 =	smov.u32 s11;
	p0 =	por !p0, !p0;
	_ =	swait.ge @!p1 [sflag:s16], $0x4000  }
0x16: {  	s13 =	smov.u32 s10;
	[sflag:s16] =	ssyncset.done @!p1 $0x0;
	s10 =	smov.u32 s15  }
0x17: {  	s12 =	sadd.s32 $0x1, s12;
	[sflag:s16] =	ssyncadd.s32 @!p1 $0xFFFFC000;
	s11 =	smov.u32 s17  }
.LBB1_1:
0x18: {  	p1 =	sge.u32 s12, s5  }
0x19: {  	s15 =	sxor.u32 @!p1 $0xFFFFFFFF, s12;
	s16 =	sshll.u32 @!p1 s11, $0x12  }
0x1a: {  	s17 =	sshll.u32 @!p1 s10, $0x4;
	s19 =	simm.s32 @!p1 $0x40;
	s20 =	simm.s32 @!p1 $0x80  }
0x1b: {  	s15 =	sshll.u32 @!p1 s15, $0xE;
	s17 =	sand.u32 @!p1 $0x3FFF0, s17;
	s18 =	sadd.s32 @!p1 s6, s16  }
0x1c: {  	s16 =	sadd.s32 @!p1 s16, s7;
	s15 =	sand.u32 @!p1 $0x4000, s15;
	s18 =	sadd.s32 @!p1 s17, s18  }
0x1d: {  	[tilespmem:s15], [sflag:$0x1] =	stream.strided.gather @!p1 [hbm4b:s18+s19], $0x2000, s20, s19, $0x38;
	[tilespmem:$0x10100] =	vst v63  }
0x1e: {  	s31 =	sadd.s32 $0xFFFFFFFF, s12;
	s16 =	sadd.s32 @!p1 s17, s16;
	s15 =	sor.u32 @!p1 $0x2000, s15  }
0x1f: {  	[tilespmem:s15], [sflag:$0x1] =	stream.strided.gather @!p1 [hbm4b:s16+s19], $0x2000, s20, s19, $0x38;
	[tilespmem:$0x10100] =	vst v63  }
0x20: {  	p1 =	sge.u32 s31, s5  }
.Ltmp2:
0x21: {  	_ = 	snop;
	(pc) =	sbr.rel @p1 .LBB1_7-.Ltmp2, $1  }
0x22: {  	_ =	sdelay $0x3  }
0x23: {  	s15 =	simm.s32 $0x1;
	s17 =	sand.u32 $0x1, s12  }
0x24: {  	_ =	swait.ge [sflag:s4], $0x4000;
	s15 =	simm.s32 @!p0 $0x0;
	s17 =	smul.u32 $0x10200, s17  }
0x25: {  	p2 =	por $0x1, $0x1;
	[sflag:s4] =	ssyncset.done $0x0;
	s16 =	smul.u32 $0x10200, s15  }
0x26: {  	s18 =	sshll.u32 s15, $0x10;
	[sflag:s4] =	ssyncadd.s32 $0xFFFFC000;
	s30 =	sshrl.u32 s17, $0x2  }
0x27: {  	s31 =	sshrl.u32 s18, $0x2;
	s18 =	simm.s32 $0x0;
	s16 =	sshrl.u32 s16, $0x2  }
0x28: {  	s15 =	sor.u32 $0x8000, s30;
	s17 =	sadd.s32 $0x20, s31;
	s16 =	sor.u32 $0x8000, s16  }
.LBB1_3:
0x29: {  	s19 =	sshll.u32 s18, $0xD  }
0x2a: {  	s19 =	sand.u32 $0x3FFFE000, s19  }
0x2b: {  	s21 =	sadd.s32 s19, s17  }
0x2c: {  	s31 =	smul.u32 $0x8100, s18;
	v3 =	vld [tilespmem:s21+$0x10]  }
0x2d: {  	v1 =	vld [tilespmem:s21+$0xFFFFFFF0]  }
0x2e: {  	s18 =	sshra.s32 s31, $0x2;
	v0 =	vld [tilespmem:s21+$0x0]  }
0x2f: {  	s18 =	sadd.s32 s18, s16;
	v2 =	vld [tilespmem:s21+$0xFFFFFFE0]  }
0x30: {  	s19 =	sadd.s32 $0x0, s18  }
0x31: {  	p1 =	por p2, p2;
	s20 =	simm.s32 $0x4;
	s21 =	sadd.s32 $0x40, s21;
	[tilespmem:s19+$0x1830 ss:$0x81] =	vst.msk $0xffff, v3  }
.LBB1_4:
0x32: {  	v3 =	vld [tilespmem:s21+$0x10];
	p2 =	sne.s32 s20, $0x1FC;
	[tilespmem:s19+$0x810 ss:$0x81] =	vst.msk $0xffff, v1;
	s22 =	smov.u32 s20;
	s20 =	sadd.s32 $0x4, s20  }
.Ltmp3:
0x33: {  	v1 =	vld [tilespmem:s21+$0xFFFFFFF0];
	[tilespmem:s19+$0x1020 ss:$0x81] =	vst.msk $0xffff, v0;
	(pc) =	sbr.rel @p2 .LBB1_4-.Ltmp3, $4  }
0x34: {  	v0 =	vld [tilespmem:s21+$0x0];
	[tilespmem:s19+$0x0 ss:$0x81] =	vst.msk $0xffff, v2  }
0x35: {  	s19 =	sshra.s32 s22, $0x2;
	v2 =	vld [tilespmem:s21+$0xFFFFFFE0]  }
0x36: {  	s19 =	sadd.s32 s19, s18  }
0x37: {  	s21 =	sadd.s32 $0x40, s21;
	[tilespmem:s19+$0x1830 ss:$0x81] =	vst.msk $0xffff, v3  }
.Ltmp4:
0x38: {  	(pc) =	sbr.rel @p1 .LBB1_3-.Ltmp4, $4  }
0x39: {  	_ = 	snop  }
0x3a: {  	[tilespmem:s19+$0x810 ss:$0x81] =	vst.msk $0xffff, v1  }
0x3b: {  	[tilespmem:s19+$0x1020 ss:$0x81] =	vst.msk $0xffff, v0  }
0x3c: {  	s18 =	simm.s32 $0x1;
	p2 =	por $0x0, $0x0;
	[tilespmem:s19+$0x0 ss:$0x81] =	vst.msk $0xffff, v2  }
0x3d: {  	s16 =	sshll.u32 s13, $0x3;
	s17 =	sand.u32 $0x78, s13;
	s14 =	sshll.u32 s14, $0x11  }
.Ltmp5:
0x3e: {  	s30 =	sand.u32 $0x1F800, s13;
	s16 =	sand.u32 $0x3C00, s16;
	(pc) =	sbr.rel .LBB1_7-.Ltmp5, $4  }
0x3f: {  	s31 =	sand.u32 $0x7, s13;
	s14 =	sadd.s32 s3, s14;
	s16 =	sor.u32 s17, s16  }
0x40: {  	s13 =	sshll.u32 s31, $0x12;
	s14 =	sadd.s32 s30, s14;
	s16 =	sshrl.u32 s16, $0x3  }
0x41: {  	s13 =	sor.u32 $0x400, s13;
	s14 =	sadd.s32 s16, s14  }
0x42: {  	[hbm4b:s14+s13] =	stream.strided.scatter [tilespmem:s15], [sflag:$0x2], $0x4000, s9, s13, $0x20;
	[tilespmem:$0x10100] =	vst v63  }
.LBB1_8:
0x43: {  	_ =	sfence.sel $0x180000  }
0x44: {  	s2 =	simm.s32 $0x1;
	[bflag:$0x0] =	sbarrier.arrive $0xFFFF  }
0x45: {  	s31 =	simm.s32 $0x2;
	[sflag:s2] =	ssyncpa.u1 $0x1  }
0x46: {  	[sflag:s31] =	ssyncpa.u1 $0x1  }
0x47: {  	p0 =	sne.s32 s0, $0x0;
	_ =	strace $0x9000004A  }
0x48: {  	s0 =	sadd.s32 @!p0 $0x100000, s1;
	[bflag:$0x2] =	sbarrier.arrive $0xFFFF  }
0x49: {  	[sflag:s0] =	ssyncadd.tile.s32 @!p0 $0x1;
	_ =	shalt  }
.Lfunc_end1:
_tile_overlayer_lowered:
.L_overlay_start_2:
0x4a: {  	(tag) =	ssettag $0x2  }
0x4b: {  	s0 =	rddreg [dreg:$0x0];
	s2 =	stileid.u32  }
0x4c: {  	s1 =	rddreg [dreg:$0x1];
	p0 =	sne.s32 s2, $0x0  }
0x4d: {  	s3 =	rddreg [dreg:$0x2];
	[bflag:$0x3] =	sbarrier.arrive $0xFFFF;
	s2 =	simm.s32 @!p0 $0x1C01  }
0x4e: {  	[timem:s3], [sflag:s2] =	dma.local @!p0 [hbm:s0], s1  }
0x4f: {  	s0 =	simm.s32 @!p0 $0x1  }
0x50: {  	_ =	swait.ge @!p0 [sflag:s0], s1  }
0x51: {  	s1 =	ssub.s32 @!p0 $0x0, s1;
	[sflag:s0] =	ssyncset.done @!p0 $0x0  }
0x52: {  	[sflag:s0] =	ssyncadd.s32 @!p0 s1  }
0x53: {  	[bflag:$0x3] =	sbarrier.arrive $0xFFFF  }
0x54: {  	_ =	shalt  }

</sc_bundles>
